<compile_context>
chip_gen: v7x
topology: tpu7x:2x2x1
jax: 0.10.2.dev20260603
libtpu: 0.0.44.dev20260713+nightly
codegen_flags: <defaults>
</compile_context>

<pallas_src>
import functools

import jax
import jax.numpy as jnp
from jax import lax
from jax.experimental import pallas as pl
from jax.experimental.pallas import tpu as pltpu
from jax.experimental.pallas import tpu_sc as plsc

_LANES = 16
_C = 8
_NXBUF = 3
_NPBUF = 2
_NOBUF = 2
_NWORKERS = 32


def kernel(x, pe):
    N, L, D = x.shape
    lpw = L // _NWORKERS
    npieces = lpw // _C
    nchunks = npieces * N
    xf = x.reshape(N * L, D)
    mesh = plsc.VectorSubcoreMesh(core_axis_name="c", subcore_axis_name="s")

    @functools.partial(
        pl.kernel,
        out_type=jax.ShapeDtypeStruct((N * L, D), x.dtype),
        mesh=mesh,
        scratch_types=(
            [pltpu.VMEM((_C, D), jnp.float32) for _ in range(_NXBUF + _NPBUF + _NOBUF)]
            + [pltpu.SemaphoreType.DMA] * (_NXBUF + _NPBUF + _NOBUF)
        ),
    )
    def sc_add(x_hbm, pe_hbm, o_hbm, *scratch):
        nbuf = _NXBUF + _NPBUF + _NOBUF
        bufs, sems = scratch[:nbuf], scratch[nbuf:]
        xbufs, xsems = bufs[:_NXBUF], sems[:_NXBUF]
        pbufs, psems = bufs[_NXBUF:_NXBUF + _NPBUF], sems[_NXBUF:_NXBUF + _NPBUF]
        obufs, osems = bufs[_NXBUF + _NPBUF:], sems[_NXBUF + _NPBUF:]

        wid = lax.axis_index("c") * 16 + lax.axis_index("s")
        pe_base = wid * lpw

        def x_row(i):
            p, n = i // N, i % N
            return n * L + pe_base + p * _C

        def x_copy(i):
            b = i % _NXBUF
            return pltpu.make_async_copy(
                x_hbm.at[pl.ds(x_row(i), _C), :], xbufs[b], xsems[b])

        def pe_copy(p):
            b = p % _NPBUF
            return pltpu.make_async_copy(
                pe_hbm.at[pl.ds(pe_base + p * _C, _C), :], pbufs[b], psems[b])

        def out_copy(i):
            b = i % _NOBUF
            return pltpu.make_async_copy(
                obufs[b], o_hbm.at[pl.ds(x_row(i), _C), :], osems[b])

        pe_copy(0).start()
        for i in range(min(_NXBUF, nchunks)):
            x_copy(i).start()

        for i in range(nchunks):
            p, n = i // N, i % N
            xb = xbufs[i % _NXBUF]
            ob = obufs[i % _NOBUF]
            pb = pbufs[p % _NPBUF]
            if n == 0:
                pe_copy(p).wait()
                if p + 1 < npieces:
                    pe_copy(p + 1).start()
            x_copy(i).wait()
            if i >= _NOBUF:
                out_copy(i - _NOBUF).wait()

            @pl.loop(0, _C)
            def _(r):
                @plsc.parallel_loop(0, D, step=_LANES, unroll=8)
                def _(c):
                    ob[r, pl.ds(c, _LANES)] = (
                        xb[r, pl.ds(c, _LANES)] + pb[r, pl.ds(c, _LANES)]
                    )

            out_copy(i).start()
            if i + _NXBUF < nchunks:
                x_copy(i + _NXBUF).start()

        for i in range(max(nchunks - _NOBUF, 0), nchunks):
            out_copy(i).wait()

    return sc_add(xf, pe).reshape(N, L, D)

# --- scband reference (transcript-rebuilt; emitter-appended) ---
"""Pipeline reference for scband-positional-encoding-68642167324905 (READ-ONLY COPY).

The authoritative reference and input builder live on the scoring server;
editing this copy changes nothing except your own understanding.
"""

import jax, jax.numpy as jnp
import numpy as np

MAX_LENGTH = 2048
DIM = 2048

def _build_pe(dim):
    # Faithful to the torch code: table has dim+1 rows (range(dim+1)), dim cols.
    pos = jnp.arange(dim + 1, dtype=jnp.float32)[:, None]
    j = jnp.arange(dim)
    denom = jnp.power(10000.0, 2.0 * (j // 2).astype(jnp.float32) / float(dim))
    pe = pos / denom[None, :]
    pe = pe.at[:, 0::2].set(jnp.sin(pe[:, 0::2]))
    pe = pe.at[:, 1::2].set(jnp.cos(pe[:, 1::2]))
    return pe.astype(jnp.float32)

def setup_inputs(seed: int = 0) -> dict:
    key = jax.random.key(seed)
    x = jax.random.normal(key, (4, 2048, 2048), dtype=jnp.float32)
    pe = _build_pe(DIM)
    return {"x": x, "pe": pe}

def reference(x, pe):
    N, L, D = x.shape
    idx = jnp.broadcast_to(jnp.arange(L), (N, L))
    emb = jnp.take(pe, idx, axis=0)  # embedding lookup -> gather
    return x + emb

if __name__ == "__main__":
    import jax
    _d = setup_inputs()
    print(jax.jit(kernel)(*tuple(_d.values())))

</pallas_src>

<mosaic_0001>
#map = affine_map<(d0, d1) -> (0, 0)>
module attributes {stable_mosaic.version = 14 : i64} {
  func.func @sc_add(%arg0: i32, %arg1: i32, %arg2: memref<8192x2048xf32, #tpu.memory_space<hbm>>, %arg3: memref<2049x2048xf32, #tpu.memory_space<hbm>>, %arg4: memref<8192x2048xf32, #tpu.memory_space<hbm>>, %arg5: memref<8x2048xf32, #tpu.memory_space<vmem>>, %arg6: memref<8x2048xf32, #tpu.memory_space<vmem>>, %arg7: memref<8x2048xf32, #tpu.memory_space<vmem>>, %arg8: memref<8x2048xf32, #tpu.memory_space<vmem>>, %arg9: memref<8x2048xf32, #tpu.memory_space<vmem>>, %arg10: memref<8x2048xf32, #tpu.memory_space<vmem>>, %arg11: memref<8x2048xf32, #tpu.memory_space<vmem>>, %arg12: memref<!tpu.dma_semaphore, #tpu.memory_space<semaphore_mem>>, %arg13: memref<!tpu.dma_semaphore, #tpu.memory_space<semaphore_mem>>, %arg14: memref<!tpu.dma_semaphore, #tpu.memory_space<semaphore_mem>>, %arg15: memref<!tpu.dma_semaphore, #tpu.memory_space<semaphore_mem>>, %arg16: memref<!tpu.dma_semaphore, #tpu.memory_space<semaphore_mem>>, %arg17: memref<!tpu.dma_semaphore, #tpu.memory_space<semaphore_mem>>, %arg18: memref<!tpu.dma_semaphore, #tpu.memory_space<semaphore_mem>>) attributes {dimension_semantics = [#tpu.dimension_semantics<core_parallel>, #tpu.dimension_semantics<subcore_parallel>], iteration_bounds = array<i64: 2, 16>, scalar_prefetch = 0 : i64, scratch_operands = 14 : i64, tpu.core_type = #tpu.core_type<sc_vector_subcore>, window_params = [{transform_indices = #map}, {transform_indices = #map}, {transform_indices = #map}]} {
    %mul3A = arith.constant 16 : i32
    %mul3A_0 = arith.muli %arg0, %mul3A : i32
    %add3A = arith.addi %mul3A_0, %arg1 : i32
    %mul3A_1 = arith.constant 64 : i32
    %mul3A_2 = arith.muli %add3A, %mul3A_1 : i32
    %add3A_3 = arith.constant 0 : i32
    %add3A_4 = arith.addi %mul3A_2, %add3A_3 : i32
    %dma_start3A = arith.constant 0 : i32
    %dma_start3A_5 = tpu.memref_slice %arg3[%add3A_4, %dma_start3A] : memref<2049x2048xf32, #tpu.memory_space<hbm>> -> memref<8x2048xf32, #tpu.memory_space<hbm>>
    %dma_start3A_6 = arith.constant 0 : i32
    %dma_start3A_7 = tpu.memref_slice %arg3[%add3A_4, %dma_start3A_6] : memref<2049x2048xf32, #tpu.memory_space<hbm>> -> memref<8x2048xf32, #tpu.memory_space<hbm>>
    tpu.enqueue_dma source(%dma_start3A_7 : memref<8x2048xf32, #tpu.memory_space<hbm>>) target(%arg8 : memref<8x2048xf32, #tpu.memory_space<vmem>>) target_semaphore(%arg15 : memref<!tpu.dma_semaphore, #tpu.memory_space<semaphore_mem>>)
    %add3A_8 = arith.constant 0 : i32
    %add3A_9 = arith.addi %add3A_8, %mul3A_2 : i32
    %add3A_10 = arith.constant 0 : i32
    %add3A_11 = arith.addi %add3A_9, %add3A_10 : i32
    %dma_start3A_12 = arith.constant 0 : i32
    %dma_start3A_13 = tpu.memref_slice %arg2[%add3A_11, %dma_start3A_12] : memref<8192x2048xf32, #tpu.memory_space<hbm>> -> memref<8x2048xf32, #tpu.memory_space<hbm>>
    %dma_start3A_14 = arith.constant 0 : i32
    %dma_start3A_15 = tpu.memref_slice %arg2[%add3A_11, %dma_start3A_14] : memref<8192x2048xf32, #tpu.memory_space<hbm>> -> memref<8x2048xf32, #tpu.memory_space<hbm>>
    tpu.enqueue_dma source(%dma_start3A_15 : memref<8x2048xf32, #tpu.memory_space<hbm>>) target(%arg5 : memref<8x2048xf32, #tpu.memory_space<vmem>>) target_semaphore(%arg12 : memref<!tpu.dma_semaphore, #tpu.memory_space<semaphore_mem>>)
    %add3A_16 = arith.constant 2048 : i32
    %add3A_17 = arith.addi %add3A_16, %mul3A_2 : i32
    %add3A_18 = arith.constant 0 : i32
    %add3A_19 = arith.addi %add3A_17, %add3A_18 : i32
    %dma_start3A_20 = arith.constant 0 : i32
    %dma_start3A_21 = tpu.memref_slice %arg2[%add3A_19, %dma_start3A_20] : memref<8192x2048xf32, #tpu.memory_space<hbm>> -> memref<8x2048xf32, #tpu.memory_space<hbm>>
    %dma_start3A_22 = arith.constant 0 : i32
    %dma_start3A_23 = tpu.memref_slice %arg2[%add3A_19, %dma_start3A_22] : memref<8192x2048xf32, #tpu.memory_space<hbm>> -> memref<8x2048xf32, #tpu.memory_space<hbm>>
    tpu.enqueue_dma source(%dma_start3A_23 : memref<8x2048xf32, #tpu.memory_space<hbm>>) target(%arg6 : memref<8x2048xf32, #tpu.memory_space<vmem>>) target_semaphore(%arg13 : memref<!tpu.dma_semaphore, #tpu.memory_space<semaphore_mem>>)
    %add3A_24 = arith.constant 4096 : i32
    %add3A_25 = arith.addi %add3A_24, %mul3A_2 : i32
    %add3A_26 = arith.constant 0 : i32
    %add3A_27 = arith.addi %add3A_25, %add3A_26 : i32
    %dma_start3A_28 = arith.constant 0 : i32
    %dma_start3A_29 = tpu.memref_slice %arg2[%add3A_27, %dma_start3A_28] : memref<8192x2048xf32, #tpu.memory_space<hbm>> -> memref<8x2048xf32, #tpu.memory_space<hbm>>
    %dma_start3A_30 = arith.constant 0 : i32
    %dma_start3A_31 = tpu.memref_slice %arg2[%add3A_27, %dma_start3A_30] : memref<8192x2048xf32, #tpu.memory_space<hbm>> -> memref<8x2048xf32, #tpu.memory_space<hbm>>
    tpu.enqueue_dma source(%dma_start3A_31 : memref<8x2048xf32, #tpu.memory_space<hbm>>) target(%arg7 : memref<8x2048xf32, #tpu.memory_space<vmem>>) target_semaphore(%arg14 : memref<!tpu.dma_semaphore, #tpu.memory_space<semaphore_mem>>)
    %add3A_32 = arith.constant 0 : i32
    %add3A_33 = arith.addi %mul3A_2, %add3A_32 : i32
    %dma_wait3A = arith.constant 0 : i32
    %dma_wait3A_34 = tpu.memref_slice %arg3[%add3A_33, %dma_wait3A] : memref<2049x2048xf32, #tpu.memory_space<hbm>> -> memref<8x2048xf32, #tpu.memory_space<hbm>>
    %dma_wait3A_35 = arith.constant 0 : i32
    %dma_wait3A_36 = tpu.memref_slice %arg3[%add3A_33, %dma_wait3A_35] : memref<2049x2048xf32, #tpu.memory_space<hbm>> -> memref<8x2048xf32, #tpu.memory_space<hbm>>
    tpu.wait_dma2 semaphore(%arg15 : memref<!tpu.dma_semaphore, #tpu.memory_space<semaphore_mem>>) src(%dma_wait3A_36 : memref<8x2048xf32, #tpu.memory_space<hbm>>) dst(%arg8 : memref<8x2048xf32, #tpu.memory_space<vmem>>)
    %add3A_37 = arith.constant 8 : i32
    %add3A_38 = arith.addi %mul3A_2, %add3A_37 : i32
    %dma_start3A_39 = arith.constant 0 : i32
    %dma_start3A_40 = tpu.memref_slice %arg3[%add3A_38, %dma_start3A_39] : memref<2049x2048xf32, #tpu.memory_space<hbm>> -> memref<8x2048xf32, #tpu.memory_space<hbm>>
    %dma_start3A_41 = arith.constant 0 : i32
    %dma_start3A_42 = tpu.memref_slice %arg3[%add3A_38, %dma_start3A_41] : memref<2049x2048xf32, #tpu.memory_space<hbm>> -> memref<8x2048xf32, #tpu.memory_space<hbm>>
    tpu.enqueue_dma source(%dma_start3A_42 : memref<8x2048xf32, #tpu.memory_space<hbm>>) target(%arg9 : memref<8x2048xf32, #tpu.memory_space<vmem>>) target_semaphore(%arg16 : memref<!tpu.dma_semaphore, #tpu.memory_space<semaphore_mem>>)
    %add3A_43 = arith.constant 0 : i32
    %add3A_44 = arith.addi %add3A_43, %mul3A_2 : i32
    %add3A_45 = arith.constant 0 : i32
    %add3A_46 = arith.addi %add3A_44, %add3A_45 : i32
    %dma_wait3A_47 = arith.constant 0 : i32
    %dma_wait3A_48 = tpu.memref_slice %arg2[%add3A_46, %dma_wait3A_47] : memref<8192x2048xf32, #tpu.memory_space<hbm>> -> memref<8x2048xf32, #tpu.memory_space<hbm>>
    %dma_wait3A_49 = arith.constant 0 : i32
    %dma_wait3A_50 = tpu.memref_slice %arg2[%add3A_46, %dma_wait3A_49] : memref<8192x2048xf32, #tpu.memory_space<hbm>> -> memref<8x2048xf32, #tpu.memory_space<hbm>>
    tpu.wait_dma2 semaphore(%arg12 : memref<!tpu.dma_semaphore, #tpu.memory_space<semaphore_mem>>) src(%dma_wait3A_50 : memref<8x2048xf32, #tpu.memory_space<hbm>>) dst(%arg5 : memref<8x2048xf32, #tpu.memory_space<vmem>>)
    %scan3A = arith.constant 0 : i32
    %scan3A_51 = arith.constant 8 : i32
    %scan3A_52 = arith.addi %scan3A, %scan3A_51 : i32
    %scan3A_53 = arith.constant 1 : i32
    scf.for %scan3A_1280 = %scan3A to %scan3A_52 step %scan3A_53  : i32 {
      %mul3A_1281 = arith.constant 1 : i32
      %mul3A_1282 = arith.muli %scan3A_1280, %mul3A_1281 : i32
      %add3A_1283 = arith.constant 0 : i32
      %add3A_1284 = arith.addi %add3A_1283, %mul3A_1282 : i32
      %parallel_loop3A = arith.constant 0 : i32
      %parallel_loop3A_1285 = arith.constant 2048 : i32
      %parallel_loop3A_1286 = arith.constant 16 : i32
      scf.for %parallel_loop3A_1287 = %parallel_loop3A to %parallel_loop3A_1285 step %parallel_loop3A_1286  : i32 {
        %parallel_loop3A_1288 = arith.index_cast %add3A_1284 : i32 to index
        %parallel_loop3A_1289 = arith.index_cast %parallel_loop3A_1287 : i32 to index
        %parallel_loop3A_1290 = tpu.vector_load %arg5[%parallel_loop3A_1288, %parallel_loop3A_1289] {strides = array<i32>} : memref<8x2048xf32, #tpu.memory_space<vmem>>, vector<1x16xf32>,
        %parallel_loop3A_1291 = vector.shape_cast %parallel_loop3A_1290 : vector<1x16xf32> to vector<16xf32>
        %parallel_loop3A_1292 = arith.index_cast %add3A_1284 : i32 to index
        %parallel_loop3A_1293 = arith.index_cast %parallel_loop3A_1287 : i32 to index
        %parallel_loop3A_1294 = tpu.vector_load %arg8[%parallel_loop3A_1292, %parallel_loop3A_1293] {strides = array<i32>} : memref<8x2048xf32, #tpu.memory_space<vmem>>, vector<1x16xf32>,
        %parallel_loop3A_1295 = vector.shape_cast %parallel_loop3A_1294 : vector<1x16xf32> to vector<16xf32>
        %parallel_loop3A_1296 = arith.addf %parallel_loop3A_1291, %parallel_loop3A_1295 : vector<16xf32>
        %parallel_loop3A_1297 = arith.index_cast %add3A_1284 : i32 to index
        %parallel_loop3A_1298 = arith.index_cast %parallel_loop3A_1287 : i32 to index
        %parallel_loop3A_1299 = tpu.vector_load %arg10[%parallel_loop3A_1297, %parallel_loop3A_1298] {strides = array<i32>} : memref<8x2048xf32, #tpu.memory_space<vmem>>, vector<1x16xf32>,
        %parallel_loop3A_1300 = vector.shape_cast %parallel_loop3A_1299 : vector<1x16xf32> to vector<16xf32>
        %parallel_loop3A_1301 = vector.shape_cast %parallel_loop3A_1296 : vector<16xf32> to vector<1x16xf32>
        tpu.vector_store %arg10[%parallel_loop3A_1297, %parallel_loop3A_1298], %parallel_loop3A_1301 {strides = array<i32>} : memref<8x2048xf32, #tpu.memory_space<vmem>>, vector<1x16xf32>,
      } {sc.loop_unroll_factor = 8 : i64, sc.parallel_access}
    }
    %scan3A_54 = arith.constant 8 : i32
    %add3A_55 = arith.constant 0 : i32
    %add3A_56 = arith.addi %add3A_55, %mul3A_2 : i32
    %add3A_57 = arith.constant 0 : i32
    %add3A_58 = arith.addi %add3A_56, %add3A_57 : i32
    %dma_start3A_59 = arith.constant 0 : i32
    %dma_start3A_60 = tpu.memref_slice %arg4[%add3A_58, %dma_start3A_59] : memref<8192x2048xf32, #tpu.memory_space<hbm>> -> memref<8x2048xf32, #tpu.memory_space<hbm>>
    %dma_start3A_61 = arith.constant 0 : i32
    %dma_start3A_62 = tpu.memref_slice %arg4[%add3A_58, %dma_start3A_61] : memref<8192x2048xf32, #tpu.memory_space<hbm>> -> memref<8x2048xf32, #tpu.memory_space<hbm>>
    tpu.enqueue_dma source(%arg10 : memref<8x2048xf32, #tpu.memory_space<vmem>>) target(%dma_start3A_62 : memref<8x2048xf32, #tpu.memory_space<hbm>>) target_semaphore(%arg17 : memref<!tpu.dma_semaphore, #tpu.memory_space<semaphore_mem>>)
    %add3A_63 = arith.constant 6144 : i32
    %add3A_64 = arith.addi %add3A_63, %mul3A_2 : i32
    %add3A_65 = arith.constant 0 : i32
    %add3A_66 = arith.addi %add3A_64, %add3A_65 : i32
    %dma_start3A_67 = arith.constant 0 : i32
    %dma_start3A_68 = tpu.memref_slice %arg2[%add3A_66, %dma_start3A_67] : memref<8192x2048xf32, #tpu.memory_space<hbm>> -> memref<8x2048xf32, #tpu.memory_space<hbm>>
    %dma_start3A_69 = arith.constant 0 : i32
    %dma_start3A_70 = tpu.memref_slice %arg2[%add3A_66, %dma_start3A_69] : memref<8192x2048xf32, #tpu.memory_space<hbm>> -> memref<8x2048xf32, #tpu.memory_space<hbm>>
    tpu.enqueue_dma source(%dma_start3A_70 : memref<8x2048xf32, #tpu.memory_space<hbm>>) target(%arg5 : memref<8x2048xf32, #tpu.memory_space<vmem>>) target_semaphore(%arg12 : memref<!tpu.dma_semaphore, #tpu.memory_space<semaphore_mem>>)
    %add3A_71 = arith.constant 2048 : i32
    %add3A_72 = arith.addi %add3A_71, %mul3A_2 : i32
    %add3A_73 = arith.constant 0 : i32
    %add3A_74 = arith.addi %add3A_72, %add3A_73 : i32
    %dma_wait3A_75 = arith.constant 0 : i32
    %dma_wait3A_76 = tpu.memref_slice %arg2[%add3A_74, %dma_wait3A_75] : memref<8192x2048xf32, #tpu.memory_space<hbm>> -> memref<8x2048xf32, #tpu.memory_space<hbm>>
    %dma_wait3A_77 = arith.constant 0 : i32
    %dma_wait3A_78 = tpu.memref_slice %arg2[%add3A_74, %dma_wait3A_77] : memref<8192x2048xf32, #tpu.memory_space<hbm>> -> memref<8x2048xf32, #tpu.memory_space<hbm>>
    tpu.wait_dma2 semaphore(%arg13 : memref<!tpu.dma_semaphore, #tpu.memory_space<semaphore_mem>>) src(%dma_wait3A_78 : memref<8x2048xf32, #tpu.memory_space<hbm>>) dst(%arg6 : memref<8x2048xf32, #tpu.memory_space<vmem>>)
    %scan3A_79 = arith.constant 0 : i32
    %scan3A_80 = arith.constant 8 : i32
    %scan3A_81 = arith.addi %scan3A_79, %scan3A_80 : i32
    %scan3A_82 = arith.constant 1 : i32
    scf.for %scan3A_1280 = %scan3A_79 to %scan3A_81 step %scan3A_82  : i32 {
      %mul3A_1281 = arith.constant 1 : i32
      %mul3A_1282 = arith.muli %scan3A_1280, %mul3A_1281 : i32
      %add3A_1283 = arith.constant 0 : i32
      %add3A_1284 = arith.addi %add3A_1283, %mul3A_1282 : i32
      %parallel_loop3A = arith.constant 0 : i32
      %parallel_loop3A_1285 = arith.constant 2048 : i32
      %parallel_loop3A_1286 = arith.constant 16 : i32
      scf.for %parallel_loop3A_1287 = %parallel_loop3A to %parallel_loop3A_1285 step %parallel_loop3A_1286  : i32 {
        %parallel_loop3A_1288 = arith.index_cast %add3A_1284 : i32 to index
        %parallel_loop3A_1289 = arith.index_cast %parallel_loop3A_1287 : i32 to index
        %parallel_loop3A_1290 = tpu.vector_load %arg6[%parallel_loop3A_1288, %parallel_loop3A_1289] {strides = array<i32>} : memref<8x2048xf32, #tpu.memory_space<vmem>>, vector<1x16xf32>,
        %parallel_loop3A_1291 = vector.shape_cast %parallel_loop3A_1290 : vector<1x16xf32> to vector<16xf32>
        %parallel_loop3A_1292 = arith.index_cast %add3A_1284 : i32 to index
        %parallel_loop3A_1293 = arith.index_cast %parallel_loop3A_1287 : i32 to index
        %parallel_loop3A_1294 = tpu.vector_load %arg8[%parallel_loop3A_1292, %parallel_loop3A_1293] {strides = array<i32>} : memref<8x2048xf32, #tpu.memory_space<vmem>>, vector<1x16xf32>,
        %parallel_loop3A_1295 = vector.shape_cast %parallel_loop3A_1294 : vector<1x16xf32> to vector<16xf32>
        %parallel_loop3A_1296 = arith.addf %parallel_loop3A_1291, %parallel_loop3A_1295 : vector<16xf32>
        %parallel_loop3A_1297 = arith.index_cast %add3A_1284 : i32 to index
        %parallel_loop3A_1298 = arith.index_cast %parallel_loop3A_1287 : i32 to index
        %parallel_loop3A_1299 = tpu.vector_load %arg11[%parallel_loop3A_1297, %parallel_loop3A_1298] {strides = array<i32>} : memref<8x2048xf32, #tpu.memory_space<vmem>>, vector<1x16xf32>,
        %parallel_loop3A_1300 = vector.shape_cast %parallel_loop3A_1299 : vector<1x16xf32> to vector<16xf32>
        %parallel_loop3A_1301 = vector.shape_cast %parallel_loop3A_1296 : vector<16xf32> to vector<1x16xf32>
        tpu.vector_store %arg11[%parallel_loop3A_1297, %parallel_loop3A_1298], %parallel_loop3A_1301 {strides = array<i32>} : memref<8x2048xf32, #tpu.memory_space<vmem>>, vector<1x16xf32>,
      } {sc.loop_unroll_factor = 8 : i64, sc.parallel_access}
    }
    %scan3A_83 = arith.constant 8 : i32
    %add3A_84 = arith.constant 2048 : i32
    %add3A_85 = arith.addi %add3A_84, %mul3A_2 : i32
    %add3A_86 = arith.constant 0 : i32
    %add3A_87 = arith.addi %add3A_85, %add3A_86 : i32
    %dma_start3A_88 = arith.constant 0 : i32
    %dma_start3A_89 = tpu.memref_slice %arg4[%add3A_87, %dma_start3A_88] : memref<8192x2048xf32, #tpu.memory_space<hbm>> -> memref<8x2048xf32, #tpu.memory_space<hbm>>
    %dma_start3A_90 = arith.constant 0 : i32
    %dma_start3A_91 = tpu.memref_slice %arg4[%add3A_87, %dma_start3A_90] : memref<8192x2048xf32, #tpu.memory_space<hbm>> -> memref<8x2048xf32, #tpu.memory_space<hbm>>
    tpu.enqueue_dma source(%arg11 : memref<8x2048xf32, #tpu.memory_space<vmem>>) target(%dma_start3A_91 : memref<8x2048xf32, #tpu.memory_space<hbm>>) target_semaphore(%arg18 : memref<!tpu.dma_semaphore, #tpu.memory_space<semaphore_mem>>)
    %add3A_92 = arith.constant 0 : i32
    %add3A_93 = arith.addi %add3A_92, %mul3A_2 : i32
    %add3A_94 = arith.constant 8 : i32
    %add3A_95 = arith.addi %add3A_93, %add3A_94 : i32
    %dma_start3A_96 = arith.constant 0 : i32
    %dma_start3A_97 = tpu.memref_slice %arg2[%add3A_95, %dma_start3A_96] : memref<8192x2048xf32, #tpu.memory_space<hbm>> -> memref<8x2048xf32, #tpu.memory_space<hbm>>
    %dma_start3A_98 = arith.constant 0 : i32
    %dma_start3A_99 = tpu.memref_slice %arg2[%add3A_95, %dma_start3A_98] : memref<8192x2048xf32, #tpu.memory_space<hbm>> -> memref<8x2048xf32, #tpu.memory_space<hbm>>
    tpu.enqueue_dma source(%dma_start3A_99 : memref<8x2048xf32, #tpu.memory_space<hbm>>) target(%arg6 : memref<8x2048xf32, #tpu.memory_space<vmem>>) target_semaphore(%arg13 : memref<!tpu.dma_semaphore, #tpu.memory_space<semaphore_mem>>)
    %add3A_100 = arith.constant 4096 : i32
    %add3A_101 = arith.addi %add3A_100, %mul3A_2 : i32
    %add3A_102 = arith.constant 0 : i32
    %add3A_103 = arith.addi %add3A_101, %add3A_102 : i32
    %dma_wait3A_104 = arith.constant 0 : i32
    %dma_wait3A_105 = tpu.memref_slice %arg2[%add3A_103, %dma_wait3A_104] : memref<8192x2048xf32, #tpu.memory_space<hbm>> -> memref<8x2048xf32, #tpu.memory_space<hbm>>
    %dma_wait3A_106 = arith.constant 0 : i32
    %dma_wait3A_107 = tpu.memref_slice %arg2[%add3A_103, %dma_wait3A_106] : memref<8192x2048xf32, #tpu.memory_space<hbm>> -> memref<8x2048xf32, #tpu.memory_space<hbm>>
    tpu.wait_dma2 semaphore(%arg14 : memref<!tpu.dma_semaphore, #tpu.memory_space<semaphore_mem>>) src(%dma_wait3A_107 : memref<8x2048xf32, #tpu.memory_space<hbm>>) dst(%arg7 : memref<8x2048xf32, #tpu.memory_space<vmem>>)
    %add3A_108 = arith.constant 0 : i32
    %add3A_109 = arith.addi %add3A_108, %mul3A_2 : i32
    %add3A_110 = arith.constant 0 : i32
    %add3A_111 = arith.addi %add3A_109, %add3A_110 : i32
    %dma_wait3A_112 = arith.constant 0 : i32
    %dma_wait3A_113 = tpu.memref_slice %arg4[%add3A_111, %dma_wait3A_112] : memref<8192x2048xf32, #tpu.memory_space<hbm>> -> memref<8x2048xf32, #tpu.memory_space<hbm>>
    %dma_wait3A_114 = arith.constant 0 : i32
    %dma_wait3A_115 = tpu.memref_slice %arg4[%add3A_111, %dma_wait3A_114] : memref<8192x2048xf32, #tpu.memory_space<hbm>> -> memref<8x2048xf32, #tpu.memory_space<hbm>>
    tpu.wait_dma2 semaphore(%arg17 : memref<!tpu.dma_semaphore, #tpu.memory_space<semaphore_mem>>) src(%arg10 : memref<8x2048xf32, #tpu.memory_space<vmem>>) dst(%dma_wait3A_115 : memref<8x2048xf32, #tpu.memory_space<hbm>>)
    %scan3A_116 = arith.constant 0 : i32
    %scan3A_117 = arith.constant 8 : i32
    %scan3A_118 = arith.addi %scan3A_116, %scan3A_117 : i32
    %scan3A_119 = arith.constant 1 : i32
    scf.for %scan3A_1280 = %scan3A_116 to %scan3A_118 step %scan3A_119  : i32 {
      %mul3A_1281 = arith.constant 1 : i32
      %mul3A_1282 = arith.muli %scan3A_1280, %mul3A_1281 : i32
      %add3A_1283 = arith.constant 0 : i32
      %add3A_1284 = arith.addi %add3A_1283, %mul3A_1282 : i32
      %parallel_loop3A = arith.constant 0 : i32
      %parallel_loop3A_1285 = arith.constant 2048 : i32
      %parallel_loop3A_1286 = arith.constant 16 : i32
      scf.for %parallel_loop3A_1287 = %parallel_loop3A to %parallel_loop3A_1285 step %parallel_loop3A_1286  : i32 {
        %parallel_loop3A_1288 = arith.index_cast %add3A_1284 : i32 to index
        %parallel_loop3A_1289 = arith.index_cast %parallel_loop3A_1287 : i32 to index
        %parallel_loop3A_1290 = tpu.vector_load %arg7[%parallel_loop3A_1288, %parallel_loop3A_1289] {strides = array<i32>} : memref<8x2048xf32, #tpu.memory_space<vmem>>, vector<1x16xf32>,
        %parallel_loop3A_1291 = vector.shape_cast %parallel_loop3A_1290 : vector<1x16xf32> to vector<16xf32>
        %parallel_loop3A_1292 = arith.index_cast %add3A_1284 : i32 to index
        %parallel_loop3A_1293 = arith.index_cast %parallel_loop3A_1287 : i32 to index
        %parallel_loop3A_1294 = tpu.vector_load %arg8[%parallel_loop3A_1292, %parallel_loop3A_1293] {strides = array<i32>} : memref<8x2048xf32, #tpu.memory_space<vmem>>, vector<1x16xf32>,
        %parallel_loop3A_1295 = vector.shape_cast %parallel_loop3A_1294 : vector<1x16xf32> to vector<16xf32>
        %parallel_loop3A_1296 = arith.addf %parallel_loop3A_1291, %parallel_loop3A_1295 : vector<16xf32>
        %parallel_loop3A_1297 = arith.index_cast %add3A_1284 : i32 to index
        %parallel_loop3A_1298 = arith.index_cast %parallel_loop3A_1287 : i32 to index
        %parallel_loop3A_1299 = tpu.vector_load %arg10[%parallel_loop3A_1297, %parallel_loop3A_1298] {strides = array<i32>} : memref<8x2048xf32, #tpu.memory_space<vmem>>, vector<1x16xf32>,
        %parallel_loop3A_1300 = vector.shape_cast %parallel_loop3A_1299 : vector<1x16xf32> to vector<16xf32>
        %parallel_loop3A_1301 = vector.shape_cast %parallel_loop3A_1296 : vector<16xf32> to vector<1x16xf32>
        tpu.vector_store %arg10[%parallel_loop3A_1297, %parallel_loop3A_1298], %parallel_loop3A_1301 {strides = array<i32>} : memref<8x2048xf32, #tpu.memory_space<vmem>>, vector<1x16xf32>,
      } {sc.loop_unroll_factor = 8 : i64, sc.parallel_access}
    }
    %scan3A_120 = arith.constant 8 : i32
    %add3A_121 = arith.constant 4096 : i32
    %add3A_122 = arith.addi %add3A_121, %mul3A_2 : i32
    %add3A_123 = arith.constant 0 : i32
    %add3A_124 = arith.addi %add3A_122, %add3A_123 : i32
    %dma_start3A_125 = arith.constant 0 : i32
    %dma_start3A_126 = tpu.memref_slice %arg4[%add3A_124, %dma_start3A_125] : memref<8192x2048xf32, #tpu.memory_space<hbm>> -> memref<8x2048xf32, #tpu.memory_space<hbm>>
    %dma_start3A_127 = arith.constant 0 : i32
    %dma_start3A_128 = tpu.memref_slice %arg4[%add3A_124, %dma_start3A_127] : memref<8192x2048xf32, #tpu.memory_space<hbm>> -> memref<8x2048xf32, #tpu.memory_space<hbm>>
    tpu.enqueue_dma source(%arg10 : memref<8x2048xf32, #tpu.memory_space<vmem>>) target(%dma_start3A_128 : memref<8x2048xf32, #tpu.memory_space<hbm>>) target_semaphore(%arg17 : memref<!tpu.dma_semaphore, #tpu.memory_space<semaphore_mem>>)
    %add3A_129 = arith.constant 2048 : i32
    %add3A_130 = arith.addi %add3A_129, %mul3A_2 : i32
    %add3A_131 = arith.constant 8 : i32
    %add3A_132 = arith.addi %add3A_130, %add3A_131 : i32
    %dma_start3A_133 = arith.constant 0 : i32
    %dma_start3A_134 = tpu.memref_slice %arg2[%add3A_132, %dma_start3A_133] : memref<8192x2048xf32, #tpu.memory_space<hbm>> -> memref<8x2048xf32, #tpu.memory_space<hbm>>
    %dma_start3A_135 = arith.constant 0 : i32
    %dma_start3A_136 = tpu.memref_slice %arg2[%add3A_132, %dma_start3A_135] : memref<8192x2048xf32, #tpu.memory_space<hbm>> -> memref<8x2048xf32, #tpu.memory_space<hbm>>
    tpu.enqueue_dma source(%dma_start3A_136 : memref<8x2048xf32, #tpu.memory_space<hbm>>) target(%arg7 : memref<8x2048xf32, #tpu.memory_space<vmem>>) target_semaphore(%arg14 : memref<!tpu.dma_semaphore, #tpu.memory_space<semaphore_mem>>)
    %add3A_137 = arith.constant 6144 : i32
    %add3A_138 = arith.addi %add3A_137, %mul3A_2 : i32
    %add3A_139 = arith.constant 0 : i32
    %add3A_140 = arith.addi %add3A_138, %add3A_139 : i32
    %dma_wait3A_141 = arith.constant 0 : i32
    %dma_wait3A_142 = tpu.memref_slice %arg2[%add3A_140, %dma_wait3A_141] : memref<8192x2048xf32, #tpu.memory_space<hbm>> -> memref<8x2048xf32, #tpu.memory_space<hbm>>
    %dma_wait3A_143 = arith.constant 0 : i32
    %dma_wait3A_144 = tpu.memref_slice %arg2[%add3A_140, %dma_wait3A_143] : memref<8192x2048xf32, #tpu.memory_space<hbm>> -> memref<8x2048xf32, #tpu.memory_space<hbm>>
    tpu.wait_dma2 semaphore(%arg12 : memref<!tpu.dma_semaphore, #tpu.memory_space<semaphore_mem>>) src(%dma_wait3A_144 : memref<8x2048xf32, #tpu.memory_space<hbm>>) dst(%arg5 : memref<8x2048xf32, #tpu.memory_space<vmem>>)
    %add3A_145 = arith.constant 2048 : i32
    %add3A_146 = arith.addi %add3A_145, %mul3A_2 : i32
    %add3A_147 = arith.constant 0 : i32
    %add3A_148 = arith.addi %add3A_146, %add3A_147 : i32
    %dma_wait3A_149 = arith.constant 0 : i32
    %dma_wait3A_150 = tpu.memref_slice %arg4[%add3A_148, %dma_wait3A_149] : memref<8192x2048xf32, #tpu.memory_space<hbm>> -> memref<8x2048xf32, #tpu.memory_space<hbm>>
    %dma_wait3A_151 = arith.constant 0 : i32
    %dma_wait3A_152 = tpu.memref_slice %arg4[%add3A_148, %dma_wait3A_151] : memref<8192x2048xf32, #tpu.memory_space<hbm>> -> memref<8x2048xf32, #tpu.memory_space<hbm>>
    tpu.wait_dma2 semaphore(%arg18 : memref<!tpu.dma_semaphore, #tpu.memory_space<semaphore_mem>>) src(%arg11 : memref<8x2048xf32, #tpu.memory_space<vmem>>) dst(%dma_wait3A_152 : memref<8x2048xf32, #tpu.memory_space<hbm>>)
    %scan3A_153 = arith.constant 0 : i32
    %scan3A_154 = arith.constant 8 : i32
    %scan3A_155 = arith.addi %scan3A_153, %scan3A_154 : i32
    %scan3A_156 = arith.constant 1 : i32
    scf.for %scan3A_1280 = %scan3A_153 to %scan3A_155 step %scan3A_156  : i32 {
      %mul3A_1281 = arith.constant 1 : i32
      %mul3A_1282 = arith.muli %scan3A_1280, %mul3A_1281 : i32
      %add3A_1283 = arith.constant 0 : i32
      %add3A_1284 = arith.addi %add3A_1283, %mul3A_1282 : i32
      %parallel_loop3A = arith.constant 0 : i32
      %parallel_loop3A_1285 = arith.constant 2048 : i32
      %parallel_loop3A_1286 = arith.constant 16 : i32
      scf.for %parallel_loop3A_1287 = %parallel_loop3A to %parallel_loop3A_1285 step %parallel_loop3A_1286  : i32 {
        %parallel_loop3A_1288 = arith.index_cast %add3A_1284 : i32 to index
        %parallel_loop3A_1289 = arith.index_cast %parallel_loop3A_1287 : i32 to index
        %parallel_loop3A_1290 = tpu.vector_load %arg5[%parallel_loop3A_1288, %parallel_loop3A_1289] {strides = array<i32>} : memref<8x2048xf32, #tpu.memory_space<vmem>>, vector<1x16xf32>,
        %parallel_loop3A_1291 = vector.shape_cast %parallel_loop3A_1290 : vector<1x16xf32> to vector<16xf32>
        %parallel_loop3A_1292 = arith.index_cast %add3A_1284 : i32 to index
        %parallel_loop3A_1293 = arith.index_cast %parallel_loop3A_1287 : i32 to index
        %parallel_loop3A_1294 = tpu.vector_load %arg8[%parallel_loop3A_1292, %parallel_loop3A_1293] {strides = array<i32>} : memref<8x2048xf32, #tpu.memory_space<vmem>>, vector<1x16xf32>,
        %parallel_loop3A_1295 = vector.shape_cast %parallel_loop3A_1294 : vector<1x16xf32> to vector<16xf32>
        %parallel_loop3A_1296 = arith.addf %parallel_loop3A_1291, %parallel_loop3A_1295 : vector<16xf32>
        %parallel_loop3A_1297 = arith.index_cast %add3A_1284 : i32 to index
        %parallel_loop3A_1298 = arith.index_cast %parallel_loop3A_1287 : i32 to index
        %parallel_loop3A_1299 = tpu.vector_load %arg11[%parallel_loop3A_1297, %parallel_loop3A_1298] {strides = array<i32>} : memref<8x2048xf32, #tpu.memory_space<vmem>>, vector<1x16xf32>,
        %parallel_loop3A_1300 = vector.shape_cast %parallel_loop3A_1299 : vector<1x16xf32> to vector<16xf32>
        %parallel_loop3A_1301 = vector.shape_cast %parallel_loop3A_1296 : vector<16xf32> to vector<1x16xf32>
        tpu.vector_store %arg11[%parallel_loop3A_1297, %parallel_loop3A_1298], %parallel_loop3A_1301 {strides = array<i32>} : memref<8x2048xf32, #tpu.memory_space<vmem>>, vector<1x16xf32>,
      } {sc.loop_unroll_factor = 8 : i64, sc.parallel_access}
    }
    %scan3A_157 = arith.constant 8 : i32
    %add3A_158 = arith.constant 6144 : i32
    %add3A_159 = arith.addi %add3A_158, %mul3A_2 : i32
    %add3A_160 = arith.constant 0 : i32
    %add3A_161 = arith.addi %add3A_159, %add3A_160 : i32
    %dma_start3A_162 = arith.constant 0 : i32
    %dma_start3A_163 = tpu.memref_slice %arg4[%add3A_161, %dma_start3A_162] : memref<8192x2048xf32, #tpu.memory_space<hbm>> -> memref<8x2048xf32, #tpu.memory_space<hbm>>
    %dma_start3A_164 = arith.constant 0 : i32
    %dma_start3A_165 = tpu.memref_slice %arg4[%add3A_161, %dma_start3A_164] : memref<8192x2048xf32, #tpu.memory_space<hbm>> -> memref<8x2048xf32, #tpu.memory_space<hbm>>
    tpu.enqueue_dma source(%arg11 : memref<8x2048xf32, #tpu.memory_space<vmem>>) target(%dma_start3A_165 : memref<8x2048xf32, #tpu.memory_space<hbm>>) target_semaphore(%arg18 : memref<!tpu.dma_semaphore, #tpu.memory_space<semaphore_mem>>)
    %add3A_166 = arith.constant 4096 : i32
    %add3A_167 = arith.addi %add3A_166, %mul3A_2 : i32
    %add3A_168 = arith.constant 8 : i32
    %add3A_169 = arith.addi %add3A_167, %add3A_168 : i32
    %dma_start3A_170 = arith.constant 0 : i32
    %dma_start3A_171 = tpu.memref_slice %arg2[%add3A_169, %dma_start3A_170] : memref<8192x2048xf32, #tpu.memory_space<hbm>> -> memref<8x2048xf32, #tpu.memory_space<hbm>>
    %dma_start3A_172 = arith.constant 0 : i32
    %dma_start3A_173 = tpu.memref_slice %arg2[%add3A_169, %dma_start3A_172] : memref<8192x2048xf32, #tpu.memory_space<hbm>> -> memref<8x2048xf32, #tpu.memory_space<hbm>>
    tpu.enqueue_dma source(%dma_start3A_173 : memref<8x2048xf32, #tpu.memory_space<hbm>>) target(%arg5 : memref<8x2048xf32, #tpu.memory_space<vmem>>) target_semaphore(%arg12 : memref<!tpu.dma_semaphore, #tpu.memory_space<semaphore_mem>>)
    %add3A_174 = arith.constant 8 : i32
    %add3A_175 = arith.addi %mul3A_2, %add3A_174 : i32
    %dma_wait3A_176 = arith.constant 0 : i32
    %dma_wait3A_177 = tpu.memref_slice %arg3[%add3A_175, %dma_wait3A_176] : memref<2049x2048xf32, #tpu.memory_space<hbm>> -> memref<8x2048xf32, #tpu.memory_space<hbm>>
    %dma_wait3A_178 = arith.constant 0 : i32
    %dma_wait3A_179 = tpu.memref_slice %arg3[%add3A_175, %dma_wait3A_178] : memref<2049x2048xf32, #tpu.memory_space<hbm>> -> memref<8x2048xf32, #tpu.memory_space<hbm>>
    tpu.wait_dma2 semaphore(%arg16 : memref<!tpu.dma_semaphore, #tpu.memory_space<semaphore_mem>>) src(%dma_wait3A_179 : memref<8x2048xf32, #tpu.memory_space<hbm>>) dst(%arg9 : memref<8x2048xf32, #tpu.memory_space<vmem>>)
    %add3A_180 = arith.constant 16 : i32
    %add3A_181 = arith.addi %mul3A_2, %add3A_180 : i32
    %dma_start3A_182 = arith.constant 0 : i32
    %dma_start3A_183 = tpu.memref_slice %arg3[%add3A_181, %dma_start3A_182] : memref<2049x2048xf32, #tpu.memory_space<hbm>> -> memref<8x2048xf32, #tpu.memory_space<hbm>>
    %dma_start3A_184 = arith.constant 0 : i32
    %dma_start3A_185 = tpu.memref_slice %arg3[%add3A_181, %dma_start3A_184] : memref<2049x2048xf32, #tpu.memory_space<hbm>> -> memref<8x2048xf32, #tpu.memory_space<hbm>>
    tpu.enqueue_dma source(%dma_start3A_185 : memref<8x2048xf32, #tpu.memory_space<hbm>>) target(%arg8 : memref<8x2048xf32, #tpu.memory_space<vmem>>) target_semaphore(%arg15 : memref<!tpu.dma_semaphore, #tpu.memory_space<semaphore_mem>>)
    %add3A_186 = arith.constant 0 : i32
    %add3A_187 = arith.addi %add3A_186, %mul3A_2 : i32
    %add3A_188 = arith.constant 8 : i32
    %add3A_189 = arith.addi %add3A_187, %add3A_188 : i32
    %dma_wait3A_190 = arith.constant 0 : i32
    %dma_wait3A_191 = tpu.memref_slice %arg2[%add3A_189, %dma_wait3A_190] : memref<8192x2048xf32, #tpu.memory_space<hbm>> -> memref<8x2048xf32, #tpu.memory_space<hbm>>
    %dma_wait3A_192 = arith.constant 0 : i32
    %dma_wait3A_193 = tpu.memref_slice %arg2[%add3A_189, %dma_wait3A_192] : memref<8192x2048xf32, #tpu.memory_space<hbm>> -> memref<8x2048xf32, #tpu.memory_space<hbm>>
    tpu.wait_dma2 semaphore(%arg13 : memref<!tpu.dma_semaphore, #tpu.memory_space<semaphore_mem>>) src(%dma_wait3A_193 : memref<8x2048xf32, #tpu.memory_space<hbm>>) dst(%arg6 : memref<8x2048xf32, #tpu.memory_space<vmem>>)
    %add3A_194 = arith.constant 4096 : i32
    %add3A_195 = arith.addi %add3A_194, %mul3A_2 : i32
    %add3A_196 = arith.constant 0 : i32
    %add3A_197 = arith.addi %add3A_195, %add3A_196 : i32
    %dma_wait3A_198 = arith.constant 0 : i32
    %dma_wait3A_199 = tpu.memref_slice %arg4[%add3A_197, %dma_wait3A_198] : memref<8192x2048xf32, #tpu.memory_space<hbm>> -> memref<8x2048xf32, #tpu.memory_space<hbm>>
    %dma_wait3A_200 = arith.constant 0 : i32
    %dma_wait3A_201 = tpu.memref_slice %arg4[%add3A_197, %dma_wait3A_200] : memref<8192x2048xf32, #tpu.memory_space<hbm>> -> memref<8x2048xf32, #tpu.memory_space<hbm>>
    tpu.wait_dma2 semaphore(%arg17 : memref<!tpu.dma_semaphore, #tpu.memory_space<semaphore_mem>>) src(%arg10 : memref<8x2048xf32, #tpu.memory_space<vmem>>) dst(%dma_wait3A_201 : memref<8x2048xf32, #tpu.memory_space<hbm>>)
    %scan3A_202 = arith.constant 0 : i32
    %scan3A_203 = arith.constant 8 : i32
    %scan3A_204 = arith.addi %scan3A_202, %scan3A_203 : i32
    %scan3A_205 = arith.constant 1 : i32
    scf.for %scan3A_1280 = %scan3A_202 to %scan3A_204 step %scan3A_205  : i32 {
      %mul3A_1281 = arith.constant 1 : i32
      %mul3A_1282 = arith.muli %scan3A_1280, %mul3A_1281 : i32
      %add3A_1283 = arith.constant 0 : i32
      %add3A_1284 = arith.addi %add3A_1283, %mul3A_1282 : i32
      %parallel_loop3A = arith.constant 0 : i32
      %parallel_loop3A_1285 = arith.constant 2048 : i32
      %parallel_loop3A_1286 = arith.constant 16 : i32
      scf.for %parallel_loop3A_1287 = %parallel_loop3A to %parallel_loop3A_1285 step %parallel_loop3A_1286  : i32 {
        %parallel_loop3A_1288 = arith.index_cast %add3A_1284 : i32 to index
        %parallel_loop3A_1289 = arith.index_cast %parallel_loop3A_1287 : i32 to index
        %parallel_loop3A_1290 = tpu.vector_load %arg6[%parallel_loop3A_1288, %parallel_loop3A_1289] {strides = array<i32>} : memref<8x2048xf32, #tpu.memory_space<vmem>>, vector<1x16xf32>,
        %parallel_loop3A_1291 = vector.shape_cast %parallel_loop3A_1290 : vector<1x16xf32> to vector<16xf32>
        %parallel_loop3A_1292 = arith.index_cast %add3A_1284 : i32 to index
        %parallel_loop3A_1293 = arith.index_cast %parallel_loop3A_1287 : i32 to index
        %parallel_loop3A_1294 = tpu.vector_load %arg9[%parallel_loop3A_1292, %parallel_loop3A_1293] {strides = array<i32>} : memref<8x2048xf32, #tpu.memory_space<vmem>>, vector<1x16xf32>,
        %parallel_loop3A_1295 = vector.shape_cast %parallel_loop3A_1294 : vector<1x16xf32> to vector<16xf32>
        %parallel_loop3A_1296 = arith.addf %parallel_loop3A_1291, %parallel_loop3A_1295 : vector<16xf32>
        %parallel_loop3A_1297 = arith.index_cast %add3A_1284 : i32 to index
        %parallel_loop3A_1298 = arith.index_cast %parallel_loop3A_1287 : i32 to index
        %parallel_loop3A_1299 = tpu.vector_load %arg10[%parallel_loop3A_1297, %parallel_loop3A_1298] {strides = array<i32>} : memref<8x2048xf32, #tpu.memory_space<vmem>>, vector<1x16xf32>,
        %parallel_loop3A_1300 = vector.shape_cast %parallel_loop3A_1299 : vector<1x16xf32> to vector<16xf32>
        %parallel_loop3A_1301 = vector.shape_cast %parallel_loop3A_1296 : vector<16xf32> to vector<1x16xf32>
        tpu.vector_store %arg10[%parallel_loop3A_1297, %parallel_loop3A_1298], %parallel_loop3A_1301 {strides = array<i32>} : memref<8x2048xf32, #tpu.memory_space<vmem>>, vector<1x16xf32>,
      } {sc.loop_unroll_factor = 8 : i64, sc.parallel_access}
    }
    %scan3A_206 = arith.constant 8 : i32
    %add3A_207 = arith.constant 0 : i32
    %add3A_208 = arith.addi %add3A_207, %mul3A_2 : i32
    %add3A_209 = arith.constant 8 : i32
    %add3A_210 = arith.addi %add3A_208, %add3A_209 : i32
    %dma_start3A_211 = arith.constant 0 : i32
    %dma_start3A_212 = tpu.memref_slice %arg4[%add3A_210, %dma_start3A_211] : memref<8192x2048xf32, #tpu.memory_space<hbm>> -> memref<8x2048xf32, #tpu.memory_space<hbm>>
    %dma_start3A_213 = arith.constant 0 : i32
    %dma_start3A_214 = tpu.memref_slice %arg4[%add3A_210, %dma_start3A_213] : memref<8192x2048xf32, #tpu.memory_space<hbm>> -> memref<8x2048xf32, #tpu.memory_space<hbm>>
    tpu.enqueue_dma source(%arg10 : memref<8x2048xf32, #tpu.memory_space<vmem>>) target(%dma_start3A_214 : memref<8x2048xf32, #tpu.memory_space<hbm>>) target_semaphore(%arg17 : memref<!tpu.dma_semaphore, #tpu.memory_space<semaphore_mem>>)
    %add3A_215 = arith.constant 6144 : i32
    %add3A_216 = arith.addi %add3A_215, %mul3A_2 : i32
    %add3A_217 = arith.constant 8 : i32
    %add3A_218 = arith.addi %add3A_216, %add3A_217 : i32
    %dma_start3A_219 = arith.constant 0 : i32
    %dma_start3A_220 = tpu.memref_slice %arg2[%add3A_218, %dma_start3A_219] : memref<8192x2048xf32, #tpu.memory_space<hbm>> -> memref<8x2048xf32, #tpu.memory_space<hbm>>
    %dma_start3A_221 = arith.constant 0 : i32
    %dma_start3A_222 = tpu.memref_slice %arg2[%add3A_218, %dma_start3A_221] : memref<8192x2048xf32, #tpu.memory_space<hbm>> -> memref<8x2048xf32, #tpu.memory_space<hbm>>
    tpu.enqueue_dma source(%dma_start3A_222 : memref<8x2048xf32, #tpu.memory_space<hbm>>) target(%arg6 : memref<8x2048xf32, #tpu.memory_space<vmem>>) target_semaphore(%arg13 : memref<!tpu.dma_semaphore, #tpu.memory_space<semaphore_mem>>)
    %add3A_223 = arith.constant 2048 : i32
    %add3A_224 = arith.addi %add3A_223, %mul3A_2 : i32
    %add3A_225 = arith.constant 8 : i32
    %add3A_226 = arith.addi %add3A_224, %add3A_225 : i32
    %dma_wait3A_227 = arith.constant 0 : i32
    %dma_wait3A_228 = tpu.memref_slice %arg2[%add3A_226, %dma_wait3A_227] : memref<8192x2048xf32, #tpu.memory_space<hbm>> -> memref<8x2048xf32, #tpu.memory_space<hbm>>
    %dma_wait3A_229 = arith.constant 0 : i32
    %dma_wait3A_230 = tpu.memref_slice %arg2[%add3A_226, %dma_wait3A_229] : memref<8192x2048xf32, #tpu.memory_space<hbm>> -> memref<8x2048xf32, #tpu.memory_space<hbm>>
    tpu.wait_dma2 semaphore(%arg14 : memref<!tpu.dma_semaphore, #tpu.memory_space<semaphore_mem>>) src(%dma_wait3A_230 : memref<8x2048xf32, #tpu.memory_space<hbm>>) dst(%arg7 : memref<8x2048xf32, #tpu.memory_space<vmem>>)
    %add3A_231 = arith.constant 6144 : i32
    %add3A_232 = arith.addi %add3A_231, %mul3A_2 : i32
    %add3A_233 = arith.constant 0 : i32
    %add3A_234 = arith.addi %add3A_232, %add3A_233 : i32
    %dma_wait3A_235 = arith.constant 0 : i32
    %dma_wait3A_236 = tpu.memref_slice %arg4[%add3A_234, %dma_wait3A_235] : memref<8192x2048xf32, #tpu.memory_space<hbm>> -> memref<8x2048xf32, #tpu.memory_space<hbm>>
    %dma_wait3A_237 = arith.constant 0 : i32
    %dma_wait3A_238 = tpu.memref_slice %arg4[%add3A_234, %dma_wait3A_237] : memref<8192x2048xf32, #tpu.memory_space<hbm>> -> memref<8x2048xf32, #tpu.memory_space<hbm>>
    tpu.wait_dma2 semaphore(%arg18 : memref<!tpu.dma_semaphore, #tpu.memory_space<semaphore_mem>>) src(%arg11 : memref<8x2048xf32, #tpu.memory_space<vmem>>) dst(%dma_wait3A_238 : memref<8x2048xf32, #tpu.memory_space<hbm>>)
    %scan3A_239 = arith.constant 0 : i32
    %scan3A_240 = arith.constant 8 : i32
    %scan3A_241 = arith.addi %scan3A_239, %scan3A_240 : i32
    %scan3A_242 = arith.constant 1 : i32
    scf.for %scan3A_1280 = %scan3A_239 to %scan3A_241 step %scan3A_242  : i32 {
      %mul3A_1281 = arith.constant 1 : i32
      %mul3A_1282 = arith.muli %scan3A_1280, %mul3A_1281 : i32
      %add3A_1283 = arith.constant 0 : i32
      %add3A_1284 = arith.addi %add3A_1283, %mul3A_1282 : i32
      %parallel_loop3A = arith.constant 0 : i32
      %parallel_loop3A_1285 = arith.constant 2048 : i32
      %parallel_loop3A_1286 = arith.constant 16 : i32
      scf.for %parallel_loop3A_1287 = %parallel_loop3A to %parallel_loop3A_1285 step %parallel_loop3A_1286  : i32 {
        %parallel_loop3A_1288 = arith.index_cast %add3A_1284 : i32 to index
        %parallel_loop3A_1289 = arith.index_cast %parallel_loop3A_1287 : i32 to index
        %parallel_loop3A_1290 = tpu.vector_load %arg7[%parallel_loop3A_1288, %parallel_loop3A_1289] {strides = array<i32>} : memref<8x2048xf32, #tpu.memory_space<vmem>>, vector<1x16xf32>,
        %parallel_loop3A_1291 = vector.shape_cast %parallel_loop3A_1290 : vector<1x16xf32> to vector<16xf32>
        %parallel_loop3A_1292 = arith.index_cast %add3A_1284 : i32 to index
        %parallel_loop3A_1293 = arith.index_cast %parallel_loop3A_1287 : i32 to index
        %parallel_loop3A_1294 = tpu.vector_load %arg9[%parallel_loop3A_1292, %parallel_loop3A_1293] {strides = array<i32>} : memref<8x2048xf32, #tpu.memory_space<vmem>>, vector<1x16xf32>,
        %parallel_loop3A_1295 = vector.shape_cast %parallel_loop3A_1294 : vector<1x16xf32> to vector<16xf32>
        %parallel_loop3A_1296 = arith.addf %parallel_loop3A_1291, %parallel_loop3A_1295 : vector<16xf32>
        %parallel_loop3A_1297 = arith.index_cast %add3A_1284 : i32 to index
        %parallel_loop3A_1298 = arith.index_cast %parallel_loop3A_1287 : i32 to index
        %parallel_loop3A_1299 = tpu.vector_load %arg11[%parallel_loop3A_1297, %parallel_loop3A_1298] {strides = array<i32>} : memref<8x2048xf32, #tpu.memory_space<vmem>>, vector<1x16xf32>,
        %parallel_loop3A_1300 = vector.shape_cast %parallel_loop3A_1299 : vector<1x16xf32> to vector<16xf32>
        %parallel_loop3A_1301 = vector.shape_cast %parallel_loop3A_1296 : vector<16xf32> to vector<1x16xf32>
        tpu.vector_store %arg11[%parallel_loop3A_1297, %parallel_loop3A_1298], %parallel_loop3A_1301 {strides = array<i32>} : memref<8x2048xf32, #tpu.memory_space<vmem>>, vector<1x16xf32>,
      } {sc.loop_unroll_factor = 8 : i64, sc.parallel_access}
    }
    %scan3A_243 = arith.constant 8 : i32
    %add3A_244 = arith.constant 2048 : i32
    %add3A_245 = arith.addi %add3A_244, %mul3A_2 : i32
    %add3A_246 = arith.constant 8 : i32
    %add3A_247 = arith.addi %add3A_245, %add3A_246 : i32
    %dma_start3A_248 = arith.constant 0 : i32
    %dma_start3A_249 = tpu.memref_slice %arg4[%add3A_247, %dma_start3A_248] : memref<8192x2048xf32, #tpu.memory_space<hbm>> -> memref<8x2048xf32, #tpu.memory_space<hbm>>
    %dma_start3A_250 = arith.constant 0 : i32
    %dma_start3A_251 = tpu.memref_slice %arg4[%add3A_247, %dma_start3A_250] : memref<8192x2048xf32, #tpu.memory_space<hbm>> -> memref<8x2048xf32, #tpu.memory_space<hbm>>
    tpu.enqueue_dma source(%arg11 : memref<8x2048xf32, #tpu.memory_space<vmem>>) target(%dma_start3A_251 : memref<8x2048xf32, #tpu.memory_space<hbm>>) target_semaphore(%arg18 : memref<!tpu.dma_semaphore, #tpu.memory_space<semaphore_mem>>)
    %add3A_252 = arith.constant 0 : i32
    %add3A_253 = arith.addi %add3A_252, %mul3A_2 : i32
    %add3A_254 = arith.constant 16 : i32
    %add3A_255 = arith.addi %add3A_253, %add3A_254 : i32
    %dma_start3A_256 = arith.constant 0 : i32
    %dma_start3A_257 = tpu.memref_slice %arg2[%add3A_255, %dma_start3A_256] : memref<8192x2048xf32, #tpu.memory_space<hbm>> -> memref<8x2048xf32, #tpu.memory_space<hbm>>
    %dma_start3A_258 = arith.constant 0 : i32
    %dma_start3A_259 = tpu.memref_slice %arg2[%add3A_255, %dma_start3A_258] : memref<8192x2048xf32, #tpu.memory_space<hbm>> -> memref<8x2048xf32, #tpu.memory_space<hbm>>
    tpu.enqueue_dma source(%dma_start3A_259 : memref<8x2048xf32, #tpu.memory_space<hbm>>) target(%arg7 : memref<8x2048xf32, #tpu.memory_space<vmem>>) target_semaphore(%arg14 : memref<!tpu.dma_semaphore, #tpu.memory_space<semaphore_mem>>)
    %add3A_260 = arith.constant 4096 : i32
    %add3A_261 = arith.addi %add3A_260, %mul3A_2 : i32
    %add3A_262 = arith.constant 8 : i32
    %add3A_263 = arith.addi %add3A_261, %add3A_262 : i32
    %dma_wait3A_264 = arith.constant 0 : i32
    %dma_wait3A_265 = tpu.memref_slice %arg2[%add3A_263, %dma_wait3A_264] : memref<8192x2048xf32, #tpu.memory_space<hbm>> -> memref<8x2048xf32, #tpu.memory_space<hbm>>
    %dma_wait3A_266 = arith.constant 0 : i32
    %dma_wait3A_267 = tpu.memref_slice %arg2[%add3A_263, %dma_wait3A_266] : memref<8192x2048xf32, #tpu.memory_space<hbm>> -> memref<8x2048xf32, #tpu.memory_space<hbm>>
    tpu.wait_dma2 semaphore(%arg12 : memref<!tpu.dma_semaphore, #tpu.memory_space<semaphore_mem>>) src(%dma_wait3A_267 : memref<8x2048xf32, #tpu.memory_space<hbm>>) dst(%arg5 : memref<8x2048xf32, #tpu.memory_space<vmem>>)
    %add3A_268 = arith.constant 0 : i32
    %add3A_269 = arith.addi %add3A_268, %mul3A_2 : i32
    %add3A_270 = arith.constant 8 : i32
    %add3A_271 = arith.addi %add3A_269, %add3A_270 : i32
    %dma_wait3A_272 = arith.constant 0 : i32
    %dma_wait3A_273 = tpu.memref_slice %arg4[%add3A_271, %dma_wait3A_272] : memref<8192x2048xf32, #tpu.memory_space<hbm>> -> memref<8x2048xf32, #tpu.memory_space<hbm>>
    %dma_wait3A_274 = arith.constant 0 : i32
    %dma_wait3A_275 = tpu.memref_slice %arg4[%add3A_271, %dma_wait3A_274] : memref<8192x2048xf32, #tpu.memory_space<hbm>> -> memref<8x2048xf32, #tpu.memory_space<hbm>>
    tpu.wait_dma2 semaphore(%arg17 : memref<!tpu.dma_semaphore, #tpu.memory_space<semaphore_mem>>) src(%arg10 : memref<8x2048xf32, #tpu.memory_space<vmem>>) dst(%dma_wait3A_275 : memref<8x2048xf32, #tpu.memory_space<hbm>>)
    %scan3A_276 = arith.constant 0 : i32
    %scan3A_277 = arith.constant 8 : i32
    %scan3A_278 = arith.addi %scan3A_276, %scan3A_277 : i32
    %scan3A_279 = arith.constant 1 : i32
    scf.for %scan3A_1280 = %scan3A_276 to %scan3A_278 step %scan3A_279  : i32 {
      %mul3A_1281 = arith.constant 1 : i32
      %mul3A_1282 = arith.muli %scan3A_1280, %mul3A_1281 : i32
      %add3A_1283 = arith.constant 0 : i32
      %add3A_1284 = arith.addi %add3A_1283, %mul3A_1282 : i32
      %parallel_loop3A = arith.constant 0 : i32
      %parallel_loop3A_1285 = arith.constant 2048 : i32
      %parallel_loop3A_1286 = arith.constant 16 : i32
      scf.for %parallel_loop3A_1287 = %parallel_loop3A to %parallel_loop3A_1285 step %parallel_loop3A_1286  : i32 {
        %parallel_loop3A_1288 = arith.index_cast %add3A_1284 : i32 to index
        %parallel_loop3A_1289 = arith.index_cast %parallel_loop3A_1287 : i32 to index
        %parallel_loop3A_1290 = tpu.vector_load %arg5[%parallel_loop3A_1288, %parallel_loop3A_1289] {strides = array<i32>} : memref<8x2048xf32, #tpu.memory_space<vmem>>, vector<1x16xf32>,
        %parallel_loop3A_1291 = vector.shape_cast %parallel_loop3A_1290 : vector<1x16xf32> to vector<16xf32>
        %parallel_loop3A_1292 = arith.index_cast %add3A_1284 : i32 to index
        %parallel_loop3A_1293 = arith.index_cast %parallel_loop3A_1287 : i32 to index
        %parallel_loop3A_1294 = tpu.vector_load %arg9[%parallel_loop3A_1292, %parallel_loop3A_1293] {strides = array<i32>} : memref<8x2048xf32, #tpu.memory_space<vmem>>, vector<1x16xf32>,
        %parallel_loop3A_1295 = vector.shape_cast %parallel_loop3A_1294 : vector<1x16xf32> to vector<16xf32>
        %parallel_loop3A_1296 = arith.addf %parallel_loop3A_1291, %parallel_loop3A_1295 : vector<16xf32>
        %parallel_loop3A_1297 = arith.index_cast %add3A_1284 : i32 to index
        %parallel_loop3A_1298 = arith.index_cast %parallel_loop3A_1287 : i32 to index
        %parallel_loop3A_1299 = tpu.vector_load %arg10[%parallel_loop3A_1297, %parallel_loop3A_1298] {strides = array<i32>} : memref<8x2048xf32, #tpu.memory_space<vmem>>, vector<1x16xf32>,
        %parallel_loop3A_1300 = vector.shape_cast %parallel_loop3A_1299 : vector<1x16xf32> to vector<16xf32>
        %parallel_loop3A_1301 = vector.shape_cast %parallel_loop3A_1296 : vector<16xf32> to vector<1x16xf32>
        tpu.vector_store %arg10[%parallel_loop3A_1297, %parallel_loop3A_1298], %parallel_loop3A_1301 {strides = array<i32>} : memref<8x2048xf32, #tpu.memory_space<vmem>>, vector<1x16xf32>,
      } {sc.loop_unroll_factor = 8 : i64, sc.parallel_access}
    }
    %scan3A_280 = arith.constant 8 : i32
    %add3A_281 = arith.constant 4096 : i32
    %add3A_282 = arith.addi %add3A_281, %mul3A_2 : i32
    %add3A_283 = arith.constant 8 : i32
    %add3A_284 = arith.addi %add3A_282, %add3A_283 : i32
    %dma_start3A_285 = arith.constant 0 : i32
    %dma_start3A_286 = tpu.memref_slice %arg4[%add3A_284, %dma_start3A_285] : memref<8192x2048xf32, #tpu.memory_space<hbm>> -> memref<8x2048xf32, #tpu.memory_space<hbm>>
    %dma_start3A_287 = arith.constant 0 : i32
    %dma_start3A_288 = tpu.memref_slice %arg4[%add3A_284, %dma_start3A_287] : memref<8192x2048xf32, #tpu.memory_space<hbm>> -> memref<8x2048xf32, #tpu.memory_space<hbm>>
    tpu.enqueue_dma source(%arg10 : memref<8x2048xf32, #tpu.memory_space<vmem>>) target(%dma_start3A_288 : memref<8x2048xf32, #tpu.memory_space<hbm>>) target_semaphore(%arg17 : memref<!tpu.dma_semaphore, #tpu.memory_space<semaphore_mem>>)
    %add3A_289 = arith.constant 2048 : i32
    %add3A_290 = arith.addi %add3A_289, %mul3A_2 : i32
    %add3A_291 = arith.constant 16 : i32
    %add3A_292 = arith.addi %add3A_290, %add3A_291 : i32
    %dma_start3A_293 = arith.constant 0 : i32
    %dma_start3A_294 = tpu.memref_slice %arg2[%add3A_292, %dma_start3A_293] : memref<8192x2048xf32, #tpu.memory_space<hbm>> -> memref<8x2048xf32, #tpu.memory_space<hbm>>
    %dma_start3A_295 = arith.constant 0 : i32
    %dma_start3A_296 = tpu.memref_slice %arg2[%add3A_292, %dma_start3A_295] : memref<8192x2048xf32, #tpu.memory_space<hbm>> -> memref<8x2048xf32, #tpu.memory_space<hbm>>
    tpu.enqueue_dma source(%dma_start3A_296 : memref<8x2048xf32, #tpu.memory_space<hbm>>) target(%arg5 : memref<8x2048xf32, #tpu.memory_space<vmem>>) target_semaphore(%arg12 : memref<!tpu.dma_semaphore, #tpu.memory_space<semaphore_mem>>)
    %add3A_297 = arith.constant 6144 : i32
    %add3A_298 = arith.addi %add3A_297, %mul3A_2 : i32
    %add3A_299 = arith.constant 8 : i32
    %add3A_300 = arith.addi %add3A_298, %add3A_299 : i32
    %dma_wait3A_301 = arith.constant 0 : i32
    %dma_wait3A_302 = tpu.memref_slice %arg2[%add3A_300, %dma_wait3A_301] : memref<8192x2048xf32, #tpu.memory_space<hbm>> -> memref<8x2048xf32, #tpu.memory_space<hbm>>
    %dma_wait3A_303 = arith.constant 0 : i32
    %dma_wait3A_304 = tpu.memref_slice %arg2[%add3A_300, %dma_wait3A_303] : memref<8192x2048xf32, #tpu.memory_space<hbm>> -> memref<8x2048xf32, #tpu.memory_space<hbm>>
    tpu.wait_dma2 semaphore(%arg13 : memref<!tpu.dma_semaphore, #tpu.memory_space<semaphore_mem>>) src(%dma_wait3A_304 : memref<8x2048xf32, #tpu.memory_space<hbm>>) dst(%arg6 : memref<8x2048xf32, #tpu.memory_space<vmem>>)
    %add3A_305 = arith.constant 2048 : i32
    %add3A_306 = arith.addi %add3A_305, %mul3A_2 : i32
    %add3A_307 = arith.constant 8 : i32
    %add3A_308 = arith.addi %add3A_306, %add3A_307 : i32
    %dma_wait3A_309 = arith.constant 0 : i32
    %dma_wait3A_310 = tpu.memref_slice %arg4[%add3A_308, %dma_wait3A_309] : memref<8192x2048xf32, #tpu.memory_space<hbm>> -> memref<8x2048xf32, #tpu.memory_space<hbm>>
    %dma_wait3A_311 = arith.constant 0 : i32
    %dma_wait3A_312 = tpu.memref_slice %arg4[%add3A_308, %dma_wait3A_311] : memref<8192x2048xf32, #tpu.memory_space<hbm>> -> memref<8x2048xf32, #tpu.memory_space<hbm>>
    tpu.wait_dma2 semaphore(%arg18 : memref<!tpu.dma_semaphore, #tpu.memory_space<semaphore_mem>>) src(%arg11 : memref<8x2048xf32, #tpu.memory_space<vmem>>) dst(%dma_wait3A_312 : memref<8x2048xf32, #tpu.memory_space<hbm>>)
    %scan3A_313 = arith.constant 0 : i32
    %scan3A_314 = arith.constant 8 : i32
    %scan3A_315 = arith.addi %scan3A_313, %scan3A_314 : i32
    %scan3A_316 = arith.constant 1 : i32
    scf.for %scan3A_1280 = %scan3A_313 to %scan3A_315 step %scan3A_316  : i32 {
      %mul3A_1281 = arith.constant 1 : i32
      %mul3A_1282 = arith.muli %scan3A_1280, %mul3A_1281 : i32
      %add3A_1283 = arith.constant 0 : i32
      %add3A_1284 = arith.addi %add3A_1283, %mul3A_1282 : i32
      %parallel_loop3A = arith.constant 0 : i32
      %parallel_loop3A_1285 = arith.constant 2048 : i32
      %parallel_loop3A_1286 = arith.constant 16 : i32
      scf.for %parallel_loop3A_1287 = %parallel_loop3A to %parallel_loop3A_1285 step %parallel_loop3A_1286  : i32 {
        %parallel_loop3A_1288 = arith.index_cast %add3A_1284 : i32 to index
        %parallel_loop3A_1289 = arith.index_cast %parallel_loop3A_1287 : i32 to index
        %parallel_loop3A_1290 = tpu.vector_load %arg6[%parallel_loop3A_1288, %parallel_loop3A_1289] {strides = array<i32>} : memref<8x2048xf32, #tpu.memory_space<vmem>>, vector<1x16xf32>,
        %parallel_loop3A_1291 = vector.shape_cast %parallel_loop3A_1290 : vector<1x16xf32> to vector<16xf32>
        %parallel_loop3A_1292 = arith.index_cast %add3A_1284 : i32 to index
        %parallel_loop3A_1293 = arith.index_cast %parallel_loop3A_1287 : i32 to index
        %parallel_loop3A_1294 = tpu.vector_load %arg9[%parallel_loop3A_1292, %parallel_loop3A_1293] {strides = array<i32>} : memref<8x2048xf32, #tpu.memory_space<vmem>>, vector<1x16xf32>,
        %parallel_loop3A_1295 = vector.shape_cast %parallel_loop3A_1294 : vector<1x16xf32> to vector<16xf32>
        %parallel_loop3A_1296 = arith.addf %parallel_loop3A_1291, %parallel_loop3A_1295 : vector<16xf32>
        %parallel_loop3A_1297 = arith.index_cast %add3A_1284 : i32 to index
        %parallel_loop3A_1298 = arith.index_cast %parallel_loop3A_1287 : i32 to index
        %parallel_loop3A_1299 = tpu.vector_load %arg11[%parallel_loop3A_1297, %parallel_loop3A_1298] {strides = array<i32>} : memref<8x2048xf32, #tpu.memory_space<vmem>>, vector<1x16xf32>,
        %parallel_loop3A_1300 = vector.shape_cast %parallel_loop3A_1299 : vector<1x16xf32> to vector<16xf32>
        %parallel_loop3A_1301 = vector.shape_cast %parallel_loop3A_1296 : vector<16xf32> to vector<1x16xf32>
        tpu.vector_store %arg11[%parallel_loop3A_1297, %parallel_loop3A_1298], %parallel_loop3A_1301 {strides = array<i32>} : memref<8x2048xf32, #tpu.memory_space<vmem>>, vector<1x16xf32>,
      } {sc.loop_unroll_factor = 8 : i64, sc.parallel_access}
    }
    %scan3A_317 = arith.constant 8 : i32
    %add3A_318 = arith.constant 6144 : i32
    %add3A_319 = arith.addi %add3A_318, %mul3A_2 : i32
    %add3A_320 = arith.constant 8 : i32
    %add3A_321 = arith.addi %add3A_319, %add3A_320 : i32
    %dma_start3A_322 = arith.constant 0 : i32
    %dma_start3A_323 = tpu.memref_slice %arg4[%add3A_321, %dma_start3A_322] : memref<8192x2048xf32, #tpu.memory_space<hbm>> -> memref<8x2048xf32, #tpu.memory_space<hbm>>
    %dma_start3A_324 = arith.constant 0 : i32
    %dma_start3A_325 = tpu.memref_slice %arg4[%add3A_321, %dma_start3A_324] : memref<8192x2048xf32, #tpu.memory_space<hbm>> -> memref<8x2048xf32, #tpu.memory_space<hbm>>
    tpu.enqueue_dma source(%arg11 : memref<8x2048xf32, #tpu.memory_space<vmem>>) target(%dma_start3A_325 : memref<8x2048xf32, #tpu.memory_space<hbm>>) target_semaphore(%arg18 : memref<!tpu.dma_semaphore, #tpu.memory_space<semaphore_mem>>)
    %add3A_326 = arith.constant 4096 : i32
    %add3A_327 = arith.addi %add3A_326, %mul3A_2 : i32
    %add3A_328 = arith.constant 16 : i32
    %add3A_329 = arith.addi %add3A_327, %add3A_328 : i32
    %dma_start3A_330 = arith.constant 0 : i32
    %dma_start3A_331 = tpu.memref_slice %arg2[%add3A_329, %dma_start3A_330] : memref<8192x2048xf32, #tpu.memory_space<hbm>> -> memref<8x2048xf32, #tpu.memory_space<hbm>>
    %dma_start3A_332 = arith.constant 0 : i32
    %dma_start3A_333 = tpu.memref_slice %arg2[%add3A_329, %dma_start3A_332] : memref<8192x2048xf32, #tpu.memory_space<hbm>> -> memref<8x2048xf32, #tpu.memory_space<hbm>>
    tpu.enqueue_dma source(%dma_start3A_333 : memref<8x2048xf32, #tpu.memory_space<hbm>>) target(%arg6 : memref<8x2048xf32, #tpu.memory_space<vmem>>) target_semaphore(%arg13 : memref<!tpu.dma_semaphore, #tpu.memory_space<semaphore_mem>>)
    %add3A_334 = arith.constant 16 : i32
    %add3A_335 = arith.addi %mul3A_2, %add3A_334 : i32
    %dma_wait3A_336 = arith.constant 0 : i32
    %dma_wait3A_337 = tpu.memref_slice %arg3[%add3A_335, %dma_wait3A_336] : memref<2049x2048xf32, #tpu.memory_space<hbm>> -> memref<8x2048xf32, #tpu.memory_space<hbm>>
    %dma_wait3A_338 = arith.constant 0 : i32
    %dma_wait3A_339 = tpu.memref_slice %arg3[%add3A_335, %dma_wait3A_338] : memref<2049x2048xf32, #tpu.memory_space<hbm>> -> memref<8x2048xf32, #tpu.memory_space<hbm>>
    tpu.wait_dma2 semaphore(%arg15 : memref<!tpu.dma_semaphore, #tpu.memory_space<semaphore_mem>>) src(%dma_wait3A_339 : memref<8x2048xf32, #tpu.memory_space<hbm>>) dst(%arg8 : memref<8x2048xf32, #tpu.memory_space<vmem>>)
    %add3A_340 = arith.constant 24 : i32
    %add3A_341 = arith.addi %mul3A_2, %add3A_340 : i32
    %dma_start3A_342 = arith.constant 0 : i32
    %dma_start3A_343 = tpu.memref_slice %arg3[%add3A_341, %dma_start3A_342] : memref<2049x2048xf32, #tpu.memory_space<hbm>> -> memref<8x2048xf32, #tpu.memory_space<hbm>>
    %dma_start3A_344 = arith.constant 0 : i32
    %dma_start3A_345 = tpu.memref_slice %arg3[%add3A_341, %dma_start3A_344] : memref<2049x2048xf32, #tpu.memory_space<hbm>> -> memref<8x2048xf32, #tpu.memory_space<hbm>>
    tpu.enqueue_dma source(%dma_start3A_345 : memref<8x2048xf32, #tpu.memory_space<hbm>>) target(%arg9 : memref<8x2048xf32, #tpu.memory_space<vmem>>) target_semaphore(%arg16 : memref<!tpu.dma_semaphore, #tpu.memory_space<semaphore_mem>>)
    %add3A_346 = arith.constant 0 : i32
    %add3A_347 = arith.addi %add3A_346, %mul3A_2 : i32
    %add3A_348 = arith.constant 16 : i32
    %add3A_349 = arith.addi %add3A_347, %add3A_348 : i32
    %dma_wait3A_350 = arith.constant 0 : i32
    %dma_wait3A_351 = tpu.memref_slice %arg2[%add3A_349, %dma_wait3A_350] : memref<8192x2048xf32, #tpu.memory_space<hbm>> -> memref<8x2048xf32, #tpu.memory_space<hbm>>
    %dma_wait3A_352 = arith.constant 0 : i32
    %dma_wait3A_353 = tpu.memref_slice %arg2[%add3A_349, %dma_wait3A_352] : memref<8192x2048xf32, #tpu.memory_space<hbm>> -> memref<8x2048xf32, #tpu.memory_space<hbm>>
    tpu.wait_dma2 semaphore(%arg14 : memref<!tpu.dma_semaphore, #tpu.memory_space<semaphore_mem>>) src(%dma_wait3A_353 : memref<8x2048xf32, #tpu.memory_space<hbm>>) dst(%arg7 : memref<8x2048xf32, #tpu.memory_space<vmem>>)
    %add3A_354 = arith.constant 4096 : i32
    %add3A_355 = arith.addi %add3A_354, %mul3A_2 : i32
    %add3A_356 = arith.constant 8 : i32
    %add3A_357 = arith.addi %add3A_355, %add3A_356 : i32
    %dma_wait3A_358 = arith.constant 0 : i32
    %dma_wait3A_359 = tpu.memref_slice %arg4[%add3A_357, %dma_wait3A_358] : memref<8192x2048xf32, #tpu.memory_space<hbm>> -> memref<8x2048xf32, #tpu.memory_space<hbm>>
    %dma_wait3A_360 = arith.constant 0 : i32
    %dma_wait3A_361 = tpu.memref_slice %arg4[%add3A_357, %dma_wait3A_360] : memref<8192x2048xf32, #tpu.memory_space<hbm>> -> memref<8x2048xf32, #tpu.memory_space<hbm>>
    tpu.wait_dma2 semaphore(%arg17 : memref<!tpu.dma_semaphore, #tpu.memory_space<semaphore_mem>>) src(%arg10 : memref<8x2048xf32, #tpu.memory_space<vmem>>) dst(%dma_wait3A_361 : memref<8x2048xf32, #tpu.memory_space<hbm>>)
    %scan3A_362 = arith.constant 0 : i32
    %scan3A_363 = arith.constant 8 : i32
    %scan3A_364 = arith.addi %scan3A_362, %scan3A_363 : i32
    %scan3A_365 = arith.constant 1 : i32
    scf.for %scan3A_1280 = %scan3A_362 to %scan3A_364 step %scan3A_365  : i32 {
      %mul3A_1281 = arith.constant 1 : i32
      %mul3A_1282 = arith.muli %scan3A_1280, %mul3A_1281 : i32
      %add3A_1283 = arith.constant 0 : i32
      %add3A_1284 = arith.addi %add3A_1283, %mul3A_1282 : i32
      %parallel_loop3A = arith.constant 0 : i32
      %parallel_loop3A_1285 = arith.constant 2048 : i32
      %parallel_loop3A_1286 = arith.constant 16 : i32
      scf.for %parallel_loop3A_1287 = %parallel_loop3A to %parallel_loop3A_1285 step %parallel_loop3A_1286  : i32 {
        %parallel_loop3A_1288 = arith.index_cast %add3A_1284 : i32 to index
        %parallel_loop3A_1289 = arith.index_cast %parallel_loop3A_1287 : i32 to index
        %parallel_loop3A_1290 = tpu.vector_load %arg7[%parallel_loop3A_1288, %parallel_loop3A_1289] {strides = array<i32>} : memref<8x2048xf32, #tpu.memory_space<vmem>>, vector<1x16xf32>,
        %parallel_loop3A_1291 = vector.shape_cast %parallel_loop3A_1290 : vector<1x16xf32> to vector<16xf32>
        %parallel_loop3A_1292 = arith.index_cast %add3A_1284 : i32 to index
        %parallel_loop3A_1293 = arith.index_cast %parallel_loop3A_1287 : i32 to index
        %parallel_loop3A_1294 = tpu.vector_load %arg8[%parallel_loop3A_1292, %parallel_loop3A_1293] {strides = array<i32>} : memref<8x2048xf32, #tpu.memory_space<vmem>>, vector<1x16xf32>,
        %parallel_loop3A_1295 = vector.shape_cast %parallel_loop3A_1294 : vector<1x16xf32> to vector<16xf32>
        %parallel_loop3A_1296 = arith.addf %parallel_loop3A_1291, %parallel_loop3A_1295 : vector<16xf32>
        %parallel_loop3A_1297 = arith.index_cast %add3A_1284 : i32 to index
        %parallel_loop3A_1298 = arith.index_cast %parallel_loop3A_1287 : i32 to index
        %parallel_loop3A_1299 = tpu.vector_load %arg10[%parallel_loop3A_1297, %parallel_loop3A_1298] {strides = array<i32>} : memref<8x2048xf32, #tpu.memory_space<vmem>>, vector<1x16xf32>,
        %parallel_loop3A_1300 = vector.shape_cast %parallel_loop3A_1299 : vector<1x16xf32> to vector<16xf32>
        %parallel_loop3A_1301 = vector.shape_cast %parallel_loop3A_1296 : vector<16xf32> to vector<1x16xf32>
        tpu.vector_store %arg10[%parallel_loop3A_1297, %parallel_loop3A_1298], %parallel_loop3A_1301 {strides = array<i32>} : memref<8x2048xf32, #tpu.memory_space<vmem>>, vector<1x16xf32>,
      } {sc.loop_unroll_factor = 8 : i64, sc.parallel_access}
    }
    %scan3A_366 = arith.constant 8 : i32
    %add3A_367 = arith.constant 0 : i32
    %add3A_368 = arith.addi %add3A_367, %mul3A_2 : i32
    %add3A_369 = arith.constant 16 : i32
    %add3A_370 = arith.addi %add3A_368, %add3A_369 : i32
    %dma_start3A_371 = arith.constant 0 : i32
    %dma_start3A_372 = tpu.memref_slice %arg4[%add3A_370, %dma_start3A_371] : memref<8192x2048xf32, #tpu.memory_space<hbm>> -> memref<8x2048xf32, #tpu.memory_space<hbm>>
    %dma_start3A_373 = arith.constant 0 : i32
    %dma_start3A_374 = tpu.memref_slice %arg4[%add3A_370, %dma_start3A_373] : memref<8192x2048xf32, #tpu.memory_space<hbm>> -> memref<8x2048xf32, #tpu.memory_space<hbm>>
    tpu.enqueue_dma source(%arg10 : memref<8x2048xf32, #tpu.memory_space<vmem>>) target(%dma_start3A_374 : memref<8x2048xf32, #tpu.memory_space<hbm>>) target_semaphore(%arg17 : memref<!tpu.dma_semaphore, #tpu.memory_space<semaphore_mem>>)
    %add3A_375 = arith.constant 6144 : i32
    %add3A_376 = arith.addi %add3A_375, %mul3A_2 : i32
    %add3A_377 = arith.constant 16 : i32
    %add3A_378 = arith.addi %add3A_376, %add3A_377 : i32
    %dma_start3A_379 = arith.constant 0 : i32
    %dma_start3A_380 = tpu.memref_slice %arg2[%add3A_378, %dma_start3A_379] : memref<8192x2048xf32, #tpu.memory_space<hbm>> -> memref<8x2048xf32, #tpu.memory_space<hbm>>
    %dma_start3A_381 = arith.constant 0 : i32
    %dma_start3A_382 = tpu.memref_slice %arg2[%add3A_378, %dma_start3A_381] : memref<8192x2048xf32, #tpu.memory_space<hbm>> -> memref<8x2048xf32, #tpu.memory_space<hbm>>
    tpu.enqueue_dma source(%dma_start3A_382 : memref<8x2048xf32, #tpu.memory_space<hbm>>) target(%arg7 : memref<8x2048xf32, #tpu.memory_space<vmem>>) target_semaphore(%arg14 : memref<!tpu.dma_semaphore, #tpu.memory_space<semaphore_mem>>)
    %add3A_383 = arith.constant 2048 : i32
    %add3A_384 = arith.addi %add3A_383, %mul3A_2 : i32
    %add3A_385 = arith.constant 16 : i32
    %add3A_386 = arith.addi %add3A_384, %add3A_385 : i32
    %dma_wait3A_387 = arith.constant 0 : i32
    %dma_wait3A_388 = tpu.memref_slice %arg2[%add3A_386, %dma_wait3A_387] : memref<8192x2048xf32, #tpu.memory_space<hbm>> -> memref<8x2048xf32, #tpu.memory_space<hbm>>
    %dma_wait3A_389 = arith.constant 0 : i32
    %dma_wait3A_390 = tpu.memref_slice %arg2[%add3A_386, %dma_wait3A_389] : memref<8192x2048xf32, #tpu.memory_space<hbm>> -> memref<8x2048xf32, #tpu.memory_space<hbm>>
    tpu.wait_dma2 semaphore(%arg12 : memref<!tpu.dma_semaphore, #tpu.memory_space<semaphore_mem>>) src(%dma_wait3A_390 : memref<8x2048xf32, #tpu.memory_space<hbm>>) dst(%arg5 : memref<8x2048xf32, #tpu.memory_space<vmem>>)
    %add3A_391 = arith.constant 6144 : i32
    %add3A_392 = arith.addi %add3A_391, %mul3A_2 : i32
    %add3A_393 = arith.constant 8 : i32
    %add3A_394 = arith.addi %add3A_392, %add3A_393 : i32
    %dma_wait3A_395 = arith.constant 0 : i32
    %dma_wait3A_396 = tpu.memref_slice %arg4[%add3A_394, %dma_wait3A_395] : memref<8192x2048xf32, #tpu.memory_space<hbm>> -> memref<8x2048xf32, #tpu.memory_space<hbm>>
    %dma_wait3A_397 = arith.constant 0 : i32
    %dma_wait3A_398 = tpu.memref_slice %arg4[%add3A_394, %dma_wait3A_397] : memref<8192x2048xf32, #tpu.memory_space<hbm>> -> memref<8x2048xf32, #tpu.memory_space<hbm>>
    tpu.wait_dma2 semaphore(%arg18 : memref<!tpu.dma_semaphore, #tpu.memory_space<semaphore_mem>>) src(%arg11 : memref<8x2048xf32, #tpu.memory_space<vmem>>) dst(%dma_wait3A_398 : memref<8x2048xf32, #tpu.memory_space<hbm>>)
    %scan3A_399 = arith.constant 0 : i32
    %scan3A_400 = arith.constant 8 : i32
    %scan3A_401 = arith.addi %scan3A_399, %scan3A_400 : i32
    %scan3A_402 = arith.constant 1 : i32
    scf.for %scan3A_1280 = %scan3A_399 to %scan3A_401 step %scan3A_402  : i32 {
      %mul3A_1281 = arith.constant 1 : i32
      %mul3A_1282 = arith.muli %scan3A_1280, %mul3A_1281 : i32
      %add3A_1283 = arith.constant 0 : i32
      %add3A_1284 = arith.addi %add3A_1283, %mul3A_1282 : i32
      %parallel_loop3A = arith.constant 0 : i32
      %parallel_loop3A_1285 = arith.constant 2048 : i32
      %parallel_loop3A_1286 = arith.constant 16 : i32
      scf.for %parallel_loop3A_1287 = %parallel_loop3A to %parallel_loop3A_1285 step %parallel_loop3A_1286  : i32 {
        %parallel_loop3A_1288 = arith.index_cast %add3A_1284 : i32 to index
        %parallel_loop3A_1289 = arith.index_cast %parallel_loop3A_1287 : i32 to index
        %parallel_loop3A_1290 = tpu.vector_load %arg5[%parallel_loop3A_1288, %parallel_loop3A_1289] {strides = array<i32>} : memref<8x2048xf32, #tpu.memory_space<vmem>>, vector<1x16xf32>,
        %parallel_loop3A_1291 = vector.shape_cast %parallel_loop3A_1290 : vector<1x16xf32> to vector<16xf32>
        %parallel_loop3A_1292 = arith.index_cast %add3A_1284 : i32 to index
        %parallel_loop3A_1293 = arith.index_cast %parallel_loop3A_1287 : i32 to index
        %parallel_loop3A_1294 = tpu.vector_load %arg8[%parallel_loop3A_1292, %parallel_loop3A_1293] {strides = array<i32>} : memref<8x2048xf32, #tpu.memory_space<vmem>>, vector<1x16xf32>,
        %parallel_loop3A_1295 = vector.shape_cast %parallel_loop3A_1294 : vector<1x16xf32> to vector<16xf32>
        %parallel_loop3A_1296 = arith.addf %parallel_loop3A_1291, %parallel_loop3A_1295 : vector<16xf32>
        %parallel_loop3A_1297 = arith.index_cast %add3A_1284 : i32 to index
        %parallel_loop3A_1298 = arith.index_cast %parallel_loop3A_1287 : i32 to index
        %parallel_loop3A_1299 = tpu.vector_load %arg11[%parallel_loop3A_1297, %parallel_loop3A_1298] {strides = array<i32>} : memref<8x2048xf32, #tpu.memory_space<vmem>>, vector<1x16xf32>,
        %parallel_loop3A_1300 = vector.shape_cast %parallel_loop3A_1299 : vector<1x16xf32> to vector<16xf32>
        %parallel_loop3A_1301 = vector.shape_cast %parallel_loop3A_1296 : vector<16xf32> to vector<1x16xf32>
        tpu.vector_store %arg11[%parallel_loop3A_1297, %parallel_loop3A_1298], %parallel_loop3A_1301 {strides = array<i32>} : memref<8x2048xf32, #tpu.memory_space<vmem>>, vector<1x16xf32>,
      } {sc.loop_unroll_factor = 8 : i64, sc.parallel_access}
    }
    %scan3A_403 = arith.constant 8 : i32
    %add3A_404 = arith.constant 2048 : i32
    %add3A_405 = arith.addi %add3A_404, %mul3A_2 : i32
    %add3A_406 = arith.constant 16 : i32
    %add3A_407 = arith.addi %add3A_405, %add3A_406 : i32
    %dma_start3A_408 = arith.constant 0 : i32
    %dma_start3A_409 = tpu.memref_slice %arg4[%add3A_407, %dma_start3A_408] : memref<8192x2048xf32, #tpu.memory_space<hbm>> -> memref<8x2048xf32, #tpu.memory_space<hbm>>
    %dma_start3A_410 = arith.constant 0 : i32
    %dma_start3A_411 = tpu.memref_slice %arg4[%add3A_407, %dma_start3A_410] : memref<8192x2048xf32, #tpu.memory_space<hbm>> -> memref<8x2048xf32, #tpu.memory_space<hbm>>
    tpu.enqueue_dma source(%arg11 : memref<8x2048xf32, #tpu.memory_space<vmem>>) target(%dma_start3A_411 : memref<8x2048xf32, #tpu.memory_space<hbm>>) target_semaphore(%arg18 : memref<!tpu.dma_semaphore, #tpu.memory_space<semaphore_mem>>)
    %add3A_412 = arith.constant 0 : i32
    %add3A_413 = arith.addi %add3A_412, %mul3A_2 : i32
    %add3A_414 = arith.constant 24 : i32
    %add3A_415 = arith.addi %add3A_413, %add3A_414 : i32
    %dma_start3A_416 = arith.constant 0 : i32
    %dma_start3A_417 = tpu.memref_slice %arg2[%add3A_415, %dma_start3A_416] : memref<8192x2048xf32, #tpu.memory_space<hbm>> -> memref<8x2048xf32, #tpu.memory_space<hbm>>
    %dma_start3A_418 = arith.constant 0 : i32
    %dma_start3A_419 = tpu.memref_slice %arg2[%add3A_415, %dma_start3A_418] : memref<8192x2048xf32, #tpu.memory_space<hbm>> -> memref<8x2048xf32, #tpu.memory_space<hbm>>
    tpu.enqueue_dma source(%dma_start3A_419 : memref<8x2048xf32, #tpu.memory_space<hbm>>) target(%arg5 : memref<8x2048xf32, #tpu.memory_space<vmem>>) target_semaphore(%arg12 : memref<!tpu.dma_semaphore, #tpu.memory_space<semaphore_mem>>)
    %add3A_420 = arith.constant 4096 : i32
    %add3A_421 = arith.addi %add3A_420, %mul3A_2 : i32
    %add3A_422 = arith.constant 16 : i32
    %add3A_423 = arith.addi %add3A_421, %add3A_422 : i32
    %dma_wait3A_424 = arith.constant 0 : i32
    %dma_wait3A_425 = tpu.memref_slice %arg2[%add3A_423, %dma_wait3A_424] : memref<8192x2048xf32, #tpu.memory_space<hbm>> -> memref<8x2048xf32, #tpu.memory_space<hbm>>
    %dma_wait3A_426 = arith.constant 0 : i32
    %dma_wait3A_427 = tpu.memref_slice %arg2[%add3A_423, %dma_wait3A_426] : memref<8192x2048xf32, #tpu.memory_space<hbm>> -> memref<8x2048xf32, #tpu.memory_space<hbm>>
    tpu.wait_dma2 semaphore(%arg13 : memref<!tpu.dma_semaphore, #tpu.memory_space<semaphore_mem>>) src(%dma_wait3A_427 : memref<8x2048xf32, #tpu.memory_space<hbm>>) dst(%arg6 : memref<8x2048xf32, #tpu.memory_space<vmem>>)
    %add3A_428 = arith.constant 0 : i32
    %add3A_429 = arith.addi %add3A_428, %mul3A_2 : i32
    %add3A_430 = arith.constant 16 : i32
    %add3A_431 = arith.addi %add3A_429, %add3A_430 : i32
    %dma_wait3A_432 = arith.constant 0 : i32
    %dma_wait3A_433 = tpu.memref_slice %arg4[%add3A_431, %dma_wait3A_432] : memref<8192x2048xf32, #tpu.memory_space<hbm>> -> memref<8x2048xf32, #tpu.memory_space<hbm>>
    %dma_wait3A_434 = arith.constant 0 : i32
    %dma_wait3A_435 = tpu.memref_slice %arg4[%add3A_431, %dma_wait3A_434] : memref<8192x2048xf32, #tpu.memory_space<hbm>> -> memref<8x2048xf32, #tpu.memory_space<hbm>>
    tpu.wait_dma2 semaphore(%arg17 : memref<!tpu.dma_semaphore, #tpu.memory_space<semaphore_mem>>) src(%arg10 : memref<8x2048xf32, #tpu.memory_space<vmem>>) dst(%dma_wait3A_435 : memref<8x2048xf32, #tpu.memory_space<hbm>>)
    %scan3A_436 = arith.constant 0 : i32
    %scan3A_437 = arith.constant 8 : i32
    %scan3A_438 = arith.addi %scan3A_436, %scan3A_437 : i32
    %scan3A_439 = arith.constant 1 : i32
    scf.for %scan3A_1280 = %scan3A_436 to %scan3A_438 step %scan3A_439  : i32 {
      %mul3A_1281 = arith.constant 1 : i32
      %mul3A_1282 = arith.muli %scan3A_1280, %mul3A_1281 : i32
      %add3A_1283 = arith.constant 0 : i32
      %add3A_1284 = arith.addi %add3A_1283, %mul3A_1282 : i32
      %parallel_loop3A = arith.constant 0 : i32
      %parallel_loop3A_1285 = arith.constant 2048 : i32
      %parallel_loop3A_1286 = arith.constant 16 : i32
      scf.for %parallel_loop3A_1287 = %parallel_loop3A to %parallel_loop3A_1285 step %parallel_loop3A_1286  : i32 {
        %parallel_loop3A_1288 = arith.index_cast %add3A_1284 : i32 to index
        %parallel_loop3A_1289 = arith.index_cast %parallel_loop3A_1287 : i32 to index
        %parallel_loop3A_1290 = tpu.vector_load %arg6[%parallel_loop3A_1288, %parallel_loop3A_1289] {strides = array<i32>} : memref<8x2048xf32, #tpu.memory_space<vmem>>, vector<1x16xf32>,
        %parallel_loop3A_1291 = vector.shape_cast %parallel_loop3A_1290 : vector<1x16xf32> to vector<16xf32>
        %parallel_loop3A_1292 = arith.index_cast %add3A_1284 : i32 to index
        %parallel_loop3A_1293 = arith.index_cast %parallel_loop3A_1287 : i32 to index
        %parallel_loop3A_1294 = tpu.vector_load %arg8[%parallel_loop3A_1292, %parallel_loop3A_1293] {strides = array<i32>} : memref<8x2048xf32, #tpu.memory_space<vmem>>, vector<1x16xf32>,
        %parallel_loop3A_1295 = vector.shape_cast %parallel_loop3A_1294 : vector<1x16xf32> to vector<16xf32>
        %parallel_loop3A_1296 = arith.addf %parallel_loop3A_1291, %parallel_loop3A_1295 : vector<16xf32>
        %parallel_loop3A_1297 = arith.index_cast %add3A_1284 : i32 to index
        %parallel_loop3A_1298 = arith.index_cast %parallel_loop3A_1287 : i32 to index
        %parallel_loop3A_1299 = tpu.vector_load %arg10[%parallel_loop3A_1297, %parallel_loop3A_1298] {strides = array<i32>} : memref<8x2048xf32, #tpu.memory_space<vmem>>, vector<1x16xf32>,
        %parallel_loop3A_1300 = vector.shape_cast %parallel_loop3A_1299 : vector<1x16xf32> to vector<16xf32>
        %parallel_loop3A_1301 = vector.shape_cast %parallel_loop3A_1296 : vector<16xf32> to vector<1x16xf32>
        tpu.vector_store %arg10[%parallel_loop3A_1297, %parallel_loop3A_1298], %parallel_loop3A_1301 {strides = array<i32>} : memref<8x2048xf32, #tpu.memory_space<vmem>>, vector<1x16xf32>,
      } {sc.loop_unroll_factor = 8 : i64, sc.parallel_access}
    }
    %scan3A_440 = arith.constant 8 : i32
    %add3A_441 = arith.constant 4096 : i32
    %add3A_442 = arith.addi %add3A_441, %mul3A_2 : i32
    %add3A_443 = arith.constant 16 : i32
    %add3A_444 = arith.addi %add3A_442, %add3A_443 : i32
    %dma_start3A_445 = arith.constant 0 : i32
    %dma_start3A_446 = tpu.memref_slice %arg4[%add3A_444, %dma_start3A_445] : memref<8192x2048xf32, #tpu.memory_space<hbm>> -> memref<8x2048xf32, #tpu.memory_space<hbm>>
    %dma_start3A_447 = arith.constant 0 : i32
    %dma_start3A_448 = tpu.memref_slice %arg4[%add3A_444, %dma_start3A_447] : memref<8192x2048xf32, #tpu.memory_space<hbm>> -> memref<8x2048xf32, #tpu.memory_space<hbm>>
    tpu.enqueue_dma source(%arg10 : memref<8x2048xf32, #tpu.memory_space<vmem>>) target(%dma_start3A_448 : memref<8x2048xf32, #tpu.memory_space<hbm>>) target_semaphore(%arg17 : memref<!tpu.dma_semaphore, #tpu.memory_space<semaphore_mem>>)
    %add3A_449 = arith.constant 2048 : i32
    %add3A_450 = arith.addi %add3A_449, %mul3A_2 : i32
    %add3A_451 = arith.constant 24 : i32
    %add3A_452 = arith.addi %add3A_450, %add3A_451 : i32
    %dma_start3A_453 = arith.constant 0 : i32
    %dma_start3A_454 = tpu.memref_slice %arg2[%add3A_452, %dma_start3A_453] : memref<8192x2048xf32, #tpu.memory_space<hbm>> -> memref<8x2048xf32, #tpu.memory_space<hbm>>
    %dma_start3A_455 = arith.constant 0 : i32
    %dma_start3A_456 = tpu.memref_slice %arg2[%add3A_452, %dma_start3A_455] : memref<8192x2048xf32, #tpu.memory_space<hbm>> -> memref<8x2048xf32, #tpu.memory_space<hbm>>
    tpu.enqueue_dma source(%dma_start3A_456 : memref<8x2048xf32, #tpu.memory_space<hbm>>) target(%arg6 : memref<8x2048xf32, #tpu.memory_space<vmem>>) target_semaphore(%arg13 : memref<!tpu.dma_semaphore, #tpu.memory_space<semaphore_mem>>)
    %add3A_457 = arith.constant 6144 : i32
    %add3A_458 = arith.addi %add3A_457, %mul3A_2 : i32
    %add3A_459 = arith.constant 16 : i32
    %add3A_460 = arith.addi %add3A_458, %add3A_459 : i32
    %dma_wait3A_461 = arith.constant 0 : i32
    %dma_wait3A_462 = tpu.memref_slice %arg2[%add3A_460, %dma_wait3A_461] : memref<8192x2048xf32, #tpu.memory_space<hbm>> -> memref<8x2048xf32, #tpu.memory_space<hbm>>
    %dma_wait3A_463 = arith.constant 0 : i32
    %dma_wait3A_464 = tpu.memref_slice %arg2[%add3A_460, %dma_wait3A_463] : memref<8192x2048xf32, #tpu.memory_space<hbm>> -> memref<8x2048xf32, #tpu.memory_space<hbm>>
    tpu.wait_dma2 semaphore(%arg14 : memref<!tpu.dma_semaphore, #tpu.memory_space<semaphore_mem>>) src(%dma_wait3A_464 : memref<8x2048xf32, #tpu.memory_space<hbm>>) dst(%arg7 : memref<8x2048xf32, #tpu.memory_space<vmem>>)
    %add3A_465 = arith.constant 2048 : i32
    %add3A_466 = arith.addi %add3A_465, %mul3A_2 : i32
    %add3A_467 = arith.constant 16 : i32
    %add3A_468 = arith.addi %add3A_466, %add3A_467 : i32
    %dma_wait3A_469 = arith.constant 0 : i32
    %dma_wait3A_470 = tpu.memref_slice %arg4[%add3A_468, %dma_wait3A_469] : memref<8192x2048xf32, #tpu.memory_space<hbm>> -> memref<8x2048xf32, #tpu.memory_space<hbm>>
    %dma_wait3A_471 = arith.constant 0 : i32
    %dma_wait3A_472 = tpu.memref_slice %arg4[%add3A_468, %dma_wait3A_471] : memref<8192x2048xf32, #tpu.memory_space<hbm>> -> memref<8x2048xf32, #tpu.memory_space<hbm>>
    tpu.wait_dma2 semaphore(%arg18 : memref<!tpu.dma_semaphore, #tpu.memory_space<semaphore_mem>>) src(%arg11 : memref<8x2048xf32, #tpu.memory_space<vmem>>) dst(%dma_wait3A_472 : memref<8x2048xf32, #tpu.memory_space<hbm>>)
    %scan3A_473 = arith.constant 0 : i32
    %scan3A_474 = arith.constant 8 : i32
    %scan3A_475 = arith.addi %scan3A_473, %scan3A_474 : i32
    %scan3A_476 = arith.constant 1 : i32
    scf.for %scan3A_1280 = %scan3A_473 to %scan3A_475 step %scan3A_476  : i32 {
      %mul3A_1281 = arith.constant 1 : i32
      %mul3A_1282 = arith.muli %scan3A_1280, %mul3A_1281 : i32
      %add3A_1283 = arith.constant 0 : i32
      %add3A_1284 = arith.addi %add3A_1283, %mul3A_1282 : i32
      %parallel_loop3A = arith.constant 0 : i32
      %parallel_loop3A_1285 = arith.constant 2048 : i32
      %parallel_loop3A_1286 = arith.constant 16 : i32
      scf.for %parallel_loop3A_1287 = %parallel_loop3A to %parallel_loop3A_1285 step %parallel_loop3A_1286  : i32 {
        %parallel_loop3A_1288 = arith.index_cast %add3A_1284 : i32 to index
        %parallel_loop3A_1289 = arith.index_cast %parallel_loop3A_1287 : i32 to index
        %parallel_loop3A_1290 = tpu.vector_load %arg7[%parallel_loop3A_1288, %parallel_loop3A_1289] {strides = array<i32>} : memref<8x2048xf32, #tpu.memory_space<vmem>>, vector<1x16xf32>,
        %parallel_loop3A_1291 = vector.shape_cast %parallel_loop3A_1290 : vector<1x16xf32> to vector<16xf32>
        %parallel_loop3A_1292 = arith.index_cast %add3A_1284 : i32 to index
        %parallel_loop3A_1293 = arith.index_cast %parallel_loop3A_1287 : i32 to index
        %parallel_loop3A_1294 = tpu.vector_load %arg8[%parallel_loop3A_1292, %parallel_loop3A_1293] {strides = array<i32>} : memref<8x2048xf32, #tpu.memory_space<vmem>>, vector<1x16xf32>,
        %parallel_loop3A_1295 = vector.shape_cast %parallel_loop3A_1294 : vector<1x16xf32> to vector<16xf32>
        %parallel_loop3A_1296 = arith.addf %parallel_loop3A_1291, %parallel_loop3A_1295 : vector<16xf32>
        %parallel_loop3A_1297 = arith.index_cast %add3A_1284 : i32 to index
        %parallel_loop3A_1298 = arith.index_cast %parallel_loop3A_1287 : i32 to index
        %parallel_loop3A_1299 = tpu.vector_load %arg11[%parallel_loop3A_1297, %parallel_loop3A_1298] {strides = array<i32>} : memref<8x2048xf32, #tpu.memory_space<vmem>>, vector<1x16xf32>,
        %parallel_loop3A_1300 = vector.shape_cast %parallel_loop3A_1299 : vector<1x16xf32> to vector<16xf32>
        %parallel_loop3A_1301 = vector.shape_cast %parallel_loop3A_1296 : vector<16xf32> to vector<1x16xf32>
        tpu.vector_store %arg11[%parallel_loop3A_1297, %parallel_loop3A_1298], %parallel_loop3A_1301 {strides = array<i32>} : memref<8x2048xf32, #tpu.memory_space<vmem>>, vector<1x16xf32>,
      } {sc.loop_unroll_factor = 8 : i64, sc.parallel_access}
    }
    %scan3A_477 = arith.constant 8 : i32
    %add3A_478 = arith.constant 6144 : i32
    %add3A_479 = arith.addi %add3A_478, %mul3A_2 : i32
    %add3A_480 = arith.constant 16 : i32
    %add3A_481 = arith.addi %add3A_479, %add3A_480 : i32
    %dma_start3A_482 = arith.constant 0 : i32
    %dma_start3A_483 = tpu.memref_slice %arg4[%add3A_481, %dma_start3A_482] : memref<8192x2048xf32, #tpu.memory_space<hbm>> -> memref<8x2048xf32, #tpu.memory_space<hbm>>
    %dma_start3A_484 = arith.constant 0 : i32
    %dma_start3A_485 = tpu.memref_slice %arg4[%add3A_481, %dma_start3A_484] : memref<8192x2048xf32, #tpu.memory_space<hbm>> -> memref<8x2048xf32, #tpu.memory_space<hbm>>
    tpu.enqueue_dma source(%arg11 : memref<8x2048xf32, #tpu.memory_space<vmem>>) target(%dma_start3A_485 : memref<8x2048xf32, #tpu.memory_space<hbm>>) target_semaphore(%arg18 : memref<!tpu.dma_semaphore, #tpu.memory_space<semaphore_mem>>)
    %add3A_486 = arith.constant 4096 : i32
    %add3A_487 = arith.addi %add3A_486, %mul3A_2 : i32
    %add3A_488 = arith.constant 24 : i32
    %add3A_489 = arith.addi %add3A_487, %add3A_488 : i32
    %dma_start3A_490 = arith.constant 0 : i32
    %dma_start3A_491 = tpu.memref_slice %arg2[%add3A_489, %dma_start3A_490] : memref<8192x2048xf32, #tpu.memory_space<hbm>> -> memref<8x2048xf32, #tpu.memory_space<hbm>>
    %dma_start3A_492 = arith.constant 0 : i32
    %dma_start3A_493 = tpu.memref_slice %arg2[%add3A_489, %dma_start3A_492] : memref<8192x2048xf32, #tpu.memory_space<hbm>> -> memref<8x2048xf32, #tpu.memory_space<hbm>>
    tpu.enqueue_dma source(%dma_start3A_493 : memref<8x2048xf32, #tpu.memory_space<hbm>>) target(%arg7 : memref<8x2048xf32, #tpu.memory_space<vmem>>) target_semaphore(%arg14 : memref<!tpu.dma_semaphore, #tpu.memory_space<semaphore_mem>>)
    %add3A_494 = arith.constant 24 : i32
    %add3A_495 = arith.addi %mul3A_2, %add3A_494 : i32
    %dma_wait3A_496 = arith.constant 0 : i32
    %dma_wait3A_497 = tpu.memref_slice %arg3[%add3A_495, %dma_wait3A_496] : memref<2049x2048xf32, #tpu.memory_space<hbm>> -> memref<8x2048xf32, #tpu.memory_space<hbm>>
    %dma_wait3A_498 = arith.constant 0 : i32
    %dma_wait3A_499 = tpu.memref_slice %arg3[%add3A_495, %dma_wait3A_498] : memref<2049x2048xf32, #tpu.memory_space<hbm>> -> memref<8x2048xf32, #tpu.memory_space<hbm>>
    tpu.wait_dma2 semaphore(%arg16 : memref<!tpu.dma_semaphore, #tpu.memory_space<semaphore_mem>>) src(%dma_wait3A_499 : memref<8x2048xf32, #tpu.memory_space<hbm>>) dst(%arg9 : memref<8x2048xf32, #tpu.memory_space<vmem>>)
    %add3A_500 = arith.constant 32 : i32
    %add3A_501 = arith.addi %mul3A_2, %add3A_500 : i32
    %dma_start3A_502 = arith.constant 0 : i32
    %dma_start3A_503 = tpu.memref_slice %arg3[%add3A_501, %dma_start3A_502] : memref<2049x2048xf32, #tpu.memory_space<hbm>> -> memref<8x2048xf32, #tpu.memory_space<hbm>>
    %dma_start3A_504 = arith.constant 0 : i32
    %dma_start3A_505 = tpu.memref_slice %arg3[%add3A_501, %dma_start3A_504] : memref<2049x2048xf32, #tpu.memory_space<hbm>> -> memref<8x2048xf32, #tpu.memory_space<hbm>>
    tpu.enqueue_dma source(%dma_start3A_505 : memref<8x2048xf32, #tpu.memory_space<hbm>>) target(%arg8 : memref<8x2048xf32, #tpu.memory_space<vmem>>) target_semaphore(%arg15 : memref<!tpu.dma_semaphore, #tpu.memory_space<semaphore_mem>>)
    %add3A_506 = arith.constant 0 : i32
    %add3A_507 = arith.addi %add3A_506, %mul3A_2 : i32
    %add3A_508 = arith.constant 24 : i32
    %add3A_509 = arith.addi %add3A_507, %add3A_508 : i32
    %dma_wait3A_510 = arith.constant 0 : i32
    %dma_wait3A_511 = tpu.memref_slice %arg2[%add3A_509, %dma_wait3A_510] : memref<8192x2048xf32, #tpu.memory_space<hbm>> -> memref<8x2048xf32, #tpu.memory_space<hbm>>
    %dma_wait3A_512 = arith.constant 0 : i32
    %dma_wait3A_513 = tpu.memref_slice %arg2[%add3A_509, %dma_wait3A_512] : memref<8192x2048xf32, #tpu.memory_space<hbm>> -> memref<8x2048xf32, #tpu.memory_space<hbm>>
    tpu.wait_dma2 semaphore(%arg12 : memref<!tpu.dma_semaphore, #tpu.memory_space<semaphore_mem>>) src(%dma_wait3A_513 : memref<8x2048xf32, #tpu.memory_space<hbm>>) dst(%arg5 : memref<8x2048xf32, #tpu.memory_space<vmem>>)
    %add3A_514 = arith.constant 4096 : i32
    %add3A_515 = arith.addi %add3A_514, %mul3A_2 : i32
    %add3A_516 = arith.constant 16 : i32
    %add3A_517 = arith.addi %add3A_515, %add3A_516 : i32
    %dma_wait3A_518 = arith.constant 0 : i32
    %dma_wait3A_519 = tpu.memref_slice %arg4[%add3A_517, %dma_wait3A_518] : memref<8192x2048xf32, #tpu.memory_space<hbm>> -> memref<8x2048xf32, #tpu.memory_space<hbm>>
    %dma_wait3A_520 = arith.constant 0 : i32
    %dma_wait3A_521 = tpu.memref_slice %arg4[%add3A_517, %dma_wait3A_520] : memref<8192x2048xf32, #tpu.memory_space<hbm>> -> memref<8x2048xf32, #tpu.memory_space<hbm>>
    tpu.wait_dma2 semaphore(%arg17 : memref<!tpu.dma_semaphore, #tpu.memory_space<semaphore_mem>>) src(%arg10 : memref<8x2048xf32, #tpu.memory_space<vmem>>) dst(%dma_wait3A_521 : memref<8x2048xf32, #tpu.memory_space<hbm>>)
    %scan3A_522 = arith.constant 0 : i32
    %scan3A_523 = arith.constant 8 : i32
    %scan3A_524 = arith.addi %scan3A_522, %scan3A_523 : i32
    %scan3A_525 = arith.constant 1 : i32
    scf.for %scan3A_1280 = %scan3A_522 to %scan3A_524 step %scan3A_525  : i32 {
      %mul3A_1281 = arith.constant 1 : i32
      %mul3A_1282 = arith.muli %scan3A_1280, %mul3A_1281 : i32
      %add3A_1283 = arith.constant 0 : i32
      %add3A_1284 = arith.addi %add3A_1283, %mul3A_1282 : i32
      %parallel_loop3A = arith.constant 0 : i32
      %parallel_loop3A_1285 = arith.constant 2048 : i32
      %parallel_loop3A_1286 = arith.constant 16 : i32
      scf.for %parallel_loop3A_1287 = %parallel_loop3A to %parallel_loop3A_1285 step %parallel_loop3A_1286  : i32 {
        %parallel_loop3A_1288 = arith.index_cast %add3A_1284 : i32 to index
        %parallel_loop3A_1289 = arith.index_cast %parallel_loop3A_1287 : i32 to index
        %parallel_loop3A_1290 = tpu.vector_load %arg5[%parallel_loop3A_1288, %parallel_loop3A_1289] {strides = array<i32>} : memref<8x2048xf32, #tpu.memory_space<vmem>>, vector<1x16xf32>,
        %parallel_loop3A_1291 = vector.shape_cast %parallel_loop3A_1290 : vector<1x16xf32> to vector<16xf32>
        %parallel_loop3A_1292 = arith.index_cast %add3A_1284 : i32 to index
        %parallel_loop3A_1293 = arith.index_cast %parallel_loop3A_1287 : i32 to index
        %parallel_loop3A_1294 = tpu.vector_load %arg9[%parallel_loop3A_1292, %parallel_loop3A_1293] {strides = array<i32>} : memref<8x2048xf32, #tpu.memory_space<vmem>>, vector<1x16xf32>,
        %parallel_loop3A_1295 = vector.shape_cast %parallel_loop3A_1294 : vector<1x16xf32> to vector<16xf32>
        %parallel_loop3A_1296 = arith.addf %parallel_loop3A_1291, %parallel_loop3A_1295 : vector<16xf32>
        %parallel_loop3A_1297 = arith.index_cast %add3A_1284 : i32 to index
        %parallel_loop3A_1298 = arith.index_cast %parallel_loop3A_1287 : i32 to index
        %parallel_loop3A_1299 = tpu.vector_load %arg10[%parallel_loop3A_1297, %parallel_loop3A_1298] {strides = array<i32>} : memref<8x2048xf32, #tpu.memory_space<vmem>>, vector<1x16xf32>,
        %parallel_loop3A_1300 = vector.shape_cast %parallel_loop3A_1299 : vector<1x16xf32> to vector<16xf32>
        %parallel_loop3A_1301 = vector.shape_cast %parallel_loop3A_1296 : vector<16xf32> to vector<1x16xf32>
        tpu.vector_store %arg10[%parallel_loop3A_1297, %parallel_loop3A_1298], %parallel_loop3A_1301 {strides = array<i32>} : memref<8x2048xf32, #tpu.memory_space<vmem>>, vector<1x16xf32>,
      } {sc.loop_unroll_factor = 8 : i64, sc.parallel_access}
    }
    %scan3A_526 = arith.constant 8 : i32
    %add3A_527 = arith.constant 0 : i32
    %add3A_528 = arith.addi %add3A_527, %mul3A_2 : i32
    %add3A_529 = arith.constant 24 : i32
    %add3A_530 = arith.addi %add3A_528, %add3A_529 : i32
    %dma_start3A_531 = arith.constant 0 : i32
    %dma_start3A_532 = tpu.memref_slice %arg4[%add3A_530, %dma_start3A_531] : memref<8192x2048xf32, #tpu.memory_space<hbm>> -> memref<8x2048xf32, #tpu.memory_space<hbm>>
    %dma_start3A_533 = arith.constant 0 : i32
    %dma_start3A_534 = tpu.memref_slice %arg4[%add3A_530, %dma_start3A_533] : memref<8192x2048xf32, #tpu.memory_space<hbm>> -> memref<8x2048xf32, #tpu.memory_space<hbm>>
    tpu.enqueue_dma source(%arg10 : memref<8x2048xf32, #tpu.memory_space<vmem>>) target(%dma_start3A_534 : memref<8x2048xf32, #tpu.memory_space<hbm>>) target_semaphore(%arg17 : memref<!tpu.dma_semaphore, #tpu.memory_space<semaphore_mem>>)
    %add3A_535 = arith.constant 6144 : i32
    %add3A_536 = arith.addi %add3A_535, %mul3A_2 : i32
    %add3A_537 = arith.constant 24 : i32
    %add3A_538 = arith.addi %add3A_536, %add3A_537 : i32
    %dma_start3A_539 = arith.constant 0 : i32
    %dma_start3A_540 = tpu.memref_slice %arg2[%add3A_538, %dma_start3A_539] : memref<8192x2048xf32, #tpu.memory_space<hbm>> -> memref<8x2048xf32, #tpu.memory_space<hbm>>
    %dma_start3A_541 = arith.constant 0 : i32
    %dma_start3A_542 = tpu.memref_slice %arg2[%add3A_538, %dma_start3A_541] : memref<8192x2048xf32, #tpu.memory_space<hbm>> -> memref<8x2048xf32, #tpu.memory_space<hbm>>
    tpu.enqueue_dma source(%dma_start3A_542 : memref<8x2048xf32, #tpu.memory_space<hbm>>) target(%arg5 : memref<8x2048xf32, #tpu.memory_space<vmem>>) target_semaphore(%arg12 : memref<!tpu.dma_semaphore, #tpu.memory_space<semaphore_mem>>)
    %add3A_543 = arith.constant 2048 : i32
    %add3A_544 = arith.addi %add3A_543, %mul3A_2 : i32
    %add3A_545 = arith.constant 24 : i32
    %add3A_546 = arith.addi %add3A_544, %add3A_545 : i32
    %dma_wait3A_547 = arith.constant 0 : i32
    %dma_wait3A_548 = tpu.memref_slice %arg2[%add3A_546, %dma_wait3A_547] : memref<8192x2048xf32, #tpu.memory_space<hbm>> -> memref<8x2048xf32, #tpu.memory_space<hbm>>
    %dma_wait3A_549 = arith.constant 0 : i32
    %dma_wait3A_550 = tpu.memref_slice %arg2[%add3A_546, %dma_wait3A_549] : memref<8192x2048xf32, #tpu.memory_space<hbm>> -> memref<8x2048xf32, #tpu.memory_space<hbm>>
    tpu.wait_dma2 semaphore(%arg13 : memref<!tpu.dma_semaphore, #tpu.memory_space<semaphore_mem>>) src(%dma_wait3A_550 : memref<8x2048xf32, #tpu.memory_space<hbm>>) dst(%arg6 : memref<8x2048xf32, #tpu.memory_space<vmem>>)
    %add3A_551 = arith.constant 6144 : i32
    %add3A_552 = arith.addi %add3A_551, %mul3A_2 : i32
    %add3A_553 = arith.constant 16 : i32
    %add3A_554 = arith.addi %add3A_552, %add3A_553 : i32
    %dma_wait3A_555 = arith.constant 0 : i32
    %dma_wait3A_556 = tpu.memref_slice %arg4[%add3A_554, %dma_wait3A_555] : memref<8192x2048xf32, #tpu.memory_space<hbm>> -> memref<8x2048xf32, #tpu.memory_space<hbm>>
    %dma_wait3A_557 = arith.constant 0 : i32
    %dma_wait3A_558 = tpu.memref_slice %arg4[%add3A_554, %dma_wait3A_557] : memref<8192x2048xf32, #tpu.memory_space<hbm>> -> memref<8x2048xf32, #tpu.memory_space<hbm>>
    tpu.wait_dma2 semaphore(%arg18 : memref<!tpu.dma_semaphore, #tpu.memory_space<semaphore_mem>>) src(%arg11 : memref<8x2048xf32, #tpu.memory_space<vmem>>) dst(%dma_wait3A_558 : memref<8x2048xf32, #tpu.memory_space<hbm>>)
    %scan3A_559 = arith.constant 0 : i32
    %scan3A_560 = arith.constant 8 : i32
    %scan3A_561 = arith.addi %scan3A_559, %scan3A_560 : i32
    %scan3A_562 = arith.constant 1 : i32
    scf.for %scan3A_1280 = %scan3A_559 to %scan3A_561 step %scan3A_562  : i32 {
      %mul3A_1281 = arith.constant 1 : i32
      %mul3A_1282 = arith.muli %scan3A_1280, %mul3A_1281 : i32
      %add3A_1283 = arith.constant 0 : i32
      %add3A_1284 = arith.addi %add3A_1283, %mul3A_1282 : i32
      %parallel_loop3A = arith.constant 0 : i32
      %parallel_loop3A_1285 = arith.constant 2048 : i32
      %parallel_loop3A_1286 = arith.constant 16 : i32
      scf.for %parallel_loop3A_1287 = %parallel_loop3A to %parallel_loop3A_1285 step %parallel_loop3A_1286  : i32 {
        %parallel_loop3A_1288 = arith.index_cast %add3A_1284 : i32 to index
        %parallel_loop3A_1289 = arith.index_cast %parallel_loop3A_1287 : i32 to index
        %parallel_loop3A_1290 = tpu.vector_load %arg6[%parallel_loop3A_1288, %parallel_loop3A_1289] {strides = array<i32>} : memref<8x2048xf32, #tpu.memory_space<vmem>>, vector<1x16xf32>,
        %parallel_loop3A_1291 = vector.shape_cast %parallel_loop3A_1290 : vector<1x16xf32> to vector<16xf32>
        %parallel_loop3A_1292 = arith.index_cast %add3A_1284 : i32 to index
        %parallel_loop3A_1293 = arith.index_cast %parallel_loop3A_1287 : i32 to index
        %parallel_loop3A_1294 = tpu.vector_load %arg9[%parallel_loop3A_1292, %parallel_loop3A_1293] {strides = array<i32>} : memref<8x2048xf32, #tpu.memory_space<vmem>>, vector<1x16xf32>,
        %parallel_loop3A_1295 = vector.shape_cast %parallel_loop3A_1294 : vector<1x16xf32> to vector<16xf32>
        %parallel_loop3A_1296 = arith.addf %parallel_loop3A_1291, %parallel_loop3A_1295 : vector<16xf32>
        %parallel_loop3A_1297 = arith.index_cast %add3A_1284 : i32 to index
        %parallel_loop3A_1298 = arith.index_cast %parallel_loop3A_1287 : i32 to index
        %parallel_loop3A_1299 = tpu.vector_load %arg11[%parallel_loop3A_1297, %parallel_loop3A_1298] {strides = array<i32>} : memref<8x2048xf32, #tpu.memory_space<vmem>>, vector<1x16xf32>,
        %parallel_loop3A_1300 = vector.shape_cast %parallel_loop3A_1299 : vector<1x16xf32> to vector<16xf32>
        %parallel_loop3A_1301 = vector.shape_cast %parallel_loop3A_1296 : vector<16xf32> to vector<1x16xf32>
        tpu.vector_store %arg11[%parallel_loop3A_1297, %parallel_loop3A_1298], %parallel_loop3A_1301 {strides = array<i32>} : memref<8x2048xf32, #tpu.memory_space<vmem>>, vector<1x16xf32>,
      } {sc.loop_unroll_factor = 8 : i64, sc.parallel_access}
    }
    %scan3A_563 = arith.constant 8 : i32
    %add3A_564 = arith.constant 2048 : i32
    %add3A_565 = arith.addi %add3A_564, %mul3A_2 : i32
    %add3A_566 = arith.constant 24 : i32
    %add3A_567 = arith.addi %add3A_565, %add3A_566 : i32
    %dma_start3A_568 = arith.constant 0 : i32
    %dma_start3A_569 = tpu.memref_slice %arg4[%add3A_567, %dma_start3A_568] : memref<8192x2048xf32, #tpu.memory_space<hbm>> -> memref<8x2048xf32, #tpu.memory_space<hbm>>
    %dma_start3A_570 = arith.constant 0 : i32
    %dma_start3A_571 = tpu.memref_slice %arg4[%add3A_567, %dma_start3A_570] : memref<8192x2048xf32, #tpu.memory_space<hbm>> -> memref<8x2048xf32, #tpu.memory_space<hbm>>
    tpu.enqueue_dma source(%arg11 : memref<8x2048xf32, #tpu.memory_space<vmem>>) target(%dma_start3A_571 : memref<8x2048xf32, #tpu.memory_space<hbm>>) target_semaphore(%arg18 : memref<!tpu.dma_semaphore, #tpu.memory_space<semaphore_mem>>)
    %add3A_572 = arith.constant 0 : i32
    %add3A_573 = arith.addi %add3A_572, %mul3A_2 : i32
    %add3A_574 = arith.constant 32 : i32
    %add3A_575 = arith.addi %add3A_573, %add3A_574 : i32
    %dma_start3A_576 = arith.constant 0 : i32
    %dma_start3A_577 = tpu.memref_slice %arg2[%add3A_575, %dma_start3A_576] : memref<8192x2048xf32, #tpu.memory_space<hbm>> -> memref<8x2048xf32, #tpu.memory_space<hbm>>
    %dma_start3A_578 = arith.constant 0 : i32
    %dma_start3A_579 = tpu.memref_slice %arg2[%add3A_575, %dma_start3A_578] : memref<8192x2048xf32, #tpu.memory_space<hbm>> -> memref<8x2048xf32, #tpu.memory_space<hbm>>
    tpu.enqueue_dma source(%dma_start3A_579 : memref<8x2048xf32, #tpu.memory_space<hbm>>) target(%arg6 : memref<8x2048xf32, #tpu.memory_space<vmem>>) target_semaphore(%arg13 : memref<!tpu.dma_semaphore, #tpu.memory_space<semaphore_mem>>)
    %add3A_580 = arith.constant 4096 : i32
    %add3A_581 = arith.addi %add3A_580, %mul3A_2 : i32
    %add3A_582 = arith.constant 24 : i32
    %add3A_583 = arith.addi %add3A_581, %add3A_582 : i32
    %dma_wait3A_584 = arith.constant 0 : i32
    %dma_wait3A_585 = tpu.memref_slice %arg2[%add3A_583, %dma_wait3A_584] : memref<8192x2048xf32, #tpu.memory_space<hbm>> -> memref<8x2048xf32, #tpu.memory_space<hbm>>
    %dma_wait3A_586 = arith.constant 0 : i32
    %dma_wait3A_587 = tpu.memref_slice %arg2[%add3A_583, %dma_wait3A_586] : memref<8192x2048xf32, #tpu.memory_space<hbm>> -> memref<8x2048xf32, #tpu.memory_space<hbm>>
    tpu.wait_dma2 semaphore(%arg14 : memref<!tpu.dma_semaphore, #tpu.memory_space<semaphore_mem>>) src(%dma_wait3A_587 : memref<8x2048xf32, #tpu.memory_space<hbm>>) dst(%arg7 : memref<8x2048xf32, #tpu.memory_space<vmem>>)
    %add3A_588 = arith.constant 0 : i32
    %add3A_589 = arith.addi %add3A_588, %mul3A_2 : i32
    %add3A_590 = arith.constant 24 : i32
    %add3A_591 = arith.addi %add3A_589, %add3A_590 : i32
    %dma_wait3A_592 = arith.constant 0 : i32
    %dma_wait3A_593 = tpu.memref_slice %arg4[%add3A_591, %dma_wait3A_592] : memref<8192x2048xf32, #tpu.memory_space<hbm>> -> memref<8x2048xf32, #tpu.memory_space<hbm>>
    %dma_wait3A_594 = arith.constant 0 : i32
    %dma_wait3A_595 = tpu.memref_slice %arg4[%add3A_591, %dma_wait3A_594] : memref<8192x2048xf32, #tpu.memory_space<hbm>> -> memref<8x2048xf32, #tpu.memory_space<hbm>>
    tpu.wait_dma2 semaphore(%arg17 : memref<!tpu.dma_semaphore, #tpu.memory_space<semaphore_mem>>) src(%arg10 : memref<8x2048xf32, #tpu.memory_space<vmem>>) dst(%dma_wait3A_595 : memref<8x2048xf32, #tpu.memory_space<hbm>>)
    %scan3A_596 = arith.constant 0 : i32
    %scan3A_597 = arith.constant 8 : i32
    %scan3A_598 = arith.addi %scan3A_596, %scan3A_597 : i32
    %scan3A_599 = arith.constant 1 : i32
    scf.for %scan3A_1280 = %scan3A_596 to %scan3A_598 step %scan3A_599  : i32 {
      %mul3A_1281 = arith.constant 1 : i32
      %mul3A_1282 = arith.muli %scan3A_1280, %mul3A_1281 : i32
      %add3A_1283 = arith.constant 0 : i32
      %add3A_1284 = arith.addi %add3A_1283, %mul3A_1282 : i32
      %parallel_loop3A = arith.constant 0 : i32
      %parallel_loop3A_1285 = arith.constant 2048 : i32
      %parallel_loop3A_1286 = arith.constant 16 : i32
      scf.for %parallel_loop3A_1287 = %parallel_loop3A to %parallel_loop3A_1285 step %parallel_loop3A_1286  : i32 {
        %parallel_loop3A_1288 = arith.index_cast %add3A_1284 : i32 to index
        %parallel_loop3A_1289 = arith.index_cast %parallel_loop3A_1287 : i32 to index
        %parallel_loop3A_1290 = tpu.vector_load %arg7[%parallel_loop3A_1288, %parallel_loop3A_1289] {strides = array<i32>} : memref<8x2048xf32, #tpu.memory_space<vmem>>, vector<1x16xf32>,
        %parallel_loop3A_1291 = vector.shape_cast %parallel_loop3A_1290 : vector<1x16xf32> to vector<16xf32>
        %parallel_loop3A_1292 = arith.index_cast %add3A_1284 : i32 to index
        %parallel_loop3A_1293 = arith.index_cast %parallel_loop3A_1287 : i32 to index
        %parallel_loop3A_1294 = tpu.vector_load %arg9[%parallel_loop3A_1292, %parallel_loop3A_1293] {strides = array<i32>} : memref<8x2048xf32, #tpu.memory_space<vmem>>, vector<1x16xf32>,
        %parallel_loop3A_1295 = vector.shape_cast %parallel_loop3A_1294 : vector<1x16xf32> to vector<16xf32>
        %parallel_loop3A_1296 = arith.addf %parallel_loop3A_1291, %parallel_loop3A_1295 : vector<16xf32>
        %parallel_loop3A_1297 = arith.index_cast %add3A_1284 : i32 to index
        %parallel_loop3A_1298 = arith.index_cast %parallel_loop3A_1287 : i32 to index
        %parallel_loop3A_1299 = tpu.vector_load %arg10[%parallel_loop3A_1297, %parallel_loop3A_1298] {strides = array<i32>} : memref<8x2048xf32, #tpu.memory_space<vmem>>, vector<1x16xf32>,
        %parallel_loop3A_1300 = vector.shape_cast %parallel_loop3A_1299 : vector<1x16xf32> to vector<16xf32>
        %parallel_loop3A_1301 = vector.shape_cast %parallel_loop3A_1296 : vector<16xf32> to vector<1x16xf32>
        tpu.vector_store %arg10[%parallel_loop3A_1297, %parallel_loop3A_1298], %parallel_loop3A_1301 {strides = array<i32>} : memref<8x2048xf32, #tpu.memory_space<vmem>>, vector<1x16xf32>,
      } {sc.loop_unroll_factor = 8 : i64, sc.parallel_access}
    }
    %scan3A_600 = arith.constant 8 : i32
    %add3A_601 = arith.constant 4096 : i32
    %add3A_602 = arith.addi %add3A_601, %mul3A_2 : i32
    %add3A_603 = arith.constant 24 : i32
    %add3A_604 = arith.addi %add3A_602, %add3A_603 : i32
    %dma_start3A_605 = arith.constant 0 : i32
    %dma_start3A_606 = tpu.memref_slice %arg4[%add3A_604, %dma_start3A_605] : memref<8192x2048xf32, #tpu.memory_space<hbm>> -> memref<8x2048xf32, #tpu.memory_space<hbm>>
    %dma_start3A_607 = arith.constant 0 : i32
    %dma_start3A_608 = tpu.memref_slice %arg4[%add3A_604, %dma_start3A_607] : memref<8192x2048xf32, #tpu.memory_space<hbm>> -> memref<8x2048xf32, #tpu.memory_space<hbm>>
    tpu.enqueue_dma source(%arg10 : memref<8x2048xf32, #tpu.memory_space<vmem>>) target(%dma_start3A_608 : memref<8x2048xf32, #tpu.memory_space<hbm>>) target_semaphore(%arg17 : memref<!tpu.dma_semaphore, #tpu.memory_space<semaphore_mem>>)
    %add3A_609 = arith.constant 2048 : i32
    %add3A_610 = arith.addi %add3A_609, %mul3A_2 : i32
    %add3A_611 = arith.constant 32 : i32
    %add3A_612 = arith.addi %add3A_610, %add3A_611 : i32
    %dma_start3A_613 = arith.constant 0 : i32
    %dma_start3A_614 = tpu.memref_slice %arg2[%add3A_612, %dma_start3A_613] : memref<8192x2048xf32, #tpu.memory_space<hbm>> -> memref<8x2048xf32, #tpu.memory_space<hbm>>
    %dma_start3A_615 = arith.constant 0 : i32
    %dma_start3A_616 = tpu.memref_slice %arg2[%add3A_612, %dma_start3A_615] : memref<8192x2048xf32, #tpu.memory_space<hbm>> -> memref<8x2048xf32, #tpu.memory_space<hbm>>
    tpu.enqueue_dma source(%dma_start3A_616 : memref<8x2048xf32, #tpu.memory_space<hbm>>) target(%arg7 : memref<8x2048xf32, #tpu.memory_space<vmem>>) target_semaphore(%arg14 : memref<!tpu.dma_semaphore, #tpu.memory_space<semaphore_mem>>)
    %add3A_617 = arith.constant 6144 : i32
    %add3A_618 = arith.addi %add3A_617, %mul3A_2 : i32
    %add3A_619 = arith.constant 24 : i32
    %add3A_620 = arith.addi %add3A_618, %add3A_619 : i32
    %dma_wait3A_621 = arith.constant 0 : i32
    %dma_wait3A_622 = tpu.memref_slice %arg2[%add3A_620, %dma_wait3A_621] : memref<8192x2048xf32, #tpu.memory_space<hbm>> -> memref<8x2048xf32, #tpu.memory_space<hbm>>
    %dma_wait3A_623 = arith.constant 0 : i32
    %dma_wait3A_624 = tpu.memref_slice %arg2[%add3A_620, %dma_wait3A_623] : memref<8192x2048xf32, #tpu.memory_space<hbm>> -> memref<8x2048xf32, #tpu.memory_space<hbm>>
    tpu.wait_dma2 semaphore(%arg12 : memref<!tpu.dma_semaphore, #tpu.memory_space<semaphore_mem>>) src(%dma_wait3A_624 : memref<8x2048xf32, #tpu.memory_space<hbm>>) dst(%arg5 : memref<8x2048xf32, #tpu.memory_space<vmem>>)
    %add3A_625 = arith.constant 2048 : i32
    %add3A_626 = arith.addi %add3A_625, %mul3A_2 : i32
    %add3A_627 = arith.constant 24 : i32
    %add3A_628 = arith.addi %add3A_626, %add3A_627 : i32
    %dma_wait3A_629 = arith.constant 0 : i32
    %dma_wait3A_630 = tpu.memref_slice %arg4[%add3A_628, %dma_wait3A_629] : memref<8192x2048xf32, #tpu.memory_space<hbm>> -> memref<8x2048xf32, #tpu.memory_space<hbm>>
    %dma_wait3A_631 = arith.constant 0 : i32
    %dma_wait3A_632 = tpu.memref_slice %arg4[%add3A_628, %dma_wait3A_631] : memref<8192x2048xf32, #tpu.memory_space<hbm>> -> memref<8x2048xf32, #tpu.memory_space<hbm>>
    tpu.wait_dma2 semaphore(%arg18 : memref<!tpu.dma_semaphore, #tpu.memory_space<semaphore_mem>>) src(%arg11 : memref<8x2048xf32, #tpu.memory_space<vmem>>) dst(%dma_wait3A_632 : memref<8x2048xf32, #tpu.memory_space<hbm>>)
    %scan3A_633 = arith.constant 0 : i32
    %scan3A_634 = arith.constant 8 : i32
    %scan3A_635 = arith.addi %scan3A_633, %scan3A_634 : i32
    %scan3A_636 = arith.constant 1 : i32
    scf.for %scan3A_1280 = %scan3A_633 to %scan3A_635 step %scan3A_636  : i32 {
      %mul3A_1281 = arith.constant 1 : i32
      %mul3A_1282 = arith.muli %scan3A_1280, %mul3A_1281 : i32
      %add3A_1283 = arith.constant 0 : i32
      %add3A_1284 = arith.addi %add3A_1283, %mul3A_1282 : i32
      %parallel_loop3A = arith.constant 0 : i32
      %parallel_loop3A_1285 = arith.constant 2048 : i32
      %parallel_loop3A_1286 = arith.constant 16 : i32
      scf.for %parallel_loop3A_1287 = %parallel_loop3A to %parallel_loop3A_1285 step %parallel_loop3A_1286  : i32 {
        %parallel_loop3A_1288 = arith.index_cast %add3A_1284 : i32 to index
        %parallel_loop3A_1289 = arith.index_cast %parallel_loop3A_1287 : i32 to index
        %parallel_loop3A_1290 = tpu.vector_load %arg5[%parallel_loop3A_1288, %parallel_loop3A_1289] {strides = array<i32>} : memref<8x2048xf32, #tpu.memory_space<vmem>>, vector<1x16xf32>,
        %parallel_loop3A_1291 = vector.shape_cast %parallel_loop3A_1290 : vector<1x16xf32> to vector<16xf32>
        %parallel_loop3A_1292 = arith.index_cast %add3A_1284 : i32 to index
        %parallel_loop3A_1293 = arith.index_cast %parallel_loop3A_1287 : i32 to index
        %parallel_loop3A_1294 = tpu.vector_load %arg9[%parallel_loop3A_1292, %parallel_loop3A_1293] {strides = array<i32>} : memref<8x2048xf32, #tpu.memory_space<vmem>>, vector<1x16xf32>,
        %parallel_loop3A_1295 = vector.shape_cast %parallel_loop3A_1294 : vector<1x16xf32> to vector<16xf32>
        %parallel_loop3A_1296 = arith.addf %parallel_loop3A_1291, %parallel_loop3A_1295 : vector<16xf32>
        %parallel_loop3A_1297 = arith.index_cast %add3A_1284 : i32 to index
        %parallel_loop3A_1298 = arith.index_cast %parallel_loop3A_1287 : i32 to index
        %parallel_loop3A_1299 = tpu.vector_load %arg11[%parallel_loop3A_1297, %parallel_loop3A_1298] {strides = array<i32>} : memref<8x2048xf32, #tpu.memory_space<vmem>>, vector<1x16xf32>,
        %parallel_loop3A_1300 = vector.shape_cast %parallel_loop3A_1299 : vector<1x16xf32> to vector<16xf32>
        %parallel_loop3A_1301 = vector.shape_cast %parallel_loop3A_1296 : vector<16xf32> to vector<1x16xf32>
        tpu.vector_store %arg11[%parallel_loop3A_1297, %parallel_loop3A_1298], %parallel_loop3A_1301 {strides = array<i32>} : memref<8x2048xf32, #tpu.memory_space<vmem>>, vector<1x16xf32>,
      } {sc.loop_unroll_factor = 8 : i64, sc.parallel_access}
    }
    %scan3A_637 = arith.constant 8 : i32
    %add3A_638 = arith.constant 6144 : i32
    %add3A_639 = arith.addi %add3A_638, %mul3A_2 : i32
    %add3A_640 = arith.constant 24 : i32
    %add3A_641 = arith.addi %add3A_639, %add3A_640 : i32
    %dma_start3A_642 = arith.constant 0 : i32
    %dma_start3A_643 = tpu.memref_slice %arg4[%add3A_641, %dma_start3A_642] : memref<8192x2048xf32, #tpu.memory_space<hbm>> -> memref<8x2048xf32, #tpu.memory_space<hbm>>
    %dma_start3A_644 = arith.constant 0 : i32
    %dma_start3A_645 = tpu.memref_slice %arg4[%add3A_641, %dma_start3A_644] : memref<8192x2048xf32, #tpu.memory_space<hbm>> -> memref<8x2048xf32, #tpu.memory_space<hbm>>
    tpu.enqueue_dma source(%arg11 : memref<8x2048xf32, #tpu.memory_space<vmem>>) target(%dma_start3A_645 : memref<8x2048xf32, #tpu.memory_space<hbm>>) target_semaphore(%arg18 : memref<!tpu.dma_semaphore, #tpu.memory_space<semaphore_mem>>)
    %add3A_646 = arith.constant 4096 : i32
    %add3A_647 = arith.addi %add3A_646, %mul3A_2 : i32
    %add3A_648 = arith.constant 32 : i32
    %add3A_649 = arith.addi %add3A_647, %add3A_648 : i32
    %dma_start3A_650 = arith.constant 0 : i32
    %dma_start3A_651 = tpu.memref_slice %arg2[%add3A_649, %dma_start3A_650] : memref<8192x2048xf32, #tpu.memory_space<hbm>> -> memref<8x2048xf32, #tpu.memory_space<hbm>>
    %dma_start3A_652 = arith.constant 0 : i32
    %dma_start3A_653 = tpu.memref_slice %arg2[%add3A_649, %dma_start3A_652] : memref<8192x2048xf32, #tpu.memory_space<hbm>> -> memref<8x2048xf32, #tpu.memory_space<hbm>>
    tpu.enqueue_dma source(%dma_start3A_653 : memref<8x2048xf32, #tpu.memory_space<hbm>>) target(%arg5 : memref<8x2048xf32, #tpu.memory_space<vmem>>) target_semaphore(%arg12 : memref<!tpu.dma_semaphore, #tpu.memory_space<semaphore_mem>>)
    %add3A_654 = arith.constant 32 : i32
    %add3A_655 = arith.addi %mul3A_2, %add3A_654 : i32
    %dma_wait3A_656 = arith.constant 0 : i32
    %dma_wait3A_657 = tpu.memref_slice %arg3[%add3A_655, %dma_wait3A_656] : memref<2049x2048xf32, #tpu.memory_space<hbm>> -> memref<8x2048xf32, #tpu.memory_space<hbm>>
    %dma_wait3A_658 = arith.constant 0 : i32
    %dma_wait3A_659 = tpu.memref_slice %arg3[%add3A_655, %dma_wait3A_658] : memref<2049x2048xf32, #tpu.memory_space<hbm>> -> memref<8x2048xf32, #tpu.memory_space<hbm>>
    tpu.wait_dma2 semaphore(%arg15 : memref<!tpu.dma_semaphore, #tpu.memory_space<semaphore_mem>>) src(%dma_wait3A_659 : memref<8x2048xf32, #tpu.memory_space<hbm>>) dst(%arg8 : memref<8x2048xf32, #tpu.memory_space<vmem>>)
    %add3A_660 = arith.constant 40 : i32
    %add3A_661 = arith.addi %mul3A_2, %add3A_660 : i32
    %dma_start3A_662 = arith.constant 0 : i32
    %dma_start3A_663 = tpu.memref_slice %arg3[%add3A_661, %dma_start3A_662] : memref<2049x2048xf32, #tpu.memory_space<hbm>> -> memref<8x2048xf32, #tpu.memory_space<hbm>>
    %dma_start3A_664 = arith.constant 0 : i32
    %dma_start3A_665 = tpu.memref_slice %arg3[%add3A_661, %dma_start3A_664] : memref<2049x2048xf32, #tpu.memory_space<hbm>> -> memref<8x2048xf32, #tpu.memory_space<hbm>>
    tpu.enqueue_dma source(%dma_start3A_665 : memref<8x2048xf32, #tpu.memory_space<hbm>>) target(%arg9 : memref<8x2048xf32, #tpu.memory_space<vmem>>) target_semaphore(%arg16 : memref<!tpu.dma_semaphore, #tpu.memory_space<semaphore_mem>>)
    %add3A_666 = arith.constant 0 : i32
    %add3A_667 = arith.addi %add3A_666, %mul3A_2 : i32
    %add3A_668 = arith.constant 32 : i32
    %add3A_669 = arith.addi %add3A_667, %add3A_668 : i32
    %dma_wait3A_670 = arith.constant 0 : i32
    %dma_wait3A_671 = tpu.memref_slice %arg2[%add3A_669, %dma_wait3A_670] : memref<8192x2048xf32, #tpu.memory_space<hbm>> -> memref<8x2048xf32, #tpu.memory_space<hbm>>
    %dma_wait3A_672 = arith.constant 0 : i32
    %dma_wait3A_673 = tpu.memref_slice %arg2[%add3A_669, %dma_wait3A_672] : memref<8192x2048xf32, #tpu.memory_space<hbm>> -> memref<8x2048xf32, #tpu.memory_space<hbm>>
    tpu.wait_dma2 semaphore(%arg13 : memref<!tpu.dma_semaphore, #tpu.memory_space<semaphore_mem>>) src(%dma_wait3A_673 : memref<8x2048xf32, #tpu.memory_space<hbm>>) dst(%arg6 : memref<8x2048xf32, #tpu.memory_space<vmem>>)
    %add3A_674 = arith.constant 4096 : i32
    %add3A_675 = arith.addi %add3A_674, %mul3A_2 : i32
    %add3A_676 = arith.constant 24 : i32
    %add3A_677 = arith.addi %add3A_675, %add3A_676 : i32
    %dma_wait3A_678 = arith.constant 0 : i32
    %dma_wait3A_679 = tpu.memref_slice %arg4[%add3A_677, %dma_wait3A_678] : memref<8192x2048xf32, #tpu.memory_space<hbm>> -> memref<8x2048xf32, #tpu.memory_space<hbm>>
    %dma_wait3A_680 = arith.constant 0 : i32
    %dma_wait3A_681 = tpu.memref_slice %arg4[%add3A_677, %dma_wait3A_680] : memref<8192x2048xf32, #tpu.memory_space<hbm>> -> memref<8x2048xf32, #tpu.memory_space<hbm>>
    tpu.wait_dma2 semaphore(%arg17 : memref<!tpu.dma_semaphore, #tpu.memory_space<semaphore_mem>>) src(%arg10 : memref<8x2048xf32, #tpu.memory_space<vmem>>) dst(%dma_wait3A_681 : memref<8x2048xf32, #tpu.memory_space<hbm>>)
    %scan3A_682 = arith.constant 0 : i32
    %scan3A_683 = arith.constant 8 : i32
    %scan3A_684 = arith.addi %scan3A_682, %scan3A_683 : i32
    %scan3A_685 = arith.constant 1 : i32
    scf.for %scan3A_1280 = %scan3A_682 to %scan3A_684 step %scan3A_685  : i32 {
      %mul3A_1281 = arith.constant 1 : i32
      %mul3A_1282 = arith.muli %scan3A_1280, %mul3A_1281 : i32
      %add3A_1283 = arith.constant 0 : i32
      %add3A_1284 = arith.addi %add3A_1283, %mul3A_1282 : i32
      %parallel_loop3A = arith.constant 0 : i32
      %parallel_loop3A_1285 = arith.constant 2048 : i32
      %parallel_loop3A_1286 = arith.constant 16 : i32
      scf.for %parallel_loop3A_1287 = %parallel_loop3A to %parallel_loop3A_1285 step %parallel_loop3A_1286  : i32 {
        %parallel_loop3A_1288 = arith.index_cast %add3A_1284 : i32 to index
        %parallel_loop3A_1289 = arith.index_cast %parallel_loop3A_1287 : i32 to index
        %parallel_loop3A_1290 = tpu.vector_load %arg6[%parallel_loop3A_1288, %parallel_loop3A_1289] {strides = array<i32>} : memref<8x2048xf32, #tpu.memory_space<vmem>>, vector<1x16xf32>,
        %parallel_loop3A_1291 = vector.shape_cast %parallel_loop3A_1290 : vector<1x16xf32> to vector<16xf32>
        %parallel_loop3A_1292 = arith.index_cast %add3A_1284 : i32 to index
        %parallel_loop3A_1293 = arith.index_cast %parallel_loop3A_1287 : i32 to index
        %parallel_loop3A_1294 = tpu.vector_load %arg8[%parallel_loop3A_1292, %parallel_loop3A_1293] {strides = array<i32>} : memref<8x2048xf32, #tpu.memory_space<vmem>>, vector<1x16xf32>,
        %parallel_loop3A_1295 = vector.shape_cast %parallel_loop3A_1294 : vector<1x16xf32> to vector<16xf32>
        %parallel_loop3A_1296 = arith.addf %parallel_loop3A_1291, %parallel_loop3A_1295 : vector<16xf32>
        %parallel_loop3A_1297 = arith.index_cast %add3A_1284 : i32 to index
        %parallel_loop3A_1298 = arith.index_cast %parallel_loop3A_1287 : i32 to index
        %parallel_loop3A_1299 = tpu.vector_load %arg10[%parallel_loop3A_1297, %parallel_loop3A_1298] {strides = array<i32>} : memref<8x2048xf32, #tpu.memory_space<vmem>>, vector<1x16xf32>,
        %parallel_loop3A_1300 = vector.shape_cast %parallel_loop3A_1299 : vector<1x16xf32> to vector<16xf32>
        %parallel_loop3A_1301 = vector.shape_cast %parallel_loop3A_1296 : vector<16xf32> to vector<1x16xf32>
        tpu.vector_store %arg10[%parallel_loop3A_1297, %parallel_loop3A_1298], %parallel_loop3A_1301 {strides = array<i32>} : memref<8x2048xf32, #tpu.memory_space<vmem>>, vector<1x16xf32>,
      } {sc.loop_unroll_factor = 8 : i64, sc.parallel_access}
    }
    %scan3A_686 = arith.constant 8 : i32
    %add3A_687 = arith.constant 0 : i32
    %add3A_688 = arith.addi %add3A_687, %mul3A_2 : i32
    %add3A_689 = arith.constant 32 : i32
    %add3A_690 = arith.addi %add3A_688, %add3A_689 : i32
    %dma_start3A_691 = arith.constant 0 : i32
    %dma_start3A_692 = tpu.memref_slice %arg4[%add3A_690, %dma_start3A_691] : memref<8192x2048xf32, #tpu.memory_space<hbm>> -> memref<8x2048xf32, #tpu.memory_space<hbm>>
    %dma_start3A_693 = arith.constant 0 : i32
    %dma_start3A_694 = tpu.memref_slice %arg4[%add3A_690, %dma_start3A_693] : memref<8192x2048xf32, #tpu.memory_space<hbm>> -> memref<8x2048xf32, #tpu.memory_space<hbm>>
    tpu.enqueue_dma source(%arg10 : memref<8x2048xf32, #tpu.memory_space<vmem>>) target(%dma_start3A_694 : memref<8x2048xf32, #tpu.memory_space<hbm>>) target_semaphore(%arg17 : memref<!tpu.dma_semaphore, #tpu.memory_space<semaphore_mem>>)
    %add3A_695 = arith.constant 6144 : i32
    %add3A_696 = arith.addi %add3A_695, %mul3A_2 : i32
    %add3A_697 = arith.constant 32 : i32
    %add3A_698 = arith.addi %add3A_696, %add3A_697 : i32
    %dma_start3A_699 = arith.constant 0 : i32
    %dma_start3A_700 = tpu.memref_slice %arg2[%add3A_698, %dma_start3A_699] : memref<8192x2048xf32, #tpu.memory_space<hbm>> -> memref<8x2048xf32, #tpu.memory_space<hbm>>
    %dma_start3A_701 = arith.constant 0 : i32
    %dma_start3A_702 = tpu.memref_slice %arg2[%add3A_698, %dma_start3A_701] : memref<8192x2048xf32, #tpu.memory_space<hbm>> -> memref<8x2048xf32, #tpu.memory_space<hbm>>
    tpu.enqueue_dma source(%dma_start3A_702 : memref<8x2048xf32, #tpu.memory_space<hbm>>) target(%arg6 : memref<8x2048xf32, #tpu.memory_space<vmem>>) target_semaphore(%arg13 : memref<!tpu.dma_semaphore, #tpu.memory_space<semaphore_mem>>)
    %add3A_703 = arith.constant 2048 : i32
    %add3A_704 = arith.addi %add3A_703, %mul3A_2 : i32
    %add3A_705 = arith.constant 32 : i32
    %add3A_706 = arith.addi %add3A_704, %add3A_705 : i32
    %dma_wait3A_707 = arith.constant 0 : i32
    %dma_wait3A_708 = tpu.memref_slice %arg2[%add3A_706, %dma_wait3A_707] : memref<8192x2048xf32, #tpu.memory_space<hbm>> -> memref<8x2048xf32, #tpu.memory_space<hbm>>
    %dma_wait3A_709 = arith.constant 0 : i32
    %dma_wait3A_710 = tpu.memref_slice %arg2[%add3A_706, %dma_wait3A_709] : memref<8192x2048xf32, #tpu.memory_space<hbm>> -> memref<8x2048xf32, #tpu.memory_space<hbm>>
    tpu.wait_dma2 semaphore(%arg14 : memref<!tpu.dma_semaphore, #tpu.memory_space<semaphore_mem>>) src(%dma_wait3A_710 : memref<8x2048xf32, #tpu.memory_space<hbm>>) dst(%arg7 : memref<8x2048xf32, #tpu.memory_space<vmem>>)
    %add3A_711 = arith.constant 6144 : i32
    %add3A_712 = arith.addi %add3A_711, %mul3A_2 : i32
    %add3A_713 = arith.constant 24 : i32
    %add3A_714 = arith.addi %add3A_712, %add3A_713 : i32
    %dma_wait3A_715 = arith.constant 0 : i32
    %dma_wait3A_716 = tpu.memref_slice %arg4[%add3A_714, %dma_wait3A_715] : memref<8192x2048xf32, #tpu.memory_space<hbm>> -> memref<8x2048xf32, #tpu.memory_space<hbm>>
    %dma_wait3A_717 = arith.constant 0 : i32
    %dma_wait3A_718 = tpu.memref_slice %arg4[%add3A_714, %dma_wait3A_717] : memref<8192x2048xf32, #tpu.memory_space<hbm>> -> memref<8x2048xf32, #tpu.memory_space<hbm>>
    tpu.wait_dma2 semaphore(%arg18 : memref<!tpu.dma_semaphore, #tpu.memory_space<semaphore_mem>>) src(%arg11 : memref<8x2048xf32, #tpu.memory_space<vmem>>) dst(%dma_wait3A_718 : memref<8x2048xf32, #tpu.memory_space<hbm>>)
    %scan3A_719 = arith.constant 0 : i32
    %scan3A_720 = arith.constant 8 : i32
    %scan3A_721 = arith.addi %scan3A_719, %scan3A_720 : i32
    %scan3A_722 = arith.constant 1 : i32
    scf.for %scan3A_1280 = %scan3A_719 to %scan3A_721 step %scan3A_722  : i32 {
      %mul3A_1281 = arith.constant 1 : i32
      %mul3A_1282 = arith.muli %scan3A_1280, %mul3A_1281 : i32
      %add3A_1283 = arith.constant 0 : i32
      %add3A_1284 = arith.addi %add3A_1283, %mul3A_1282 : i32
      %parallel_loop3A = arith.constant 0 : i32
      %parallel_loop3A_1285 = arith.constant 2048 : i32
      %parallel_loop3A_1286 = arith.constant 16 : i32
      scf.for %parallel_loop3A_1287 = %parallel_loop3A to %parallel_loop3A_1285 step %parallel_loop3A_1286  : i32 {
        %parallel_loop3A_1288 = arith.index_cast %add3A_1284 : i32 to index
        %parallel_loop3A_1289 = arith.index_cast %parallel_loop3A_1287 : i32 to index
        %parallel_loop3A_1290 = tpu.vector_load %arg7[%parallel_loop3A_1288, %parallel_loop3A_1289] {strides = array<i32>} : memref<8x2048xf32, #tpu.memory_space<vmem>>, vector<1x16xf32>,
        %parallel_loop3A_1291 = vector.shape_cast %parallel_loop3A_1290 : vector<1x16xf32> to vector<16xf32>
        %parallel_loop3A_1292 = arith.index_cast %add3A_1284 : i32 to index
        %parallel_loop3A_1293 = arith.index_cast %parallel_loop3A_1287 : i32 to index
        %parallel_loop3A_1294 = tpu.vector_load %arg8[%parallel_loop3A_1292, %parallel_loop3A_1293] {strides = array<i32>} : memref<8x2048xf32, #tpu.memory_space<vmem>>, vector<1x16xf32>,
        %parallel_loop3A_1295 = vector.shape_cast %parallel_loop3A_1294 : vector<1x16xf32> to vector<16xf32>
        %parallel_loop3A_1296 = arith.addf %parallel_loop3A_1291, %parallel_loop3A_1295 : vector<16xf32>
        %parallel_loop3A_1297 = arith.index_cast %add3A_1284 : i32 to index
        %parallel_loop3A_1298 = arith.index_cast %parallel_loop3A_1287 : i32 to index
        %parallel_loop3A_1299 = tpu.vector_load %arg11[%parallel_loop3A_1297, %parallel_loop3A_1298] {strides = array<i32>} : memref<8x2048xf32, #tpu.memory_space<vmem>>, vector<1x16xf32>,
        %parallel_loop3A_1300 = vector.shape_cast %parallel_loop3A_1299 : vector<1x16xf32> to vector<16xf32>
        %parallel_loop3A_1301 = vector.shape_cast %parallel_loop3A_1296 : vector<16xf32> to vector<1x16xf32>
        tpu.vector_store %arg11[%parallel_loop3A_1297, %parallel_loop3A_1298], %parallel_loop3A_1301 {strides = array<i32>} : memref<8x2048xf32, #tpu.memory_space<vmem>>, vector<1x16xf32>,
      } {sc.loop_unroll_factor = 8 : i64, sc.parallel_access}
    }
    %scan3A_723 = arith.constant 8 : i32
    %add3A_724 = arith.constant 2048 : i32
    %add3A_725 = arith.addi %add3A_724, %mul3A_2 : i32
    %add3A_726 = arith.constant 32 : i32
    %add3A_727 = arith.addi %add3A_725, %add3A_726 : i32
    %dma_start3A_728 = arith.constant 0 : i32
    %dma_start3A_729 = tpu.memref_slice %arg4[%add3A_727, %dma_start3A_728] : memref<8192x2048xf32, #tpu.memory_space<hbm>> -> memref<8x2048xf32, #tpu.memory_space<hbm>>
    %dma_start3A_730 = arith.constant 0 : i32
    %dma_start3A_731 = tpu.memref_slice %arg4[%add3A_727, %dma_start3A_730] : memref<8192x2048xf32, #tpu.memory_space<hbm>> -> memref<8x2048xf32, #tpu.memory_space<hbm>>
    tpu.enqueue_dma source(%arg11 : memref<8x2048xf32, #tpu.memory_space<vmem>>) target(%dma_start3A_731 : memref<8x2048xf32, #tpu.memory_space<hbm>>) target_semaphore(%arg18 : memref<!tpu.dma_semaphore, #tpu.memory_space<semaphore_mem>>)
    %add3A_732 = arith.constant 0 : i32
    %add3A_733 = arith.addi %add3A_732, %mul3A_2 : i32
    %add3A_734 = arith.constant 40 : i32
    %add3A_735 = arith.addi %add3A_733, %add3A_734 : i32
    %dma_start3A_736 = arith.constant 0 : i32
    %dma_start3A_737 = tpu.memref_slice %arg2[%add3A_735, %dma_start3A_736] : memref<8192x2048xf32, #tpu.memory_space<hbm>> -> memref<8x2048xf32, #tpu.memory_space<hbm>>
    %dma_start3A_738 = arith.constant 0 : i32
    %dma_start3A_739 = tpu.memref_slice %arg2[%add3A_735, %dma_start3A_738] : memref<8192x2048xf32, #tpu.memory_space<hbm>> -> memref<8x2048xf32, #tpu.memory_space<hbm>>
    tpu.enqueue_dma source(%dma_start3A_739 : memref<8x2048xf32, #tpu.memory_space<hbm>>) target(%arg7 : memref<8x2048xf32, #tpu.memory_space<vmem>>) target_semaphore(%arg14 : memref<!tpu.dma_semaphore, #tpu.memory_space<semaphore_mem>>)
    %add3A_740 = arith.constant 4096 : i32
    %add3A_741 = arith.addi %add3A_740, %mul3A_2 : i32
    %add3A_742 = arith.constant 32 : i32
    %add3A_743 = arith.addi %add3A_741, %add3A_742 : i32
    %dma_wait3A_744 = arith.constant 0 : i32
    %dma_wait3A_745 = tpu.memref_slice %arg2[%add3A_743, %dma_wait3A_744] : memref<8192x2048xf32, #tpu.memory_space<hbm>> -> memref<8x2048xf32, #tpu.memory_space<hbm>>
    %dma_wait3A_746 = arith.constant 0 : i32
    %dma_wait3A_747 = tpu.memref_slice %arg2[%add3A_743, %dma_wait3A_746] : memref<8192x2048xf32, #tpu.memory_space<hbm>> -> memref<8x2048xf32, #tpu.memory_space<hbm>>
    tpu.wait_dma2 semaphore(%arg12 : memref<!tpu.dma_semaphore, #tpu.memory_space<semaphore_mem>>) src(%dma_wait3A_747 : memref<8x2048xf32, #tpu.memory_space<hbm>>) dst(%arg5 : memref<8x2048xf32, #tpu.memory_space<vmem>>)
    %add3A_748 = arith.constant 0 : i32
    %add3A_749 = arith.addi %add3A_748, %mul3A_2 : i32
    %add3A_750 = arith.constant 32 : i32
    %add3A_751 = arith.addi %add3A_749, %add3A_750 : i32
    %dma_wait3A_752 = arith.constant 0 : i32
    %dma_wait3A_753 = tpu.memref_slice %arg4[%add3A_751, %dma_wait3A_752] : memref<8192x2048xf32, #tpu.memory_space<hbm>> -> memref<8x2048xf32, #tpu.memory_space<hbm>>
    %dma_wait3A_754 = arith.constant 0 : i32
    %dma_wait3A_755 = tpu.memref_slice %arg4[%add3A_751, %dma_wait3A_754] : memref<8192x2048xf32, #tpu.memory_space<hbm>> -> memref<8x2048xf32, #tpu.memory_space<hbm>>
    tpu.wait_dma2 semaphore(%arg17 : memref<!tpu.dma_semaphore, #tpu.memory_space<semaphore_mem>>) src(%arg10 : memref<8x2048xf32, #tpu.memory_space<vmem>>) dst(%dma_wait3A_755 : memref<8x2048xf32, #tpu.memory_space<hbm>>)
    %scan3A_756 = arith.constant 0 : i32
    %scan3A_757 = arith.constant 8 : i32
    %scan3A_758 = arith.addi %scan3A_756, %scan3A_757 : i32
    %scan3A_759 = arith.constant 1 : i32
    scf.for %scan3A_1280 = %scan3A_756 to %scan3A_758 step %scan3A_759  : i32 {
      %mul3A_1281 = arith.constant 1 : i32
      %mul3A_1282 = arith.muli %scan3A_1280, %mul3A_1281 : i32
      %add3A_1283 = arith.constant 0 : i32
      %add3A_1284 = arith.addi %add3A_1283, %mul3A_1282 : i32
      %parallel_loop3A = arith.constant 0 : i32
      %parallel_loop3A_1285 = arith.constant 2048 : i32
      %parallel_loop3A_1286 = arith.constant 16 : i32
      scf.for %parallel_loop3A_1287 = %parallel_loop3A to %parallel_loop3A_1285 step %parallel_loop3A_1286  : i32 {
        %parallel_loop3A_1288 = arith.index_cast %add3A_1284 : i32 to index
        %parallel_loop3A_1289 = arith.index_cast %parallel_loop3A_1287 : i32 to index
        %parallel_loop3A_1290 = tpu.vector_load %arg5[%parallel_loop3A_1288, %parallel_loop3A_1289] {strides = array<i32>} : memref<8x2048xf32, #tpu.memory_space<vmem>>, vector<1x16xf32>,
        %parallel_loop3A_1291 = vector.shape_cast %parallel_loop3A_1290 : vector<1x16xf32> to vector<16xf32>
        %parallel_loop3A_1292 = arith.index_cast %add3A_1284 : i32 to index
        %parallel_loop3A_1293 = arith.index_cast %parallel_loop3A_1287 : i32 to index
        %parallel_loop3A_1294 = tpu.vector_load %arg8[%parallel_loop3A_1292, %parallel_loop3A_1293] {strides = array<i32>} : memref<8x2048xf32, #tpu.memory_space<vmem>>, vector<1x16xf32>,
        %parallel_loop3A_1295 = vector.shape_cast %parallel_loop3A_1294 : vector<1x16xf32> to vector<16xf32>
        %parallel_loop3A_1296 = arith.addf %parallel_loop3A_1291, %parallel_loop3A_1295 : vector<16xf32>
        %parallel_loop3A_1297 = arith.index_cast %add3A_1284 : i32 to index
        %parallel_loop3A_1298 = arith.index_cast %parallel_loop3A_1287 : i32 to index
        %parallel_loop3A_1299 = tpu.vector_load %arg10[%parallel_loop3A_1297, %parallel_loop3A_1298] {strides = array<i32>} : memref<8x2048xf32, #tpu.memory_space<vmem>>, vector<1x16xf32>,
        %parallel_loop3A_1300 = vector.shape_cast %parallel_loop3A_1299 : vector<1x16xf32> to vector<16xf32>
        %parallel_loop3A_1301 = vector.shape_cast %parallel_loop3A_1296 : vector<16xf32> to vector<1x16xf32>
        tpu.vector_store %arg10[%parallel_loop3A_1297, %parallel_loop3A_1298], %parallel_loop3A_1301 {strides = array<i32>} : memref<8x2048xf32, #tpu.memory_space<vmem>>, vector<1x16xf32>,
      } {sc.loop_unroll_factor = 8 : i64, sc.parallel_access}
    }
    %scan3A_760 = arith.constant 8 : i32
    %add3A_761 = arith.constant 4096 : i32
    %add3A_762 = arith.addi %add3A_761, %mul3A_2 : i32
    %add3A_763 = arith.constant 32 : i32
    %add3A_764 = arith.addi %add3A_762, %add3A_763 : i32
    %dma_start3A_765 = arith.constant 0 : i32
    %dma_start3A_766 = tpu.memref_slice %arg4[%add3A_764, %dma_start3A_765] : memref<8192x2048xf32, #tpu.memory_space<hbm>> -> memref<8x2048xf32, #tpu.memory_space<hbm>>
    %dma_start3A_767 = arith.constant 0 : i32
    %dma_start3A_768 = tpu.memref_slice %arg4[%add3A_764, %dma_start3A_767] : memref<8192x2048xf32, #tpu.memory_space<hbm>> -> memref<8x2048xf32, #tpu.memory_space<hbm>>
    tpu.enqueue_dma source(%arg10 : memref<8x2048xf32, #tpu.memory_space<vmem>>) target(%dma_start3A_768 : memref<8x2048xf32, #tpu.memory_space<hbm>>) target_semaphore(%arg17 : memref<!tpu.dma_semaphore, #tpu.memory_space<semaphore_mem>>)
    %add3A_769 = arith.constant 2048 : i32
    %add3A_770 = arith.addi %add3A_769, %mul3A_2 : i32
    %add3A_771 = arith.constant 40 : i32
    %add3A_772 = arith.addi %add3A_770, %add3A_771 : i32
    %dma_start3A_773 = arith.constant 0 : i32
    %dma_start3A_774 = tpu.memref_slice %arg2[%add3A_772, %dma_start3A_773] : memref<8192x2048xf32, #tpu.memory_space<hbm>> -> memref<8x2048xf32, #tpu.memory_space<hbm>>
    %dma_start3A_775 = arith.constant 0 : i32
    %dma_start3A_776 = tpu.memref_slice %arg2[%add3A_772, %dma_start3A_775] : memref<8192x2048xf32, #tpu.memory_space<hbm>> -> memref<8x2048xf32, #tpu.memory_space<hbm>>
    tpu.enqueue_dma source(%dma_start3A_776 : memref<8x2048xf32, #tpu.memory_space<hbm>>) target(%arg5 : memref<8x2048xf32, #tpu.memory_space<vmem>>) target_semaphore(%arg12 : memref<!tpu.dma_semaphore, #tpu.memory_space<semaphore_mem>>)
    %add3A_777 = arith.constant 6144 : i32
    %add3A_778 = arith.addi %add3A_777, %mul3A_2 : i32
    %add3A_779 = arith.constant 32 : i32
    %add3A_780 = arith.addi %add3A_778, %add3A_779 : i32
    %dma_wait3A_781 = arith.constant 0 : i32
    %dma_wait3A_782 = tpu.memref_slice %arg2[%add3A_780, %dma_wait3A_781] : memref<8192x2048xf32, #tpu.memory_space<hbm>> -> memref<8x2048xf32, #tpu.memory_space<hbm>>
    %dma_wait3A_783 = arith.constant 0 : i32
    %dma_wait3A_784 = tpu.memref_slice %arg2[%add3A_780, %dma_wait3A_783] : memref<8192x2048xf32, #tpu.memory_space<hbm>> -> memref<8x2048xf32, #tpu.memory_space<hbm>>
    tpu.wait_dma2 semaphore(%arg13 : memref<!tpu.dma_semaphore, #tpu.memory_space<semaphore_mem>>) src(%dma_wait3A_784 : memref<8x2048xf32, #tpu.memory_space<hbm>>) dst(%arg6 : memref<8x2048xf32, #tpu.memory_space<vmem>>)
    %add3A_785 = arith.constant 2048 : i32
    %add3A_786 = arith.addi %add3A_785, %mul3A_2 : i32
    %add3A_787 = arith.constant 32 : i32
    %add3A_788 = arith.addi %add3A_786, %add3A_787 : i32
    %dma_wait3A_789 = arith.constant 0 : i32
    %dma_wait3A_790 = tpu.memref_slice %arg4[%add3A_788, %dma_wait3A_789] : memref<8192x2048xf32, #tpu.memory_space<hbm>> -> memref<8x2048xf32, #tpu.memory_space<hbm>>
    %dma_wait3A_791 = arith.constant 0 : i32
    %dma_wait3A_792 = tpu.memref_slice %arg4[%add3A_788, %dma_wait3A_791] : memref<8192x2048xf32, #tpu.memory_space<hbm>> -> memref<8x2048xf32, #tpu.memory_space<hbm>>
    tpu.wait_dma2 semaphore(%arg18 : memref<!tpu.dma_semaphore, #tpu.memory_space<semaphore_mem>>) src(%arg11 : memref<8x2048xf32, #tpu.memory_space<vmem>>) dst(%dma_wait3A_792 : memref<8x2048xf32, #tpu.memory_space<hbm>>)
    %scan3A_793 = arith.constant 0 : i32
    %scan3A_794 = arith.constant 8 : i32
    %scan3A_795 = arith.addi %scan3A_793, %scan3A_794 : i32
    %scan3A_796 = arith.constant 1 : i32
    scf.for %scan3A_1280 = %scan3A_793 to %scan3A_795 step %scan3A_796  : i32 {
      %mul3A_1281 = arith.constant 1 : i32
      %mul3A_1282 = arith.muli %scan3A_1280, %mul3A_1281 : i32
      %add3A_1283 = arith.constant 0 : i32
      %add3A_1284 = arith.addi %add3A_1283, %mul3A_1282 : i32
      %parallel_loop3A = arith.constant 0 : i32
      %parallel_loop3A_1285 = arith.constant 2048 : i32
      %parallel_loop3A_1286 = arith.constant 16 : i32
      scf.for %parallel_loop3A_1287 = %parallel_loop3A to %parallel_loop3A_1285 step %parallel_loop3A_1286  : i32 {
        %parallel_loop3A_1288 = arith.index_cast %add3A_1284 : i32 to index
        %parallel_loop3A_1289 = arith.index_cast %parallel_loop3A_1287 : i32 to index
        %parallel_loop3A_1290 = tpu.vector_load %arg6[%parallel_loop3A_1288, %parallel_loop3A_1289] {strides = array<i32>} : memref<8x2048xf32, #tpu.memory_space<vmem>>, vector<1x16xf32>,
        %parallel_loop3A_1291 = vector.shape_cast %parallel_loop3A_1290 : vector<1x16xf32> to vector<16xf32>
        %parallel_loop3A_1292 = arith.index_cast %add3A_1284 : i32 to index
        %parallel_loop3A_1293 = arith.index_cast %parallel_loop3A_1287 : i32 to index
        %parallel_loop3A_1294 = tpu.vector_load %arg8[%parallel_loop3A_1292, %parallel_loop3A_1293] {strides = array<i32>} : memref<8x2048xf32, #tpu.memory_space<vmem>>, vector<1x16xf32>,
        %parallel_loop3A_1295 = vector.shape_cast %parallel_loop3A_1294 : vector<1x16xf32> to vector<16xf32>
        %parallel_loop3A_1296 = arith.addf %parallel_loop3A_1291, %parallel_loop3A_1295 : vector<16xf32>
        %parallel_loop3A_1297 = arith.index_cast %add3A_1284 : i32 to index
        %parallel_loop3A_1298 = arith.index_cast %parallel_loop3A_1287 : i32 to index
        %parallel_loop3A_1299 = tpu.vector_load %arg11[%parallel_loop3A_1297, %parallel_loop3A_1298] {strides = array<i32>} : memref<8x2048xf32, #tpu.memory_space<vmem>>, vector<1x16xf32>,
        %parallel_loop3A_1300 = vector.shape_cast %parallel_loop3A_1299 : vector<1x16xf32> to vector<16xf32>
        %parallel_loop3A_1301 = vector.shape_cast %parallel_loop3A_1296 : vector<16xf32> to vector<1x16xf32>
        tpu.vector_store %arg11[%parallel_loop3A_1297, %parallel_loop3A_1298], %parallel_loop3A_1301 {strides = array<i32>} : memref<8x2048xf32, #tpu.memory_space<vmem>>, vector<1x16xf32>,
      } {sc.loop_unroll_factor = 8 : i64, sc.parallel_access}
    }
    %scan3A_797 = arith.constant 8 : i32
    %add3A_798 = arith.constant 6144 : i32
    %add3A_799 = arith.addi %add3A_798, %mul3A_2 : i32
    %add3A_800 = arith.constant 32 : i32
    %add3A_801 = arith.addi %add3A_799, %add3A_800 : i32
    %dma_start3A_802 = arith.constant 0 : i32
    %dma_start3A_803 = tpu.memref_slice %arg4[%add3A_801, %dma_start3A_802] : memref<8192x2048xf32, #tpu.memory_space<hbm>> -> memref<8x2048xf32, #tpu.memory_space<hbm>>
    %dma_start3A_804 = arith.constant 0 : i32
    %dma_start3A_805 = tpu.memref_slice %arg4[%add3A_801, %dma_start3A_804] : memref<8192x2048xf32, #tpu.memory_space<hbm>> -> memref<8x2048xf32, #tpu.memory_space<hbm>>
    tpu.enqueue_dma source(%arg11 : memref<8x2048xf32, #tpu.memory_space<vmem>>) target(%dma_start3A_805 : memref<8x2048xf32, #tpu.memory_space<hbm>>) target_semaphore(%arg18 : memref<!tpu.dma_semaphore, #tpu.memory_space<semaphore_mem>>)
    %add3A_806 = arith.constant 4096 : i32
    %add3A_807 = arith.addi %add3A_806, %mul3A_2 : i32
    %add3A_808 = arith.constant 40 : i32
    %add3A_809 = arith.addi %add3A_807, %add3A_808 : i32
    %dma_start3A_810 = arith.constant 0 : i32
    %dma_start3A_811 = tpu.memref_slice %arg2[%add3A_809, %dma_start3A_810] : memref<8192x2048xf32, #tpu.memory_space<hbm>> -> memref<8x2048xf32, #tpu.memory_space<hbm>>
    %dma_start3A_812 = arith.constant 0 : i32
    %dma_start3A_813 = tpu.memref_slice %arg2[%add3A_809, %dma_start3A_812] : memref<8192x2048xf32, #tpu.memory_space<hbm>> -> memref<8x2048xf32, #tpu.memory_space<hbm>>
    tpu.enqueue_dma source(%dma_start3A_813 : memref<8x2048xf32, #tpu.memory_space<hbm>>) target(%arg6 : memref<8x2048xf32, #tpu.memory_space<vmem>>) target_semaphore(%arg13 : memref<!tpu.dma_semaphore, #tpu.memory_space<semaphore_mem>>)
    %add3A_814 = arith.constant 40 : i32
    %add3A_815 = arith.addi %mul3A_2, %add3A_814 : i32
    %dma_wait3A_816 = arith.constant 0 : i32
    %dma_wait3A_817 = tpu.memref_slice %arg3[%add3A_815, %dma_wait3A_816] : memref<2049x2048xf32, #tpu.memory_space<hbm>> -> memref<8x2048xf32, #tpu.memory_space<hbm>>
    %dma_wait3A_818 = arith.constant 0 : i32
    %dma_wait3A_819 = tpu.memref_slice %arg3[%add3A_815, %dma_wait3A_818] : memref<2049x2048xf32, #tpu.memory_space<hbm>> -> memref<8x2048xf32, #tpu.memory_space<hbm>>
    tpu.wait_dma2 semaphore(%arg16 : memref<!tpu.dma_semaphore, #tpu.memory_space<semaphore_mem>>) src(%dma_wait3A_819 : memref<8x2048xf32, #tpu.memory_space<hbm>>) dst(%arg9 : memref<8x2048xf32, #tpu.memory_space<vmem>>)
    %add3A_820 = arith.constant 48 : i32
    %add3A_821 = arith.addi %mul3A_2, %add3A_820 : i32
    %dma_start3A_822 = arith.constant 0 : i32
    %dma_start3A_823 = tpu.memref_slice %arg3[%add3A_821, %dma_start3A_822] : memref<2049x2048xf32, #tpu.memory_space<hbm>> -> memref<8x2048xf32, #tpu.memory_space<hbm>>
    %dma_start3A_824 = arith.constant 0 : i32
    %dma_start3A_825 = tpu.memref_slice %arg3[%add3A_821, %dma_start3A_824] : memref<2049x2048xf32, #tpu.memory_space<hbm>> -> memref<8x2048xf32, #tpu.memory_space<hbm>>
    tpu.enqueue_dma source(%dma_start3A_825 : memref<8x2048xf32, #tpu.memory_space<hbm>>) target(%arg8 : memref<8x2048xf32, #tpu.memory_space<vmem>>) target_semaphore(%arg15 : memref<!tpu.dma_semaphore, #tpu.memory_space<semaphore_mem>>)
    %add3A_826 = arith.constant 0 : i32
    %add3A_827 = arith.addi %add3A_826, %mul3A_2 : i32
    %add3A_828 = arith.constant 40 : i32
    %add3A_829 = arith.addi %add3A_827, %add3A_828 : i32
    %dma_wait3A_830 = arith.constant 0 : i32
    %dma_wait3A_831 = tpu.memref_slice %arg2[%add3A_829, %dma_wait3A_830] : memref<8192x2048xf32, #tpu.memory_space<hbm>> -> memref<8x2048xf32, #tpu.memory_space<hbm>>
    %dma_wait3A_832 = arith.constant 0 : i32
    %dma_wait3A_833 = tpu.memref_slice %arg2[%add3A_829, %dma_wait3A_832] : memref<8192x2048xf32, #tpu.memory_space<hbm>> -> memref<8x2048xf32, #tpu.memory_space<hbm>>
    tpu.wait_dma2 semaphore(%arg14 : memref<!tpu.dma_semaphore, #tpu.memory_space<semaphore_mem>>) src(%dma_wait3A_833 : memref<8x2048xf32, #tpu.memory_space<hbm>>) dst(%arg7 : memref<8x2048xf32, #tpu.memory_space<vmem>>)
    %add3A_834 = arith.constant 4096 : i32
    %add3A_835 = arith.addi %add3A_834, %mul3A_2 : i32
    %add3A_836 = arith.constant 32 : i32
    %add3A_837 = arith.addi %add3A_835, %add3A_836 : i32
    %dma_wait3A_838 = arith.constant 0 : i32
    %dma_wait3A_839 = tpu.memref_slice %arg4[%add3A_837, %dma_wait3A_838] : memref<8192x2048xf32, #tpu.memory_space<hbm>> -> memref<8x2048xf32, #tpu.memory_space<hbm>>
    %dma_wait3A_840 = arith.constant 0 : i32
    %dma_wait3A_841 = tpu.memref_slice %arg4[%add3A_837, %dma_wait3A_840] : memref<8192x2048xf32, #tpu.memory_space<hbm>> -> memref<8x2048xf32, #tpu.memory_space<hbm>>
    tpu.wait_dma2 semaphore(%arg17 : memref<!tpu.dma_semaphore, #tpu.memory_space<semaphore_mem>>) src(%arg10 : memref<8x2048xf32, #tpu.memory_space<vmem>>) dst(%dma_wait3A_841 : memref<8x2048xf32, #tpu.memory_space<hbm>>)
    %scan3A_842 = arith.constant 0 : i32
    %scan3A_843 = arith.constant 8 : i32
    %scan3A_844 = arith.addi %scan3A_842, %scan3A_843 : i32
    %scan3A_845 = arith.constant 1 : i32
    scf.for %scan3A_1280 = %scan3A_842 to %scan3A_844 step %scan3A_845  : i32 {
      %mul3A_1281 = arith.constant 1 : i32
      %mul3A_1282 = arith.muli %scan3A_1280, %mul3A_1281 : i32
      %add3A_1283 = arith.constant 0 : i32
      %add3A_1284 = arith.addi %add3A_1283, %mul3A_1282 : i32
      %parallel_loop3A = arith.constant 0 : i32
      %parallel_loop3A_1285 = arith.constant 2048 : i32
      %parallel_loop3A_1286 = arith.constant 16 : i32
      scf.for %parallel_loop3A_1287 = %parallel_loop3A to %parallel_loop3A_1285 step %parallel_loop3A_1286  : i32 {
        %parallel_loop3A_1288 = arith.index_cast %add3A_1284 : i32 to index
        %parallel_loop3A_1289 = arith.index_cast %parallel_loop3A_1287 : i32 to index
        %parallel_loop3A_1290 = tpu.vector_load %arg7[%parallel_loop3A_1288, %parallel_loop3A_1289] {strides = array<i32>} : memref<8x2048xf32, #tpu.memory_space<vmem>>, vector<1x16xf32>,
        %parallel_loop3A_1291 = vector.shape_cast %parallel_loop3A_1290 : vector<1x16xf32> to vector<16xf32>
        %parallel_loop3A_1292 = arith.index_cast %add3A_1284 : i32 to index
        %parallel_loop3A_1293 = arith.index_cast %parallel_loop3A_1287 : i32 to index
        %parallel_loop3A_1294 = tpu.vector_load %arg9[%parallel_loop3A_1292, %parallel_loop3A_1293] {strides = array<i32>} : memref<8x2048xf32, #tpu.memory_space<vmem>>, vector<1x16xf32>,
        %parallel_loop3A_1295 = vector.shape_cast %parallel_loop3A_1294 : vector<1x16xf32> to vector<16xf32>
        %parallel_loop3A_1296 = arith.addf %parallel_loop3A_1291, %parallel_loop3A_1295 : vector<16xf32>
        %parallel_loop3A_1297 = arith.index_cast %add3A_1284 : i32 to index
        %parallel_loop3A_1298 = arith.index_cast %parallel_loop3A_1287 : i32 to index
        %parallel_loop3A_1299 = tpu.vector_load %arg10[%parallel_loop3A_1297, %parallel_loop3A_1298] {strides = array<i32>} : memref<8x2048xf32, #tpu.memory_space<vmem>>, vector<1x16xf32>,
        %parallel_loop3A_1300 = vector.shape_cast %parallel_loop3A_1299 : vector<1x16xf32> to vector<16xf32>
        %parallel_loop3A_1301 = vector.shape_cast %parallel_loop3A_1296 : vector<16xf32> to vector<1x16xf32>
        tpu.vector_store %arg10[%parallel_loop3A_1297, %parallel_loop3A_1298], %parallel_loop3A_1301 {strides = array<i32>} : memref<8x2048xf32, #tpu.memory_space<vmem>>, vector<1x16xf32>,
      } {sc.loop_unroll_factor = 8 : i64, sc.parallel_access}
    }
    %scan3A_846 = arith.constant 8 : i32
    %add3A_847 = arith.constant 0 : i32
    %add3A_848 = arith.addi %add3A_847, %mul3A_2 : i32
    %add3A_849 = arith.constant 40 : i32
    %add3A_850 = arith.addi %add3A_848, %add3A_849 : i32
    %dma_start3A_851 = arith.constant 0 : i32
    %dma_start3A_852 = tpu.memref_slice %arg4[%add3A_850, %dma_start3A_851] : memref<8192x2048xf32, #tpu.memory_space<hbm>> -> memref<8x2048xf32, #tpu.memory_space<hbm>>
    %dma_start3A_853 = arith.constant 0 : i32
    %dma_start3A_854 = tpu.memref_slice %arg4[%add3A_850, %dma_start3A_853] : memref<8192x2048xf32, #tpu.memory_space<hbm>> -> memref<8x2048xf32, #tpu.memory_space<hbm>>
    tpu.enqueue_dma source(%arg10 : memref<8x2048xf32, #tpu.memory_space<vmem>>) target(%dma_start3A_854 : memref<8x2048xf32, #tpu.memory_space<hbm>>) target_semaphore(%arg17 : memref<!tpu.dma_semaphore, #tpu.memory_space<semaphore_mem>>)
    %add3A_855 = arith.constant 6144 : i32
    %add3A_856 = arith.addi %add3A_855, %mul3A_2 : i32
    %add3A_857 = arith.constant 40 : i32
    %add3A_858 = arith.addi %add3A_856, %add3A_857 : i32
    %dma_start3A_859 = arith.constant 0 : i32
    %dma_start3A_860 = tpu.memref_slice %arg2[%add3A_858, %dma_start3A_859] : memref<8192x2048xf32, #tpu.memory_space<hbm>> -> memref<8x2048xf32, #tpu.memory_space<hbm>>
    %dma_start3A_861 = arith.constant 0 : i32
    %dma_start3A_862 = tpu.memref_slice %arg2[%add3A_858, %dma_start3A_861] : memref<8192x2048xf32, #tpu.memory_space<hbm>> -> memref<8x2048xf32, #tpu.memory_space<hbm>>
    tpu.enqueue_dma source(%dma_start3A_862 : memref<8x2048xf32, #tpu.memory_space<hbm>>) target(%arg7 : memref<8x2048xf32, #tpu.memory_space<vmem>>) target_semaphore(%arg14 : memref<!tpu.dma_semaphore, #tpu.memory_space<semaphore_mem>>)
    %add3A_863 = arith.constant 2048 : i32
    %add3A_864 = arith.addi %add3A_863, %mul3A_2 : i32
    %add3A_865 = arith.constant 40 : i32
    %add3A_866 = arith.addi %add3A_864, %add3A_865 : i32
    %dma_wait3A_867 = arith.constant 0 : i32
    %dma_wait3A_868 = tpu.memref_slice %arg2[%add3A_866, %dma_wait3A_867] : memref<8192x2048xf32, #tpu.memory_space<hbm>> -> memref<8x2048xf32, #tpu.memory_space<hbm>>
    %dma_wait3A_869 = arith.constant 0 : i32
    %dma_wait3A_870 = tpu.memref_slice %arg2[%add3A_866, %dma_wait3A_869] : memref<8192x2048xf32, #tpu.memory_space<hbm>> -> memref<8x2048xf32, #tpu.memory_space<hbm>>
    tpu.wait_dma2 semaphore(%arg12 : memref<!tpu.dma_semaphore, #tpu.memory_space<semaphore_mem>>) src(%dma_wait3A_870 : memref<8x2048xf32, #tpu.memory_space<hbm>>) dst(%arg5 : memref<8x2048xf32, #tpu.memory_space<vmem>>)
    %add3A_871 = arith.constant 6144 : i32
    %add3A_872 = arith.addi %add3A_871, %mul3A_2 : i32
    %add3A_873 = arith.constant 32 : i32
    %add3A_874 = arith.addi %add3A_872, %add3A_873 : i32
    %dma_wait3A_875 = arith.constant 0 : i32
    %dma_wait3A_876 = tpu.memref_slice %arg4[%add3A_874, %dma_wait3A_875] : memref<8192x2048xf32, #tpu.memory_space<hbm>> -> memref<8x2048xf32, #tpu.memory_space<hbm>>
    %dma_wait3A_877 = arith.constant 0 : i32
    %dma_wait3A_878 = tpu.memref_slice %arg4[%add3A_874, %dma_wait3A_877] : memref<8192x2048xf32, #tpu.memory_space<hbm>> -> memref<8x2048xf32, #tpu.memory_space<hbm>>
    tpu.wait_dma2 semaphore(%arg18 : memref<!tpu.dma_semaphore, #tpu.memory_space<semaphore_mem>>) src(%arg11 : memref<8x2048xf32, #tpu.memory_space<vmem>>) dst(%dma_wait3A_878 : memref<8x2048xf32, #tpu.memory_space<hbm>>)
    %scan3A_879 = arith.constant 0 : i32
    %scan3A_880 = arith.constant 8 : i32
    %scan3A_881 = arith.addi %scan3A_879, %scan3A_880 : i32
    %scan3A_882 = arith.constant 1 : i32
    scf.for %scan3A_1280 = %scan3A_879 to %scan3A_881 step %scan3A_882  : i32 {
      %mul3A_1281 = arith.constant 1 : i32
      %mul3A_1282 = arith.muli %scan3A_1280, %mul3A_1281 : i32
      %add3A_1283 = arith.constant 0 : i32
      %add3A_1284 = arith.addi %add3A_1283, %mul3A_1282 : i32
      %parallel_loop3A = arith.constant 0 : i32
      %parallel_loop3A_1285 = arith.constant 2048 : i32
      %parallel_loop3A_1286 = arith.constant 16 : i32
      scf.for %parallel_loop3A_1287 = %parallel_loop3A to %parallel_loop3A_1285 step %parallel_loop3A_1286  : i32 {
        %parallel_loop3A_1288 = arith.index_cast %add3A_1284 : i32 to index
        %parallel_loop3A_1289 = arith.index_cast %parallel_loop3A_1287 : i32 to index
        %parallel_loop3A_1290 = tpu.vector_load %arg5[%parallel_loop3A_1288, %parallel_loop3A_1289] {strides = array<i32>} : memref<8x2048xf32, #tpu.memory_space<vmem>>, vector<1x16xf32>,
        %parallel_loop3A_1291 = vector.shape_cast %parallel_loop3A_1290 : vector<1x16xf32> to vector<16xf32>
        %parallel_loop3A_1292 = arith.index_cast %add3A_1284 : i32 to index
        %parallel_loop3A_1293 = arith.index_cast %parallel_loop3A_1287 : i32 to index
        %parallel_loop3A_1294 = tpu.vector_load %arg9[%parallel_loop3A_1292, %parallel_loop3A_1293] {strides = array<i32>} : memref<8x2048xf32, #tpu.memory_space<vmem>>, vector<1x16xf32>,
        %parallel_loop3A_1295 = vector.shape_cast %parallel_loop3A_1294 : vector<1x16xf32> to vector<16xf32>
        %parallel_loop3A_1296 = arith.addf %parallel_loop3A_1291, %parallel_loop3A_1295 : vector<16xf32>
        %parallel_loop3A_1297 = arith.index_cast %add3A_1284 : i32 to index
        %parallel_loop3A_1298 = arith.index_cast %parallel_loop3A_1287 : i32 to index
        %parallel_loop3A_1299 = tpu.vector_load %arg11[%parallel_loop3A_1297, %parallel_loop3A_1298] {strides = array<i32>} : memref<8x2048xf32, #tpu.memory_space<vmem>>, vector<1x16xf32>,
        %parallel_loop3A_1300 = vector.shape_cast %parallel_loop3A_1299 : vector<1x16xf32> to vector<16xf32>
        %parallel_loop3A_1301 = vector.shape_cast %parallel_loop3A_1296 : vector<16xf32> to vector<1x16xf32>
        tpu.vector_store %arg11[%parallel_loop3A_1297, %parallel_loop3A_1298], %parallel_loop3A_1301 {strides = array<i32>} : memref<8x2048xf32, #tpu.memory_space<vmem>>, vector<1x16xf32>,
      } {sc.loop_unroll_factor = 8 : i64, sc.parallel_access}
    }
    %scan3A_883 = arith.constant 8 : i32
    %add3A_884 = arith.constant 2048 : i32
    %add3A_885 = arith.addi %add3A_884, %mul3A_2 : i32
    %add3A_886 = arith.constant 40 : i32
    %add3A_887 = arith.addi %add3A_885, %add3A_886 : i32
    %dma_start3A_888 = arith.constant 0 : i32
    %dma_start3A_889 = tpu.memref_slice %arg4[%add3A_887, %dma_start3A_888] : memref<8192x2048xf32, #tpu.memory_space<hbm>> -> memref<8x2048xf32, #tpu.memory_space<hbm>>
    %dma_start3A_890 = arith.constant 0 : i32
    %dma_start3A_891 = tpu.memref_slice %arg4[%add3A_887, %dma_start3A_890] : memref<8192x2048xf32, #tpu.memory_space<hbm>> -> memref<8x2048xf32, #tpu.memory_space<hbm>>
    tpu.enqueue_dma source(%arg11 : memref<8x2048xf32, #tpu.memory_space<vmem>>) target(%dma_start3A_891 : memref<8x2048xf32, #tpu.memory_space<hbm>>) target_semaphore(%arg18 : memref<!tpu.dma_semaphore, #tpu.memory_space<semaphore_mem>>)
    %add3A_892 = arith.constant 0 : i32
    %add3A_893 = arith.addi %add3A_892, %mul3A_2 : i32
    %add3A_894 = arith.constant 48 : i32
    %add3A_895 = arith.addi %add3A_893, %add3A_894 : i32
    %dma_start3A_896 = arith.constant 0 : i32
    %dma_start3A_897 = tpu.memref_slice %arg2[%add3A_895, %dma_start3A_896] : memref<8192x2048xf32, #tpu.memory_space<hbm>> -> memref<8x2048xf32, #tpu.memory_space<hbm>>
    %dma_start3A_898 = arith.constant 0 : i32
    %dma_start3A_899 = tpu.memref_slice %arg2[%add3A_895, %dma_start3A_898] : memref<8192x2048xf32, #tpu.memory_space<hbm>> -> memref<8x2048xf32, #tpu.memory_space<hbm>>
    tpu.enqueue_dma source(%dma_start3A_899 : memref<8x2048xf32, #tpu.memory_space<hbm>>) target(%arg5 : memref<8x2048xf32, #tpu.memory_space<vmem>>) target_semaphore(%arg12 : memref<!tpu.dma_semaphore, #tpu.memory_space<semaphore_mem>>)
    %add3A_900 = arith.constant 4096 : i32
    %add3A_901 = arith.addi %add3A_900, %mul3A_2 : i32
    %add3A_902 = arith.constant 40 : i32
    %add3A_903 = arith.addi %add3A_901, %add3A_902 : i32
    %dma_wait3A_904 = arith.constant 0 : i32
    %dma_wait3A_905 = tpu.memref_slice %arg2[%add3A_903, %dma_wait3A_904] : memref<8192x2048xf32, #tpu.memory_space<hbm>> -> memref<8x2048xf32, #tpu.memory_space<hbm>>
    %dma_wait3A_906 = arith.constant 0 : i32
    %dma_wait3A_907 = tpu.memref_slice %arg2[%add3A_903, %dma_wait3A_906] : memref<8192x2048xf32, #tpu.memory_space<hbm>> -> memref<8x2048xf32, #tpu.memory_space<hbm>>
    tpu.wait_dma2 semaphore(%arg13 : memref<!tpu.dma_semaphore, #tpu.memory_space<semaphore_mem>>) src(%dma_wait3A_907 : memref<8x2048xf32, #tpu.memory_space<hbm>>) dst(%arg6 : memref<8x2048xf32, #tpu.memory_space<vmem>>)
    %add3A_908 = arith.constant 0 : i32
    %add3A_909 = arith.addi %add3A_908, %mul3A_2 : i32
    %add3A_910 = arith.constant 40 : i32
    %add3A_911 = arith.addi %add3A_909, %add3A_910 : i32
    %dma_wait3A_912 = arith.constant 0 : i32
    %dma_wait3A_913 = tpu.memref_slice %arg4[%add3A_911, %dma_wait3A_912] : memref<8192x2048xf32, #tpu.memory_space<hbm>> -> memref<8x2048xf32, #tpu.memory_space<hbm>>
    %dma_wait3A_914 = arith.constant 0 : i32
    %dma_wait3A_915 = tpu.memref_slice %arg4[%add3A_911, %dma_wait3A_914] : memref<8192x2048xf32, #tpu.memory_space<hbm>> -> memref<8x2048xf32, #tpu.memory_space<hbm>>
    tpu.wait_dma2 semaphore(%arg17 : memref<!tpu.dma_semaphore, #tpu.memory_space<semaphore_mem>>) src(%arg10 : memref<8x2048xf32, #tpu.memory_space<vmem>>) dst(%dma_wait3A_915 : memref<8x2048xf32, #tpu.memory_space<hbm>>)
    %scan3A_916 = arith.constant 0 : i32
    %scan3A_917 = arith.constant 8 : i32
    %scan3A_918 = arith.addi %scan3A_916, %scan3A_917 : i32
    %scan3A_919 = arith.constant 1 : i32
    scf.for %scan3A_1280 = %scan3A_916 to %scan3A_918 step %scan3A_919  : i32 {
      %mul3A_1281 = arith.constant 1 : i32
      %mul3A_1282 = arith.muli %scan3A_1280, %mul3A_1281 : i32
      %add3A_1283 = arith.constant 0 : i32
      %add3A_1284 = arith.addi %add3A_1283, %mul3A_1282 : i32
      %parallel_loop3A = arith.constant 0 : i32
      %parallel_loop3A_1285 = arith.constant 2048 : i32
      %parallel_loop3A_1286 = arith.constant 16 : i32
      scf.for %parallel_loop3A_1287 = %parallel_loop3A to %parallel_loop3A_1285 step %parallel_loop3A_1286  : i32 {
        %parallel_loop3A_1288 = arith.index_cast %add3A_1284 : i32 to index
        %parallel_loop3A_1289 = arith.index_cast %parallel_loop3A_1287 : i32 to index
        %parallel_loop3A_1290 = tpu.vector_load %arg6[%parallel_loop3A_1288, %parallel_loop3A_1289] {strides = array<i32>} : memref<8x2048xf32, #tpu.memory_space<vmem>>, vector<1x16xf32>,
        %parallel_loop3A_1291 = vector.shape_cast %parallel_loop3A_1290 : vector<1x16xf32> to vector<16xf32>
        %parallel_loop3A_1292 = arith.index_cast %add3A_1284 : i32 to index
        %parallel_loop3A_1293 = arith.index_cast %parallel_loop3A_1287 : i32 to index
        %parallel_loop3A_1294 = tpu.vector_load %arg9[%parallel_loop3A_1292, %parallel_loop3A_1293] {strides = array<i32>} : memref<8x2048xf32, #tpu.memory_space<vmem>>, vector<1x16xf32>,
        %parallel_loop3A_1295 = vector.shape_cast %parallel_loop3A_1294 : vector<1x16xf32> to vector<16xf32>
        %parallel_loop3A_1296 = arith.addf %parallel_loop3A_1291, %parallel_loop3A_1295 : vector<16xf32>
        %parallel_loop3A_1297 = arith.index_cast %add3A_1284 : i32 to index
        %parallel_loop3A_1298 = arith.index_cast %parallel_loop3A_1287 : i32 to index
        %parallel_loop3A_1299 = tpu.vector_load %arg10[%parallel_loop3A_1297, %parallel_loop3A_1298] {strides = array<i32>} : memref<8x2048xf32, #tpu.memory_space<vmem>>, vector<1x16xf32>,
        %parallel_loop3A_1300 = vector.shape_cast %parallel_loop3A_1299 : vector<1x16xf32> to vector<16xf32>
        %parallel_loop3A_1301 = vector.shape_cast %parallel_loop3A_1296 : vector<16xf32> to vector<1x16xf32>
        tpu.vector_store %arg10[%parallel_loop3A_1297, %parallel_loop3A_1298], %parallel_loop3A_1301 {strides = array<i32>} : memref<8x2048xf32, #tpu.memory_space<vmem>>, vector<1x16xf32>,
      } {sc.loop_unroll_factor = 8 : i64, sc.parallel_access}
    }
    %scan3A_920 = arith.constant 8 : i32
    %add3A_921 = arith.constant 4096 : i32
    %add3A_922 = arith.addi %add3A_921, %mul3A_2 : i32
    %add3A_923 = arith.constant 40 : i32
    %add3A_924 = arith.addi %add3A_922, %add3A_923 : i32
    %dma_start3A_925 = arith.constant 0 : i32
    %dma_start3A_926 = tpu.memref_slice %arg4[%add3A_924, %dma_start3A_925] : memref<8192x2048xf32, #tpu.memory_space<hbm>> -> memref<8x2048xf32, #tpu.memory_space<hbm>>
    %dma_start3A_927 = arith.constant 0 : i32
    %dma_start3A_928 = tpu.memref_slice %arg4[%add3A_924, %dma_start3A_927] : memref<8192x2048xf32, #tpu.memory_space<hbm>> -> memref<8x2048xf32, #tpu.memory_space<hbm>>
    tpu.enqueue_dma source(%arg10 : memref<8x2048xf32, #tpu.memory_space<vmem>>) target(%dma_start3A_928 : memref<8x2048xf32, #tpu.memory_space<hbm>>) target_semaphore(%arg17 : memref<!tpu.dma_semaphore, #tpu.memory_space<semaphore_mem>>)
    %add3A_929 = arith.constant 2048 : i32
    %add3A_930 = arith.addi %add3A_929, %mul3A_2 : i32
    %add3A_931 = arith.constant 48 : i32
    %add3A_932 = arith.addi %add3A_930, %add3A_931 : i32
    %dma_start3A_933 = arith.constant 0 : i32
    %dma_start3A_934 = tpu.memref_slice %arg2[%add3A_932, %dma_start3A_933] : memref<8192x2048xf32, #tpu.memory_space<hbm>> -> memref<8x2048xf32, #tpu.memory_space<hbm>>
    %dma_start3A_935 = arith.constant 0 : i32
    %dma_start3A_936 = tpu.memref_slice %arg2[%add3A_932, %dma_start3A_935] : memref<8192x2048xf32, #tpu.memory_space<hbm>> -> memref<8x2048xf32, #tpu.memory_space<hbm>>
    tpu.enqueue_dma source(%dma_start3A_936 : memref<8x2048xf32, #tpu.memory_space<hbm>>) target(%arg6 : memref<8x2048xf32, #tpu.memory_space<vmem>>) target_semaphore(%arg13 : memref<!tpu.dma_semaphore, #tpu.memory_space<semaphore_mem>>)
    %add3A_937 = arith.constant 6144 : i32
    %add3A_938 = arith.addi %add3A_937, %mul3A_2 : i32
    %add3A_939 = arith.constant 40 : i32
    %add3A_940 = arith.addi %add3A_938, %add3A_939 : i32
    %dma_wait3A_941 = arith.constant 0 : i32
    %dma_wait3A_942 = tpu.memref_slice %arg2[%add3A_940, %dma_wait3A_941] : memref<8192x2048xf32, #tpu.memory_space<hbm>> -> memref<8x2048xf32, #tpu.memory_space<hbm>>
    %dma_wait3A_943 = arith.constant 0 : i32
    %dma_wait3A_944 = tpu.memref_slice %arg2[%add3A_940, %dma_wait3A_943] : memref<8192x2048xf32, #tpu.memory_space<hbm>> -> memref<8x2048xf32, #tpu.memory_space<hbm>>
    tpu.wait_dma2 semaphore(%arg14 : memref<!tpu.dma_semaphore, #tpu.memory_space<semaphore_mem>>) src(%dma_wait3A_944 : memref<8x2048xf32, #tpu.memory_space<hbm>>) dst(%arg7 : memref<8x2048xf32, #tpu.memory_space<vmem>>)
    %add3A_945 = arith.constant 2048 : i32
    %add3A_946 = arith.addi %add3A_945, %mul3A_2 : i32
    %add3A_947 = arith.constant 40 : i32
    %add3A_948 = arith.addi %add3A_946, %add3A_947 : i32
    %dma_wait3A_949 = arith.constant 0 : i32
    %dma_wait3A_950 = tpu.memref_slice %arg4[%add3A_948, %dma_wait3A_949] : memref<8192x2048xf32, #tpu.memory_space<hbm>> -> memref<8x2048xf32, #tpu.memory_space<hbm>>
    %dma_wait3A_951 = arith.constant 0 : i32
    %dma_wait3A_952 = tpu.memref_slice %arg4[%add3A_948, %dma_wait3A_951] : memref<8192x2048xf32, #tpu.memory_space<hbm>> -> memref<8x2048xf32, #tpu.memory_space<hbm>>
    tpu.wait_dma2 semaphore(%arg18 : memref<!tpu.dma_semaphore, #tpu.memory_space<semaphore_mem>>) src(%arg11 : memref<8x2048xf32, #tpu.memory_space<vmem>>) dst(%dma_wait3A_952 : memref<8x2048xf32, #tpu.memory_space<hbm>>)
    %scan3A_953 = arith.constant 0 : i32
    %scan3A_954 = arith.constant 8 : i32
    %scan3A_955 = arith.addi %scan3A_953, %scan3A_954 : i32
    %scan3A_956 = arith.constant 1 : i32
    scf.for %scan3A_1280 = %scan3A_953 to %scan3A_955 step %scan3A_956  : i32 {
      %mul3A_1281 = arith.constant 1 : i32
      %mul3A_1282 = arith.muli %scan3A_1280, %mul3A_1281 : i32
      %add3A_1283 = arith.constant 0 : i32
      %add3A_1284 = arith.addi %add3A_1283, %mul3A_1282 : i32
      %parallel_loop3A = arith.constant 0 : i32
      %parallel_loop3A_1285 = arith.constant 2048 : i32
      %parallel_loop3A_1286 = arith.constant 16 : i32
      scf.for %parallel_loop3A_1287 = %parallel_loop3A to %parallel_loop3A_1285 step %parallel_loop3A_1286  : i32 {
        %parallel_loop3A_1288 = arith.index_cast %add3A_1284 : i32 to index
        %parallel_loop3A_1289 = arith.index_cast %parallel_loop3A_1287 : i32 to index
        %parallel_loop3A_1290 = tpu.vector_load %arg7[%parallel_loop3A_1288, %parallel_loop3A_1289] {strides = array<i32>} : memref<8x2048xf32, #tpu.memory_space<vmem>>, vector<1x16xf32>,
        %parallel_loop3A_1291 = vector.shape_cast %parallel_loop3A_1290 : vector<1x16xf32> to vector<16xf32>
        %parallel_loop3A_1292 = arith.index_cast %add3A_1284 : i32 to index
        %parallel_loop3A_1293 = arith.index_cast %parallel_loop3A_1287 : i32 to index
        %parallel_loop3A_1294 = tpu.vector_load %arg9[%parallel_loop3A_1292, %parallel_loop3A_1293] {strides = array<i32>} : memref<8x2048xf32, #tpu.memory_space<vmem>>, vector<1x16xf32>,
        %parallel_loop3A_1295 = vector.shape_cast %parallel_loop3A_1294 : vector<1x16xf32> to vector<16xf32>
        %parallel_loop3A_1296 = arith.addf %parallel_loop3A_1291, %parallel_loop3A_1295 : vector<16xf32>
        %parallel_loop3A_1297 = arith.index_cast %add3A_1284 : i32 to index
        %parallel_loop3A_1298 = arith.index_cast %parallel_loop3A_1287 : i32 to index
        %parallel_loop3A_1299 = tpu.vector_load %arg11[%parallel_loop3A_1297, %parallel_loop3A_1298] {strides = array<i32>} : memref<8x2048xf32, #tpu.memory_space<vmem>>, vector<1x16xf32>,
        %parallel_loop3A_1300 = vector.shape_cast %parallel_loop3A_1299 : vector<1x16xf32> to vector<16xf32>
        %parallel_loop3A_1301 = vector.shape_cast %parallel_loop3A_1296 : vector<16xf32> to vector<1x16xf32>
        tpu.vector_store %arg11[%parallel_loop3A_1297, %parallel_loop3A_1298], %parallel_loop3A_1301 {strides = array<i32>} : memref<8x2048xf32, #tpu.memory_space<vmem>>, vector<1x16xf32>,
      } {sc.loop_unroll_factor = 8 : i64, sc.parallel_access}
    }
    %scan3A_957 = arith.constant 8 : i32
    %add3A_958 = arith.constant 6144 : i32
    %add3A_959 = arith.addi %add3A_958, %mul3A_2 : i32
    %add3A_960 = arith.constant 40 : i32
    %add3A_961 = arith.addi %add3A_959, %add3A_960 : i32
    %dma_start3A_962 = arith.constant 0 : i32
    %dma_start3A_963 = tpu.memref_slice %arg4[%add3A_961, %dma_start3A_962] : memref<8192x2048xf32, #tpu.memory_space<hbm>> -> memref<8x2048xf32, #tpu.memory_space<hbm>>
    %dma_start3A_964 = arith.constant 0 : i32
    %dma_start3A_965 = tpu.memref_slice %arg4[%add3A_961, %dma_start3A_964] : memref<8192x2048xf32, #tpu.memory_space<hbm>> -> memref<8x2048xf32, #tpu.memory_space<hbm>>
    tpu.enqueue_dma source(%arg11 : memref<8x2048xf32, #tpu.memory_space<vmem>>) target(%dma_start3A_965 : memref<8x2048xf32, #tpu.memory_space<hbm>>) target_semaphore(%arg18 : memref<!tpu.dma_semaphore, #tpu.memory_space<semaphore_mem>>)
    %add3A_966 = arith.constant 4096 : i32
    %add3A_967 = arith.addi %add3A_966, %mul3A_2 : i32
    %add3A_968 = arith.constant 48 : i32
    %add3A_969 = arith.addi %add3A_967, %add3A_968 : i32
    %dma_start3A_970 = arith.constant 0 : i32
    %dma_start3A_971 = tpu.memref_slice %arg2[%add3A_969, %dma_start3A_970] : memref<8192x2048xf32, #tpu.memory_space<hbm>> -> memref<8x2048xf32, #tpu.memory_space<hbm>>
    %dma_start3A_972 = arith.constant 0 : i32
    %dma_start3A_973 = tpu.memref_slice %arg2[%add3A_969, %dma_start3A_972] : memref<8192x2048xf32, #tpu.memory_space<hbm>> -> memref<8x2048xf32, #tpu.memory_space<hbm>>
    tpu.enqueue_dma source(%dma_start3A_973 : memref<8x2048xf32, #tpu.memory_space<hbm>>) target(%arg7 : memref<8x2048xf32, #tpu.memory_space<vmem>>) target_semaphore(%arg14 : memref<!tpu.dma_semaphore, #tpu.memory_space<semaphore_mem>>)
    %add3A_974 = arith.constant 48 : i32
    %add3A_975 = arith.addi %mul3A_2, %add3A_974 : i32
    %dma_wait3A_976 = arith.constant 0 : i32
    %dma_wait3A_977 = tpu.memref_slice %arg3[%add3A_975, %dma_wait3A_976] : memref<2049x2048xf32, #tpu.memory_space<hbm>> -> memref<8x2048xf32, #tpu.memory_space<hbm>>
    %dma_wait3A_978 = arith.constant 0 : i32
    %dma_wait3A_979 = tpu.memref_slice %arg3[%add3A_975, %dma_wait3A_978] : memref<2049x2048xf32, #tpu.memory_space<hbm>> -> memref<8x2048xf32, #tpu.memory_space<hbm>>
    tpu.wait_dma2 semaphore(%arg15 : memref<!tpu.dma_semaphore, #tpu.memory_space<semaphore_mem>>) src(%dma_wait3A_979 : memref<8x2048xf32, #tpu.memory_space<hbm>>) dst(%arg8 : memref<8x2048xf32, #tpu.memory_space<vmem>>)
    %add3A_980 = arith.constant 56 : i32
    %add3A_981 = arith.addi %mul3A_2, %add3A_980 : i32
    %dma_start3A_982 = arith.constant 0 : i32
    %dma_start3A_983 = tpu.memref_slice %arg3[%add3A_981, %dma_start3A_982] : memref<2049x2048xf32, #tpu.memory_space<hbm>> -> memref<8x2048xf32, #tpu.memory_space<hbm>>
    %dma_start3A_984 = arith.constant 0 : i32
    %dma_start3A_985 = tpu.memref_slice %arg3[%add3A_981, %dma_start3A_984] : memref<2049x2048xf32, #tpu.memory_space<hbm>> -> memref<8x2048xf32, #tpu.memory_space<hbm>>
    tpu.enqueue_dma source(%dma_start3A_985 : memref<8x2048xf32, #tpu.memory_space<hbm>>) target(%arg9 : memref<8x2048xf32, #tpu.memory_space<vmem>>) target_semaphore(%arg16 : memref<!tpu.dma_semaphore, #tpu.memory_space<semaphore_mem>>)
    %add3A_986 = arith.constant 0 : i32
    %add3A_987 = arith.addi %add3A_986, %mul3A_2 : i32
    %add3A_988 = arith.constant 48 : i32
    %add3A_989 = arith.addi %add3A_987, %add3A_988 : i32
    %dma_wait3A_990 = arith.constant 0 : i32
    %dma_wait3A_991 = tpu.memref_slice %arg2[%add3A_989, %dma_wait3A_990] : memref<8192x2048xf32, #tpu.memory_space<hbm>> -> memref<8x2048xf32, #tpu.memory_space<hbm>>
    %dma_wait3A_992 = arith.constant 0 : i32
    %dma_wait3A_993 = tpu.memref_slice %arg2[%add3A_989, %dma_wait3A_992] : memref<8192x2048xf32, #tpu.memory_space<hbm>> -> memref<8x2048xf32, #tpu.memory_space<hbm>>
    tpu.wait_dma2 semaphore(%arg12 : memref<!tpu.dma_semaphore, #tpu.memory_space<semaphore_mem>>) src(%dma_wait3A_993 : memref<8x2048xf32, #tpu.memory_space<hbm>>) dst(%arg5 : memref<8x2048xf32, #tpu.memory_space<vmem>>)
    %add3A_994 = arith.constant 4096 : i32
    %add3A_995 = arith.addi %add3A_994, %mul3A_2 : i32
    %add3A_996 = arith.constant 40 : i32
    %add3A_997 = arith.addi %add3A_995, %add3A_996 : i32
    %dma_wait3A_998 = arith.constant 0 : i32
    %dma_wait3A_999 = tpu.memref_slice %arg4[%add3A_997, %dma_wait3A_998] : memref<8192x2048xf32, #tpu.memory_space<hbm>> -> memref<8x2048xf32, #tpu.memory_space<hbm>>
    %dma_wait3A_1000 = arith.constant 0 : i32
    %dma_wait3A_1001 = tpu.memref_slice %arg4[%add3A_997, %dma_wait3A_1000] : memref<8192x2048xf32, #tpu.memory_space<hbm>> -> memref<8x2048xf32, #tpu.memory_space<hbm>>
    tpu.wait_dma2 semaphore(%arg17 : memref<!tpu.dma_semaphore, #tpu.memory_space<semaphore_mem>>) src(%arg10 : memref<8x2048xf32, #tpu.memory_space<vmem>>) dst(%dma_wait3A_1001 : memref<8x2048xf32, #tpu.memory_space<hbm>>)
    %scan3A_1002 = arith.constant 0 : i32
    %scan3A_1003 = arith.constant 8 : i32
    %scan3A_1004 = arith.addi %scan3A_1002, %scan3A_1003 : i32
    %scan3A_1005 = arith.constant 1 : i32
    scf.for %scan3A_1280 = %scan3A_1002 to %scan3A_1004 step %scan3A_1005  : i32 {
      %mul3A_1281 = arith.constant 1 : i32
      %mul3A_1282 = arith.muli %scan3A_1280, %mul3A_1281 : i32
      %add3A_1283 = arith.constant 0 : i32
      %add3A_1284 = arith.addi %add3A_1283, %mul3A_1282 : i32
      %parallel_loop3A = arith.constant 0 : i32
      %parallel_loop3A_1285 = arith.constant 2048 : i32
      %parallel_loop3A_1286 = arith.constant 16 : i32
      scf.for %parallel_loop3A_1287 = %parallel_loop3A to %parallel_loop3A_1285 step %parallel_loop3A_1286  : i32 {
        %parallel_loop3A_1288 = arith.index_cast %add3A_1284 : i32 to index
        %parallel_loop3A_1289 = arith.index_cast %parallel_loop3A_1287 : i32 to index
        %parallel_loop3A_1290 = tpu.vector_load %arg5[%parallel_loop3A_1288, %parallel_loop3A_1289] {strides = array<i32>} : memref<8x2048xf32, #tpu.memory_space<vmem>>, vector<1x16xf32>,
        %parallel_loop3A_1291 = vector.shape_cast %parallel_loop3A_1290 : vector<1x16xf32> to vector<16xf32>
        %parallel_loop3A_1292 = arith.index_cast %add3A_1284 : i32 to index
        %parallel_loop3A_1293 = arith.index_cast %parallel_loop3A_1287 : i32 to index
        %parallel_loop3A_1294 = tpu.vector_load %arg8[%parallel_loop3A_1292, %parallel_loop3A_1293] {strides = array<i32>} : memref<8x2048xf32, #tpu.memory_space<vmem>>, vector<1x16xf32>,
        %parallel_loop3A_1295 = vector.shape_cast %parallel_loop3A_1294 : vector<1x16xf32> to vector<16xf32>
        %parallel_loop3A_1296 = arith.addf %parallel_loop3A_1291, %parallel_loop3A_1295 : vector<16xf32>
        %parallel_loop3A_1297 = arith.index_cast %add3A_1284 : i32 to index
        %parallel_loop3A_1298 = arith.index_cast %parallel_loop3A_1287 : i32 to index
        %parallel_loop3A_1299 = tpu.vector_load %arg10[%parallel_loop3A_1297, %parallel_loop3A_1298] {strides = array<i32>} : memref<8x2048xf32, #tpu.memory_space<vmem>>, vector<1x16xf32>,
        %parallel_loop3A_1300 = vector.shape_cast %parallel_loop3A_1299 : vector<1x16xf32> to vector<16xf32>
        %parallel_loop3A_1301 = vector.shape_cast %parallel_loop3A_1296 : vector<16xf32> to vector<1x16xf32>
        tpu.vector_store %arg10[%parallel_loop3A_1297, %parallel_loop3A_1298], %parallel_loop3A_1301 {strides = array<i32>} : memref<8x2048xf32, #tpu.memory_space<vmem>>, vector<1x16xf32>,
      } {sc.loop_unroll_factor = 8 : i64, sc.parallel_access}
    }
    %scan3A_1006 = arith.constant 8 : i32
    %add3A_1007 = arith.constant 0 : i32
    %add3A_1008 = arith.addi %add3A_1007, %mul3A_2 : i32
    %add3A_1009 = arith.constant 48 : i32
    %add3A_1010 = arith.addi %add3A_1008, %add3A_1009 : i32
    %dma_start3A_1011 = arith.constant 0 : i32
    %dma_start3A_1012 = tpu.memref_slice %arg4[%add3A_1010, %dma_start3A_1011] : memref<8192x2048xf32, #tpu.memory_space<hbm>> -> memref<8x2048xf32, #tpu.memory_space<hbm>>
    %dma_start3A_1013 = arith.constant 0 : i32
    %dma_start3A_1014 = tpu.memref_slice %arg4[%add3A_1010, %dma_start3A_1013] : memref<8192x2048xf32, #tpu.memory_space<hbm>> -> memref<8x2048xf32, #tpu.memory_space<hbm>>
    tpu.enqueue_dma source(%arg10 : memref<8x2048xf32, #tpu.memory_space<vmem>>) target(%dma_start3A_1014 : memref<8x2048xf32, #tpu.memory_space<hbm>>) target_semaphore(%arg17 : memref<!tpu.dma_semaphore, #tpu.memory_space<semaphore_mem>>)
    %add3A_1015 = arith.constant 6144 : i32
    %add3A_1016 = arith.addi %add3A_1015, %mul3A_2 : i32
    %add3A_1017 = arith.constant 48 : i32
    %add3A_1018 = arith.addi %add3A_1016, %add3A_1017 : i32
    %dma_start3A_1019 = arith.constant 0 : i32
    %dma_start3A_1020 = tpu.memref_slice %arg2[%add3A_1018, %dma_start3A_1019] : memref<8192x2048xf32, #tpu.memory_space<hbm>> -> memref<8x2048xf32, #tpu.memory_space<hbm>>
    %dma_start3A_1021 = arith.constant 0 : i32
    %dma_start3A_1022 = tpu.memref_slice %arg2[%add3A_1018, %dma_start3A_1021] : memref<8192x2048xf32, #tpu.memory_space<hbm>> -> memref<8x2048xf32, #tpu.memory_space<hbm>>
    tpu.enqueue_dma source(%dma_start3A_1022 : memref<8x2048xf32, #tpu.memory_space<hbm>>) target(%arg5 : memref<8x2048xf32, #tpu.memory_space<vmem>>) target_semaphore(%arg12 : memref<!tpu.dma_semaphore, #tpu.memory_space<semaphore_mem>>)
    %add3A_1023 = arith.constant 2048 : i32
    %add3A_1024 = arith.addi %add3A_1023, %mul3A_2 : i32
    %add3A_1025 = arith.constant 48 : i32
    %add3A_1026 = arith.addi %add3A_1024, %add3A_1025 : i32
    %dma_wait3A_1027 = arith.constant 0 : i32
    %dma_wait3A_1028 = tpu.memref_slice %arg2[%add3A_1026, %dma_wait3A_1027] : memref<8192x2048xf32, #tpu.memory_space<hbm>> -> memref<8x2048xf32, #tpu.memory_space<hbm>>
    %dma_wait3A_1029 = arith.constant 0 : i32
    %dma_wait3A_1030 = tpu.memref_slice %arg2[%add3A_1026, %dma_wait3A_1029] : memref<8192x2048xf32, #tpu.memory_space<hbm>> -> memref<8x2048xf32, #tpu.memory_space<hbm>>
    tpu.wait_dma2 semaphore(%arg13 : memref<!tpu.dma_semaphore, #tpu.memory_space<semaphore_mem>>) src(%dma_wait3A_1030 : memref<8x2048xf32, #tpu.memory_space<hbm>>) dst(%arg6 : memref<8x2048xf32, #tpu.memory_space<vmem>>)
    %add3A_1031 = arith.constant 6144 : i32
    %add3A_1032 = arith.addi %add3A_1031, %mul3A_2 : i32
    %add3A_1033 = arith.constant 40 : i32
    %add3A_1034 = arith.addi %add3A_1032, %add3A_1033 : i32
    %dma_wait3A_1035 = arith.constant 0 : i32
    %dma_wait3A_1036 = tpu.memref_slice %arg4[%add3A_1034, %dma_wait3A_1035] : memref<8192x2048xf32, #tpu.memory_space<hbm>> -> memref<8x2048xf32, #tpu.memory_space<hbm>>
    %dma_wait3A_1037 = arith.constant 0 : i32
    %dma_wait3A_1038 = tpu.memref_slice %arg4[%add3A_1034, %dma_wait3A_1037] : memref<8192x2048xf32, #tpu.memory_space<hbm>> -> memref<8x2048xf32, #tpu.memory_space<hbm>>
    tpu.wait_dma2 semaphore(%arg18 : memref<!tpu.dma_semaphore, #tpu.memory_space<semaphore_mem>>) src(%arg11 : memref<8x2048xf32, #tpu.memory_space<vmem>>) dst(%dma_wait3A_1038 : memref<8x2048xf32, #tpu.memory_space<hbm>>)
    %scan3A_1039 = arith.constant 0 : i32
    %scan3A_1040 = arith.constant 8 : i32
    %scan3A_1041 = arith.addi %scan3A_1039, %scan3A_1040 : i32
    %scan3A_1042 = arith.constant 1 : i32
    scf.for %scan3A_1280 = %scan3A_1039 to %scan3A_1041 step %scan3A_1042  : i32 {
      %mul3A_1281 = arith.constant 1 : i32
      %mul3A_1282 = arith.muli %scan3A_1280, %mul3A_1281 : i32
      %add3A_1283 = arith.constant 0 : i32
      %add3A_1284 = arith.addi %add3A_1283, %mul3A_1282 : i32
      %parallel_loop3A = arith.constant 0 : i32
      %parallel_loop3A_1285 = arith.constant 2048 : i32
      %parallel_loop3A_1286 = arith.constant 16 : i32
      scf.for %parallel_loop3A_1287 = %parallel_loop3A to %parallel_loop3A_1285 step %parallel_loop3A_1286  : i32 {
        %parallel_loop3A_1288 = arith.index_cast %add3A_1284 : i32 to index
        %parallel_loop3A_1289 = arith.index_cast %parallel_loop3A_1287 : i32 to index
        %parallel_loop3A_1290 = tpu.vector_load %arg6[%parallel_loop3A_1288, %parallel_loop3A_1289] {strides = array<i32>} : memref<8x2048xf32, #tpu.memory_space<vmem>>, vector<1x16xf32>,
        %parallel_loop3A_1291 = vector.shape_cast %parallel_loop3A_1290 : vector<1x16xf32> to vector<16xf32>
        %parallel_loop3A_1292 = arith.index_cast %add3A_1284 : i32 to index
        %parallel_loop3A_1293 = arith.index_cast %parallel_loop3A_1287 : i32 to index
        %parallel_loop3A_1294 = tpu.vector_load %arg8[%parallel_loop3A_1292, %parallel_loop3A_1293] {strides = array<i32>} : memref<8x2048xf32, #tpu.memory_space<vmem>>, vector<1x16xf32>,
        %parallel_loop3A_1295 = vector.shape_cast %parallel_loop3A_1294 : vector<1x16xf32> to vector<16xf32>
        %parallel_loop3A_1296 = arith.addf %parallel_loop3A_1291, %parallel_loop3A_1295 : vector<16xf32>
        %parallel_loop3A_1297 = arith.index_cast %add3A_1284 : i32 to index
        %parallel_loop3A_1298 = arith.index_cast %parallel_loop3A_1287 : i32 to index
        %parallel_loop3A_1299 = tpu.vector_load %arg11[%parallel_loop3A_1297, %parallel_loop3A_1298] {strides = array<i32>} : memref<8x2048xf32, #tpu.memory_space<vmem>>, vector<1x16xf32>,
        %parallel_loop3A_1300 = vector.shape_cast %parallel_loop3A_1299 : vector<1x16xf32> to vector<16xf32>
        %parallel_loop3A_1301 = vector.shape_cast %parallel_loop3A_1296 : vector<16xf32> to vector<1x16xf32>
        tpu.vector_store %arg11[%parallel_loop3A_1297, %parallel_loop3A_1298], %parallel_loop3A_1301 {strides = array<i32>} : memref<8x2048xf32, #tpu.memory_space<vmem>>, vector<1x16xf32>,
      } {sc.loop_unroll_factor = 8 : i64, sc.parallel_access}
    }
    %scan3A_1043 = arith.constant 8 : i32
    %add3A_1044 = arith.constant 2048 : i32
    %add3A_1045 = arith.addi %add3A_1044, %mul3A_2 : i32
    %add3A_1046 = arith.constant 48 : i32
    %add3A_1047 = arith.addi %add3A_1045, %add3A_1046 : i32
    %dma_start3A_1048 = arith.constant 0 : i32
    %dma_start3A_1049 = tpu.memref_slice %arg4[%add3A_1047, %dma_start3A_1048] : memref<8192x2048xf32, #tpu.memory_space<hbm>> -> memref<8x2048xf32, #tpu.memory_space<hbm>>
    %dma_start3A_1050 = arith.constant 0 : i32
    %dma_start3A_1051 = tpu.memref_slice %arg4[%add3A_1047, %dma_start3A_1050] : memref<8192x2048xf32, #tpu.memory_space<hbm>> -> memref<8x2048xf32, #tpu.memory_space<hbm>>
    tpu.enqueue_dma source(%arg11 : memref<8x2048xf32, #tpu.memory_space<vmem>>) target(%dma_start3A_1051 : memref<8x2048xf32, #tpu.memory_space<hbm>>) target_semaphore(%arg18 : memref<!tpu.dma_semaphore, #tpu.memory_space<semaphore_mem>>)
    %add3A_1052 = arith.constant 0 : i32
    %add3A_1053 = arith.addi %add3A_1052, %mul3A_2 : i32
    %add3A_1054 = arith.constant 56 : i32
    %add3A_1055 = arith.addi %add3A_1053, %add3A_1054 : i32
    %dma_start3A_1056 = arith.constant 0 : i32
    %dma_start3A_1057 = tpu.memref_slice %arg2[%add3A_1055, %dma_start3A_1056] : memref<8192x2048xf32, #tpu.memory_space<hbm>> -> memref<8x2048xf32, #tpu.memory_space<hbm>>
    %dma_start3A_1058 = arith.constant 0 : i32
    %dma_start3A_1059 = tpu.memref_slice %arg2[%add3A_1055, %dma_start3A_1058] : memref<8192x2048xf32, #tpu.memory_space<hbm>> -> memref<8x2048xf32, #tpu.memory_space<hbm>>
    tpu.enqueue_dma source(%dma_start3A_1059 : memref<8x2048xf32, #tpu.memory_space<hbm>>) target(%arg6 : memref<8x2048xf32, #tpu.memory_space<vmem>>) target_semaphore(%arg13 : memref<!tpu.dma_semaphore, #tpu.memory_space<semaphore_mem>>)
    %add3A_1060 = arith.constant 4096 : i32
    %add3A_1061 = arith.addi %add3A_1060, %mul3A_2 : i32
    %add3A_1062 = arith.constant 48 : i32
    %add3A_1063 = arith.addi %add3A_1061, %add3A_1062 : i32
    %dma_wait3A_1064 = arith.constant 0 : i32
    %dma_wait3A_1065 = tpu.memref_slice %arg2[%add3A_1063, %dma_wait3A_1064] : memref<8192x2048xf32, #tpu.memory_space<hbm>> -> memref<8x2048xf32, #tpu.memory_space<hbm>>
    %dma_wait3A_1066 = arith.constant 0 : i32
    %dma_wait3A_1067 = tpu.memref_slice %arg2[%add3A_1063, %dma_wait3A_1066] : memref<8192x2048xf32, #tpu.memory_space<hbm>> -> memref<8x2048xf32, #tpu.memory_space<hbm>>
    tpu.wait_dma2 semaphore(%arg14 : memref<!tpu.dma_semaphore, #tpu.memory_space<semaphore_mem>>) src(%dma_wait3A_1067 : memref<8x2048xf32, #tpu.memory_space<hbm>>) dst(%arg7 : memref<8x2048xf32, #tpu.memory_space<vmem>>)
    %add3A_1068 = arith.constant 0 : i32
    %add3A_1069 = arith.addi %add3A_1068, %mul3A_2 : i32
    %add3A_1070 = arith.constant 48 : i32
    %add3A_1071 = arith.addi %add3A_1069, %add3A_1070 : i32
    %dma_wait3A_1072 = arith.constant 0 : i32
    %dma_wait3A_1073 = tpu.memref_slice %arg4[%add3A_1071, %dma_wait3A_1072] : memref<8192x2048xf32, #tpu.memory_space<hbm>> -> memref<8x2048xf32, #tpu.memory_space<hbm>>
    %dma_wait3A_1074 = arith.constant 0 : i32
    %dma_wait3A_1075 = tpu.memref_slice %arg4[%add3A_1071, %dma_wait3A_1074] : memref<8192x2048xf32, #tpu.memory_space<hbm>> -> memref<8x2048xf32, #tpu.memory_space<hbm>>
    tpu.wait_dma2 semaphore(%arg17 : memref<!tpu.dma_semaphore, #tpu.memory_space<semaphore_mem>>) src(%arg10 : memref<8x2048xf32, #tpu.memory_space<vmem>>) dst(%dma_wait3A_1075 : memref<8x2048xf32, #tpu.memory_space<hbm>>)
    %scan3A_1076 = arith.constant 0 : i32
    %scan3A_1077 = arith.constant 8 : i32
    %scan3A_1078 = arith.addi %scan3A_1076, %scan3A_1077 : i32
    %scan3A_1079 = arith.constant 1 : i32
    scf.for %scan3A_1280 = %scan3A_1076 to %scan3A_1078 step %scan3A_1079  : i32 {
      %mul3A_1281 = arith.constant 1 : i32
      %mul3A_1282 = arith.muli %scan3A_1280, %mul3A_1281 : i32
      %add3A_1283 = arith.constant 0 : i32
      %add3A_1284 = arith.addi %add3A_1283, %mul3A_1282 : i32
      %parallel_loop3A = arith.constant 0 : i32
      %parallel_loop3A_1285 = arith.constant 2048 : i32
      %parallel_loop3A_1286 = arith.constant 16 : i32
      scf.for %parallel_loop3A_1287 = %parallel_loop3A to %parallel_loop3A_1285 step %parallel_loop3A_1286  : i32 {
        %parallel_loop3A_1288 = arith.index_cast %add3A_1284 : i32 to index
        %parallel_loop3A_1289 = arith.index_cast %parallel_loop3A_1287 : i32 to index
        %parallel_loop3A_1290 = tpu.vector_load %arg7[%parallel_loop3A_1288, %parallel_loop3A_1289] {strides = array<i32>} : memref<8x2048xf32, #tpu.memory_space<vmem>>, vector<1x16xf32>,
        %parallel_loop3A_1291 = vector.shape_cast %parallel_loop3A_1290 : vector<1x16xf32> to vector<16xf32>
        %parallel_loop3A_1292 = arith.index_cast %add3A_1284 : i32 to index
        %parallel_loop3A_1293 = arith.index_cast %parallel_loop3A_1287 : i32 to index
        %parallel_loop3A_1294 = tpu.vector_load %arg8[%parallel_loop3A_1292, %parallel_loop3A_1293] {strides = array<i32>} : memref<8x2048xf32, #tpu.memory_space<vmem>>, vector<1x16xf32>,
        %parallel_loop3A_1295 = vector.shape_cast %parallel_loop3A_1294 : vector<1x16xf32> to vector<16xf32>
        %parallel_loop3A_1296 = arith.addf %parallel_loop3A_1291, %parallel_loop3A_1295 : vector<16xf32>
        %parallel_loop3A_1297 = arith.index_cast %add3A_1284 : i32 to index
        %parallel_loop3A_1298 = arith.index_cast %parallel_loop3A_1287 : i32 to index
        %parallel_loop3A_1299 = tpu.vector_load %arg10[%parallel_loop3A_1297, %parallel_loop3A_1298] {strides = array<i32>} : memref<8x2048xf32, #tpu.memory_space<vmem>>, vector<1x16xf32>,
        %parallel_loop3A_1300 = vector.shape_cast %parallel_loop3A_1299 : vector<1x16xf32> to vector<16xf32>
        %parallel_loop3A_1301 = vector.shape_cast %parallel_loop3A_1296 : vector<16xf32> to vector<1x16xf32>
        tpu.vector_store %arg10[%parallel_loop3A_1297, %parallel_loop3A_1298], %parallel_loop3A_1301 {strides = array<i32>} : memref<8x2048xf32, #tpu.memory_space<vmem>>, vector<1x16xf32>,
      } {sc.loop_unroll_factor = 8 : i64, sc.parallel_access}
    }
    %scan3A_1080 = arith.constant 8 : i32
    %add3A_1081 = arith.constant 4096 : i32
    %add3A_1082 = arith.addi %add3A_1081, %mul3A_2 : i32
    %add3A_1083 = arith.constant 48 : i32
    %add3A_1084 = arith.addi %add3A_1082, %add3A_1083 : i32
    %dma_start3A_1085 = arith.constant 0 : i32
    %dma_start3A_1086 = tpu.memref_slice %arg4[%add3A_1084, %dma_start3A_1085] : memref<8192x2048xf32, #tpu.memory_space<hbm>> -> memref<8x2048xf32, #tpu.memory_space<hbm>>
    %dma_start3A_1087 = arith.constant 0 : i32
    %dma_start3A_1088 = tpu.memref_slice %arg4[%add3A_1084, %dma_start3A_1087] : memref<8192x2048xf32, #tpu.memory_space<hbm>> -> memref<8x2048xf32, #tpu.memory_space<hbm>>
    tpu.enqueue_dma source(%arg10 : memref<8x2048xf32, #tpu.memory_space<vmem>>) target(%dma_start3A_1088 : memref<8x2048xf32, #tpu.memory_space<hbm>>) target_semaphore(%arg17 : memref<!tpu.dma_semaphore, #tpu.memory_space<semaphore_mem>>)
    %add3A_1089 = arith.constant 2048 : i32
    %add3A_1090 = arith.addi %add3A_1089, %mul3A_2 : i32
    %add3A_1091 = arith.constant 56 : i32
    %add3A_1092 = arith.addi %add3A_1090, %add3A_1091 : i32
    %dma_start3A_1093 = arith.constant 0 : i32
    %dma_start3A_1094 = tpu.memref_slice %arg2[%add3A_1092, %dma_start3A_1093] : memref<8192x2048xf32, #tpu.memory_space<hbm>> -> memref<8x2048xf32, #tpu.memory_space<hbm>>
    %dma_start3A_1095 = arith.constant 0 : i32
    %dma_start3A_1096 = tpu.memref_slice %arg2[%add3A_1092, %dma_start3A_1095] : memref<8192x2048xf32, #tpu.memory_space<hbm>> -> memref<8x2048xf32, #tpu.memory_space<hbm>>
    tpu.enqueue_dma source(%dma_start3A_1096 : memref<8x2048xf32, #tpu.memory_space<hbm>>) target(%arg7 : memref<8x2048xf32, #tpu.memory_space<vmem>>) target_semaphore(%arg14 : memref<!tpu.dma_semaphore, #tpu.memory_space<semaphore_mem>>)
    %add3A_1097 = arith.constant 6144 : i32
    %add3A_1098 = arith.addi %add3A_1097, %mul3A_2 : i32
    %add3A_1099 = arith.constant 48 : i32
    %add3A_1100 = arith.addi %add3A_1098, %add3A_1099 : i32
    %dma_wait3A_1101 = arith.constant 0 : i32
    %dma_wait3A_1102 = tpu.memref_slice %arg2[%add3A_1100, %dma_wait3A_1101] : memref<8192x2048xf32, #tpu.memory_space<hbm>> -> memref<8x2048xf32, #tpu.memory_space<hbm>>
    %dma_wait3A_1103 = arith.constant 0 : i32
    %dma_wait3A_1104 = tpu.memref_slice %arg2[%add3A_1100, %dma_wait3A_1103] : memref<8192x2048xf32, #tpu.memory_space<hbm>> -> memref<8x2048xf32, #tpu.memory_space<hbm>>
    tpu.wait_dma2 semaphore(%arg12 : memref<!tpu.dma_semaphore, #tpu.memory_space<semaphore_mem>>) src(%dma_wait3A_1104 : memref<8x2048xf32, #tpu.memory_space<hbm>>) dst(%arg5 : memref<8x2048xf32, #tpu.memory_space<vmem>>)
    %add3A_1105 = arith.constant 2048 : i32
    %add3A_1106 = arith.addi %add3A_1105, %mul3A_2 : i32
    %add3A_1107 = arith.constant 48 : i32
    %add3A_1108 = arith.addi %add3A_1106, %add3A_1107 : i32
    %dma_wait3A_1109 = arith.constant 0 : i32
    %dma_wait3A_1110 = tpu.memref_slice %arg4[%add3A_1108, %dma_wait3A_1109] : memref<8192x2048xf32, #tpu.memory_space<hbm>> -> memref<8x2048xf32, #tpu.memory_space<hbm>>
    %dma_wait3A_1111 = arith.constant 0 : i32
    %dma_wait3A_1112 = tpu.memref_slice %arg4[%add3A_1108, %dma_wait3A_1111] : memref<8192x2048xf32, #tpu.memory_space<hbm>> -> memref<8x2048xf32, #tpu.memory_space<hbm>>
    tpu.wait_dma2 semaphore(%arg18 : memref<!tpu.dma_semaphore, #tpu.memory_space<semaphore_mem>>) src(%arg11 : memref<8x2048xf32, #tpu.memory_space<vmem>>) dst(%dma_wait3A_1112 : memref<8x2048xf32, #tpu.memory_space<hbm>>)
    %scan3A_1113 = arith.constant 0 : i32
    %scan3A_1114 = arith.constant 8 : i32
    %scan3A_1115 = arith.addi %scan3A_1113, %scan3A_1114 : i32
    %scan3A_1116 = arith.constant 1 : i32
    scf.for %scan3A_1280 = %scan3A_1113 to %scan3A_1115 step %scan3A_1116  : i32 {
      %mul3A_1281 = arith.constant 1 : i32
      %mul3A_1282 = arith.muli %scan3A_1280, %mul3A_1281 : i32
      %add3A_1283 = arith.constant 0 : i32
      %add3A_1284 = arith.addi %add3A_1283, %mul3A_1282 : i32
      %parallel_loop3A = arith.constant 0 : i32
      %parallel_loop3A_1285 = arith.constant 2048 : i32
      %parallel_loop3A_1286 = arith.constant 16 : i32
      scf.for %parallel_loop3A_1287 = %parallel_loop3A to %parallel_loop3A_1285 step %parallel_loop3A_1286  : i32 {
        %parallel_loop3A_1288 = arith.index_cast %add3A_1284 : i32 to index
        %parallel_loop3A_1289 = arith.index_cast %parallel_loop3A_1287 : i32 to index
        %parallel_loop3A_1290 = tpu.vector_load %arg5[%parallel_loop3A_1288, %parallel_loop3A_1289] {strides = array<i32>} : memref<8x2048xf32, #tpu.memory_space<vmem>>, vector<1x16xf32>,
        %parallel_loop3A_1291 = vector.shape_cast %parallel_loop3A_1290 : vector<1x16xf32> to vector<16xf32>
        %parallel_loop3A_1292 = arith.index_cast %add3A_1284 : i32 to index
        %parallel_loop3A_1293 = arith.index_cast %parallel_loop3A_1287 : i32 to index
        %parallel_loop3A_1294 = tpu.vector_load %arg8[%parallel_loop3A_1292, %parallel_loop3A_1293] {strides = array<i32>} : memref<8x2048xf32, #tpu.memory_space<vmem>>, vector<1x16xf32>,
        %parallel_loop3A_1295 = vector.shape_cast %parallel_loop3A_1294 : vector<1x16xf32> to vector<16xf32>
        %parallel_loop3A_1296 = arith.addf %parallel_loop3A_1291, %parallel_loop3A_1295 : vector<16xf32>
        %parallel_loop3A_1297 = arith.index_cast %add3A_1284 : i32 to index
        %parallel_loop3A_1298 = arith.index_cast %parallel_loop3A_1287 : i32 to index
        %parallel_loop3A_1299 = tpu.vector_load %arg11[%parallel_loop3A_1297, %parallel_loop3A_1298] {strides = array<i32>} : memref<8x2048xf32, #tpu.memory_space<vmem>>, vector<1x16xf32>,
        %parallel_loop3A_1300 = vector.shape_cast %parallel_loop3A_1299 : vector<1x16xf32> to vector<16xf32>
        %parallel_loop3A_1301 = vector.shape_cast %parallel_loop3A_1296 : vector<16xf32> to vector<1x16xf32>
        tpu.vector_store %arg11[%parallel_loop3A_1297, %parallel_loop3A_1298], %parallel_loop3A_1301 {strides = array<i32>} : memref<8x2048xf32, #tpu.memory_space<vmem>>, vector<1x16xf32>,
      } {sc.loop_unroll_factor = 8 : i64, sc.parallel_access}
    }
    %scan3A_1117 = arith.constant 8 : i32
    %add3A_1118 = arith.constant 6144 : i32
    %add3A_1119 = arith.addi %add3A_1118, %mul3A_2 : i32
    %add3A_1120 = arith.constant 48 : i32
    %add3A_1121 = arith.addi %add3A_1119, %add3A_1120 : i32
    %dma_start3A_1122 = arith.constant 0 : i32
    %dma_start3A_1123 = tpu.memref_slice %arg4[%add3A_1121, %dma_start3A_1122] : memref<8192x2048xf32, #tpu.memory_space<hbm>> -> memref<8x2048xf32, #tpu.memory_space<hbm>>
    %dma_start3A_1124 = arith.constant 0 : i32
    %dma_start3A_1125 = tpu.memref_slice %arg4[%add3A_1121, %dma_start3A_1124] : memref<8192x2048xf32, #tpu.memory_space<hbm>> -> memref<8x2048xf32, #tpu.memory_space<hbm>>
    tpu.enqueue_dma source(%arg11 : memref<8x2048xf32, #tpu.memory_space<vmem>>) target(%dma_start3A_1125 : memref<8x2048xf32, #tpu.memory_space<hbm>>) target_semaphore(%arg18 : memref<!tpu.dma_semaphore, #tpu.memory_space<semaphore_mem>>)
    %add3A_1126 = arith.constant 4096 : i32
    %add3A_1127 = arith.addi %add3A_1126, %mul3A_2 : i32
    %add3A_1128 = arith.constant 56 : i32
    %add3A_1129 = arith.addi %add3A_1127, %add3A_1128 : i32
    %dma_start3A_1130 = arith.constant 0 : i32
    %dma_start3A_1131 = tpu.memref_slice %arg2[%add3A_1129, %dma_start3A_1130] : memref<8192x2048xf32, #tpu.memory_space<hbm>> -> memref<8x2048xf32, #tpu.memory_space<hbm>>
    %dma_start3A_1132 = arith.constant 0 : i32
    %dma_start3A_1133 = tpu.memref_slice %arg2[%add3A_1129, %dma_start3A_1132] : memref<8192x2048xf32, #tpu.memory_space<hbm>> -> memref<8x2048xf32, #tpu.memory_space<hbm>>
    tpu.enqueue_dma source(%dma_start3A_1133 : memref<8x2048xf32, #tpu.memory_space<hbm>>) target(%arg5 : memref<8x2048xf32, #tpu.memory_space<vmem>>) target_semaphore(%arg12 : memref<!tpu.dma_semaphore, #tpu.memory_space<semaphore_mem>>)
    %add3A_1134 = arith.constant 56 : i32
    %add3A_1135 = arith.addi %mul3A_2, %add3A_1134 : i32
    %dma_wait3A_1136 = arith.constant 0 : i32
    %dma_wait3A_1137 = tpu.memref_slice %arg3[%add3A_1135, %dma_wait3A_1136] : memref<2049x2048xf32, #tpu.memory_space<hbm>> -> memref<8x2048xf32, #tpu.memory_space<hbm>>
    %dma_wait3A_1138 = arith.constant 0 : i32
    %dma_wait3A_1139 = tpu.memref_slice %arg3[%add3A_1135, %dma_wait3A_1138] : memref<2049x2048xf32, #tpu.memory_space<hbm>> -> memref<8x2048xf32, #tpu.memory_space<hbm>>
    tpu.wait_dma2 semaphore(%arg16 : memref<!tpu.dma_semaphore, #tpu.memory_space<semaphore_mem>>) src(%dma_wait3A_1139 : memref<8x2048xf32, #tpu.memory_space<hbm>>) dst(%arg9 : memref<8x2048xf32, #tpu.memory_space<vmem>>)
    %add3A_1140 = arith.constant 0 : i32
    %add3A_1141 = arith.addi %add3A_1140, %mul3A_2 : i32
    %add3A_1142 = arith.constant 56 : i32
    %add3A_1143 = arith.addi %add3A_1141, %add3A_1142 : i32
    %dma_wait3A_1144 = arith.constant 0 : i32
    %dma_wait3A_1145 = tpu.memref_slice %arg2[%add3A_1143, %dma_wait3A_1144] : memref<8192x2048xf32, #tpu.memory_space<hbm>> -> memref<8x2048xf32, #tpu.memory_space<hbm>>
    %dma_wait3A_1146 = arith.constant 0 : i32
    %dma_wait3A_1147 = tpu.memref_slice %arg2[%add3A_1143, %dma_wait3A_1146] : memref<8192x2048xf32, #tpu.memory_space<hbm>> -> memref<8x2048xf32, #tpu.memory_space<hbm>>
    tpu.wait_dma2 semaphore(%arg13 : memref<!tpu.dma_semaphore, #tpu.memory_space<semaphore_mem>>) src(%dma_wait3A_1147 : memref<8x2048xf32, #tpu.memory_space<hbm>>) dst(%arg6 : memref<8x2048xf32, #tpu.memory_space<vmem>>)
    %add3A_1148 = arith.constant 4096 : i32
    %add3A_1149 = arith.addi %add3A_1148, %mul3A_2 : i32
    %add3A_1150 = arith.constant 48 : i32
    %add3A_1151 = arith.addi %add3A_1149, %add3A_1150 : i32
    %dma_wait3A_1152 = arith.constant 0 : i32
    %dma_wait3A_1153 = tpu.memref_slice %arg4[%add3A_1151, %dma_wait3A_1152] : memref<8192x2048xf32, #tpu.memory_space<hbm>> -> memref<8x2048xf32, #tpu.memory_space<hbm>>
    %dma_wait3A_1154 = arith.constant 0 : i32
    %dma_wait3A_1155 = tpu.memref_slice %arg4[%add3A_1151, %dma_wait3A_1154] : memref<8192x2048xf32, #tpu.memory_space<hbm>> -> memref<8x2048xf32, #tpu.memory_space<hbm>>
    tpu.wait_dma2 semaphore(%arg17 : memref<!tpu.dma_semaphore, #tpu.memory_space<semaphore_mem>>) src(%arg10 : memref<8x2048xf32, #tpu.memory_space<vmem>>) dst(%dma_wait3A_1155 : memref<8x2048xf32, #tpu.memory_space<hbm>>)
    %scan3A_1156 = arith.constant 0 : i32
    %scan3A_1157 = arith.constant 8 : i32
    %scan3A_1158 = arith.addi %scan3A_1156, %scan3A_1157 : i32
    %scan3A_1159 = arith.constant 1 : i32
    scf.for %scan3A_1280 = %scan3A_1156 to %scan3A_1158 step %scan3A_1159  : i32 {
      %mul3A_1281 = arith.constant 1 : i32
      %mul3A_1282 = arith.muli %scan3A_1280, %mul3A_1281 : i32
      %add3A_1283 = arith.constant 0 : i32
      %add3A_1284 = arith.addi %add3A_1283, %mul3A_1282 : i32
      %parallel_loop3A = arith.constant 0 : i32
      %parallel_loop3A_1285 = arith.constant 2048 : i32
      %parallel_loop3A_1286 = arith.constant 16 : i32
      scf.for %parallel_loop3A_1287 = %parallel_loop3A to %parallel_loop3A_1285 step %parallel_loop3A_1286  : i32 {
        %parallel_loop3A_1288 = arith.index_cast %add3A_1284 : i32 to index
        %parallel_loop3A_1289 = arith.index_cast %parallel_loop3A_1287 : i32 to index
        %parallel_loop3A_1290 = tpu.vector_load %arg6[%parallel_loop3A_1288, %parallel_loop3A_1289] {strides = array<i32>} : memref<8x2048xf32, #tpu.memory_space<vmem>>, vector<1x16xf32>,
        %parallel_loop3A_1291 = vector.shape_cast %parallel_loop3A_1290 : vector<1x16xf32> to vector<16xf32>
        %parallel_loop3A_1292 = arith.index_cast %add3A_1284 : i32 to index
        %parallel_loop3A_1293 = arith.index_cast %parallel_loop3A_1287 : i32 to index
        %parallel_loop3A_1294 = tpu.vector_load %arg9[%parallel_loop3A_1292, %parallel_loop3A_1293] {strides = array<i32>} : memref<8x2048xf32, #tpu.memory_space<vmem>>, vector<1x16xf32>,
        %parallel_loop3A_1295 = vector.shape_cast %parallel_loop3A_1294 : vector<1x16xf32> to vector<16xf32>
        %parallel_loop3A_1296 = arith.addf %parallel_loop3A_1291, %parallel_loop3A_1295 : vector<16xf32>
        %parallel_loop3A_1297 = arith.index_cast %add3A_1284 : i32 to index
        %parallel_loop3A_1298 = arith.index_cast %parallel_loop3A_1287 : i32 to index
        %parallel_loop3A_1299 = tpu.vector_load %arg10[%parallel_loop3A_1297, %parallel_loop3A_1298] {strides = array<i32>} : memref<8x2048xf32, #tpu.memory_space<vmem>>, vector<1x16xf32>,
        %parallel_loop3A_1300 = vector.shape_cast %parallel_loop3A_1299 : vector<1x16xf32> to vector<16xf32>
        %parallel_loop3A_1301 = vector.shape_cast %parallel_loop3A_1296 : vector<16xf32> to vector<1x16xf32>
        tpu.vector_store %arg10[%parallel_loop3A_1297, %parallel_loop3A_1298], %parallel_loop3A_1301 {strides = array<i32>} : memref<8x2048xf32, #tpu.memory_space<vmem>>, vector<1x16xf32>,
      } {sc.loop_unroll_factor = 8 : i64, sc.parallel_access}
    }
    %scan3A_1160 = arith.constant 8 : i32
    %add3A_1161 = arith.constant 0 : i32
    %add3A_1162 = arith.addi %add3A_1161, %mul3A_2 : i32
    %add3A_1163 = arith.constant 56 : i32
    %add3A_1164 = arith.addi %add3A_1162, %add3A_1163 : i32
    %dma_start3A_1165 = arith.constant 0 : i32
    %dma_start3A_1166 = tpu.memref_slice %arg4[%add3A_1164, %dma_start3A_1165] : memref<8192x2048xf32, #tpu.memory_space<hbm>> -> memref<8x2048xf32, #tpu.memory_space<hbm>>
    %dma_start3A_1167 = arith.constant 0 : i32
    %dma_start3A_1168 = tpu.memref_slice %arg4[%add3A_1164, %dma_start3A_1167] : memref<8192x2048xf32, #tpu.memory_space<hbm>> -> memref<8x2048xf32, #tpu.memory_space<hbm>>
    tpu.enqueue_dma source(%arg10 : memref<8x2048xf32, #tpu.memory_space<vmem>>) target(%dma_start3A_1168 : memref<8x2048xf32, #tpu.memory_space<hbm>>) target_semaphore(%arg17 : memref<!tpu.dma_semaphore, #tpu.memory_space<semaphore_mem>>)
    %add3A_1169 = arith.constant 6144 : i32
    %add3A_1170 = arith.addi %add3A_1169, %mul3A_2 : i32
    %add3A_1171 = arith.constant 56 : i32
    %add3A_1172 = arith.addi %add3A_1170, %add3A_1171 : i32
    %dma_start3A_1173 = arith.constant 0 : i32
    %dma_start3A_1174 = tpu.memref_slice %arg2[%add3A_1172, %dma_start3A_1173] : memref<8192x2048xf32, #tpu.memory_space<hbm>> -> memref<8x2048xf32, #tpu.memory_space<hbm>>
    %dma_start3A_1175 = arith.constant 0 : i32
    %dma_start3A_1176 = tpu.memref_slice %arg2[%add3A_1172, %dma_start3A_1175] : memref<8192x2048xf32, #tpu.memory_space<hbm>> -> memref<8x2048xf32, #tpu.memory_space<hbm>>
    tpu.enqueue_dma source(%dma_start3A_1176 : memref<8x2048xf32, #tpu.memory_space<hbm>>) target(%arg6 : memref<8x2048xf32, #tpu.memory_space<vmem>>) target_semaphore(%arg13 : memref<!tpu.dma_semaphore, #tpu.memory_space<semaphore_mem>>)
    %add3A_1177 = arith.constant 2048 : i32
    %add3A_1178 = arith.addi %add3A_1177, %mul3A_2 : i32
    %add3A_1179 = arith.constant 56 : i32
    %add3A_1180 = arith.addi %add3A_1178, %add3A_1179 : i32
    %dma_wait3A_1181 = arith.constant 0 : i32
    %dma_wait3A_1182 = tpu.memref_slice %arg2[%add3A_1180, %dma_wait3A_1181] : memref<8192x2048xf32, #tpu.memory_space<hbm>> -> memref<8x2048xf32, #tpu.memory_space<hbm>>
    %dma_wait3A_1183 = arith.constant 0 : i32
    %dma_wait3A_1184 = tpu.memref_slice %arg2[%add3A_1180, %dma_wait3A_1183] : memref<8192x2048xf32, #tpu.memory_space<hbm>> -> memref<8x2048xf32, #tpu.memory_space<hbm>>
    tpu.wait_dma2 semaphore(%arg14 : memref<!tpu.dma_semaphore, #tpu.memory_space<semaphore_mem>>) src(%dma_wait3A_1184 : memref<8x2048xf32, #tpu.memory_space<hbm>>) dst(%arg7 : memref<8x2048xf32, #tpu.memory_space<vmem>>)
    %add3A_1185 = arith.constant 6144 : i32
    %add3A_1186 = arith.addi %add3A_1185, %mul3A_2 : i32
    %add3A_1187 = arith.constant 48 : i32
    %add3A_1188 = arith.addi %add3A_1186, %add3A_1187 : i32
    %dma_wait3A_1189 = arith.constant 0 : i32
    %dma_wait3A_1190 = tpu.memref_slice %arg4[%add3A_1188, %dma_wait3A_1189] : memref<8192x2048xf32, #tpu.memory_space<hbm>> -> memref<8x2048xf32, #tpu.memory_space<hbm>>
    %dma_wait3A_1191 = arith.constant 0 : i32
    %dma_wait3A_1192 = tpu.memref_slice %arg4[%add3A_1188, %dma_wait3A_1191] : memref<8192x2048xf32, #tpu.memory_space<hbm>> -> memref<8x2048xf32, #tpu.memory_space<hbm>>
    tpu.wait_dma2 semaphore(%arg18 : memref<!tpu.dma_semaphore, #tpu.memory_space<semaphore_mem>>) src(%arg11 : memref<8x2048xf32, #tpu.memory_space<vmem>>) dst(%dma_wait3A_1192 : memref<8x2048xf32, #tpu.memory_space<hbm>>)
    %scan3A_1193 = arith.constant 0 : i32
    %scan3A_1194 = arith.constant 8 : i32
    %scan3A_1195 = arith.addi %scan3A_1193, %scan3A_1194 : i32
    %scan3A_1196 = arith.constant 1 : i32
    scf.for %scan3A_1280 = %scan3A_1193 to %scan3A_1195 step %scan3A_1196  : i32 {
      %mul3A_1281 = arith.constant 1 : i32
      %mul3A_1282 = arith.muli %scan3A_1280, %mul3A_1281 : i32
      %add3A_1283 = arith.constant 0 : i32
      %add3A_1284 = arith.addi %add3A_1283, %mul3A_1282 : i32
      %parallel_loop3A = arith.constant 0 : i32
      %parallel_loop3A_1285 = arith.constant 2048 : i32
      %parallel_loop3A_1286 = arith.constant 16 : i32
      scf.for %parallel_loop3A_1287 = %parallel_loop3A to %parallel_loop3A_1285 step %parallel_loop3A_1286  : i32 {
        %parallel_loop3A_1288 = arith.index_cast %add3A_1284 : i32 to index
        %parallel_loop3A_1289 = arith.index_cast %parallel_loop3A_1287 : i32 to index
        %parallel_loop3A_1290 = tpu.vector_load %arg7[%parallel_loop3A_1288, %parallel_loop3A_1289] {strides = array<i32>} : memref<8x2048xf32, #tpu.memory_space<vmem>>, vector<1x16xf32>,
        %parallel_loop3A_1291 = vector.shape_cast %parallel_loop3A_1290 : vector<1x16xf32> to vector<16xf32>
        %parallel_loop3A_1292 = arith.index_cast %add3A_1284 : i32 to index
        %parallel_loop3A_1293 = arith.index_cast %parallel_loop3A_1287 : i32 to index
        %parallel_loop3A_1294 = tpu.vector_load %arg9[%parallel_loop3A_1292, %parallel_loop3A_1293] {strides = array<i32>} : memref<8x2048xf32, #tpu.memory_space<vmem>>, vector<1x16xf32>,
        %parallel_loop3A_1295 = vector.shape_cast %parallel_loop3A_1294 : vector<1x16xf32> to vector<16xf32>
        %parallel_loop3A_1296 = arith.addf %parallel_loop3A_1291, %parallel_loop3A_1295 : vector<16xf32>
        %parallel_loop3A_1297 = arith.index_cast %add3A_1284 : i32 to index
        %parallel_loop3A_1298 = arith.index_cast %parallel_loop3A_1287 : i32 to index
        %parallel_loop3A_1299 = tpu.vector_load %arg11[%parallel_loop3A_1297, %parallel_loop3A_1298] {strides = array<i32>} : memref<8x2048xf32, #tpu.memory_space<vmem>>, vector<1x16xf32>,
        %parallel_loop3A_1300 = vector.shape_cast %parallel_loop3A_1299 : vector<1x16xf32> to vector<16xf32>
        %parallel_loop3A_1301 = vector.shape_cast %parallel_loop3A_1296 : vector<16xf32> to vector<1x16xf32>
        tpu.vector_store %arg11[%parallel_loop3A_1297, %parallel_loop3A_1298], %parallel_loop3A_1301 {strides = array<i32>} : memref<8x2048xf32, #tpu.memory_space<vmem>>, vector<1x16xf32>,
      } {sc.loop_unroll_factor = 8 : i64, sc.parallel_access}
    }
    %scan3A_1197 = arith.constant 8 : i32
    %add3A_1198 = arith.constant 2048 : i32
    %add3A_1199 = arith.addi %add3A_1198, %mul3A_2 : i32
    %add3A_1200 = arith.constant 56 : i32
    %add3A_1201 = arith.addi %add3A_1199, %add3A_1200 : i32
    %dma_start3A_1202 = arith.constant 0 : i32
    %dma_start3A_1203 = tpu.memref_slice %arg4[%add3A_1201, %dma_start3A_1202] : memref<8192x2048xf32, #tpu.memory_space<hbm>> -> memref<8x2048xf32, #tpu.memory_space<hbm>>
    %dma_start3A_1204 = arith.constant 0 : i32
    %dma_start3A_1205 = tpu.memref_slice %arg4[%add3A_1201, %dma_start3A_1204] : memref<8192x2048xf32, #tpu.memory_space<hbm>> -> memref<8x2048xf32, #tpu.memory_space<hbm>>
    tpu.enqueue_dma source(%arg11 : memref<8x2048xf32, #tpu.memory_space<vmem>>) target(%dma_start3A_1205 : memref<8x2048xf32, #tpu.memory_space<hbm>>) target_semaphore(%arg18 : memref<!tpu.dma_semaphore, #tpu.memory_space<semaphore_mem>>)
    %add3A_1206 = arith.constant 4096 : i32
    %add3A_1207 = arith.addi %add3A_1206, %mul3A_2 : i32
    %add3A_1208 = arith.constant 56 : i32
    %add3A_1209 = arith.addi %add3A_1207, %add3A_1208 : i32
    %dma_wait3A_1210 = arith.constant 0 : i32
    %dma_wait3A_1211 = tpu.memref_slice %arg2[%add3A_1209, %dma_wait3A_1210] : memref<8192x2048xf32, #tpu.memory_space<hbm>> -> memref<8x2048xf32, #tpu.memory_space<hbm>>
    %dma_wait3A_1212 = arith.constant 0 : i32
    %dma_wait3A_1213 = tpu.memref_slice %arg2[%add3A_1209, %dma_wait3A_1212] : memref<8192x2048xf32, #tpu.memory_space<hbm>> -> memref<8x2048xf32, #tpu.memory_space<hbm>>
    tpu.wait_dma2 semaphore(%arg12 : memref<!tpu.dma_semaphore, #tpu.memory_space<semaphore_mem>>) src(%dma_wait3A_1213 : memref<8x2048xf32, #tpu.memory_space<hbm>>) dst(%arg5 : memref<8x2048xf32, #tpu.memory_space<vmem>>)
    %add3A_1214 = arith.constant 0 : i32
    %add3A_1215 = arith.addi %add3A_1214, %mul3A_2 : i32
    %add3A_1216 = arith.constant 56 : i32
    %add3A_1217 = arith.addi %add3A_1215, %add3A_1216 : i32
    %dma_wait3A_1218 = arith.constant 0 : i32
    %dma_wait3A_1219 = tpu.memref_slice %arg4[%add3A_1217, %dma_wait3A_1218] : memref<8192x2048xf32, #tpu.memory_space<hbm>> -> memref<8x2048xf32, #tpu.memory_space<hbm>>
    %dma_wait3A_1220 = arith.constant 0 : i32
    %dma_wait3A_1221 = tpu.memref_slice %arg4[%add3A_1217, %dma_wait3A_1220] : memref<8192x2048xf32, #tpu.memory_space<hbm>> -> memref<8x2048xf32, #tpu.memory_space<hbm>>
    tpu.wait_dma2 semaphore(%arg17 : memref<!tpu.dma_semaphore, #tpu.memory_space<semaphore_mem>>) src(%arg10 : memref<8x2048xf32, #tpu.memory_space<vmem>>) dst(%dma_wait3A_1221 : memref<8x2048xf32, #tpu.memory_space<hbm>>)
    %scan3A_1222 = arith.constant 0 : i32
    %scan3A_1223 = arith.constant 8 : i32
    %scan3A_1224 = arith.addi %scan3A_1222, %scan3A_1223 : i32
    %scan3A_1225 = arith.constant 1 : i32
    scf.for %scan3A_1280 = %scan3A_1222 to %scan3A_1224 step %scan3A_1225  : i32 {
      %mul3A_1281 = arith.constant 1 : i32
      %mul3A_1282 = arith.muli %scan3A_1280, %mul3A_1281 : i32
      %add3A_1283 = arith.constant 0 : i32
      %add3A_1284 = arith.addi %add3A_1283, %mul3A_1282 : i32
      %parallel_loop3A = arith.constant 0 : i32
      %parallel_loop3A_1285 = arith.constant 2048 : i32
      %parallel_loop3A_1286 = arith.constant 16 : i32
      scf.for %parallel_loop3A_1287 = %parallel_loop3A to %parallel_loop3A_1285 step %parallel_loop3A_1286  : i32 {
        %parallel_loop3A_1288 = arith.index_cast %add3A_1284 : i32 to index
        %parallel_loop3A_1289 = arith.index_cast %parallel_loop3A_1287 : i32 to index
        %parallel_loop3A_1290 = tpu.vector_load %arg5[%parallel_loop3A_1288, %parallel_loop3A_1289] {strides = array<i32>} : memref<8x2048xf32, #tpu.memory_space<vmem>>, vector<1x16xf32>,
        %parallel_loop3A_1291 = vector.shape_cast %parallel_loop3A_1290 : vector<1x16xf32> to vector<16xf32>
        %parallel_loop3A_1292 = arith.index_cast %add3A_1284 : i32 to index
        %parallel_loop3A_1293 = arith.index_cast %parallel_loop3A_1287 : i32 to index
        %parallel_loop3A_1294 = tpu.vector_load %arg9[%parallel_loop3A_1292, %parallel_loop3A_1293] {strides = array<i32>} : memref<8x2048xf32, #tpu.memory_space<vmem>>, vector<1x16xf32>,
        %parallel_loop3A_1295 = vector.shape_cast %parallel_loop3A_1294 : vector<1x16xf32> to vector<16xf32>
        %parallel_loop3A_1296 = arith.addf %parallel_loop3A_1291, %parallel_loop3A_1295 : vector<16xf32>
        %parallel_loop3A_1297 = arith.index_cast %add3A_1284 : i32 to index
        %parallel_loop3A_1298 = arith.index_cast %parallel_loop3A_1287 : i32 to index
        %parallel_loop3A_1299 = tpu.vector_load %arg10[%parallel_loop3A_1297, %parallel_loop3A_1298] {strides = array<i32>} : memref<8x2048xf32, #tpu.memory_space<vmem>>, vector<1x16xf32>,
        %parallel_loop3A_1300 = vector.shape_cast %parallel_loop3A_1299 : vector<1x16xf32> to vector<16xf32>
        %parallel_loop3A_1301 = vector.shape_cast %parallel_loop3A_1296 : vector<16xf32> to vector<1x16xf32>
        tpu.vector_store %arg10[%parallel_loop3A_1297, %parallel_loop3A_1298], %parallel_loop3A_1301 {strides = array<i32>} : memref<8x2048xf32, #tpu.memory_space<vmem>>, vector<1x16xf32>,
      } {sc.loop_unroll_factor = 8 : i64, sc.parallel_access}
    }
    %scan3A_1226 = arith.constant 8 : i32
    %add3A_1227 = arith.constant 4096 : i32
    %add3A_1228 = arith.addi %add3A_1227, %mul3A_2 : i32
    %add3A_1229 = arith.constant 56 : i32
    %add3A_1230 = arith.addi %add3A_1228, %add3A_1229 : i32
    %dma_start3A_1231 = arith.constant 0 : i32
    %dma_start3A_1232 = tpu.memref_slice %arg4[%add3A_1230, %dma_start3A_1231] : memref<8192x2048xf32, #tpu.memory_space<hbm>> -> memref<8x2048xf32, #tpu.memory_space<hbm>>
    %dma_start3A_1233 = arith.constant 0 : i32
    %dma_start3A_1234 = tpu.memref_slice %arg4[%add3A_1230, %dma_start3A_1233] : memref<8192x2048xf32, #tpu.memory_space<hbm>> -> memref<8x2048xf32, #tpu.memory_space<hbm>>
    tpu.enqueue_dma source(%arg10 : memref<8x2048xf32, #tpu.memory_space<vmem>>) target(%dma_start3A_1234 : memref<8x2048xf32, #tpu.memory_space<hbm>>) target_semaphore(%arg17 : memref<!tpu.dma_semaphore, #tpu.memory_space<semaphore_mem>>)
    %add3A_1235 = arith.constant 6144 : i32
    %add3A_1236 = arith.addi %add3A_1235, %mul3A_2 : i32
    %add3A_1237 = arith.constant 56 : i32
    %add3A_1238 = arith.addi %add3A_1236, %add3A_1237 : i32
    %dma_wait3A_1239 = arith.constant 0 : i32
    %dma_wait3A_1240 = tpu.memref_slice %arg2[%add3A_1238, %dma_wait3A_1239] : memref<8192x2048xf32, #tpu.memory_space<hbm>> -> memref<8x2048xf32, #tpu.memory_space<hbm>>
    %dma_wait3A_1241 = arith.constant 0 : i32
    %dma_wait3A_1242 = tpu.memref_slice %arg2[%add3A_1238, %dma_wait3A_1241] : memref<8192x2048xf32, #tpu.memory_space<hbm>> -> memref<8x2048xf32, #tpu.memory_space<hbm>>
    tpu.wait_dma2 semaphore(%arg13 : memref<!tpu.dma_semaphore, #tpu.memory_space<semaphore_mem>>) src(%dma_wait3A_1242 : memref<8x2048xf32, #tpu.memory_space<hbm>>) dst(%arg6 : memref<8x2048xf32, #tpu.memory_space<vmem>>)
    %add3A_1243 = arith.constant 2048 : i32
    %add3A_1244 = arith.addi %add3A_1243, %mul3A_2 : i32
    %add3A_1245 = arith.constant 56 : i32
    %add3A_1246 = arith.addi %add3A_1244, %add3A_1245 : i32
    %dma_wait3A_1247 = arith.constant 0 : i32
    %dma_wait3A_1248 = tpu.memref_slice %arg4[%add3A_1246, %dma_wait3A_1247] : memref<8192x2048xf32, #tpu.memory_space<hbm>> -> memref<8x2048xf32, #tpu.memory_space<hbm>>
    %dma_wait3A_1249 = arith.constant 0 : i32
    %dma_wait3A_1250 = tpu.memref_slice %arg4[%add3A_1246, %dma_wait3A_1249] : memref<8192x2048xf32, #tpu.memory_space<hbm>> -> memref<8x2048xf32, #tpu.memory_space<hbm>>
    tpu.wait_dma2 semaphore(%arg18 : memref<!tpu.dma_semaphore, #tpu.memory_space<semaphore_mem>>) src(%arg11 : memref<8x2048xf32, #tpu.memory_space<vmem>>) dst(%dma_wait3A_1250 : memref<8x2048xf32, #tpu.memory_space<hbm>>)
    %scan3A_1251 = arith.constant 0 : i32
    %scan3A_1252 = arith.constant 8 : i32
    %scan3A_1253 = arith.addi %scan3A_1251, %scan3A_1252 : i32
    %scan3A_1254 = arith.constant 1 : i32
    scf.for %scan3A_1280 = %scan3A_1251 to %scan3A_1253 step %scan3A_1254  : i32 {
      %mul3A_1281 = arith.constant 1 : i32
      %mul3A_1282 = arith.muli %scan3A_1280, %mul3A_1281 : i32
      %add3A_1283 = arith.constant 0 : i32
      %add3A_1284 = arith.addi %add3A_1283, %mul3A_1282 : i32
      %parallel_loop3A = arith.constant 0 : i32
      %parallel_loop3A_1285 = arith.constant 2048 : i32
      %parallel_loop3A_1286 = arith.constant 16 : i32
      scf.for %parallel_loop3A_1287 = %parallel_loop3A to %parallel_loop3A_1285 step %parallel_loop3A_1286  : i32 {
        %parallel_loop3A_1288 = arith.index_cast %add3A_1284 : i32 to index
        %parallel_loop3A_1289 = arith.index_cast %parallel_loop3A_1287 : i32 to index
        %parallel_loop3A_1290 = tpu.vector_load %arg6[%parallel_loop3A_1288, %parallel_loop3A_1289] {strides = array<i32>} : memref<8x2048xf32, #tpu.memory_space<vmem>>, vector<1x16xf32>,
        %parallel_loop3A_1291 = vector.shape_cast %parallel_loop3A_1290 : vector<1x16xf32> to vector<16xf32>
        %parallel_loop3A_1292 = arith.index_cast %add3A_1284 : i32 to index
        %parallel_loop3A_1293 = arith.index_cast %parallel_loop3A_1287 : i32 to index
        %parallel_loop3A_1294 = tpu.vector_load %arg9[%parallel_loop3A_1292, %parallel_loop3A_1293] {strides = array<i32>} : memref<8x2048xf32, #tpu.memory_space<vmem>>, vector<1x16xf32>,
        %parallel_loop3A_1295 = vector.shape_cast %parallel_loop3A_1294 : vector<1x16xf32> to vector<16xf32>
        %parallel_loop3A_1296 = arith.addf %parallel_loop3A_1291, %parallel_loop3A_1295 : vector<16xf32>
        %parallel_loop3A_1297 = arith.index_cast %add3A_1284 : i32 to index
        %parallel_loop3A_1298 = arith.index_cast %parallel_loop3A_1287 : i32 to index
        %parallel_loop3A_1299 = tpu.vector_load %arg11[%parallel_loop3A_1297, %parallel_loop3A_1298] {strides = array<i32>} : memref<8x2048xf32, #tpu.memory_space<vmem>>, vector<1x16xf32>,
        %parallel_loop3A_1300 = vector.shape_cast %parallel_loop3A_1299 : vector<1x16xf32> to vector<16xf32>
        %parallel_loop3A_1301 = vector.shape_cast %parallel_loop3A_1296 : vector<16xf32> to vector<1x16xf32>
        tpu.vector_store %arg11[%parallel_loop3A_1297, %parallel_loop3A_1298], %parallel_loop3A_1301 {strides = array<i32>} : memref<8x2048xf32, #tpu.memory_space<vmem>>, vector<1x16xf32>,
      } {sc.loop_unroll_factor = 8 : i64, sc.parallel_access}
    }
    %scan3A_1255 = arith.constant 8 : i32
    %add3A_1256 = arith.constant 6144 : i32
    %add3A_1257 = arith.addi %add3A_1256, %mul3A_2 : i32
    %add3A_1258 = arith.constant 56 : i32
    %add3A_1259 = arith.addi %add3A_1257, %add3A_1258 : i32
    %dma_start3A_1260 = arith.constant 0 : i32
    %dma_start3A_1261 = tpu.memref_slice %arg4[%add3A_1259, %dma_start3A_1260] : memref<8192x2048xf32, #tpu.memory_space<hbm>> -> memref<8x2048xf32, #tpu.memory_space<hbm>>
    %dma_start3A_1262 = arith.constant 0 : i32
    %dma_start3A_1263 = tpu.memref_slice %arg4[%add3A_1259, %dma_start3A_1262] : memref<8192x2048xf32, #tpu.memory_space<hbm>> -> memref<8x2048xf32, #tpu.memory_space<hbm>>
    tpu.enqueue_dma source(%arg11 : memref<8x2048xf32, #tpu.memory_space<vmem>>) target(%dma_start3A_1263 : memref<8x2048xf32, #tpu.memory_space<hbm>>) target_semaphore(%arg18 : memref<!tpu.dma_semaphore, #tpu.memory_space<semaphore_mem>>)
    %add3A_1264 = arith.constant 4096 : i32
    %add3A_1265 = arith.addi %add3A_1264, %mul3A_2 : i32
    %add3A_1266 = arith.constant 56 : i32
    %add3A_1267 = arith.addi %add3A_1265, %add3A_1266 : i32
    %dma_wait3A_1268 = arith.constant 0 : i32
    %dma_wait3A_1269 = tpu.memref_slice %arg4[%add3A_1267, %dma_wait3A_1268] : memref<8192x2048xf32, #tpu.memory_space<hbm>> -> memref<8x2048xf32, #tpu.memory_space<hbm>>
    %dma_wait3A_1270 = arith.constant 0 : i32
    %dma_wait3A_1271 = tpu.memref_slice %arg4[%add3A_1267, %dma_wait3A_1270] : memref<8192x2048xf32, #tpu.memory_space<hbm>> -> memref<8x2048xf32, #tpu.memory_space<hbm>>
    tpu.wait_dma2 semaphore(%arg17 : memref<!tpu.dma_semaphore, #tpu.memory_space<semaphore_mem>>) src(%arg10 : memref<8x2048xf32, #tpu.memory_space<vmem>>) dst(%dma_wait3A_1271 : memref<8x2048xf32, #tpu.memory_space<hbm>>)
    %add3A_1272 = arith.constant 6144 : i32
    %add3A_1273 = arith.addi %add3A_1272, %mul3A_2 : i32
    %add3A_1274 = arith.constant 56 : i32
    %add3A_1275 = arith.addi %add3A_1273, %add3A_1274 : i32
    %dma_wait3A_1276 = arith.constant 0 : i32
    %dma_wait3A_1277 = tpu.memref_slice %arg4[%add3A_1275, %dma_wait3A_1276] : memref<8192x2048xf32, #tpu.memory_space<hbm>> -> memref<8x2048xf32, #tpu.memory_space<hbm>>
    %dma_wait3A_1278 = arith.constant 0 : i32
    %dma_wait3A_1279 = tpu.memref_slice %arg4[%add3A_1275, %dma_wait3A_1278] : memref<8192x2048xf32, #tpu.memory_space<hbm>> -> memref<8x2048xf32, #tpu.memory_space<hbm>>
    tpu.wait_dma2 semaphore(%arg18 : memref<!tpu.dma_semaphore, #tpu.memory_space<semaphore_mem>>) src(%arg11 : memref<8x2048xf32, #tpu.memory_space<vmem>>) dst(%dma_wait3A_1279 : memref<8x2048xf32, #tpu.memory_space<hbm>>)
    return
  }
}

</mosaic_0001>

<sc_bundles>
// kernel: kernel.3.cloned.1.call-start
scs
__scs_entry_jumppad:
0x0: {  	(pc) =	sbr.rel $0x88, $3  }
0x1: {  	(tag) =	ssettag $0x0;
	lr =	simm.s32 $0x1  }
0x2: {  	[smem:$0x3F9F] =	sst lr;
	_ =	strace $0xD0000000  }
0x3: {  	_ = 	snop  }
0x4: {  	_ = 	snop  }
0x5: {  	_ = 	snop  }
0x6: {  	_ = 	snop  }
0x7: {  	_ = 	snop  }
__scs_overlays_trampoline_lowered:
0x8: {  	[smem:$0x3FAE] =	sst s0  }
0x9: {  	[smem:$0x3FAF] =	sst s1  }
0xa: {  	[smem:$0x3FB0] =	sst s2  }
0xb: {  	[smem:$0x3FB1] =	sst s3  }
0xc: {  	[smem:$0x3FB2] =	sst s4  }
0xd: {  	[smem:$0x3FB3] =	sst s5  }
0xe: {  	[smem:$0x3FB4] =	sst s6  }
0xf: {  	[smem:$0x3FB5] =	sst s7  }
0x10: {  	[smem:$0x3FB6] =	sst s8  }
0x11: {  	[smem:$0x3FB7] =	sst s9;
	s0 =	simm.s32 @!p0 $0x0  }
0x12: {  	s1 =	sld [smem:$0x3F9D];
	s0 =	simm.s32 @p0 $0x1  }
0x13: {  	[smem:$0x3FB8] =	sst s0;
	s0 =	simm.s32 @!p1 $0x0  }
0x14: {  	s2 =	sld [smem:$0x3F9C];
	s0 =	simm.s32 @p1 $0x1  }
0x15: {  	[smem:$0x3FB9] =	sst s0;
	s0 =	simm.s32 @!p2 $0x0  }
0x16: {  	s3 =	sld [smem:$0x3FDB];
	s0 =	simm.s32 @p2 $0x1  }
0x17: {  	s4 =	simm.s32 $0x1BF5;
	[smem:$0x3FBB] =	sst s0  }
0x18: {  	s0 =	sld [smem:$0x3F9E];
	_ =	swait.ge [sflag:s4], $0x0  }
0x19: {  	s7 =	sld [smem:$0x3F9F]  }
0x1a: {  	s8 =	sadd.s32 $0xFFFFE003, lr  }
0x1b: {  	s9 =	sadd.s32 $0xFFFFFEF7, lr;
	s5 =	simm.s32 $0xFFFFFFFF;
	p2 =	slt.u32 s8, $0xFFFFF086  }
0x1c: {  	p1 =	slt.u32 s9, $0xF7A;
	s5 =	simm.s32 @!p2 $0x0  }
0x1d: {  	s5 =	simm.s32 @p1 $0x1;
	p0 =	seq.s32 s7, s2  }
0x1e: {  	s7 =	smul.u32 @!p0 $0xF7A, s2;
	p2 =	seq.s32 @!p0 s5, $0x0  }
0x1f: {  	s9 =	smul.u32 $0xF7A, s1;
	s8 =	simm.s32 @!p0 $0x1BF5;
	p2 =	por !p2, p0  }
0x20: {  	[sflag:s8] =	ssyncset.s32 @!p0 $0xFFFFF086;
	s6 =	sadd.s32 @!p0 s3, s7;
	s7 =	simm.s32 @!p0 $0x108  }
0x21: {  	s3 =	sadd.s32 s3, s9;
	s6 =	sadd.s32 @!p0 $0x88, s6;
	s7 =	simm.s32 @p2 $0x1082  }
0x22: {  	[simem:s7], [sflag:s8] =	dma.local @!p0 [hbm:s6], $0xF7A  }
0x23: {  	s9 =	sor.u32 $0xD0000000, s2;
	s6 =	simm.s32 $0x108;
	_ =	swait.ge @!p0 [sflag:s8], $0x0  }
0x24: {  	s3 =	sadd.s32 $0x88, s3;
	s6 =	simm.s32 @!p1 $0x1082;
	[sflag:s4] =	ssyncset.s32 $0xFFFFF086  }
0x25: {  	[simem:s6], [sflag:s4] =	dma.local [hbm:s3], $0xF7A  }
0x26: {  	[smem:$0x3F9F] =	sst s1;
	(tag) =	ssettag s2;
	_ =	strace s9  }
0x27: {  	s1 =	sld [smem:$0x3FAF]  }
0x28: {  	s2 =	sld [smem:$0x3FB0]  }
0x29: {  	s4 =	sld [smem:$0x3FB2]  }
0x2a: {  	p0 =	seq.s32 s5, $0x0;
	s5 =	sld [smem:$0x3FB3]  }
0x2b: {  	s6 =	sld [smem:$0x3FB4]  }
0x2c: {  	s7 =	sld [smem:$0x3FB5]  }
0x2d: {  	s3 =	simm.s32 $0x108;
	s8 =	sld [smem:$0x3FB6]  }
0x2e: {  	s3 =	simm.s32 @!p0 $0x1082;
	s9 =	sld [smem:$0x3FB7]  }
0x2f: {  	lr =	sadd.s32 s0, s3;
	s0 =	sld [smem:$0x3FAE]  }
0x30: {  	s3 =	sld [smem:$0x3FB1]  }
0x31: {  	[smem:$0x3FBA] =	sst s10  }
0x32: {  	s10 =	sld [smem:$0x3FB8];
	_ =	sdelay $0x3  }
0x33: {  	p0 =	seq.s32 s10, $0x1;
	s10 =	sld [smem:$0x3FBA];
	_ =	sdelay $0x3  }
0x34: {  	[smem:$0x3FBA] =	sst s10  }
0x35: {  	s10 =	sld [smem:$0x3FB9];
	_ =	sdelay $0x3  }
0x36: {  	p1 =	seq.s32 s10, $0x1;
	s10 =	sld [smem:$0x3FBA];
	_ =	sdelay $0x3  }
0x37: {  	[smem:$0x3FBA] =	sst s10  }
0x38: {  	s10 =	sld [smem:$0x3FBB]  }
0x39: {  	_ = 	snop;
	(pc) =	sbr.ind lr, $3  }
0x3a: {  	_ = 	snop  }
0x3b: {  	_ = 	snop  }
0x3c: {  	p2 =	seq.s32 s10, $0x1;
	s10 =	sld [smem:$0x3FBA]  }
0x3d: {  	_ =	shalt  }
0x3e: {  	_ =	shalt  }
0x3f: {  	_ =	shalt  }
0x40: {  	_ =	shalt  }
0x41: {  	_ =	shalt  }
0x42: {  	_ =	shalt  }
0x43: {  	_ =	shalt  }
0x44: {  	_ =	shalt  }
0x45: {  	_ =	shalt  }
0x46: {  	_ =	shalt  }
0x47: {  	_ =	shalt  }
0x48: {  	_ =	shalt  }
0x49: {  	_ =	shalt  }
0x4a: {  	_ =	shalt  }
0x4b: {  	_ =	shalt  }
0x4c: {  	_ =	shalt  }
0x4d: {  	_ =	shalt  }
0x4e: {  	_ =	shalt  }
0x4f: {  	_ =	shalt  }
0x50: {  	_ =	shalt  }
0x51: {  	_ =	shalt  }
0x52: {  	_ =	shalt  }
0x53: {  	_ =	shalt  }
0x54: {  	_ =	shalt  }
0x55: {  	_ =	shalt  }
0x56: {  	_ =	shalt  }
0x57: {  	_ =	shalt  }
0x58: {  	_ =	shalt  }
0x59: {  	_ =	shalt  }
0x5a: {  	_ =	shalt  }
0x5b: {  	_ =	shalt  }
0x5c: {  	_ =	shalt  }
0x5d: {  	_ =	shalt  }
0x5e: {  	_ =	shalt  }
0x5f: {  	_ =	shalt  }
0x60: {  	_ =	shalt  }
0x61: {  	_ =	shalt  }
0x62: {  	_ =	shalt  }
0x63: {  	_ =	shalt  }
0x64: {  	_ =	shalt  }
0x65: {  	_ =	shalt  }
0x66: {  	_ =	shalt  }
0x67: {  	_ =	shalt  }
0x68: {  	_ =	shalt  }
0x69: {  	_ =	shalt  }
0x6a: {  	_ =	shalt  }
0x6b: {  	_ =	shalt  }
0x6c: {  	_ =	shalt  }
0x6d: {  	_ =	shalt  }
0x6e: {  	_ =	shalt  }
0x6f: {  	_ =	shalt  }
0x70: {  	_ =	shalt  }
0x71: {  	_ =	shalt  }
0x72: {  	_ =	shalt  }
0x73: {  	_ =	shalt  }
0x74: {  	_ =	shalt  }
0x75: {  	_ =	shalt  }
0x76: {  	_ =	shalt  }
0x77: {  	_ =	shalt  }
0x78: {  	_ =	shalt  }
0x79: {  	_ =	shalt  }
0x7a: {  	_ =	shalt  }
0x7b: {  	_ =	shalt  }
0x7c: {  	_ =	shalt  }
0x7d: {  	_ =	shalt  }
0x7e: {  	_ =	shalt  }
0x7f: {  	_ =	shalt  }
0x80: {  	_ =	shalt  }
0x81: {  	_ =	shalt  }
0x82: {  	_ =	shalt  }
0x83: {  	_ =	shalt  }
0x84: {  	_ =	shalt  }
0x85: {  	_ =	shalt  }
0x86: {  	_ =	shalt  }
0x87: {  	_ =	shalt  }
.Lfunc_end0:
.L_simem_size_0:
called_computation_lowered:
.L_overlay_start_0:
0x88: {  	s2 =	sld [smem:$0x3FD9]  }
0x89: {  	s3 =	sld [smem:$0x3FFE];
	_ =	sdelay $0x1  }
0x8a: {  	s1 =	srdreg.scid  }
0x8b: {  	s0 =	sand.u32 $0x1, s1  }
0x8c: {  	s18 =	sshll.u32 s0, $0xA;
	s2 =	sadd.s32 s3, s2  }
0x8d: {  	s2 =	sadd.s32 s2, s18  }
0x8e: {  	[smem:$0x3FC6] =	sst s2  }
0x8f: {  	_ = 	snop  }
0x90: {  	s2 =	sld [smem:$0x3FC9]  }
0x91: {  	s19 =	sld [smem:$0x3FC8]  }
0x92: {  	s4 =	sld [smem:$0x3FD0];
	(tm) =	ssettm $0x1  }
0x93: {  	s5 =	sld [smem:$0x3FFB];
	_ =	sdelay $0x3  }
0x94: {  	_ =	strace s5  }
0x95: {  	s5 =	sld [smem:$0x3FFC];
	_ =	sdelay $0x3  }
0x96: {  	_ =	strace s5  }
0x97: {  	s5 =	sld [smem:$0x3FFD];
	_ =	sdelay $0x3  }
0x98: {  	_ =	strace s5  }
0x99: {  	_ =	strace $0x8FFFFFFF  }
0x9a: {  	s20 =	sld [smem:$0x3FDB];
	_ =	sdelay $0x1  }
0x9b: {  	s6 =	simm.s32 $_scs_section_size  }
0x9c: {  	s7 =	simm.s32 $_size__tile_overlayer_lowered;
	s8 =	simm.s32 $_tile_overlayer_lowered  }
0x9d: {  	s23 =	simm.s32 $0x1BFF;
	s22 =	sshll.u32 s8, $0x1;
	s5 =	sadd.s32 s6, s20  }
0x9e: {  	s9 =	simm.s32 $0x0;
	s21 =	sshll.u32 s7, $0x1;
	s7 =	sadd.s32 s22, s5  }
0x9f: {  	[timem:s9], [sflag:s23] =	dma.local [hbm:s7], s21  }
0xa0: {  	_ =	swait.ge [sflag:s23], s21  }
0xa1: {  	s6 =	ssub.s32 $0x0, s21;
	[sflag:s23] =	ssyncset.done $0x0  }
0xa2: {  	[sflag:s23] =	ssyncadd.s32 s6;
	_ =	sdelay $0x1  }
0xa3: {  	s24 =	simm.s32 $0x1B8B  }
0xa4: {  	_ =	swait.ge [sflag:s24], $0x1  }
0xa5: {  	[sflag:s24] =	ssyncset.done $0x0  }
0xa6: {  	s25 =	simm.s32 $0x1B8E;
	[sflag:s24] =	ssyncadd.s32 $0xFFFFFFFF  }
0xa7: {  	s26 =	simm.s32 $execute0_lowered;
	[smem:$0x3FD2] =	sst s25  }
0xa8: {  	s6 =	sshll.u32 s26, $0x1;
	_ =	strace $0x80000046;
	[dreg:$0x1] =	wrdreg $0xFFFFFFFF  }
0xa9: {  	s28 =	simm.s32 $_size_execute0_lowered;
	s5 =	sadd.s32 s5, s6;
	[dreg:$0x0] =	wrdreg $0x0  }
0xaa: {  	s6 =	sshll.u32 s28, $0x1;
	[dreg:$0x2] =	wrdreg s5  }
0xab: {  	[dreg:$0x3] =	wrdreg s6  }
0xac: {  	[dreg:$0x4] =	wrdreg $0xC0  }
0xad: {  	_ =	task [dreg:s9], $0x5FFFF  }
0xae: {  	[dreg:$0x1] =	wrdreg $0xFFFFFFFF  }
0xaf: {  	[dreg:$0x0] =	wrdreg $0x60  }
0xb0: {  	[dreg:$0x2] =	wrdreg s2  }
0xb1: {  	[dreg:$0x3] =	wrdreg s19  }
0xb2: {  	[dreg:$0x4] =	wrdreg s4  }
0xb3: {  	[dreg:$0x5] =	wrdreg $0x9  }
0xb4: {  	_ =	task.clear_ibuf [dreg:s9], $0x6FFFF;
	_ =	strace $0x90000046  }
0xb5: {  	s29 =	simm.s32 $0x9;
	_ =	strace $0x80000048  }
0xb6: {  	_ =	swait.ge [sflag:s29], $0x1  }
0xb7: {  	[sflag:s29] =	ssyncadd.s32 $0xFFFFFFFF  }
0xb8: {  	_ =	strace $0x90000048  }
0xb9: {  	_ =	sfence  }
0xba: {  	s30 =	sld [smem:$0x0];
	_ =	sdelay $0x2  }
0xbb: {  	s31 =	sshll.u32 s1, $0xD;
	s1 =	sshrl.u32 s1, $0x2  }
0xbc: {  	s3 =	sand.u32 $0x4000, s31;
	s1 =	sadd.s32 s1, s30  }
0xbd: {  	s0 =	sor.u32 s3, s0;
	s1 =	sshll.u32 s1, $0x11  }
0xbe: {  	s0 =	sor.u32 s1, s0  }
0xbf: {  	s0 =	sadd.s32 $0x8F2B, s0  }
0xc0: {  	[sflag:s0] =	ssyncadd.remote.s32 $0x1  }
0xc1: {  	_ =	sfence.sel $0xFFFF  }
0xc2: {  	[dreg:$0x0] =	wrdreg $0xFFFFFFFF;
	(pc) =	sbr.abs _section_cstart, $3  }
0xc3: {  	[dreg:$0x1] =	wrdreg $0xFFFFFFFF  }
0xc4: {  	_ =	task.clear_ibuf [dreg:s9], $0x2FFFF;
	_ =	strace $0x9FFFFFFF  }
0xc5: {  	(tm) =	ssettm $0x7FFFFFFF  }
tec
execute0_lowered:
.L_overlay_start_1:
0x0: {  	(tag) =	ssettag $0x1  }
0x1: {  	s0 =	srdreg.scid  }
0x2: {  	s1 =	stileid.u32;
	s0 =	sand.u32 $0x1, s0  }
0x3: {  	s10 =	rddreg [dreg:$0x0];
	s4 =	sshll.u32 s1, $0xE;
	s3 =	sshll.u32 s0, $0x12  }
0x4: {  	s2 =	rddreg [dreg:$0x1];
	s5 =	ssub.s32 $0x2, s0;
	s0 =	sor.u32 s4, s3  }
0x5: {  	s13 =	rddreg [dreg:$0x2];
	s1 =	simm.s32 $0x0;
	s4 =	sor.u32 $0x80000, s0  }
0x6: {  	[smem:$0x7FF] =	sst s1;
	s23 =	sor.u32 $0x100000, s0;
	s22 =	sadd.s32 s10, s4  }
0x7: {  	s25 =	sor.u32 $0x800, s0;
	s24 =	sadd.s32 s10, s23;
	[dreg:$0x4] =	wrdreg s22  }
0x8: {  	s6 =	sor.u32 $0x180000, s0;
	s7 =	sadd.s32 s2, s25;
	[dreg:$0x5] =	wrdreg s24  }
0x9: {  	s26 =	sadd.s32 s10, s6;
	[dreg:$0x6] =	wrdreg s7  }
0xa: {  	s4 =	sadd.s32 s13, s4;
	[dreg:$0x7] =	wrdreg s26  }
0xb: {  	s30 =	sadd.s32 s10, s25;
	[dreg:$0x8] =	wrdreg s4  }
0xc: {  	s21 =	sshrl.u32 s5, $0x1;
	s3 =	sadd.s32 s13, s23;
	[dreg:$0x9] =	wrdreg s30  }
0xd: {  	s9 =	sor.u32 $0x100800, s0;
	s8 =	sadd.s32 s13, s6;
	[dreg:$0xa] =	wrdreg s3  }
0xe: {  	s14 =	ssub.s32 s5, s21;
	s11 =	sadd.s32 s10, s9;
	[dreg:$0xc] =	wrdreg s8  }
0xf: {  	s15 =	sor.u32 $0x180800, s0;
	s5 =	sadd.s32 s13, s25;
	[dreg:$0xd] =	wrdreg s11  }
0x10: {  	s12 =	sor.u32 $0x1000, s0;
	s16 =	sadd.s32 s10, s15;
	[dreg:$0xf] =	wrdreg s5  }
0x11: {  	s17 =	sadd.s32 s10, s12;
	[dreg:$0x10] =	wrdreg s16  }
0x12: {  	s18 =	sadd.s32 s13, s9;
	[dreg:$0x12] =	wrdreg s17  }
0x13: {  	s20 =	sadd.s32 s13, s15;
	[dreg:$0x13] =	wrdreg s18  }
0x14: {  	s31 =	sor.u32 $0x80800, s0;
	s21 =	sadd.s32 s13, s12;
	[dreg:$0x14] =	wrdreg s20  }
0x15: {  	s7 =	sadd.s32 s10, s31;
	[dreg:$0x15] =	wrdreg s21  }
0x16: {  	s8 =	sadd.s32 s2, s12;
	[dreg:$0xb] =	wrdreg s7  }
0x17: {  	s19 =	sor.u32 $0x81000, s0;
	s3 =	sadd.s32 s13, s31;
	[dreg:$0xe] =	wrdreg s8  }
0x18: {  	s23 =	sor.u32 $0x101000, s0;
	s22 =	sadd.s32 s10, s19;
	[dreg:$0x11] =	wrdreg s3  }
0x19: {  	s25 =	sor.u32 $0x181000, s0;
	s24 =	sadd.s32 s10, s23;
	[dreg:$0x16] =	wrdreg s22  }
0x1a: {  	s6 =	sor.u32 $0x81800, s0;
	s26 =	sadd.s32 s10, s25;
	[dreg:$0x18] =	wrdreg s24  }
0x1b: {  	s4 =	sadd.s32 s13, s6;
	[dreg:$0x1a] =	wrdreg s26  }
0x1c: {  	s30 =	sor.u32 $0x1800, s0;
	s3 =	sadd.s32 s13, s19;
	[smem:$0x7D9] =	sst s4  }
0x1d: {  	s31 =	sadd.s32 s2, s30;
	[dreg:$0x17] =	wrdreg s3  }
0x1e: {  	s5 =	sadd.s32 s10, s30;
	[dreg:$0x1c] =	wrdreg s31  }
0x1f: {  	s11 =	sor.u32 $0x181800, s0;
	s7 =	sadd.s32 s10, s6;
	[dreg:$0x1d] =	wrdreg s5  }
0x20: {  	s15 =	sadd.s32 s10, s11;
	[dreg:$0x1f] =	wrdreg s7  }
0x21: {  	s12 =	sor.u32 $0x2000, s0;
	s4 =	sadd.s32 s13, s11;
	[smem:$0x7DC] =	sst s15  }
0x22: {  	s16 =	sadd.s32 s2, s12;
	[smem:$0x7DD] =	sst s4  }
0x23: {  	s18 =	sor.u32 $0x82000, s0;
	s17 =	sadd.s32 s10, s12;
	[smem:$0x7DE] =	sst s16  }
0x24: {  	s20 =	sadd.s32 s10, s18;
	[smem:$0x7DF] =	sst s17  }
0x25: {  	s8 =	sor.u32 $0x101800, s0;
	s3 =	sadd.s32 s13, s23;
	[smem:$0x7E1] =	sst s20  }
0x26: {  	s19 =	sor.u32 $0x102000, s0;
	s9 =	sadd.s32 s10, s8;
	[dreg:$0x19] =	wrdreg s3  }
0x27: {  	s21 =	sadd.s32 s10, s19;
	[smem:$0x7DA] =	sst s9  }
0x28: {  	s24 =	sor.u32 $0x182000, s0;
	s22 =	sadd.s32 s13, s19;
	[smem:$0x7E3] =	sst s21  }
0x29: {  	s6 =	sor.u32 $0x102800, s0;
	s4 =	sadd.s32 s13, s24;
	[smem:$0x7E4] =	sst s22  }
0x2a: {  	s11 =	sor.u32 $0x3000, s0;
	s7 =	sadd.s32 s10, s6;
	[smem:$0x7E6] =	sst s4  }
0x2b: {  	s15 =	sadd.s32 s2, s11;
	[smem:$0x7EC] =	sst s7  }
0x2c: {  	s17 =	sadd.s32 s10, s11;
	[smem:$0x7F1] =	sst s15  }
0x2d: {  	s3 =	sadd.s32 s13, s25;
	[smem:$0x7F3] =	sst s17  }
0x2e: {  	s23 =	sor.u32 $0x2800, s0;
	s25 =	sadd.s32 s10, s24;
	[dreg:$0x1b] =	wrdreg s3  }
0x2f: {  	s31 =	sor.u32 $0x82800, s0;
	s26 =	sadd.s32 s2, s23;
	[smem:$0x7E5] =	sst s25  }
0x30: {  	s20 =	sor.u32 $0x103000, s0;
	s5 =	sadd.s32 s10, s31;
	[smem:$0x7E7] =	sst s26  }
0x31: {  	s16 =	sor.u32 $0x3800, s0;
	s21 =	sadd.s32 s10, s20;
	[smem:$0x7EA] =	sst s5  }
0x32: {  	s28 =	simm.s32 $0x5;
	s24 =	sadd.s32 s10, s16;
	[smem:$0x7F7] =	sst s21  }
0x33: {  	s29 =	simm.s32 $0x0;
	s3 =	sadd.s32 s13, s30;
	[smem:$0x7FB] =	sst s24  }
0x34: {  	s14 =	smax.u32 s14, $0x1;
	s30 =	sadd.s32 s10, s23;
	[dreg:$0x1e] =	wrdreg s3  }
0x35: {  	s22 =	sor.u32 $0x183000, s0;
	s25 =	sadd.s32 s13, s16;
	[smem:$0x7E8] =	sst s30  }
0x36: {  	s7 =	sadd.s32 s13, s0;
	s26 =	sadd.s32 s10, s0;
	[smem:$0x7FC] =	sst s25  }
0x37: {  	s15 =	simm.s32 $0xC000;
	s3 =	sadd.s32 s13, s8;
	[smem:$0x7FD] =	sst s26  }
0x38: {  	s8 =	sor.u32 $0x182800, s0;
	[smem:$0x7DB] =	sst s3;
	s3 =	sadd.s32 s13, s12  }
0x39: {  	s17 =	simm.s32 $0x8000;
	s9 =	sadd.s32 s10, s8;
	[smem:$0x7E0] =	sst s3  }
0x3a: {  	s21 =	simm.s32 $0x14000;
	s12 =	sadd.s32 s2, s0;
	[smem:$0x7EE] =	sst s9  }
0x3b: {  	s24 =	simm.s32 $0x3;
	s2 =	sadd.s32 s2, s16;
	[smem:$0x7F0] =	sst s12  }
0x3c: {  	s30 =	sor.u32 $0x83800, s0;
	s3 =	sadd.s32 s13, s18;
	[smem:$0x7F2] =	sst s2  }
0x3d: {  	s18 =	sor.u32 $0x83000, s0;
	[smem:$0x7E2] =	sst s3;
	s3 =	sadd.s32 s13, s23  }
0x3e: {  	s25 =	simm.s32 $0x6;
	s19 =	sadd.s32 s10, s18;
	[smem:$0x7E9] =	sst s3  }
0x3f: {  	s26 =	simm.s32 $0x7;
	s2 =	sadd.s32 s13, s18;
	[smem:$0x7F5] =	sst s19  }
0x40: {  	s16 =	simm.s32 $0x4000;
	s23 =	sadd.s32 s10, s22;
	[smem:$0x7F6] =	sst s2  }
0x41: {  	s18 =	simm.s32 $0x4;
	s3 =	sadd.s32 s13, s31;
	[smem:$0x7F9] =	sst s23  }
0x42: {  	s2 =	sadd.s32 s13, s22;
	s31 =	sor.u32 $0x103800, s0;
	s0 =	sor.u32 $0x183800, s0  }
0x43: {  	s19 =	simm.s32 $0x10000;
	s22 =	simm.s32 $0x2;
	[smem:$0x7EB] =	sst s3  }
0x44: {  	s23 =	simm.s32 $0x18000;
	s3 =	sadd.s32 s13, s6;
	[smem:$0x7FA] =	sst s2  }
0x45: {  	s9 =	sadd.s32 s10, s31;
	[smem:$0x7ED] =	sst s3;
	s3 =	sadd.s32 s13, s8  }
0x46: {  	s12 =	sadd.s32 s13, s31;
	[smem:$0x7EF] =	sst s3;
	s3 =	sadd.s32 s13, s11  }
0x47: {  	s8 =	sadd.s32 s10, s30;
	[smem:$0x7F4] =	sst s3;
	s3 =	sadd.s32 s13, s20  }
0x48: {  	s10 =	sadd.s32 s10, s0;
	s11 =	sadd.s32 s13, s30;
	[smem:$0x7F8] =	sst s3  }
0x49: {  	s13 =	sadd.s32 s13, s0;
	s20 =	simm.s32 $0x1;
	_ =	strace $0x80000047  }
.LBB2_1:
0x4a: {  	s0 =	sld [smem:$0x7F0];
	_ =	sdelay $0x1  }
0x4b: {  	s5 =	sld [smem:$0x7FD]  }
0x4c: {  	[tilespmem:s15], [sflag:$0x4] =	stream.linear.gather [hbm4b:s0+s1], $0x4000, $0x38;
	[tilespmem:$0x1C000] =	vst v63  }
0x4d: {  	_ = 	snop  }
0x4e: {  	[tilespmem:s1], [sflag:$0x1] =	stream.linear.gather [hbm4b:s5+s1], $0x4000, $0x38;
	[tilespmem:$0x1C000] =	vst v63  }
0x4f: {  	s6 =	rddreg [dreg:$0x4]  }
0x50: {  	[tilespmem:s16], [sflag:$0x2] =	stream.linear.gather [hbm4b:s6+s1], $0x4000, $0x38;
	[tilespmem:$0x1C000] =	vst v63  }
0x51: {  	s30 =	rddreg [dreg:$0x5]  }
0x52: {  	[tilespmem:s17], [sflag:$0x3] =	stream.linear.gather [hbm4b:s30+s1], $0x4000, $0x38;
	[tilespmem:$0x1C000] =	vst v63  }
0x53: {  	_ =	swait.ge [sflag:s18], $0x4000  }
0x54: {  	[sflag:s18] =	ssyncset.done $0x0  }
0x55: {  	s31 =	rddreg [dreg:$0x6];
	[sflag:s18] =	ssyncadd.s32 $0xFFFFC000  }
0x56: {  	[tilespmem:s19], [sflag:$0x5] =	stream.linear.gather [hbm4b:s31+s1], $0x4000, $0x38;
	[tilespmem:$0x1C000] =	vst v63  }
0x57: {  	_ =	swait.ge [sflag:s20], $0x4000  }
0x58: {  	s3 =	simm.s32 $0x14040;
	s2 =	simm.s32 $0x0;
	[sflag:s20] =	ssyncset.done $0x0  }
0x59: {  	s0 =	simm.s32 $0x40;
	s6 =	simm.s32 $0xC040;
	[sflag:s20] =	ssyncadd.s32 $0xFFFFC000  }
.LBB2_2:
0x5a: {  	v1 =	vld [tilespmem:s0+$0x30]  }
0x5b: {  	v2 =	vld [tilespmem:s6+$0x30]  }
0x5c: {  	v0 =	vld [tilespmem:s6+$0xFFFFFFC0]  }
0x5d: {  	v3 =	vld [tilespmem:s0+$0xFFFFFFD0]  }
0x5e: {  	v4 =	vld [tilespmem:s6+$0xFFFFFFD0]  }
0x5f: {  	v5 =	vld [tilespmem:s0+$0xFFFFFFE0]  }
0x60: {  	v6 =	vld [tilespmem:s6+$0xFFFFFFE0]  }
0x61: {  	v7 =	vld [tilespmem:s0+$0xFFFFFFF0]  }
0x62: {  	v8 =	vld [tilespmem:s6+$0xFFFFFFF0]  }
0x63: {  	v9 =	vld [tilespmem:s0+$0x0]  }
0x64: {  	v10 =	vld [tilespmem:s6+$0x0];
	v2 =	vadd.f32 v2, v1  }
0x65: {  	v4 =	vadd.f32 v4, v3;
	v1 =	vld [tilespmem:s0+$0x10]  }
0x66: {  	v5 =	vadd.f32 v6, v5;
	v3 =	vld [tilespmem:s6+$0x10];
	[tilespmem:s3+$0x30] =	vst v2  }
0x67: {  	v6 =	vadd.f32 v8, v7;
	[tilespmem:s3+$0xFFFFFFD0] =	vst v4;
	v2 =	vld [tilespmem:s0+$0x20]  }
0x68: {  	s4 =	simm.s32 $0x0;
	[tilespmem:s3+$0xFFFFFFE0] =	vst v5;
	v5 =	vld [tilespmem:s6+$0x20]  }
0x69: {  	s5 =	sadd.s32 $0x400, s0;
	s31 =	smov.u32 s6;
	s30 =	smov.u32 s3;
	v4 =	vld [tilespmem:s0+$0xFFFFFFC0];
	[tilespmem:s3+$0xFFFFFFF0] =	vst v6;
	v6 =	vadd.f32 v10, v9  }
.LBB2_3:
0x6a: {  	v7 =	vld [tilespmem:s5+$0x30];
	s31 =	sadd.s32 $0x400, s31  }
0x6b: {  	s4 =	sadd.s32 $0x80, s4;
	v8 =	vld [tilespmem:s31+$0x30];
	[tilespmem:s30+$0x0] =	vst v6;
	v1 =	vadd.f32 v3, v1  }
0x6c: {  	p0 =	slt.u32 s4, $0x780;
	v3 =	vld [tilespmem:s31+$0xFFFFFFC0]  }
0x6d: {  	v6 =	vld [tilespmem:s5+$0xFFFFFFD0];
	[tilespmem:s30+$0x10] =	vst v1;
	v1 =	vadd.f32 v5, v2  }
0x6e: {  	v2 =	vld [tilespmem:s31+$0xFFFFFFD0];
	v9 =	vadd.f32 v0, v4  }
0x6f: {  	v4 =	vld [tilespmem:s5+$0xFFFFFFE0];
	[tilespmem:s30+$0x20] =	vst v1  }
0x70: {  	v1 =	vld [tilespmem:s31+$0xFFFFFFE0];
	v5 =	vadd.f32 v8, v7;
	[tilespmem:s30+$0xFFFFFFC0] =	vst v9  }
0x71: {  	s30 =	sadd.s32 $0x400, s30;
	v7 =	vld [tilespmem:s5+$0xFFFFFFF0];
	v0 =	vmov v3  }
0x72: {  	v8 =	vld [tilespmem:s31+$0xFFFFFFF0];
	[tilespmem:s30+$0x30] =	vst v5  }
0x73: {  	v2 =	vadd.f32 v2, v6;
	v6 =	vld [tilespmem:s5+$0x0]  }
0x74: {  	v9 =	vld [tilespmem:s31+$0x0]  }
.Ltmp0:
0x75: {  	[tilespmem:s30+$0xFFFFFFD0] =	vst v2;
	v2 =	vadd.f32 v1, v4;
	v1 =	vld [tilespmem:s5+$0x10];
	(pc) =	sbr.rel @p0 .LBB2_3-.Ltmp0, $4  }
0x76: {  	v3 =	vld [tilespmem:s31+$0x10]  }
0x77: {  	[tilespmem:s30+$0xFFFFFFE0] =	vst v2;
	v7 =	vadd.f32 v8, v7;
	v2 =	vld [tilespmem:s5+$0x20]  }
0x78: {  	v5 =	vld [tilespmem:s31+$0x20]  }
0x79: {  	v4 =	vld [tilespmem:s5+$0xFFFFFFC0];
	[tilespmem:s30+$0xFFFFFFF0] =	vst v7;
	v6 =	vadd.f32 v9, v6;
	s5 =	sadd.s32 $0x400, s5  }
0x7a: {  	s2 =	sadd.s32 $0x1, s2  }
0x7b: {  	p0 =	sne.s32 s2, $0x8  }
.Ltmp1:
0x7c: {  	v1 =	vadd.f32 v3, v1;
	(pc) =	sbr.rel @p0 .LBB2_2-.Ltmp1, $4  }
0x7d: {  	[tilespmem:s30+$0x0] =	vst v6;
	v2 =	vadd.f32 v5, v2  }
0x7e: {  	[tilespmem:s30+$0x10] =	vst v1;
	v0 =	vadd.f32 v0, v4  }
0x7f: {  	[tilespmem:s30+$0x20] =	vst v2  }
0x80: {  	s3 =	sadd.s32 $0x80, s3;
	s6 =	sadd.s32 $0x80, s6;
	s0 =	sadd.s32 $0x80, s0;
	[tilespmem:s30+$0xFFFFFFC0] =	vst v0  }
0x81: {  	s30 =	simm.s32 $0x0  }
0x82: {  	[hbm4b:s7+s30] =	stream.linear.scatter [tilespmem:s21], [sflag:$0x6], $0x4000, $0x38;
	[tilespmem:$0x1C000] =	vst v63  }
0x83: {  	s0 =	rddreg [dreg:$0x7]  }
0x84: {  	[tilespmem:s30], [sflag:$0x1] =	stream.linear.gather [hbm4b:s0+s30], $0x4000, $0x38;
	[tilespmem:$0x1C000] =	vst v63  }
0x85: {  	_ =	swait.ge [sflag:s22], $0x4000  }
0x86: {  	s31 =	simm.s32 $0x18040;
	[sflag:s22] =	ssyncset.done $0x0  }
0x87: {  	s2 =	simm.s32 $0x4040;
	s0 =	simm.s32 $0xC040;
	[sflag:s22] =	ssyncadd.s32 $0xFFFFC000  }
.LBB2_6:
0x88: {  	v1 =	vld [tilespmem:s2+$0x30]  }
0x89: {  	v2 =	vld [tilespmem:s0+$0x30]  }
0x8a: {  	v0 =	vld [tilespmem:s0+$0xFFFFFFC0]  }
0x8b: {  	v3 =	vld [tilespmem:s2+$0xFFFFFFD0]  }
0x8c: {  	v4 =	vld [tilespmem:s0+$0xFFFFFFD0]  }
0x8d: {  	v5 =	vld [tilespmem:s2+$0xFFFFFFE0]  }
0x8e: {  	v6 =	vld [tilespmem:s0+$0xFFFFFFE0]  }
0x8f: {  	v7 =	vld [tilespmem:s2+$0xFFFFFFF0]  }
0x90: {  	v8 =	vld [tilespmem:s0+$0xFFFFFFF0]  }
0x91: {  	v9 =	vld [tilespmem:s2+$0x0]  }
0x92: {  	v10 =	vld [tilespmem:s0+$0x0];
	v2 =	vadd.f32 v2, v1  }
0x93: {  	v4 =	vadd.f32 v4, v3;
	v1 =	vld [tilespmem:s2+$0x10]  }
0x94: {  	v5 =	vadd.f32 v6, v5;
	v3 =	vld [tilespmem:s0+$0x10];
	[tilespmem:s31+$0x30] =	vst v2  }
0x95: {  	v6 =	vadd.f32 v8, v7;
	[tilespmem:s31+$0xFFFFFFD0] =	vst v4;
	v2 =	vld [tilespmem:s2+$0x20]  }
0x96: {  	s4 =	simm.s32 $0x0;
	[tilespmem:s31+$0xFFFFFFE0] =	vst v5;
	v5 =	vld [tilespmem:s0+$0x20]  }
0x97: {  	s5 =	sadd.s32 $0x400, s2;
	s6 =	smov.u32 s0;
	s3 =	smov.u32 s31;
	v4 =	vld [tilespmem:s2+$0xFFFFFFC0];
	[tilespmem:s31+$0xFFFFFFF0] =	vst v6;
	v6 =	vadd.f32 v10, v9  }
.LBB2_7:
0x98: {  	v7 =	vld [tilespmem:s5+$0x30];
	s6 =	sadd.s32 $0x400, s6  }
0x99: {  	s4 =	sadd.s32 $0x80, s4;
	v8 =	vld [tilespmem:s6+$0x30];
	[tilespmem:s3+$0x0] =	vst v6;
	v1 =	vadd.f32 v3, v1  }
0x9a: {  	p0 =	slt.u32 s4, $0x780;
	v3 =	vld [tilespmem:s6+$0xFFFFFFC0]  }
0x9b: {  	v6 =	vld [tilespmem:s5+$0xFFFFFFD0];
	[tilespmem:s3+$0x10] =	vst v1;
	v1 =	vadd.f32 v5, v2  }
0x9c: {  	v2 =	vld [tilespmem:s6+$0xFFFFFFD0];
	v9 =	vadd.f32 v0, v4  }
0x9d: {  	v4 =	vld [tilespmem:s5+$0xFFFFFFE0];
	[tilespmem:s3+$0x20] =	vst v1  }
0x9e: {  	v1 =	vld [tilespmem:s6+$0xFFFFFFE0];
	v5 =	vadd.f32 v8, v7;
	[tilespmem:s3+$0xFFFFFFC0] =	vst v9  }
0x9f: {  	s3 =	sadd.s32 $0x400, s3;
	v7 =	vld [tilespmem:s5+$0xFFFFFFF0];
	v0 =	vmov v3  }
0xa0: {  	v8 =	vld [tilespmem:s6+$0xFFFFFFF0];
	[tilespmem:s3+$0x30] =	vst v5  }
0xa1: {  	v2 =	vadd.f32 v2, v6;
	v6 =	vld [tilespmem:s5+$0x0]  }
0xa2: {  	v9 =	vld [tilespmem:s6+$0x0]  }
.Ltmp2:
0xa3: {  	[tilespmem:s3+$0xFFFFFFD0] =	vst v2;
	v2 =	vadd.f32 v1, v4;
	v1 =	vld [tilespmem:s5+$0x10];
	(pc) =	sbr.rel @p0 .LBB2_7-.Ltmp2, $4  }
0xa4: {  	v3 =	vld [tilespmem:s6+$0x10]  }
0xa5: {  	[tilespmem:s3+$0xFFFFFFE0] =	vst v2;
	v7 =	vadd.f32 v8, v7;
	v2 =	vld [tilespmem:s5+$0x20]  }
0xa6: {  	v5 =	vld [tilespmem:s6+$0x20]  }
0xa7: {  	v4 =	vld [tilespmem:s5+$0xFFFFFFC0];
	[tilespmem:s3+$0xFFFFFFF0] =	vst v7;
	v6 =	vadd.f32 v9, v6;
	s5 =	sadd.s32 $0x400, s5  }
0xa8: {  	s30 =	sadd.s32 $0x1, s30  }
0xa9: {  	p0 =	sne.s32 s30, $0x8  }
.Ltmp3:
0xaa: {  	v1 =	vadd.f32 v3, v1;
	(pc) =	sbr.rel @p0 .LBB2_6-.Ltmp3, $4  }
0xab: {  	[tilespmem:s3+$0x0] =	vst v6;
	v2 =	vadd.f32 v5, v2  }
0xac: {  	[tilespmem:s3+$0x10] =	vst v1;
	v0 =	vadd.f32 v0, v4  }
0xad: {  	[tilespmem:s3+$0x20] =	vst v2  }
0xae: {  	s31 =	sadd.s32 $0x80, s31;
	s0 =	sadd.s32 $0x80, s0;
	s2 =	sadd.s32 $0x80, s2;
	[tilespmem:s3+$0xFFFFFFC0] =	vst v0  }
0xaf: {  	s30 =	simm.s32 $0x0;
	s0 =	rddreg [dreg:$0x8]  }
0xb0: {  	[hbm4b:s0+s30] =	stream.linear.scatter [tilespmem:s23], [sflag:$0x7], $0x4000, $0x38;
	[tilespmem:$0x1C000] =	vst v63  }
0xb1: {  	s6 =	rddreg [dreg:$0x9]  }
0xb2: {  	[tilespmem:s16], [sflag:$0x2] =	stream.linear.gather [hbm4b:s6+s30], $0x4000, $0x38;
	[tilespmem:$0x1C000] =	vst v63  }
0xb3: {  	_ =	swait.ge [sflag:s24], $0x4000  }
0xb4: {  	[sflag:s24] =	ssyncset.done $0x0  }
0xb5: {  	[sflag:s24] =	ssyncadd.s32 $0xFFFFC000  }
0xb6: {  	_ =	swait.ge [sflag:s25], $0x4000  }
0xb7: {  	s31 =	simm.s32 $0x14040;
	[sflag:s25] =	ssyncset.done $0x0  }
0xb8: {  	s2 =	simm.s32 $0x8040;
	s0 =	simm.s32 $0xC040;
	[sflag:s25] =	ssyncadd.s32 $0xFFFFC000  }
.LBB2_10:
0xb9: {  	v1 =	vld [tilespmem:s2+$0x30]  }
0xba: {  	v2 =	vld [tilespmem:s0+$0x30]  }
0xbb: {  	v0 =	vld [tilespmem:s0+$0xFFFFFFC0]  }
0xbc: {  	v3 =	vld [tilespmem:s2+$0xFFFFFFD0]  }
0xbd: {  	v4 =	vld [tilespmem:s0+$0xFFFFFFD0]  }
0xbe: {  	v5 =	vld [tilespmem:s2+$0xFFFFFFE0]  }
0xbf: {  	v6 =	vld [tilespmem:s0+$0xFFFFFFE0]  }
0xc0: {  	v7 =	vld [tilespmem:s2+$0xFFFFFFF0]  }
0xc1: {  	v8 =	vld [tilespmem:s0+$0xFFFFFFF0]  }
0xc2: {  	v9 =	vld [tilespmem:s2+$0x0]  }
0xc3: {  	v10 =	vld [tilespmem:s0+$0x0];
	v2 =	vadd.f32 v2, v1  }
0xc4: {  	v4 =	vadd.f32 v4, v3;
	v1 =	vld [tilespmem:s2+$0x10]  }
0xc5: {  	v5 =	vadd.f32 v6, v5;
	v3 =	vld [tilespmem:s0+$0x10];
	[tilespmem:s31+$0x30] =	vst v2  }
0xc6: {  	v6 =	vadd.f32 v8, v7;
	[tilespmem:s31+$0xFFFFFFD0] =	vst v4;
	v2 =	vld [tilespmem:s2+$0x20]  }
0xc7: {  	s4 =	simm.s32 $0x0;
	[tilespmem:s31+$0xFFFFFFE0] =	vst v5;
	v5 =	vld [tilespmem:s0+$0x20]  }
0xc8: {  	s5 =	sadd.s32 $0x400, s2;
	s6 =	smov.u32 s0;
	s3 =	smov.u32 s31;
	v4 =	vld [tilespmem:s2+$0xFFFFFFC0];
	[tilespmem:s31+$0xFFFFFFF0] =	vst v6;
	v6 =	vadd.f32 v10, v9  }
.LBB2_11:
0xc9: {  	v7 =	vld [tilespmem:s5+$0x30];
	s6 =	sadd.s32 $0x400, s6  }
0xca: {  	s4 =	sadd.s32 $0x80, s4;
	v8 =	vld [tilespmem:s6+$0x30];
	[tilespmem:s3+$0x0] =	vst v6;
	v1 =	vadd.f32 v3, v1  }
0xcb: {  	p0 =	slt.u32 s4, $0x780;
	v3 =	vld [tilespmem:s6+$0xFFFFFFC0]  }
0xcc: {  	v6 =	vld [tilespmem:s5+$0xFFFFFFD0];
	[tilespmem:s3+$0x10] =	vst v1;
	v1 =	vadd.f32 v5, v2  }
0xcd: {  	v2 =	vld [tilespmem:s6+$0xFFFFFFD0];
	v9 =	vadd.f32 v0, v4  }
0xce: {  	v4 =	vld [tilespmem:s5+$0xFFFFFFE0];
	[tilespmem:s3+$0x20] =	vst v1  }
0xcf: {  	v1 =	vld [tilespmem:s6+$0xFFFFFFE0];
	v5 =	vadd.f32 v8, v7;
	[tilespmem:s3+$0xFFFFFFC0] =	vst v9  }
0xd0: {  	s3 =	sadd.s32 $0x400, s3;
	v7 =	vld [tilespmem:s5+$0xFFFFFFF0];
	v0 =	vmov v3  }
0xd1: {  	v8 =	vld [tilespmem:s6+$0xFFFFFFF0];
	[tilespmem:s3+$0x30] =	vst v5  }
0xd2: {  	v2 =	vadd.f32 v2, v6;
	v6 =	vld [tilespmem:s5+$0x0]  }
0xd3: {  	v9 =	vld [tilespmem:s6+$0x0]  }
.Ltmp4:
0xd4: {  	[tilespmem:s3+$0xFFFFFFD0] =	vst v2;
	v2 =	vadd.f32 v1, v4;
	v1 =	vld [tilespmem:s5+$0x10];
	(pc) =	sbr.rel @p0 .LBB2_11-.Ltmp4, $4  }
0xd5: {  	v3 =	vld [tilespmem:s6+$0x10]  }
0xd6: {  	[tilespmem:s3+$0xFFFFFFE0] =	vst v2;
	v7 =	vadd.f32 v8, v7;
	v2 =	vld [tilespmem:s5+$0x20]  }
0xd7: {  	v5 =	vld [tilespmem:s6+$0x20]  }
0xd8: {  	v4 =	vld [tilespmem:s5+$0xFFFFFFC0];
	[tilespmem:s3+$0xFFFFFFF0] =	vst v7;
	v6 =	vadd.f32 v9, v6;
	s5 =	sadd.s32 $0x400, s5  }
0xd9: {  	s30 =	sadd.s32 $0x1, s30  }
0xda: {  	p0 =	sne.s32 s30, $0x8  }
.Ltmp5:
0xdb: {  	v1 =	vadd.f32 v3, v1;
	(pc) =	sbr.rel @p0 .LBB2_10-.Ltmp5, $4  }
0xdc: {  	[tilespmem:s3+$0x0] =	vst v6;
	v2 =	vadd.f32 v5, v2  }
0xdd: {  	[tilespmem:s3+$0x10] =	vst v1;
	v0 =	vadd.f32 v0, v4  }
0xde: {  	[tilespmem:s3+$0x20] =	vst v2  }
0xdf: {  	s31 =	sadd.s32 $0x80, s31;
	s0 =	sadd.s32 $0x80, s0;
	s2 =	sadd.s32 $0x80, s2;
	[tilespmem:s3+$0xFFFFFFC0] =	vst v0  }
0xe0: {  	s30 =	simm.s32 $0x0;
	s0 =	rddreg [dreg:$0xa]  }
0xe1: {  	[hbm4b:s0+s30] =	stream.linear.scatter [tilespmem:s21], [sflag:$0x6], $0x4000, $0x38;
	[tilespmem:$0x1C000] =	vst v63  }
0xe2: {  	s6 =	rddreg [dreg:$0xb]  }
0xe3: {  	[tilespmem:s17], [sflag:$0x3] =	stream.linear.gather [hbm4b:s6+s30], $0x4000, $0x38;
	[tilespmem:$0x1C000] =	vst v63  }
0xe4: {  	_ =	swait.ge [sflag:s20], $0x4000  }
0xe5: {  	[sflag:s20] =	ssyncset.done $0x0  }
0xe6: {  	[sflag:s20] =	ssyncadd.s32 $0xFFFFC000  }
0xe7: {  	_ =	swait.ge [sflag:s26], $0x4000  }
0xe8: {  	s31 =	simm.s32 $0x18040;
	[sflag:s26] =	ssyncset.done $0x0  }
0xe9: {  	s2 =	simm.s32 $0x40;
	s0 =	simm.s32 $0xC040;
	[sflag:s26] =	ssyncadd.s32 $0xFFFFC000  }
.LBB2_14:
0xea: {  	v1 =	vld [tilespmem:s2+$0x30]  }
0xeb: {  	v2 =	vld [tilespmem:s0+$0x30]  }
0xec: {  	v0 =	vld [tilespmem:s0+$0xFFFFFFC0]  }
0xed: {  	v3 =	vld [tilespmem:s2+$0xFFFFFFD0]  }
0xee: {  	v4 =	vld [tilespmem:s0+$0xFFFFFFD0]  }
0xef: {  	v5 =	vld [tilespmem:s2+$0xFFFFFFE0]  }
0xf0: {  	v6 =	vld [tilespmem:s0+$0xFFFFFFE0]  }
0xf1: {  	v7 =	vld [tilespmem:s2+$0xFFFFFFF0]  }
0xf2: {  	v8 =	vld [tilespmem:s0+$0xFFFFFFF0]  }
0xf3: {  	v9 =	vld [tilespmem:s2+$0x0]  }
0xf4: {  	v10 =	vld [tilespmem:s0+$0x0];
	v2 =	vadd.f32 v2, v1  }
0xf5: {  	v4 =	vadd.f32 v4, v3;
	v1 =	vld [tilespmem:s2+$0x10]  }
0xf6: {  	v5 =	vadd.f32 v6, v5;
	v3 =	vld [tilespmem:s0+$0x10];
	[tilespmem:s31+$0x30] =	vst v2  }
0xf7: {  	v6 =	vadd.f32 v8, v7;
	[tilespmem:s31+$0xFFFFFFD0] =	vst v4;
	v2 =	vld [tilespmem:s2+$0x20]  }
0xf8: {  	s4 =	simm.s32 $0x0;
	[tilespmem:s31+$0xFFFFFFE0] =	vst v5;
	v5 =	vld [tilespmem:s0+$0x20]  }
0xf9: {  	s5 =	sadd.s32 $0x400, s2;
	s6 =	smov.u32 s0;
	s3 =	smov.u32 s31;
	v4 =	vld [tilespmem:s2+$0xFFFFFFC0];
	[tilespmem:s31+$0xFFFFFFF0] =	vst v6;
	v6 =	vadd.f32 v10, v9  }
.LBB2_15:
0xfa: {  	v7 =	vld [tilespmem:s5+$0x30];
	s6 =	sadd.s32 $0x400, s6  }
0xfb: {  	s4 =	sadd.s32 $0x80, s4;
	v8 =	vld [tilespmem:s6+$0x30];
	[tilespmem:s3+$0x0] =	vst v6;
	v1 =	vadd.f32 v3, v1  }
0xfc: {  	p0 =	slt.u32 s4, $0x780;
	v3 =	vld [tilespmem:s6+$0xFFFFFFC0]  }
0xfd: {  	v6 =	vld [tilespmem:s5+$0xFFFFFFD0];
	[tilespmem:s3+$0x10] =	vst v1;
	v1 =	vadd.f32 v5, v2  }
0xfe: {  	v2 =	vld [tilespmem:s6+$0xFFFFFFD0];
	v9 =	vadd.f32 v0, v4  }
0xff: {  	v4 =	vld [tilespmem:s5+$0xFFFFFFE0];
	[tilespmem:s3+$0x20] =	vst v1  }
0x100: {  	v1 =	vld [tilespmem:s6+$0xFFFFFFE0];
	v5 =	vadd.f32 v8, v7;
	[tilespmem:s3+$0xFFFFFFC0] =	vst v9  }
0x101: {  	s3 =	sadd.s32 $0x400, s3;
	v7 =	vld [tilespmem:s5+$0xFFFFFFF0];
	v0 =	vmov v3  }
0x102: {  	v8 =	vld [tilespmem:s6+$0xFFFFFFF0];
	[tilespmem:s3+$0x30] =	vst v5  }
0x103: {  	v2 =	vadd.f32 v2, v6;
	v6 =	vld [tilespmem:s5+$0x0]  }
0x104: {  	v9 =	vld [tilespmem:s6+$0x0]  }
.Ltmp6:
0x105: {  	[tilespmem:s3+$0xFFFFFFD0] =	vst v2;
	v2 =	vadd.f32 v1, v4;
	v1 =	vld [tilespmem:s5+$0x10];
	(pc) =	sbr.rel @p0 .LBB2_15-.Ltmp6, $4  }
0x106: {  	v3 =	vld [tilespmem:s6+$0x10]  }
0x107: {  	[tilespmem:s3+$0xFFFFFFE0] =	vst v2;
	v7 =	vadd.f32 v8, v7;
	v2 =	vld [tilespmem:s5+$0x20]  }
0x108: {  	v5 =	vld [tilespmem:s6+$0x20]  }
0x109: {  	v4 =	vld [tilespmem:s5+$0xFFFFFFC0];
	[tilespmem:s3+$0xFFFFFFF0] =	vst v7;
	v6 =	vadd.f32 v9, v6;
	s5 =	sadd.s32 $0x400, s5  }
0x10a: {  	s30 =	sadd.s32 $0x1, s30  }
0x10b: {  	p0 =	sne.s32 s30, $0x8  }
.Ltmp7:
0x10c: {  	v1 =	vadd.f32 v3, v1;
	(pc) =	sbr.rel @p0 .LBB2_14-.Ltmp7, $4  }
0x10d: {  	[tilespmem:s3+$0x0] =	vst v6;
	v2 =	vadd.f32 v5, v2  }
0x10e: {  	[tilespmem:s3+$0x10] =	vst v1;
	v0 =	vadd.f32 v0, v4  }
0x10f: {  	[tilespmem:s3+$0x20] =	vst v2  }
0x110: {  	s31 =	sadd.s32 $0x80, s31;
	s0 =	sadd.s32 $0x80, s0;
	s2 =	sadd.s32 $0x80, s2;
	[tilespmem:s3+$0xFFFFFFC0] =	vst v0  }
0x111: {  	s30 =	simm.s32 $0x0;
	s0 =	rddreg [dreg:$0xc]  }
0x112: {  	[hbm4b:s0+s30] =	stream.linear.scatter [tilespmem:s23], [sflag:$0x7], $0x4000, $0x38;
	[tilespmem:$0x1C000] =	vst v63  }
0x113: {  	s5 =	rddreg [dreg:$0xd]  }
0x114: {  	[tilespmem:s30], [sflag:$0x1] =	stream.linear.gather [hbm4b:s5+s30], $0x4000, $0x38;
	[tilespmem:$0x1C000] =	vst v63  }
0x115: {  	_ =	swait.ge [sflag:s28], $0x4000  }
0x116: {  	[sflag:s28] =	ssyncset.done $0x0  }
0x117: {  	s6 =	rddreg [dreg:$0xe];
	[sflag:s28] =	ssyncadd.s32 $0xFFFFC000  }
0x118: {  	[tilespmem:s15], [sflag:$0x4] =	stream.linear.gather [hbm4b:s6+s30], $0x4000, $0x38;
	[tilespmem:$0x1C000] =	vst v63  }
0x119: {  	_ =	swait.ge [sflag:s22], $0x4000  }
0x11a: {  	[sflag:s22] =	ssyncset.done $0x0  }
0x11b: {  	[sflag:s22] =	ssyncadd.s32 $0xFFFFC000  }
0x11c: {  	_ =	swait.ge [sflag:s25], $0x4000  }
0x11d: {  	s31 =	simm.s32 $0x14040;
	[sflag:s25] =	ssyncset.done $0x0  }
0x11e: {  	s2 =	simm.s32 $0x4040;
	s0 =	simm.s32 $0x10040;
	[sflag:s25] =	ssyncadd.s32 $0xFFFFC000  }
.LBB2_18:
0x11f: {  	v1 =	vld [tilespmem:s2+$0x30]  }
0x120: {  	v2 =	vld [tilespmem:s0+$0x30]  }
0x121: {  	v0 =	vld [tilespmem:s0+$0xFFFFFFC0]  }
0x122: {  	v3 =	vld [tilespmem:s2+$0xFFFFFFD0]  }
0x123: {  	v4 =	vld [tilespmem:s0+$0xFFFFFFD0]  }
0x124: {  	v5 =	vld [tilespmem:s2+$0xFFFFFFE0]  }
0x125: {  	v6 =	vld [tilespmem:s0+$0xFFFFFFE0]  }
0x126: {  	v7 =	vld [tilespmem:s2+$0xFFFFFFF0]  }
0x127: {  	v8 =	vld [tilespmem:s0+$0xFFFFFFF0]  }
0x128: {  	v9 =	vld [tilespmem:s2+$0x0]  }
0x129: {  	v10 =	vld [tilespmem:s0+$0x0];
	v2 =	vadd.f32 v2, v1  }
0x12a: {  	v4 =	vadd.f32 v4, v3;
	v1 =	vld [tilespmem:s2+$0x10]  }
0x12b: {  	v5 =	vadd.f32 v6, v5;
	v3 =	vld [tilespmem:s0+$0x10];
	[tilespmem:s31+$0x30] =	vst v2  }
0x12c: {  	v6 =	vadd.f32 v8, v7;
	[tilespmem:s31+$0xFFFFFFD0] =	vst v4;
	v2 =	vld [tilespmem:s2+$0x20]  }
0x12d: {  	s4 =	simm.s32 $0x0;
	[tilespmem:s31+$0xFFFFFFE0] =	vst v5;
	v5 =	vld [tilespmem:s0+$0x20]  }
0x12e: {  	s5 =	sadd.s32 $0x400, s2;
	s6 =	smov.u32 s0;
	s3 =	smov.u32 s31;
	v4 =	vld [tilespmem:s2+$0xFFFFFFC0];
	[tilespmem:s31+$0xFFFFFFF0] =	vst v6;
	v6 =	vadd.f32 v10, v9  }
.LBB2_19:
0x12f: {  	v7 =	vld [tilespmem:s5+$0x30];
	s6 =	sadd.s32 $0x400, s6  }
0x130: {  	s4 =	sadd.s32 $0x80, s4;
	v8 =	vld [tilespmem:s6+$0x30];
	[tilespmem:s3+$0x0] =	vst v6;
	v1 =	vadd.f32 v3, v1  }
0x131: {  	p0 =	slt.u32 s4, $0x780;
	v3 =	vld [tilespmem:s6+$0xFFFFFFC0]  }
0x132: {  	v6 =	vld [tilespmem:s5+$0xFFFFFFD0];
	[tilespmem:s3+$0x10] =	vst v1;
	v1 =	vadd.f32 v5, v2  }
0x133: {  	v2 =	vld [tilespmem:s6+$0xFFFFFFD0];
	v9 =	vadd.f32 v0, v4  }
0x134: {  	v4 =	vld [tilespmem:s5+$0xFFFFFFE0];
	[tilespmem:s3+$0x20] =	vst v1  }
0x135: {  	v1 =	vld [tilespmem:s6+$0xFFFFFFE0];
	v5 =	vadd.f32 v8, v7;
	[tilespmem:s3+$0xFFFFFFC0] =	vst v9  }
0x136: {  	s3 =	sadd.s32 $0x400, s3;
	v7 =	vld [tilespmem:s5+$0xFFFFFFF0];
	v0 =	vmov v3  }
0x137: {  	v8 =	vld [tilespmem:s6+$0xFFFFFFF0];
	[tilespmem:s3+$0x30] =	vst v5  }
0x138: {  	v2 =	vadd.f32 v2, v6;
	v6 =	vld [tilespmem:s5+$0x0]  }
0x139: {  	v9 =	vld [tilespmem:s6+$0x0]  }
.Ltmp8:
0x13a: {  	[tilespmem:s3+$0xFFFFFFD0] =	vst v2;
	v2 =	vadd.f32 v1, v4;
	v1 =	vld [tilespmem:s5+$0x10];
	(pc) =	sbr.rel @p0 .LBB2_19-.Ltmp8, $4  }
0x13b: {  	v3 =	vld [tilespmem:s6+$0x10]  }
0x13c: {  	[tilespmem:s3+$0xFFFFFFE0] =	vst v2;
	v7 =	vadd.f32 v8, v7;
	v2 =	vld [tilespmem:s5+$0x20]  }
0x13d: {  	v5 =	vld [tilespmem:s6+$0x20]  }
0x13e: {  	v4 =	vld [tilespmem:s5+$0xFFFFFFC0];
	[tilespmem:s3+$0xFFFFFFF0] =	vst v7;
	v6 =	vadd.f32 v9, v6;
	s5 =	sadd.s32 $0x400, s5  }
0x13f: {  	s30 =	sadd.s32 $0x1, s30  }
0x140: {  	p0 =	sne.s32 s30, $0x8  }
.Ltmp9:
0x141: {  	v1 =	vadd.f32 v3, v1;
	(pc) =	sbr.rel @p0 .LBB2_18-.Ltmp9, $4  }
0x142: {  	[tilespmem:s3+$0x0] =	vst v6;
	v2 =	vadd.f32 v5, v2  }
0x143: {  	[tilespmem:s3+$0x10] =	vst v1;
	v0 =	vadd.f32 v0, v4  }
0x144: {  	[tilespmem:s3+$0x20] =	vst v2  }
0x145: {  	s31 =	sadd.s32 $0x80, s31;
	s0 =	sadd.s32 $0x80, s0;
	s2 =	sadd.s32 $0x80, s2;
	[tilespmem:s3+$0xFFFFFFC0] =	vst v0  }
0x146: {  	s30 =	simm.s32 $0x0;
	s0 =	rddreg [dreg:$0xf]  }
0x147: {  	[hbm4b:s0+s30] =	stream.linear.scatter [tilespmem:s21], [sflag:$0x6], $0x4000, $0x38;
	[tilespmem:$0x1C000] =	vst v63  }
0x148: {  	s6 =	rddreg [dreg:$0x10]  }
0x149: {  	[tilespmem:s16], [sflag:$0x2] =	stream.linear.gather [hbm4b:s6+s30], $0x4000, $0x38;
	[tilespmem:$0x1C000] =	vst v63  }
0x14a: {  	_ =	swait.ge [sflag:s24], $0x4000  }
0x14b: {  	[sflag:s24] =	ssyncset.done $0x0  }
0x14c: {  	[sflag:s24] =	ssyncadd.s32 $0xFFFFC000  }
0x14d: {  	_ =	swait.ge [sflag:s26], $0x4000  }
0x14e: {  	s31 =	simm.s32 $0x18040;
	[sflag:s26] =	ssyncset.done $0x0  }
0x14f: {  	s2 =	simm.s32 $0x8040;
	s0 =	simm.s32 $0x10040;
	[sflag:s26] =	ssyncadd.s32 $0xFFFFC000  }
.LBB2_22:
0x150: {  	v1 =	vld [tilespmem:s2+$0x30]  }
0x151: {  	v2 =	vld [tilespmem:s0+$0x30]  }
0x152: {  	v0 =	vld [tilespmem:s0+$0xFFFFFFC0]  }
0x153: {  	v3 =	vld [tilespmem:s2+$0xFFFFFFD0]  }
0x154: {  	v4 =	vld [tilespmem:s0+$0xFFFFFFD0]  }
0x155: {  	v5 =	vld [tilespmem:s2+$0xFFFFFFE0]  }
0x156: {  	v6 =	vld [tilespmem:s0+$0xFFFFFFE0]  }
0x157: {  	v7 =	vld [tilespmem:s2+$0xFFFFFFF0]  }
0x158: {  	v8 =	vld [tilespmem:s0+$0xFFFFFFF0]  }
0x159: {  	v9 =	vld [tilespmem:s2+$0x0]  }
0x15a: {  	v10 =	vld [tilespmem:s0+$0x0];
	v2 =	vadd.f32 v2, v1  }
0x15b: {  	v4 =	vadd.f32 v4, v3;
	v1 =	vld [tilespmem:s2+$0x10]  }
0x15c: {  	v5 =	vadd.f32 v6, v5;
	v3 =	vld [tilespmem:s0+$0x10];
	[tilespmem:s31+$0x30] =	vst v2  }
0x15d: {  	v6 =	vadd.f32 v8, v7;
	[tilespmem:s31+$0xFFFFFFD0] =	vst v4;
	v2 =	vld [tilespmem:s2+$0x20]  }
0x15e: {  	s4 =	simm.s32 $0x0;
	[tilespmem:s31+$0xFFFFFFE0] =	vst v5;
	v5 =	vld [tilespmem:s0+$0x20]  }
0x15f: {  	s5 =	sadd.s32 $0x400, s2;
	s6 =	smov.u32 s0;
	s3 =	smov.u32 s31;
	v4 =	vld [tilespmem:s2+$0xFFFFFFC0];
	[tilespmem:s31+$0xFFFFFFF0] =	vst v6;
	v6 =	vadd.f32 v10, v9  }
.LBB2_23:
0x160: {  	v7 =	vld [tilespmem:s5+$0x30];
	s6 =	sadd.s32 $0x400, s6  }
0x161: {  	s4 =	sadd.s32 $0x80, s4;
	v8 =	vld [tilespmem:s6+$0x30];
	[tilespmem:s3+$0x0] =	vst v6;
	v1 =	vadd.f32 v3, v1  }
0x162: {  	p0 =	slt.u32 s4, $0x780;
	v3 =	vld [tilespmem:s6+$0xFFFFFFC0]  }
0x163: {  	v6 =	vld [tilespmem:s5+$0xFFFFFFD0];
	[tilespmem:s3+$0x10] =	vst v1;
	v1 =	vadd.f32 v5, v2  }
0x164: {  	v2 =	vld [tilespmem:s6+$0xFFFFFFD0];
	v9 =	vadd.f32 v0, v4  }
0x165: {  	v4 =	vld [tilespmem:s5+$0xFFFFFFE0];
	[tilespmem:s3+$0x20] =	vst v1  }
0x166: {  	v1 =	vld [tilespmem:s6+$0xFFFFFFE0];
	v5 =	vadd.f32 v8, v7;
	[tilespmem:s3+$0xFFFFFFC0] =	vst v9  }
0x167: {  	s3 =	sadd.s32 $0x400, s3;
	v7 =	vld [tilespmem:s5+$0xFFFFFFF0];
	v0 =	vmov v3  }
0x168: {  	v8 =	vld [tilespmem:s6+$0xFFFFFFF0];
	[tilespmem:s3+$0x30] =	vst v5  }
0x169: {  	v2 =	vadd.f32 v2, v6;
	v6 =	vld [tilespmem:s5+$0x0]  }
0x16a: {  	v9 =	vld [tilespmem:s6+$0x0]  }
.Ltmp10:
0x16b: {  	[tilespmem:s3+$0xFFFFFFD0] =	vst v2;
	v2 =	vadd.f32 v1, v4;
	v1 =	vld [tilespmem:s5+$0x10];
	(pc) =	sbr.rel @p0 .LBB2_23-.Ltmp10, $4  }
0x16c: {  	v3 =	vld [tilespmem:s6+$0x10]  }
0x16d: {  	[tilespmem:s3+$0xFFFFFFE0] =	vst v2;
	v7 =	vadd.f32 v8, v7;
	v2 =	vld [tilespmem:s5+$0x20]  }
0x16e: {  	v5 =	vld [tilespmem:s6+$0x20]  }
0x16f: {  	v4 =	vld [tilespmem:s5+$0xFFFFFFC0];
	[tilespmem:s3+$0xFFFFFFF0] =	vst v7;
	v6 =	vadd.f32 v9, v6;
	s5 =	sadd.s32 $0x400, s5  }
0x170: {  	s30 =	sadd.s32 $0x1, s30  }
0x171: {  	p0 =	sne.s32 s30, $0x8  }
.Ltmp11:
0x172: {  	v1 =	vadd.f32 v3, v1;
	(pc) =	sbr.rel @p0 .LBB2_22-.Ltmp11, $4  }
0x173: {  	[tilespmem:s3+$0x0] =	vst v6;
	v2 =	vadd.f32 v5, v2  }
0x174: {  	[tilespmem:s3+$0x10] =	vst v1;
	v0 =	vadd.f32 v0, v4  }
0x175: {  	[tilespmem:s3+$0x20] =	vst v2  }
0x176: {  	s31 =	sadd.s32 $0x80, s31;
	s0 =	sadd.s32 $0x80, s0;
	s2 =	sadd.s32 $0x80, s2;
	[tilespmem:s3+$0xFFFFFFC0] =	vst v0  }
0x177: {  	s30 =	simm.s32 $0x0;
	s0 =	rddreg [dreg:$0x11]  }
0x178: {  	[hbm4b:s0+s30] =	stream.linear.scatter [tilespmem:s23], [sflag:$0x7], $0x4000, $0x38;
	[tilespmem:$0x1C000] =	vst v63  }
0x179: {  	s6 =	rddreg [dreg:$0x12]  }
0x17a: {  	[tilespmem:s17], [sflag:$0x3] =	stream.linear.gather [hbm4b:s6+s30], $0x4000, $0x38;
	[tilespmem:$0x1C000] =	vst v63  }
0x17b: {  	_ =	swait.ge [sflag:s20], $0x4000  }
0x17c: {  	[sflag:s20] =	ssyncset.done $0x0  }
0x17d: {  	[sflag:s20] =	ssyncadd.s32 $0xFFFFC000  }
0x17e: {  	_ =	swait.ge [sflag:s25], $0x4000  }
0x17f: {  	s31 =	simm.s32 $0x14040;
	[sflag:s25] =	ssyncset.done $0x0  }
0x180: {  	s2 =	simm.s32 $0x40;
	s0 =	simm.s32 $0x10040;
	[sflag:s25] =	ssyncadd.s32 $0xFFFFC000  }
.LBB2_26:
0x181: {  	v1 =	vld [tilespmem:s2+$0x30]  }
0x182: {  	v2 =	vld [tilespmem:s0+$0x30]  }
0x183: {  	v0 =	vld [tilespmem:s0+$0xFFFFFFC0]  }
0x184: {  	v3 =	vld [tilespmem:s2+$0xFFFFFFD0]  }
0x185: {  	v4 =	vld [tilespmem:s0+$0xFFFFFFD0]  }
0x186: {  	v5 =	vld [tilespmem:s2+$0xFFFFFFE0]  }
0x187: {  	v6 =	vld [tilespmem:s0+$0xFFFFFFE0]  }
0x188: {  	v7 =	vld [tilespmem:s2+$0xFFFFFFF0]  }
0x189: {  	v8 =	vld [tilespmem:s0+$0xFFFFFFF0]  }
0x18a: {  	v9 =	vld [tilespmem:s2+$0x0]  }
0x18b: {  	v10 =	vld [tilespmem:s0+$0x0];
	v2 =	vadd.f32 v2, v1  }
0x18c: {  	v4 =	vadd.f32 v4, v3;
	v1 =	vld [tilespmem:s2+$0x10]  }
0x18d: {  	v5 =	vadd.f32 v6, v5;
	v3 =	vld [tilespmem:s0+$0x10];
	[tilespmem:s31+$0x30] =	vst v2  }
0x18e: {  	v6 =	vadd.f32 v8, v7;
	[tilespmem:s31+$0xFFFFFFD0] =	vst v4;
	v2 =	vld [tilespmem:s2+$0x20]  }
0x18f: {  	s4 =	simm.s32 $0x0;
	[tilespmem:s31+$0xFFFFFFE0] =	vst v5;
	v5 =	vld [tilespmem:s0+$0x20]  }
0x190: {  	s5 =	sadd.s32 $0x400, s2;
	s6 =	smov.u32 s0;
	s3 =	smov.u32 s31;
	v4 =	vld [tilespmem:s2+$0xFFFFFFC0];
	[tilespmem:s31+$0xFFFFFFF0] =	vst v6;
	v6 =	vadd.f32 v10, v9  }
.LBB2_27:
0x191: {  	v7 =	vld [tilespmem:s5+$0x30];
	s6 =	sadd.s32 $0x400, s6  }
0x192: {  	s4 =	sadd.s32 $0x80, s4;
	v8 =	vld [tilespmem:s6+$0x30];
	[tilespmem:s3+$0x0] =	vst v6;
	v1 =	vadd.f32 v3, v1  }
0x193: {  	p0 =	slt.u32 s4, $0x780;
	v3 =	vld [tilespmem:s6+$0xFFFFFFC0]  }
0x194: {  	v6 =	vld [tilespmem:s5+$0xFFFFFFD0];
	[tilespmem:s3+$0x10] =	vst v1;
	v1 =	vadd.f32 v5, v2  }
0x195: {  	v2 =	vld [tilespmem:s6+$0xFFFFFFD0];
	v9 =	vadd.f32 v0, v4  }
0x196: {  	v4 =	vld [tilespmem:s5+$0xFFFFFFE0];
	[tilespmem:s3+$0x20] =	vst v1  }
0x197: {  	v1 =	vld [tilespmem:s6+$0xFFFFFFE0];
	v5 =	vadd.f32 v8, v7;
	[tilespmem:s3+$0xFFFFFFC0] =	vst v9  }
0x198: {  	s3 =	sadd.s32 $0x400, s3;
	v7 =	vld [tilespmem:s5+$0xFFFFFFF0];
	v0 =	vmov v3  }
0x199: {  	v8 =	vld [tilespmem:s6+$0xFFFFFFF0];
	[tilespmem:s3+$0x30] =	vst v5  }
0x19a: {  	v2 =	vadd.f32 v2, v6;
	v6 =	vld [tilespmem:s5+$0x0]  }
0x19b: {  	v9 =	vld [tilespmem:s6+$0x0]  }
.Ltmp12:
0x19c: {  	[tilespmem:s3+$0xFFFFFFD0] =	vst v2;
	v2 =	vadd.f32 v1, v4;
	v1 =	vld [tilespmem:s5+$0x10];
	(pc) =	sbr.rel @p0 .LBB2_27-.Ltmp12, $4  }
0x19d: {  	v3 =	vld [tilespmem:s6+$0x10]  }
0x19e: {  	[tilespmem:s3+$0xFFFFFFE0] =	vst v2;
	v7 =	vadd.f32 v8, v7;
	v2 =	vld [tilespmem:s5+$0x20]  }
0x19f: {  	v5 =	vld [tilespmem:s6+$0x20]  }
0x1a0: {  	v4 =	vld [tilespmem:s5+$0xFFFFFFC0];
	[tilespmem:s3+$0xFFFFFFF0] =	vst v7;
	v6 =	vadd.f32 v9, v6;
	s5 =	sadd.s32 $0x400, s5  }
0x1a1: {  	s30 =	sadd.s32 $0x1, s30  }
0x1a2: {  	p0 =	sne.s32 s30, $0x8  }
.Ltmp13:
0x1a3: {  	v1 =	vadd.f32 v3, v1;
	(pc) =	sbr.rel @p0 .LBB2_26-.Ltmp13, $4  }
0x1a4: {  	[tilespmem:s3+$0x0] =	vst v6;
	v2 =	vadd.f32 v5, v2  }
0x1a5: {  	[tilespmem:s3+$0x10] =	vst v1;
	v0 =	vadd.f32 v0, v4  }
0x1a6: {  	[tilespmem:s3+$0x20] =	vst v2  }
0x1a7: {  	s31 =	sadd.s32 $0x80, s31;
	s0 =	sadd.s32 $0x80, s0;
	s2 =	sadd.s32 $0x80, s2;
	[tilespmem:s3+$0xFFFFFFC0] =	vst v0  }
0x1a8: {  	s30 =	simm.s32 $0x0;
	s0 =	rddreg [dreg:$0x13]  }
0x1a9: {  	[hbm4b:s0+s30] =	stream.linear.scatter [tilespmem:s21], [sflag:$0x6], $0x4000, $0x38;
	[tilespmem:$0x1C000] =	vst v63  }
0x1aa: {  	s6 =	rddreg [dreg:$0x16]  }
0x1ab: {  	[tilespmem:s30], [sflag:$0x1] =	stream.linear.gather [hbm4b:s6+s30], $0x4000, $0x38;
	[tilespmem:$0x1C000] =	vst v63  }
0x1ac: {  	_ =	swait.ge [sflag:s22], $0x4000  }
0x1ad: {  	[sflag:s22] =	ssyncset.done $0x0  }
0x1ae: {  	[sflag:s22] =	ssyncadd.s32 $0xFFFFC000  }
0x1af: {  	_ =	swait.ge [sflag:s26], $0x4000  }
0x1b0: {  	s31 =	simm.s32 $0x18040;
	[sflag:s26] =	ssyncset.done $0x0  }
0x1b1: {  	s2 =	simm.s32 $0x4040;
	s0 =	simm.s32 $0x10040;
	[sflag:s26] =	ssyncadd.s32 $0xFFFFC000  }
.LBB2_30:
0x1b2: {  	v1 =	vld [tilespmem:s2+$0x30]  }
0x1b3: {  	v2 =	vld [tilespmem:s0+$0x30]  }
0x1b4: {  	v0 =	vld [tilespmem:s0+$0xFFFFFFC0]  }
0x1b5: {  	v3 =	vld [tilespmem:s2+$0xFFFFFFD0]  }
0x1b6: {  	v4 =	vld [tilespmem:s0+$0xFFFFFFD0]  }
0x1b7: {  	v5 =	vld [tilespmem:s2+$0xFFFFFFE0]  }
0x1b8: {  	v6 =	vld [tilespmem:s0+$0xFFFFFFE0]  }
0x1b9: {  	v7 =	vld [tilespmem:s2+$0xFFFFFFF0]  }
0x1ba: {  	v8 =	vld [tilespmem:s0+$0xFFFFFFF0]  }
0x1bb: {  	v9 =	vld [tilespmem:s2+$0x0]  }
0x1bc: {  	v10 =	vld [tilespmem:s0+$0x0];
	v2 =	vadd.f32 v2, v1  }
0x1bd: {  	v4 =	vadd.f32 v4, v3;
	v1 =	vld [tilespmem:s2+$0x10]  }
0x1be: {  	v5 =	vadd.f32 v6, v5;
	v3 =	vld [tilespmem:s0+$0x10];
	[tilespmem:s31+$0x30] =	vst v2  }
0x1bf: {  	v6 =	vadd.f32 v8, v7;
	[tilespmem:s31+$0xFFFFFFD0] =	vst v4;
	v2 =	vld [tilespmem:s2+$0x20]  }
0x1c0: {  	s4 =	simm.s32 $0x0;
	[tilespmem:s31+$0xFFFFFFE0] =	vst v5;
	v5 =	vld [tilespmem:s0+$0x20]  }
0x1c1: {  	s5 =	sadd.s32 $0x400, s2;
	s6 =	smov.u32 s0;
	s3 =	smov.u32 s31;
	v4 =	vld [tilespmem:s2+$0xFFFFFFC0];
	[tilespmem:s31+$0xFFFFFFF0] =	vst v6;
	v6 =	vadd.f32 v10, v9  }
.LBB2_31:
0x1c2: {  	v7 =	vld [tilespmem:s5+$0x30];
	s6 =	sadd.s32 $0x400, s6  }
0x1c3: {  	s4 =	sadd.s32 $0x80, s4;
	v8 =	vld [tilespmem:s6+$0x30];
	[tilespmem:s3+$0x0] =	vst v6;
	v1 =	vadd.f32 v3, v1  }
0x1c4: {  	p0 =	slt.u32 s4, $0x780;
	v3 =	vld [tilespmem:s6+$0xFFFFFFC0]  }
0x1c5: {  	v6 =	vld [tilespmem:s5+$0xFFFFFFD0];
	[tilespmem:s3+$0x10] =	vst v1;
	v1 =	vadd.f32 v5, v2  }
0x1c6: {  	v2 =	vld [tilespmem:s6+$0xFFFFFFD0];
	v9 =	vadd.f32 v0, v4  }
0x1c7: {  	v4 =	vld [tilespmem:s5+$0xFFFFFFE0];
	[tilespmem:s3+$0x20] =	vst v1  }
0x1c8: {  	v1 =	vld [tilespmem:s6+$0xFFFFFFE0];
	v5 =	vadd.f32 v8, v7;
	[tilespmem:s3+$0xFFFFFFC0] =	vst v9  }
0x1c9: {  	s3 =	sadd.s32 $0x400, s3;
	v7 =	vld [tilespmem:s5+$0xFFFFFFF0];
	v0 =	vmov v3  }
0x1ca: {  	v8 =	vld [tilespmem:s6+$0xFFFFFFF0];
	[tilespmem:s3+$0x30] =	vst v5  }
0x1cb: {  	v2 =	vadd.f32 v2, v6;
	v6 =	vld [tilespmem:s5+$0x0]  }
0x1cc: {  	v9 =	vld [tilespmem:s6+$0x0]  }
.Ltmp14:
0x1cd: {  	[tilespmem:s3+$0xFFFFFFD0] =	vst v2;
	v2 =	vadd.f32 v1, v4;
	v1 =	vld [tilespmem:s5+$0x10];
	(pc) =	sbr.rel @p0 .LBB2_31-.Ltmp14, $4  }
0x1ce: {  	v3 =	vld [tilespmem:s6+$0x10]  }
0x1cf: {  	[tilespmem:s3+$0xFFFFFFE0] =	vst v2;
	v7 =	vadd.f32 v8, v7;
	v2 =	vld [tilespmem:s5+$0x20]  }
0x1d0: {  	v5 =	vld [tilespmem:s6+$0x20]  }
0x1d1: {  	v4 =	vld [tilespmem:s5+$0xFFFFFFC0];
	[tilespmem:s3+$0xFFFFFFF0] =	vst v7;
	v6 =	vadd.f32 v9, v6;
	s5 =	sadd.s32 $0x400, s5  }
0x1d2: {  	s30 =	sadd.s32 $0x1, s30  }
0x1d3: {  	p0 =	sne.s32 s30, $0x8  }
.Ltmp15:
0x1d4: {  	v1 =	vadd.f32 v3, v1;
	(pc) =	sbr.rel @p0 .LBB2_30-.Ltmp15, $4  }
0x1d5: {  	[tilespmem:s3+$0x0] =	vst v6;
	v2 =	vadd.f32 v5, v2  }
0x1d6: {  	[tilespmem:s3+$0x10] =	vst v1;
	v0 =	vadd.f32 v0, v4  }
0x1d7: {  	[tilespmem:s3+$0x20] =	vst v2  }
0x1d8: {  	s31 =	sadd.s32 $0x80, s31;
	s0 =	sadd.s32 $0x80, s0;
	s2 =	sadd.s32 $0x80, s2;
	[tilespmem:s3+$0xFFFFFFC0] =	vst v0  }
0x1d9: {  	s30 =	simm.s32 $0x0;
	s0 =	rddreg [dreg:$0x14]  }
0x1da: {  	[hbm4b:s0+s30] =	stream.linear.scatter [tilespmem:s23], [sflag:$0x7], $0x4000, $0x38;
	[tilespmem:$0x1C000] =	vst v63  }
0x1db: {  	s5 =	rddreg [dreg:$0x18]  }
0x1dc: {  	[tilespmem:s16], [sflag:$0x2] =	stream.linear.gather [hbm4b:s5+s30], $0x4000, $0x38;
	[tilespmem:$0x1C000] =	vst v63  }
0x1dd: {  	_ =	swait.ge [sflag:s18], $0x4000  }
0x1de: {  	[sflag:s18] =	ssyncset.done $0x0  }
0x1df: {  	s6 =	rddreg [dreg:$0x1c];
	[sflag:s18] =	ssyncadd.s32 $0xFFFFC000  }
0x1e0: {  	[tilespmem:s19], [sflag:$0x5] =	stream.linear.gather [hbm4b:s6+s30], $0x4000, $0x38;
	[tilespmem:$0x1C000] =	vst v63  }
0x1e1: {  	_ =	swait.ge [sflag:s24], $0x4000  }
0x1e2: {  	[sflag:s24] =	ssyncset.done $0x0  }
0x1e3: {  	[sflag:s24] =	ssyncadd.s32 $0xFFFFC000  }
0x1e4: {  	_ =	swait.ge [sflag:s25], $0x4000  }
0x1e5: {  	s31 =	simm.s32 $0x14040;
	[sflag:s25] =	ssyncset.done $0x0  }
0x1e6: {  	s2 =	simm.s32 $0x8040;
	s0 =	simm.s32 $0xC040;
	[sflag:s25] =	ssyncadd.s32 $0xFFFFC000  }
.LBB2_34:
0x1e7: {  	v1 =	vld [tilespmem:s2+$0x30]  }
0x1e8: {  	v2 =	vld [tilespmem:s0+$0x30]  }
0x1e9: {  	v0 =	vld [tilespmem:s0+$0xFFFFFFC0]  }
0x1ea: {  	v3 =	vld [tilespmem:s2+$0xFFFFFFD0]  }
0x1eb: {  	v4 =	vld [tilespmem:s0+$0xFFFFFFD0]  }
0x1ec: {  	v5 =	vld [tilespmem:s2+$0xFFFFFFE0]  }
0x1ed: {  	v6 =	vld [tilespmem:s0+$0xFFFFFFE0]  }
0x1ee: {  	v7 =	vld [tilespmem:s2+$0xFFFFFFF0]  }
0x1ef: {  	v8 =	vld [tilespmem:s0+$0xFFFFFFF0]  }
0x1f0: {  	v9 =	vld [tilespmem:s2+$0x0]  }
0x1f1: {  	v10 =	vld [tilespmem:s0+$0x0];
	v2 =	vadd.f32 v2, v1  }
0x1f2: {  	v4 =	vadd.f32 v4, v3;
	v1 =	vld [tilespmem:s2+$0x10]  }
0x1f3: {  	v5 =	vadd.f32 v6, v5;
	v3 =	vld [tilespmem:s0+$0x10];
	[tilespmem:s31+$0x30] =	vst v2  }
0x1f4: {  	v6 =	vadd.f32 v8, v7;
	[tilespmem:s31+$0xFFFFFFD0] =	vst v4;
	v2 =	vld [tilespmem:s2+$0x20]  }
0x1f5: {  	s4 =	simm.s32 $0x0;
	[tilespmem:s31+$0xFFFFFFE0] =	vst v5;
	v5 =	vld [tilespmem:s0+$0x20]  }
0x1f6: {  	s5 =	sadd.s32 $0x400, s2;
	s6 =	smov.u32 s0;
	s3 =	smov.u32 s31;
	v4 =	vld [tilespmem:s2+$0xFFFFFFC0];
	[tilespmem:s31+$0xFFFFFFF0] =	vst v6;
	v6 =	vadd.f32 v10, v9  }
.LBB2_35:
0x1f7: {  	v7 =	vld [tilespmem:s5+$0x30];
	s6 =	sadd.s32 $0x400, s6  }
0x1f8: {  	s4 =	sadd.s32 $0x80, s4;
	v8 =	vld [tilespmem:s6+$0x30];
	[tilespmem:s3+$0x0] =	vst v6;
	v1 =	vadd.f32 v3, v1  }
0x1f9: {  	p0 =	slt.u32 s4, $0x780;
	v3 =	vld [tilespmem:s6+$0xFFFFFFC0]  }
0x1fa: {  	v6 =	vld [tilespmem:s5+$0xFFFFFFD0];
	[tilespmem:s3+$0x10] =	vst v1;
	v1 =	vadd.f32 v5, v2  }
0x1fb: {  	v2 =	vld [tilespmem:s6+$0xFFFFFFD0];
	v9 =	vadd.f32 v0, v4  }
0x1fc: {  	v4 =	vld [tilespmem:s5+$0xFFFFFFE0];
	[tilespmem:s3+$0x20] =	vst v1  }
0x1fd: {  	v1 =	vld [tilespmem:s6+$0xFFFFFFE0];
	v5 =	vadd.f32 v8, v7;
	[tilespmem:s3+$0xFFFFFFC0] =	vst v9  }
0x1fe: {  	s3 =	sadd.s32 $0x400, s3;
	v7 =	vld [tilespmem:s5+$0xFFFFFFF0];
	v0 =	vmov v3  }
0x1ff: {  	v8 =	vld [tilespmem:s6+$0xFFFFFFF0];
	[tilespmem:s3+$0x30] =	vst v5  }
0x200: {  	v2 =	vadd.f32 v2, v6;
	v6 =	vld [tilespmem:s5+$0x0]  }
0x201: {  	v9 =	vld [tilespmem:s6+$0x0]  }
.Ltmp16:
0x202: {  	[tilespmem:s3+$0xFFFFFFD0] =	vst v2;
	v2 =	vadd.f32 v1, v4;
	v1 =	vld [tilespmem:s5+$0x10];
	(pc) =	sbr.rel @p0 .LBB2_35-.Ltmp16, $4  }
0x203: {  	v3 =	vld [tilespmem:s6+$0x10]  }
0x204: {  	[tilespmem:s3+$0xFFFFFFE0] =	vst v2;
	v7 =	vadd.f32 v8, v7;
	v2 =	vld [tilespmem:s5+$0x20]  }
0x205: {  	v5 =	vld [tilespmem:s6+$0x20]  }
0x206: {  	v4 =	vld [tilespmem:s5+$0xFFFFFFC0];
	[tilespmem:s3+$0xFFFFFFF0] =	vst v7;
	v6 =	vadd.f32 v9, v6;
	s5 =	sadd.s32 $0x400, s5  }
0x207: {  	s30 =	sadd.s32 $0x1, s30  }
0x208: {  	p0 =	sne.s32 s30, $0x8  }
.Ltmp17:
0x209: {  	v1 =	vadd.f32 v3, v1;
	(pc) =	sbr.rel @p0 .LBB2_34-.Ltmp17, $4  }
0x20a: {  	[tilespmem:s3+$0x0] =	vst v6;
	v2 =	vadd.f32 v5, v2  }
0x20b: {  	[tilespmem:s3+$0x10] =	vst v1;
	v0 =	vadd.f32 v0, v4  }
0x20c: {  	[tilespmem:s3+$0x20] =	vst v2  }
0x20d: {  	s31 =	sadd.s32 $0x80, s31;
	s0 =	sadd.s32 $0x80, s0;
	s2 =	sadd.s32 $0x80, s2;
	[tilespmem:s3+$0xFFFFFFC0] =	vst v0  }
0x20e: {  	s30 =	simm.s32 $0x0;
	s0 =	rddreg [dreg:$0x15]  }
0x20f: {  	[hbm4b:s0+s30] =	stream.linear.scatter [tilespmem:s21], [sflag:$0x6], $0x4000, $0x38;
	[tilespmem:$0x1C000] =	vst v63  }
0x210: {  	s6 =	rddreg [dreg:$0x1a]  }
0x211: {  	[tilespmem:s17], [sflag:$0x3] =	stream.linear.gather [hbm4b:s6+s30], $0x4000, $0x38;
	[tilespmem:$0x1C000] =	vst v63  }
0x212: {  	_ =	swait.ge [sflag:s20], $0x4000  }
0x213: {  	[sflag:s20] =	ssyncset.done $0x0  }
0x214: {  	[sflag:s20] =	ssyncadd.s32 $0xFFFFC000  }
0x215: {  	_ =	swait.ge [sflag:s26], $0x4000  }
0x216: {  	s31 =	simm.s32 $0x18040;
	[sflag:s26] =	ssyncset.done $0x0  }
0x217: {  	s2 =	simm.s32 $0x40;
	s0 =	simm.s32 $0xC040;
	[sflag:s26] =	ssyncadd.s32 $0xFFFFC000  }
.LBB2_38:
0x218: {  	v1 =	vld [tilespmem:s2+$0x30]  }
0x219: {  	v2 =	vld [tilespmem:s0+$0x30]  }
0x21a: {  	v0 =	vld [tilespmem:s0+$0xFFFFFFC0]  }
0x21b: {  	v3 =	vld [tilespmem:s2+$0xFFFFFFD0]  }
0x21c: {  	v4 =	vld [tilespmem:s0+$0xFFFFFFD0]  }
0x21d: {  	v5 =	vld [tilespmem:s2+$0xFFFFFFE0]  }
0x21e: {  	v6 =	vld [tilespmem:s0+$0xFFFFFFE0]  }
0x21f: {  	v7 =	vld [tilespmem:s2+$0xFFFFFFF0]  }
0x220: {  	v8 =	vld [tilespmem:s0+$0xFFFFFFF0]  }
0x221: {  	v9 =	vld [tilespmem:s2+$0x0]  }
0x222: {  	v10 =	vld [tilespmem:s0+$0x0];
	v2 =	vadd.f32 v2, v1  }
0x223: {  	v4 =	vadd.f32 v4, v3;
	v1 =	vld [tilespmem:s2+$0x10]  }
0x224: {  	v5 =	vadd.f32 v6, v5;
	v3 =	vld [tilespmem:s0+$0x10];
	[tilespmem:s31+$0x30] =	vst v2  }
0x225: {  	v6 =	vadd.f32 v8, v7;
	[tilespmem:s31+$0xFFFFFFD0] =	vst v4;
	v2 =	vld [tilespmem:s2+$0x20]  }
0x226: {  	s4 =	simm.s32 $0x0;
	[tilespmem:s31+$0xFFFFFFE0] =	vst v5;
	v5 =	vld [tilespmem:s0+$0x20]  }
0x227: {  	s5 =	sadd.s32 $0x400, s2;
	s6 =	smov.u32 s0;
	s3 =	smov.u32 s31;
	v4 =	vld [tilespmem:s2+$0xFFFFFFC0];
	[tilespmem:s31+$0xFFFFFFF0] =	vst v6;
	v6 =	vadd.f32 v10, v9  }
.LBB2_39:
0x228: {  	v7 =	vld [tilespmem:s5+$0x30];
	s6 =	sadd.s32 $0x400, s6  }
0x229: {  	s4 =	sadd.s32 $0x80, s4;
	v8 =	vld [tilespmem:s6+$0x30];
	[tilespmem:s3+$0x0] =	vst v6;
	v1 =	vadd.f32 v3, v1  }
0x22a: {  	p0 =	slt.u32 s4, $0x780;
	v3 =	vld [tilespmem:s6+$0xFFFFFFC0]  }
0x22b: {  	v6 =	vld [tilespmem:s5+$0xFFFFFFD0];
	[tilespmem:s3+$0x10] =	vst v1;
	v1 =	vadd.f32 v5, v2  }
0x22c: {  	v2 =	vld [tilespmem:s6+$0xFFFFFFD0];
	v9 =	vadd.f32 v0, v4  }
0x22d: {  	v4 =	vld [tilespmem:s5+$0xFFFFFFE0];
	[tilespmem:s3+$0x20] =	vst v1  }
0x22e: {  	v1 =	vld [tilespmem:s6+$0xFFFFFFE0];
	v5 =	vadd.f32 v8, v7;
	[tilespmem:s3+$0xFFFFFFC0] =	vst v9  }
0x22f: {  	s3 =	sadd.s32 $0x400, s3;
	v7 =	vld [tilespmem:s5+$0xFFFFFFF0];
	v0 =	vmov v3  }
0x230: {  	v8 =	vld [tilespmem:s6+$0xFFFFFFF0];
	[tilespmem:s3+$0x30] =	vst v5  }
0x231: {  	v2 =	vadd.f32 v2, v6;
	v6 =	vld [tilespmem:s5+$0x0]  }
0x232: {  	v9 =	vld [tilespmem:s6+$0x0]  }
.Ltmp18:
0x233: {  	[tilespmem:s3+$0xFFFFFFD0] =	vst v2;
	v2 =	vadd.f32 v1, v4;
	v1 =	vld [tilespmem:s5+$0x10];
	(pc) =	sbr.rel @p0 .LBB2_39-.Ltmp18, $4  }
0x234: {  	v3 =	vld [tilespmem:s6+$0x10]  }
0x235: {  	[tilespmem:s3+$0xFFFFFFE0] =	vst v2;
	v7 =	vadd.f32 v8, v7;
	v2 =	vld [tilespmem:s5+$0x20]  }
0x236: {  	v5 =	vld [tilespmem:s6+$0x20]  }
0x237: {  	v4 =	vld [tilespmem:s5+$0xFFFFFFC0];
	[tilespmem:s3+$0xFFFFFFF0] =	vst v7;
	v6 =	vadd.f32 v9, v6;
	s5 =	sadd.s32 $0x400, s5  }
0x238: {  	s30 =	sadd.s32 $0x1, s30  }
0x239: {  	p0 =	sne.s32 s30, $0x8  }
.Ltmp19:
0x23a: {  	v1 =	vadd.f32 v3, v1;
	(pc) =	sbr.rel @p0 .LBB2_38-.Ltmp19, $4  }
0x23b: {  	[tilespmem:s3+$0x0] =	vst v6;
	v2 =	vadd.f32 v5, v2  }
0x23c: {  	[tilespmem:s3+$0x10] =	vst v1;
	v0 =	vadd.f32 v0, v4  }
0x23d: {  	[tilespmem:s3+$0x20] =	vst v2  }
0x23e: {  	s31 =	sadd.s32 $0x80, s31;
	s0 =	sadd.s32 $0x80, s0;
	s2 =	sadd.s32 $0x80, s2;
	[tilespmem:s3+$0xFFFFFFC0] =	vst v0  }
0x23f: {  	s30 =	simm.s32 $0x0;
	s0 =	rddreg [dreg:$0x17]  }
0x240: {  	[hbm4b:s0+s30] =	stream.linear.scatter [tilespmem:s23], [sflag:$0x7], $0x4000, $0x38;
	[tilespmem:$0x1C000] =	vst v63  }
0x241: {  	s6 =	rddreg [dreg:$0x1d]  }
0x242: {  	[tilespmem:s30], [sflag:$0x1] =	stream.linear.gather [hbm4b:s6+s30], $0x4000, $0x38;
	[tilespmem:$0x1C000] =	vst v63  }
0x243: {  	_ =	swait.ge [sflag:s22], $0x4000  }
0x244: {  	[sflag:s22] =	ssyncset.done $0x0  }
0x245: {  	[sflag:s22] =	ssyncadd.s32 $0xFFFFC000  }
0x246: {  	_ =	swait.ge [sflag:s25], $0x4000  }
0x247: {  	s31 =	simm.s32 $0x14040;
	[sflag:s25] =	ssyncset.done $0x0  }
0x248: {  	s2 =	simm.s32 $0x4040;
	s0 =	simm.s32 $0xC040;
	[sflag:s25] =	ssyncadd.s32 $0xFFFFC000  }
.LBB2_42:
0x249: {  	v1 =	vld [tilespmem:s2+$0x30]  }
0x24a: {  	v2 =	vld [tilespmem:s0+$0x30]  }
0x24b: {  	v0 =	vld [tilespmem:s0+$0xFFFFFFC0]  }
0x24c: {  	v3 =	vld [tilespmem:s2+$0xFFFFFFD0]  }
0x24d: {  	v4 =	vld [tilespmem:s0+$0xFFFFFFD0]  }
0x24e: {  	v5 =	vld [tilespmem:s2+$0xFFFFFFE0]  }
0x24f: {  	v6 =	vld [tilespmem:s0+$0xFFFFFFE0]  }
0x250: {  	v7 =	vld [tilespmem:s2+$0xFFFFFFF0]  }
0x251: {  	v8 =	vld [tilespmem:s0+$0xFFFFFFF0]  }
0x252: {  	v9 =	vld [tilespmem:s2+$0x0]  }
0x253: {  	v10 =	vld [tilespmem:s0+$0x0];
	v2 =	vadd.f32 v2, v1  }
0x254: {  	v4 =	vadd.f32 v4, v3;
	v1 =	vld [tilespmem:s2+$0x10]  }
0x255: {  	v5 =	vadd.f32 v6, v5;
	v3 =	vld [tilespmem:s0+$0x10];
	[tilespmem:s31+$0x30] =	vst v2  }
0x256: {  	v6 =	vadd.f32 v8, v7;
	[tilespmem:s31+$0xFFFFFFD0] =	vst v4;
	v2 =	vld [tilespmem:s2+$0x20]  }
0x257: {  	s4 =	simm.s32 $0x0;
	[tilespmem:s31+$0xFFFFFFE0] =	vst v5;
	v5 =	vld [tilespmem:s0+$0x20]  }
0x258: {  	s5 =	sadd.s32 $0x400, s2;
	s6 =	smov.u32 s0;
	s3 =	smov.u32 s31;
	v4 =	vld [tilespmem:s2+$0xFFFFFFC0];
	[tilespmem:s31+$0xFFFFFFF0] =	vst v6;
	v6 =	vadd.f32 v10, v9  }
.LBB2_43:
0x259: {  	v7 =	vld [tilespmem:s5+$0x30];
	s6 =	sadd.s32 $0x400, s6  }
0x25a: {  	s4 =	sadd.s32 $0x80, s4;
	v8 =	vld [tilespmem:s6+$0x30];
	[tilespmem:s3+$0x0] =	vst v6;
	v1 =	vadd.f32 v3, v1  }
0x25b: {  	p0 =	slt.u32 s4, $0x780;
	v3 =	vld [tilespmem:s6+$0xFFFFFFC0]  }
0x25c: {  	v6 =	vld [tilespmem:s5+$0xFFFFFFD0];
	[tilespmem:s3+$0x10] =	vst v1;
	v1 =	vadd.f32 v5, v2  }
0x25d: {  	v2 =	vld [tilespmem:s6+$0xFFFFFFD0];
	v9 =	vadd.f32 v0, v4  }
0x25e: {  	v4 =	vld [tilespmem:s5+$0xFFFFFFE0];
	[tilespmem:s3+$0x20] =	vst v1  }
0x25f: {  	v1 =	vld [tilespmem:s6+$0xFFFFFFE0];
	v5 =	vadd.f32 v8, v7;
	[tilespmem:s3+$0xFFFFFFC0] =	vst v9  }
0x260: {  	s3 =	sadd.s32 $0x400, s3;
	v7 =	vld [tilespmem:s5+$0xFFFFFFF0];
	v0 =	vmov v3  }
0x261: {  	v8 =	vld [tilespmem:s6+$0xFFFFFFF0];
	[tilespmem:s3+$0x30] =	vst v5  }
0x262: {  	v2 =	vadd.f32 v2, v6;
	v6 =	vld [tilespmem:s5+$0x0]  }
0x263: {  	v9 =	vld [tilespmem:s6+$0x0]  }
.Ltmp20:
0x264: {  	[tilespmem:s3+$0xFFFFFFD0] =	vst v2;
	v2 =	vadd.f32 v1, v4;
	v1 =	vld [tilespmem:s5+$0x10];
	(pc) =	sbr.rel @p0 .LBB2_43-.Ltmp20, $4  }
0x265: {  	v3 =	vld [tilespmem:s6+$0x10]  }
0x266: {  	[tilespmem:s3+$0xFFFFFFE0] =	vst v2;
	v7 =	vadd.f32 v8, v7;
	v2 =	vld [tilespmem:s5+$0x20]  }
0x267: {  	v5 =	vld [tilespmem:s6+$0x20]  }
0x268: {  	v4 =	vld [tilespmem:s5+$0xFFFFFFC0];
	[tilespmem:s3+$0xFFFFFFF0] =	vst v7;
	v6 =	vadd.f32 v9, v6;
	s5 =	sadd.s32 $0x400, s5  }
0x269: {  	s30 =	sadd.s32 $0x1, s30  }
0x26a: {  	p0 =	sne.s32 s30, $0x8  }
.Ltmp21:
0x26b: {  	v1 =	vadd.f32 v3, v1;
	(pc) =	sbr.rel @p0 .LBB2_42-.Ltmp21, $4  }
0x26c: {  	[tilespmem:s3+$0x0] =	vst v6;
	v2 =	vadd.f32 v5, v2  }
0x26d: {  	[tilespmem:s3+$0x10] =	vst v1;
	v0 =	vadd.f32 v0, v4  }
0x26e: {  	[tilespmem:s3+$0x20] =	vst v2  }
0x26f: {  	s31 =	sadd.s32 $0x80, s31;
	s0 =	sadd.s32 $0x80, s0;
	s2 =	sadd.s32 $0x80, s2;
	[tilespmem:s3+$0xFFFFFFC0] =	vst v0  }
0x270: {  	s30 =	simm.s32 $0x0;
	s0 =	rddreg [dreg:$0x19]  }
0x271: {  	[hbm4b:s0+s30] =	stream.linear.scatter [tilespmem:s21], [sflag:$0x6], $0x4000, $0x38;
	[tilespmem:$0x1C000] =	vst v63  }
0x272: {  	s6 =	rddreg [dreg:$0x1f]  }
0x273: {  	[tilespmem:s16], [sflag:$0x2] =	stream.linear.gather [hbm4b:s6+s30], $0x4000, $0x38;
	[tilespmem:$0x1C000] =	vst v63  }
0x274: {  	_ =	swait.ge [sflag:s24], $0x4000  }
0x275: {  	[sflag:s24] =	ssyncset.done $0x0  }
0x276: {  	[sflag:s24] =	ssyncadd.s32 $0xFFFFC000  }
0x277: {  	_ =	swait.ge [sflag:s26], $0x4000  }
0x278: {  	s31 =	simm.s32 $0x18040;
	[sflag:s26] =	ssyncset.done $0x0  }
0x279: {  	s2 =	simm.s32 $0x8040;
	s0 =	simm.s32 $0xC040;
	[sflag:s26] =	ssyncadd.s32 $0xFFFFC000  }
.LBB2_46:
0x27a: {  	v1 =	vld [tilespmem:s2+$0x30]  }
0x27b: {  	v2 =	vld [tilespmem:s0+$0x30]  }
0x27c: {  	v0 =	vld [tilespmem:s0+$0xFFFFFFC0]  }
0x27d: {  	v3 =	vld [tilespmem:s2+$0xFFFFFFD0]  }
0x27e: {  	v4 =	vld [tilespmem:s0+$0xFFFFFFD0]  }
0x27f: {  	v5 =	vld [tilespmem:s2+$0xFFFFFFE0]  }
0x280: {  	v6 =	vld [tilespmem:s0+$0xFFFFFFE0]  }
0x281: {  	v7 =	vld [tilespmem:s2+$0xFFFFFFF0]  }
0x282: {  	v8 =	vld [tilespmem:s0+$0xFFFFFFF0]  }
0x283: {  	v9 =	vld [tilespmem:s2+$0x0]  }
0x284: {  	v10 =	vld [tilespmem:s0+$0x0];
	v2 =	vadd.f32 v2, v1  }
0x285: {  	v4 =	vadd.f32 v4, v3;
	v1 =	vld [tilespmem:s2+$0x10]  }
0x286: {  	v5 =	vadd.f32 v6, v5;
	v3 =	vld [tilespmem:s0+$0x10];
	[tilespmem:s31+$0x30] =	vst v2  }
0x287: {  	v6 =	vadd.f32 v8, v7;
	[tilespmem:s31+$0xFFFFFFD0] =	vst v4;
	v2 =	vld [tilespmem:s2+$0x20]  }
0x288: {  	s4 =	simm.s32 $0x0;
	[tilespmem:s31+$0xFFFFFFE0] =	vst v5;
	v5 =	vld [tilespmem:s0+$0x20]  }
0x289: {  	s5 =	sadd.s32 $0x400, s2;
	s6 =	smov.u32 s0;
	s3 =	smov.u32 s31;
	v4 =	vld [tilespmem:s2+$0xFFFFFFC0];
	[tilespmem:s31+$0xFFFFFFF0] =	vst v6;
	v6 =	vadd.f32 v10, v9  }
.LBB2_47:
0x28a: {  	v7 =	vld [tilespmem:s5+$0x30];
	s6 =	sadd.s32 $0x400, s6  }
0x28b: {  	s4 =	sadd.s32 $0x80, s4;
	v8 =	vld [tilespmem:s6+$0x30];
	[tilespmem:s3+$0x0] =	vst v6;
	v1 =	vadd.f32 v3, v1  }
0x28c: {  	p0 =	slt.u32 s4, $0x780;
	v3 =	vld [tilespmem:s6+$0xFFFFFFC0]  }
0x28d: {  	v6 =	vld [tilespmem:s5+$0xFFFFFFD0];
	[tilespmem:s3+$0x10] =	vst v1;
	v1 =	vadd.f32 v5, v2  }
0x28e: {  	v2 =	vld [tilespmem:s6+$0xFFFFFFD0];
	v9 =	vadd.f32 v0, v4  }
0x28f: {  	v4 =	vld [tilespmem:s5+$0xFFFFFFE0];
	[tilespmem:s3+$0x20] =	vst v1  }
0x290: {  	v1 =	vld [tilespmem:s6+$0xFFFFFFE0];
	v5 =	vadd.f32 v8, v7;
	[tilespmem:s3+$0xFFFFFFC0] =	vst v9  }
0x291: {  	s3 =	sadd.s32 $0x400, s3;
	v7 =	vld [tilespmem:s5+$0xFFFFFFF0];
	v0 =	vmov v3  }
0x292: {  	v8 =	vld [tilespmem:s6+$0xFFFFFFF0];
	[tilespmem:s3+$0x30] =	vst v5  }
0x293: {  	v2 =	vadd.f32 v2, v6;
	v6 =	vld [tilespmem:s5+$0x0]  }
0x294: {  	v9 =	vld [tilespmem:s6+$0x0]  }
.Ltmp22:
0x295: {  	[tilespmem:s3+$0xFFFFFFD0] =	vst v2;
	v2 =	vadd.f32 v1, v4;
	v1 =	vld [tilespmem:s5+$0x10];
	(pc) =	sbr.rel @p0 .LBB2_47-.Ltmp22, $4  }
0x296: {  	v3 =	vld [tilespmem:s6+$0x10]  }
0x297: {  	[tilespmem:s3+$0xFFFFFFE0] =	vst v2;
	v7 =	vadd.f32 v8, v7;
	v2 =	vld [tilespmem:s5+$0x20]  }
0x298: {  	v5 =	vld [tilespmem:s6+$0x20]  }
0x299: {  	v4 =	vld [tilespmem:s5+$0xFFFFFFC0];
	[tilespmem:s3+$0xFFFFFFF0] =	vst v7;
	v6 =	vadd.f32 v9, v6;
	s5 =	sadd.s32 $0x400, s5  }
0x29a: {  	s30 =	sadd.s32 $0x1, s30  }
0x29b: {  	p0 =	sne.s32 s30, $0x8  }
.Ltmp23:
0x29c: {  	v1 =	vadd.f32 v3, v1;
	(pc) =	sbr.rel @p0 .LBB2_46-.Ltmp23, $4  }
0x29d: {  	[tilespmem:s3+$0x0] =	vst v6;
	v2 =	vadd.f32 v5, v2  }
0x29e: {  	[tilespmem:s3+$0x10] =	vst v1;
	v0 =	vadd.f32 v0, v4  }
0x29f: {  	[tilespmem:s3+$0x20] =	vst v2  }
0x2a0: {  	s31 =	sadd.s32 $0x80, s31;
	s0 =	sadd.s32 $0x80, s0;
	s2 =	sadd.s32 $0x80, s2;
	[tilespmem:s3+$0xFFFFFFC0] =	vst v0  }
0x2a1: {  	s0 =	rddreg [dreg:$0x1b]  }
0x2a2: {  	s30 =	simm.s32 $0x0;
	s5 =	sld [smem:$0x7DA]  }
0x2a3: {  	[hbm4b:s0+s30] =	stream.linear.scatter [tilespmem:s23], [sflag:$0x7], $0x4000, $0x38;
	[tilespmem:$0x1C000] =	vst v63  }
0x2a4: {  	_ = 	snop  }
0x2a5: {  	[tilespmem:s17], [sflag:$0x3] =	stream.linear.gather [hbm4b:s5+s30], $0x4000, $0x38;
	[tilespmem:$0x1C000] =	vst v63  }
0x2a6: {  	_ =	swait.ge [sflag:s28], $0x4000  }
0x2a7: {  	s6 =	sld [smem:$0x7DE]  }
0x2a8: {  	[sflag:s28] =	ssyncset.done $0x0  }
0x2a9: {  	[sflag:s28] =	ssyncadd.s32 $0xFFFFC000  }
0x2aa: {  	[tilespmem:s15], [sflag:$0x4] =	stream.linear.gather [hbm4b:s6+s30], $0x4000, $0x38;
	[tilespmem:$0x1C000] =	vst v63  }
0x2ab: {  	_ =	swait.ge [sflag:s20], $0x4000  }
0x2ac: {  	[sflag:s20] =	ssyncset.done $0x0  }
0x2ad: {  	[sflag:s20] =	ssyncadd.s32 $0xFFFFC000  }
0x2ae: {  	_ =	swait.ge [sflag:s25], $0x4000  }
0x2af: {  	s31 =	simm.s32 $0x14040;
	[sflag:s25] =	ssyncset.done $0x0  }
0x2b0: {  	s2 =	simm.s32 $0x40;
	s0 =	simm.s32 $0x10040;
	[sflag:s25] =	ssyncadd.s32 $0xFFFFC000  }
.LBB2_50:
0x2b1: {  	v1 =	vld [tilespmem:s2+$0x30]  }
0x2b2: {  	v2 =	vld [tilespmem:s0+$0x30]  }
0x2b3: {  	v0 =	vld [tilespmem:s0+$0xFFFFFFC0]  }
0x2b4: {  	v3 =	vld [tilespmem:s2+$0xFFFFFFD0]  }
0x2b5: {  	v4 =	vld [tilespmem:s0+$0xFFFFFFD0]  }
0x2b6: {  	v5 =	vld [tilespmem:s2+$0xFFFFFFE0]  }
0x2b7: {  	v6 =	vld [tilespmem:s0+$0xFFFFFFE0]  }
0x2b8: {  	v7 =	vld [tilespmem:s2+$0xFFFFFFF0]  }
0x2b9: {  	v8 =	vld [tilespmem:s0+$0xFFFFFFF0]  }
0x2ba: {  	v9 =	vld [tilespmem:s2+$0x0]  }
0x2bb: {  	v10 =	vld [tilespmem:s0+$0x0];
	v2 =	vadd.f32 v2, v1  }
0x2bc: {  	v4 =	vadd.f32 v4, v3;
	v1 =	vld [tilespmem:s2+$0x10]  }
0x2bd: {  	v5 =	vadd.f32 v6, v5;
	v3 =	vld [tilespmem:s0+$0x10];
	[tilespmem:s31+$0x30] =	vst v2  }
0x2be: {  	v6 =	vadd.f32 v8, v7;
	[tilespmem:s31+$0xFFFFFFD0] =	vst v4;
	v2 =	vld [tilespmem:s2+$0x20]  }
0x2bf: {  	s4 =	simm.s32 $0x0;
	[tilespmem:s31+$0xFFFFFFE0] =	vst v5;
	v5 =	vld [tilespmem:s0+$0x20]  }
0x2c0: {  	s5 =	sadd.s32 $0x400, s2;
	s6 =	smov.u32 s0;
	s3 =	smov.u32 s31;
	v4 =	vld [tilespmem:s2+$0xFFFFFFC0];
	[tilespmem:s31+$0xFFFFFFF0] =	vst v6;
	v6 =	vadd.f32 v10, v9  }
.LBB2_51:
0x2c1: {  	v7 =	vld [tilespmem:s5+$0x30];
	s6 =	sadd.s32 $0x400, s6  }
0x2c2: {  	s4 =	sadd.s32 $0x80, s4;
	v8 =	vld [tilespmem:s6+$0x30];
	[tilespmem:s3+$0x0] =	vst v6;
	v1 =	vadd.f32 v3, v1  }
0x2c3: {  	p0 =	slt.u32 s4, $0x780;
	v3 =	vld [tilespmem:s6+$0xFFFFFFC0]  }
0x2c4: {  	v6 =	vld [tilespmem:s5+$0xFFFFFFD0];
	[tilespmem:s3+$0x10] =	vst v1;
	v1 =	vadd.f32 v5, v2  }
0x2c5: {  	v2 =	vld [tilespmem:s6+$0xFFFFFFD0];
	v9 =	vadd.f32 v0, v4  }
0x2c6: {  	v4 =	vld [tilespmem:s5+$0xFFFFFFE0];
	[tilespmem:s3+$0x20] =	vst v1  }
0x2c7: {  	v1 =	vld [tilespmem:s6+$0xFFFFFFE0];
	v5 =	vadd.f32 v8, v7;
	[tilespmem:s3+$0xFFFFFFC0] =	vst v9  }
0x2c8: {  	s3 =	sadd.s32 $0x400, s3;
	v7 =	vld [tilespmem:s5+$0xFFFFFFF0];
	v0 =	vmov v3  }
0x2c9: {  	v8 =	vld [tilespmem:s6+$0xFFFFFFF0];
	[tilespmem:s3+$0x30] =	vst v5  }
0x2ca: {  	v2 =	vadd.f32 v2, v6;
	v6 =	vld [tilespmem:s5+$0x0]  }
0x2cb: {  	v9 =	vld [tilespmem:s6+$0x0]  }
.Ltmp24:
0x2cc: {  	[tilespmem:s3+$0xFFFFFFD0] =	vst v2;
	v2 =	vadd.f32 v1, v4;
	v1 =	vld [tilespmem:s5+$0x10];
	(pc) =	sbr.rel @p0 .LBB2_51-.Ltmp24, $4  }
0x2cd: {  	v3 =	vld [tilespmem:s6+$0x10]  }
0x2ce: {  	[tilespmem:s3+$0xFFFFFFE0] =	vst v2;
	v7 =	vadd.f32 v8, v7;
	v2 =	vld [tilespmem:s5+$0x20]  }
0x2cf: {  	v5 =	vld [tilespmem:s6+$0x20]  }
0x2d0: {  	v4 =	vld [tilespmem:s5+$0xFFFFFFC0];
	[tilespmem:s3+$0xFFFFFFF0] =	vst v7;
	v6 =	vadd.f32 v9, v6;
	s5 =	sadd.s32 $0x400, s5  }
0x2d1: {  	s30 =	sadd.s32 $0x1, s30  }
0x2d2: {  	p0 =	sne.s32 s30, $0x8  }
.Ltmp25:
0x2d3: {  	v1 =	vadd.f32 v3, v1;
	(pc) =	sbr.rel @p0 .LBB2_50-.Ltmp25, $4  }
0x2d4: {  	[tilespmem:s3+$0x0] =	vst v6;
	v2 =	vadd.f32 v5, v2  }
0x2d5: {  	[tilespmem:s3+$0x10] =	vst v1;
	v0 =	vadd.f32 v0, v4  }
0x2d6: {  	[tilespmem:s3+$0x20] =	vst v2  }
0x2d7: {  	s31 =	sadd.s32 $0x80, s31;
	s0 =	sadd.s32 $0x80, s0;
	s2 =	sadd.s32 $0x80, s2;
	[tilespmem:s3+$0xFFFFFFC0] =	vst v0  }
0x2d8: {  	s0 =	rddreg [dreg:$0x1e]  }
0x2d9: {  	s30 =	simm.s32 $0x0;
	s6 =	sld [smem:$0x7DC]  }
0x2da: {  	[hbm4b:s0+s30] =	stream.linear.scatter [tilespmem:s21], [sflag:$0x6], $0x4000, $0x38;
	[tilespmem:$0x1C000] =	vst v63  }
0x2db: {  	_ = 	snop  }
0x2dc: {  	[tilespmem:s30], [sflag:$0x1] =	stream.linear.gather [hbm4b:s6+s30], $0x4000, $0x38;
	[tilespmem:$0x1C000] =	vst v63  }
0x2dd: {  	_ =	swait.ge [sflag:s22], $0x4000  }
0x2de: {  	[sflag:s22] =	ssyncset.done $0x0  }
0x2df: {  	[sflag:s22] =	ssyncadd.s32 $0xFFFFC000  }
0x2e0: {  	_ =	swait.ge [sflag:s26], $0x4000  }
0x2e1: {  	s31 =	simm.s32 $0x18040;
	[sflag:s26] =	ssyncset.done $0x0  }
0x2e2: {  	s2 =	simm.s32 $0x4040;
	s0 =	simm.s32 $0x10040;
	[sflag:s26] =	ssyncadd.s32 $0xFFFFC000  }
.LBB2_54:
0x2e3: {  	v1 =	vld [tilespmem:s2+$0x30]  }
0x2e4: {  	v2 =	vld [tilespmem:s0+$0x30]  }
0x2e5: {  	v0 =	vld [tilespmem:s0+$0xFFFFFFC0]  }
0x2e6: {  	v3 =	vld [tilespmem:s2+$0xFFFFFFD0]  }
0x2e7: {  	v4 =	vld [tilespmem:s0+$0xFFFFFFD0]  }
0x2e8: {  	v5 =	vld [tilespmem:s2+$0xFFFFFFE0]  }
0x2e9: {  	v6 =	vld [tilespmem:s0+$0xFFFFFFE0]  }
0x2ea: {  	v7 =	vld [tilespmem:s2+$0xFFFFFFF0]  }
0x2eb: {  	v8 =	vld [tilespmem:s0+$0xFFFFFFF0]  }
0x2ec: {  	v9 =	vld [tilespmem:s2+$0x0]  }
0x2ed: {  	v10 =	vld [tilespmem:s0+$0x0];
	v2 =	vadd.f32 v2, v1  }
0x2ee: {  	v4 =	vadd.f32 v4, v3;
	v1 =	vld [tilespmem:s2+$0x10]  }
0x2ef: {  	v5 =	vadd.f32 v6, v5;
	v3 =	vld [tilespmem:s0+$0x10];
	[tilespmem:s31+$0x30] =	vst v2  }
0x2f0: {  	v6 =	vadd.f32 v8, v7;
	[tilespmem:s31+$0xFFFFFFD0] =	vst v4;
	v2 =	vld [tilespmem:s2+$0x20]  }
0x2f1: {  	s4 =	simm.s32 $0x0;
	[tilespmem:s31+$0xFFFFFFE0] =	vst v5;
	v5 =	vld [tilespmem:s0+$0x20]  }
0x2f2: {  	s5 =	sadd.s32 $0x400, s2;
	s6 =	smov.u32 s0;
	s3 =	smov.u32 s31;
	v4 =	vld [tilespmem:s2+$0xFFFFFFC0];
	[tilespmem:s31+$0xFFFFFFF0] =	vst v6;
	v6 =	vadd.f32 v10, v9  }
.LBB2_55:
0x2f3: {  	v7 =	vld [tilespmem:s5+$0x30];
	s6 =	sadd.s32 $0x400, s6  }
0x2f4: {  	s4 =	sadd.s32 $0x80, s4;
	v8 =	vld [tilespmem:s6+$0x30];
	[tilespmem:s3+$0x0] =	vst v6;
	v1 =	vadd.f32 v3, v1  }
0x2f5: {  	p0 =	slt.u32 s4, $0x780;
	v3 =	vld [tilespmem:s6+$0xFFFFFFC0]  }
0x2f6: {  	v6 =	vld [tilespmem:s5+$0xFFFFFFD0];
	[tilespmem:s3+$0x10] =	vst v1;
	v1 =	vadd.f32 v5, v2  }
0x2f7: {  	v2 =	vld [tilespmem:s6+$0xFFFFFFD0];
	v9 =	vadd.f32 v0, v4  }
0x2f8: {  	v4 =	vld [tilespmem:s5+$0xFFFFFFE0];
	[tilespmem:s3+$0x20] =	vst v1  }
0x2f9: {  	v1 =	vld [tilespmem:s6+$0xFFFFFFE0];
	v5 =	vadd.f32 v8, v7;
	[tilespmem:s3+$0xFFFFFFC0] =	vst v9  }
0x2fa: {  	s3 =	sadd.s32 $0x400, s3;
	v7 =	vld [tilespmem:s5+$0xFFFFFFF0];
	v0 =	vmov v3  }
0x2fb: {  	v8 =	vld [tilespmem:s6+$0xFFFFFFF0];
	[tilespmem:s3+$0x30] =	vst v5  }
0x2fc: {  	v2 =	vadd.f32 v2, v6;
	v6 =	vld [tilespmem:s5+$0x0]  }
0x2fd: {  	v9 =	vld [tilespmem:s6+$0x0]  }
.Ltmp26:
0x2fe: {  	[tilespmem:s3+$0xFFFFFFD0] =	vst v2;
	v2 =	vadd.f32 v1, v4;
	v1 =	vld [tilespmem:s5+$0x10];
	(pc) =	sbr.rel @p0 .LBB2_55-.Ltmp26, $4  }
0x2ff: {  	v3 =	vld [tilespmem:s6+$0x10]  }
0x300: {  	[tilespmem:s3+$0xFFFFFFE0] =	vst v2;
	v7 =	vadd.f32 v8, v7;
	v2 =	vld [tilespmem:s5+$0x20]  }
0x301: {  	v5 =	vld [tilespmem:s6+$0x20]  }
0x302: {  	v4 =	vld [tilespmem:s5+$0xFFFFFFC0];
	[tilespmem:s3+$0xFFFFFFF0] =	vst v7;
	v6 =	vadd.f32 v9, v6;
	s5 =	sadd.s32 $0x400, s5  }
0x303: {  	s30 =	sadd.s32 $0x1, s30  }
0x304: {  	p0 =	sne.s32 s30, $0x8  }
.Ltmp27:
0x305: {  	v1 =	vadd.f32 v3, v1;
	(pc) =	sbr.rel @p0 .LBB2_54-.Ltmp27, $4  }
0x306: {  	[tilespmem:s3+$0x0] =	vst v6;
	v2 =	vadd.f32 v5, v2  }
0x307: {  	[tilespmem:s3+$0x10] =	vst v1;
	v0 =	vadd.f32 v0, v4  }
0x308: {  	[tilespmem:s3+$0x20] =	vst v2  }
0x309: {  	s31 =	sadd.s32 $0x80, s31;
	s0 =	sadd.s32 $0x80, s0;
	s2 =	sadd.s32 $0x80, s2;
	[tilespmem:s3+$0xFFFFFFC0] =	vst v0  }
0x30a: {  	s0 =	sld [smem:$0x7D9];
	_ =	sdelay $0x1  }
0x30b: {  	s30 =	simm.s32 $0x0;
	s6 =	sld [smem:$0x7DF]  }
0x30c: {  	[hbm4b:s0+s30] =	stream.linear.scatter [tilespmem:s23], [sflag:$0x7], $0x4000, $0x38;
	[tilespmem:$0x1C000] =	vst v63  }
0x30d: {  	_ = 	snop  }
0x30e: {  	[tilespmem:s16], [sflag:$0x2] =	stream.linear.gather [hbm4b:s6+s30], $0x4000, $0x38;
	[tilespmem:$0x1C000] =	vst v63  }
0x30f: {  	_ =	swait.ge [sflag:s24], $0x4000  }
0x310: {  	[sflag:s24] =	ssyncset.done $0x0  }
0x311: {  	[sflag:s24] =	ssyncadd.s32 $0xFFFFC000  }
0x312: {  	_ =	swait.ge [sflag:s25], $0x4000  }
0x313: {  	s31 =	simm.s32 $0x14040;
	[sflag:s25] =	ssyncset.done $0x0  }
0x314: {  	s2 =	simm.s32 $0x8040;
	s0 =	simm.s32 $0x10040;
	[sflag:s25] =	ssyncadd.s32 $0xFFFFC000  }
.LBB2_58:
0x315: {  	v1 =	vld [tilespmem:s2+$0x30]  }
0x316: {  	v2 =	vld [tilespmem:s0+$0x30]  }
0x317: {  	v0 =	vld [tilespmem:s0+$0xFFFFFFC0]  }
0x318: {  	v3 =	vld [tilespmem:s2+$0xFFFFFFD0]  }
0x319: {  	v4 =	vld [tilespmem:s0+$0xFFFFFFD0]  }
0x31a: {  	v5 =	vld [tilespmem:s2+$0xFFFFFFE0]  }
0x31b: {  	v6 =	vld [tilespmem:s0+$0xFFFFFFE0]  }
0x31c: {  	v7 =	vld [tilespmem:s2+$0xFFFFFFF0]  }
0x31d: {  	v8 =	vld [tilespmem:s0+$0xFFFFFFF0]  }
0x31e: {  	v9 =	vld [tilespmem:s2+$0x0]  }
0x31f: {  	v10 =	vld [tilespmem:s0+$0x0];
	v2 =	vadd.f32 v2, v1  }
0x320: {  	v4 =	vadd.f32 v4, v3;
	v1 =	vld [tilespmem:s2+$0x10]  }
0x321: {  	v5 =	vadd.f32 v6, v5;
	v3 =	vld [tilespmem:s0+$0x10];
	[tilespmem:s31+$0x30] =	vst v2  }
0x322: {  	v6 =	vadd.f32 v8, v7;
	[tilespmem:s31+$0xFFFFFFD0] =	vst v4;
	v2 =	vld [tilespmem:s2+$0x20]  }
0x323: {  	s4 =	simm.s32 $0x0;
	[tilespmem:s31+$0xFFFFFFE0] =	vst v5;
	v5 =	vld [tilespmem:s0+$0x20]  }
0x324: {  	s5 =	sadd.s32 $0x400, s2;
	s6 =	smov.u32 s0;
	s3 =	smov.u32 s31;
	v4 =	vld [tilespmem:s2+$0xFFFFFFC0];
	[tilespmem:s31+$0xFFFFFFF0] =	vst v6;
	v6 =	vadd.f32 v10, v9  }
.LBB2_59:
0x325: {  	v7 =	vld [tilespmem:s5+$0x30];
	s6 =	sadd.s32 $0x400, s6  }
0x326: {  	s4 =	sadd.s32 $0x80, s4;
	v8 =	vld [tilespmem:s6+$0x30];
	[tilespmem:s3+$0x0] =	vst v6;
	v1 =	vadd.f32 v3, v1  }
0x327: {  	p0 =	slt.u32 s4, $0x780;
	v3 =	vld [tilespmem:s6+$0xFFFFFFC0]  }
0x328: {  	v6 =	vld [tilespmem:s5+$0xFFFFFFD0];
	[tilespmem:s3+$0x10] =	vst v1;
	v1 =	vadd.f32 v5, v2  }
0x329: {  	v2 =	vld [tilespmem:s6+$0xFFFFFFD0];
	v9 =	vadd.f32 v0, v4  }
0x32a: {  	v4 =	vld [tilespmem:s5+$0xFFFFFFE0];
	[tilespmem:s3+$0x20] =	vst v1  }
0x32b: {  	v1 =	vld [tilespmem:s6+$0xFFFFFFE0];
	v5 =	vadd.f32 v8, v7;
	[tilespmem:s3+$0xFFFFFFC0] =	vst v9  }
0x32c: {  	s3 =	sadd.s32 $0x400, s3;
	v7 =	vld [tilespmem:s5+$0xFFFFFFF0];
	v0 =	vmov v3  }
0x32d: {  	v8 =	vld [tilespmem:s6+$0xFFFFFFF0];
	[tilespmem:s3+$0x30] =	vst v5  }
0x32e: {  	v2 =	vadd.f32 v2, v6;
	v6 =	vld [tilespmem:s5+$0x0]  }
0x32f: {  	v9 =	vld [tilespmem:s6+$0x0]  }
.Ltmp28:
0x330: {  	[tilespmem:s3+$0xFFFFFFD0] =	vst v2;
	v2 =	vadd.f32 v1, v4;
	v1 =	vld [tilespmem:s5+$0x10];
	(pc) =	sbr.rel @p0 .LBB2_59-.Ltmp28, $4  }
0x331: {  	v3 =	vld [tilespmem:s6+$0x10]  }
0x332: {  	[tilespmem:s3+$0xFFFFFFE0] =	vst v2;
	v7 =	vadd.f32 v8, v7;
	v2 =	vld [tilespmem:s5+$0x20]  }
0x333: {  	v5 =	vld [tilespmem:s6+$0x20]  }
0x334: {  	v4 =	vld [tilespmem:s5+$0xFFFFFFC0];
	[tilespmem:s3+$0xFFFFFFF0] =	vst v7;
	v6 =	vadd.f32 v9, v6;
	s5 =	sadd.s32 $0x400, s5  }
0x335: {  	s30 =	sadd.s32 $0x1, s30  }
0x336: {  	p0 =	sne.s32 s30, $0x8  }
.Ltmp29:
0x337: {  	v1 =	vadd.f32 v3, v1;
	(pc) =	sbr.rel @p0 .LBB2_58-.Ltmp29, $4  }
0x338: {  	[tilespmem:s3+$0x0] =	vst v6;
	v2 =	vadd.f32 v5, v2  }
0x339: {  	[tilespmem:s3+$0x10] =	vst v1;
	v0 =	vadd.f32 v0, v4  }
0x33a: {  	[tilespmem:s3+$0x20] =	vst v2  }
0x33b: {  	s31 =	sadd.s32 $0x80, s31;
	s0 =	sadd.s32 $0x80, s0;
	s2 =	sadd.s32 $0x80, s2;
	[tilespmem:s3+$0xFFFFFFC0] =	vst v0  }
0x33c: {  	s0 =	sld [smem:$0x7DB];
	_ =	sdelay $0x1  }
0x33d: {  	s30 =	simm.s32 $0x0;
	s6 =	sld [smem:$0x7E1]  }
0x33e: {  	[hbm4b:s0+s30] =	stream.linear.scatter [tilespmem:s21], [sflag:$0x6], $0x4000, $0x38;
	[tilespmem:$0x1C000] =	vst v63  }
0x33f: {  	_ = 	snop  }
0x340: {  	[tilespmem:s17], [sflag:$0x3] =	stream.linear.gather [hbm4b:s6+s30], $0x4000, $0x38;
	[tilespmem:$0x1C000] =	vst v63  }
0x341: {  	_ =	swait.ge [sflag:s20], $0x4000  }
0x342: {  	[sflag:s20] =	ssyncset.done $0x0  }
0x343: {  	[sflag:s20] =	ssyncadd.s32 $0xFFFFC000  }
0x344: {  	_ =	swait.ge [sflag:s26], $0x4000  }
0x345: {  	s31 =	simm.s32 $0x18040;
	[sflag:s26] =	ssyncset.done $0x0  }
0x346: {  	s2 =	simm.s32 $0x40;
	s0 =	simm.s32 $0x10040;
	[sflag:s26] =	ssyncadd.s32 $0xFFFFC000  }
.LBB2_62:
0x347: {  	v1 =	vld [tilespmem:s2+$0x30]  }
0x348: {  	v2 =	vld [tilespmem:s0+$0x30]  }
0x349: {  	v0 =	vld [tilespmem:s0+$0xFFFFFFC0]  }
0x34a: {  	v3 =	vld [tilespmem:s2+$0xFFFFFFD0]  }
0x34b: {  	v4 =	vld [tilespmem:s0+$0xFFFFFFD0]  }
0x34c: {  	v5 =	vld [tilespmem:s2+$0xFFFFFFE0]  }
0x34d: {  	v6 =	vld [tilespmem:s0+$0xFFFFFFE0]  }
0x34e: {  	v7 =	vld [tilespmem:s2+$0xFFFFFFF0]  }
0x34f: {  	v8 =	vld [tilespmem:s0+$0xFFFFFFF0]  }
0x350: {  	v9 =	vld [tilespmem:s2+$0x0]  }
0x351: {  	v10 =	vld [tilespmem:s0+$0x0];
	v2 =	vadd.f32 v2, v1  }
0x352: {  	v4 =	vadd.f32 v4, v3;
	v1 =	vld [tilespmem:s2+$0x10]  }
0x353: {  	v5 =	vadd.f32 v6, v5;
	v3 =	vld [tilespmem:s0+$0x10];
	[tilespmem:s31+$0x30] =	vst v2  }
0x354: {  	v6 =	vadd.f32 v8, v7;
	[tilespmem:s31+$0xFFFFFFD0] =	vst v4;
	v2 =	vld [tilespmem:s2+$0x20]  }
0x355: {  	s4 =	simm.s32 $0x0;
	[tilespmem:s31+$0xFFFFFFE0] =	vst v5;
	v5 =	vld [tilespmem:s0+$0x20]  }
0x356: {  	s5 =	sadd.s32 $0x400, s2;
	s6 =	smov.u32 s0;
	s3 =	smov.u32 s31;
	v4 =	vld [tilespmem:s2+$0xFFFFFFC0];
	[tilespmem:s31+$0xFFFFFFF0] =	vst v6;
	v6 =	vadd.f32 v10, v9  }
.LBB2_63:
0x357: {  	v7 =	vld [tilespmem:s5+$0x30];
	s6 =	sadd.s32 $0x400, s6  }
0x358: {  	s4 =	sadd.s32 $0x80, s4;
	v8 =	vld [tilespmem:s6+$0x30];
	[tilespmem:s3+$0x0] =	vst v6;
	v1 =	vadd.f32 v3, v1  }
0x359: {  	p0 =	slt.u32 s4, $0x780;
	v3 =	vld [tilespmem:s6+$0xFFFFFFC0]  }
0x35a: {  	v6 =	vld [tilespmem:s5+$0xFFFFFFD0];
	[tilespmem:s3+$0x10] =	vst v1;
	v1 =	vadd.f32 v5, v2  }
0x35b: {  	v2 =	vld [tilespmem:s6+$0xFFFFFFD0];
	v9 =	vadd.f32 v0, v4  }
0x35c: {  	v4 =	vld [tilespmem:s5+$0xFFFFFFE0];
	[tilespmem:s3+$0x20] =	vst v1  }
0x35d: {  	v1 =	vld [tilespmem:s6+$0xFFFFFFE0];
	v5 =	vadd.f32 v8, v7;
	[tilespmem:s3+$0xFFFFFFC0] =	vst v9  }
0x35e: {  	s3 =	sadd.s32 $0x400, s3;
	v7 =	vld [tilespmem:s5+$0xFFFFFFF0];
	v0 =	vmov v3  }
0x35f: {  	v8 =	vld [tilespmem:s6+$0xFFFFFFF0];
	[tilespmem:s3+$0x30] =	vst v5  }
0x360: {  	v2 =	vadd.f32 v2, v6;
	v6 =	vld [tilespmem:s5+$0x0]  }
0x361: {  	v9 =	vld [tilespmem:s6+$0x0]  }
.Ltmp30:
0x362: {  	[tilespmem:s3+$0xFFFFFFD0] =	vst v2;
	v2 =	vadd.f32 v1, v4;
	v1 =	vld [tilespmem:s5+$0x10];
	(pc) =	sbr.rel @p0 .LBB2_63-.Ltmp30, $4  }
0x363: {  	v3 =	vld [tilespmem:s6+$0x10]  }
0x364: {  	[tilespmem:s3+$0xFFFFFFE0] =	vst v2;
	v7 =	vadd.f32 v8, v7;
	v2 =	vld [tilespmem:s5+$0x20]  }
0x365: {  	v5 =	vld [tilespmem:s6+$0x20]  }
0x366: {  	v4 =	vld [tilespmem:s5+$0xFFFFFFC0];
	[tilespmem:s3+$0xFFFFFFF0] =	vst v7;
	v6 =	vadd.f32 v9, v6;
	s5 =	sadd.s32 $0x400, s5  }
0x367: {  	s30 =	sadd.s32 $0x1, s30  }
0x368: {  	p0 =	sne.s32 s30, $0x8  }
.Ltmp31:
0x369: {  	v1 =	vadd.f32 v3, v1;
	(pc) =	sbr.rel @p0 .LBB2_62-.Ltmp31, $4  }
0x36a: {  	[tilespmem:s3+$0x0] =	vst v6;
	v2 =	vadd.f32 v5, v2  }
0x36b: {  	[tilespmem:s3+$0x10] =	vst v1;
	v0 =	vadd.f32 v0, v4  }
0x36c: {  	[tilespmem:s3+$0x20] =	vst v2  }
0x36d: {  	s31 =	sadd.s32 $0x80, s31;
	s0 =	sadd.s32 $0x80, s0;
	s2 =	sadd.s32 $0x80, s2;
	[tilespmem:s3+$0xFFFFFFC0] =	vst v0  }
0x36e: {  	s0 =	sld [smem:$0x7DD];
	_ =	sdelay $0x1  }
0x36f: {  	s30 =	simm.s32 $0x0;
	s5 =	sld [smem:$0x7E3]  }
0x370: {  	[hbm4b:s0+s30] =	stream.linear.scatter [tilespmem:s23], [sflag:$0x7], $0x4000, $0x38;
	[tilespmem:$0x1C000] =	vst v63  }
0x371: {  	_ = 	snop  }
0x372: {  	[tilespmem:s30], [sflag:$0x1] =	stream.linear.gather [hbm4b:s5+s30], $0x4000, $0x38;
	[tilespmem:$0x1C000] =	vst v63  }
0x373: {  	_ =	swait.ge [sflag:s18], $0x4000  }
0x374: {  	s6 =	sld [smem:$0x7E7]  }
0x375: {  	[sflag:s18] =	ssyncset.done $0x0  }
0x376: {  	[sflag:s18] =	ssyncadd.s32 $0xFFFFC000  }
0x377: {  	[tilespmem:s19], [sflag:$0x5] =	stream.linear.gather [hbm4b:s6+s30], $0x4000, $0x38;
	[tilespmem:$0x1C000] =	vst v63  }
0x378: {  	_ =	swait.ge [sflag:s22], $0x4000  }
0x379: {  	[sflag:s22] =	ssyncset.done $0x0  }
0x37a: {  	[sflag:s22] =	ssyncadd.s32 $0xFFFFC000  }
0x37b: {  	_ =	swait.ge [sflag:s25], $0x4000  }
0x37c: {  	s31 =	simm.s32 $0x14040;
	[sflag:s25] =	ssyncset.done $0x0  }
0x37d: {  	s2 =	simm.s32 $0x4040;
	s0 =	simm.s32 $0xC040;
	[sflag:s25] =	ssyncadd.s32 $0xFFFFC000  }
.LBB2_66:
0x37e: {  	v1 =	vld [tilespmem:s2+$0x30]  }
0x37f: {  	v2 =	vld [tilespmem:s0+$0x30]  }
0x380: {  	v0 =	vld [tilespmem:s0+$0xFFFFFFC0]  }
0x381: {  	v3 =	vld [tilespmem:s2+$0xFFFFFFD0]  }
0x382: {  	v4 =	vld [tilespmem:s0+$0xFFFFFFD0]  }
0x383: {  	v5 =	vld [tilespmem:s2+$0xFFFFFFE0]  }
0x384: {  	v6 =	vld [tilespmem:s0+$0xFFFFFFE0]  }
0x385: {  	v7 =	vld [tilespmem:s2+$0xFFFFFFF0]  }
0x386: {  	v8 =	vld [tilespmem:s0+$0xFFFFFFF0]  }
0x387: {  	v9 =	vld [tilespmem:s2+$0x0]  }
0x388: {  	v10 =	vld [tilespmem:s0+$0x0];
	v2 =	vadd.f32 v2, v1  }
0x389: {  	v4 =	vadd.f32 v4, v3;
	v1 =	vld [tilespmem:s2+$0x10]  }
0x38a: {  	v5 =	vadd.f32 v6, v5;
	v3 =	vld [tilespmem:s0+$0x10];
	[tilespmem:s31+$0x30] =	vst v2  }
0x38b: {  	v6 =	vadd.f32 v8, v7;
	[tilespmem:s31+$0xFFFFFFD0] =	vst v4;
	v2 =	vld [tilespmem:s2+$0x20]  }
0x38c: {  	s4 =	simm.s32 $0x0;
	[tilespmem:s31+$0xFFFFFFE0] =	vst v5;
	v5 =	vld [tilespmem:s0+$0x20]  }
0x38d: {  	s5 =	sadd.s32 $0x400, s2;
	s6 =	smov.u32 s0;
	s3 =	smov.u32 s31;
	v4 =	vld [tilespmem:s2+$0xFFFFFFC0];
	[tilespmem:s31+$0xFFFFFFF0] =	vst v6;
	v6 =	vadd.f32 v10, v9  }
.LBB2_67:
0x38e: {  	v7 =	vld [tilespmem:s5+$0x30];
	s6 =	sadd.s32 $0x400, s6  }
0x38f: {  	s4 =	sadd.s32 $0x80, s4;
	v8 =	vld [tilespmem:s6+$0x30];
	[tilespmem:s3+$0x0] =	vst v6;
	v1 =	vadd.f32 v3, v1  }
0x390: {  	p0 =	slt.u32 s4, $0x780;
	v3 =	vld [tilespmem:s6+$0xFFFFFFC0]  }
0x391: {  	v6 =	vld [tilespmem:s5+$0xFFFFFFD0];
	[tilespmem:s3+$0x10] =	vst v1;
	v1 =	vadd.f32 v5, v2  }
0x392: {  	v2 =	vld [tilespmem:s6+$0xFFFFFFD0];
	v9 =	vadd.f32 v0, v4  }
0x393: {  	v4 =	vld [tilespmem:s5+$0xFFFFFFE0];
	[tilespmem:s3+$0x20] =	vst v1  }
0x394: {  	v1 =	vld [tilespmem:s6+$0xFFFFFFE0];
	v5 =	vadd.f32 v8, v7;
	[tilespmem:s3+$0xFFFFFFC0] =	vst v9  }
0x395: {  	s3 =	sadd.s32 $0x400, s3;
	v7 =	vld [tilespmem:s5+$0xFFFFFFF0];
	v0 =	vmov v3  }
0x396: {  	v8 =	vld [tilespmem:s6+$0xFFFFFFF0];
	[tilespmem:s3+$0x30] =	vst v5  }
0x397: {  	v2 =	vadd.f32 v2, v6;
	v6 =	vld [tilespmem:s5+$0x0]  }
0x398: {  	v9 =	vld [tilespmem:s6+$0x0]  }
.Ltmp32:
0x399: {  	[tilespmem:s3+$0xFFFFFFD0] =	vst v2;
	v2 =	vadd.f32 v1, v4;
	v1 =	vld [tilespmem:s5+$0x10];
	(pc) =	sbr.rel @p0 .LBB2_67-.Ltmp32, $4  }
0x39a: {  	v3 =	vld [tilespmem:s6+$0x10]  }
0x39b: {  	[tilespmem:s3+$0xFFFFFFE0] =	vst v2;
	v7 =	vadd.f32 v8, v7;
	v2 =	vld [tilespmem:s5+$0x20]  }
0x39c: {  	v5 =	vld [tilespmem:s6+$0x20]  }
0x39d: {  	v4 =	vld [tilespmem:s5+$0xFFFFFFC0];
	[tilespmem:s3+$0xFFFFFFF0] =	vst v7;
	v6 =	vadd.f32 v9, v6;
	s5 =	sadd.s32 $0x400, s5  }
0x39e: {  	s30 =	sadd.s32 $0x1, s30  }
0x39f: {  	p0 =	sne.s32 s30, $0x8  }
.Ltmp33:
0x3a0: {  	v1 =	vadd.f32 v3, v1;
	(pc) =	sbr.rel @p0 .LBB2_66-.Ltmp33, $4  }
0x3a1: {  	[tilespmem:s3+$0x0] =	vst v6;
	v2 =	vadd.f32 v5, v2  }
0x3a2: {  	[tilespmem:s3+$0x10] =	vst v1;
	v0 =	vadd.f32 v0, v4  }
0x3a3: {  	[tilespmem:s3+$0x20] =	vst v2  }
0x3a4: {  	s31 =	sadd.s32 $0x80, s31;
	s0 =	sadd.s32 $0x80, s0;
	s2 =	sadd.s32 $0x80, s2;
	[tilespmem:s3+$0xFFFFFFC0] =	vst v0  }
0x3a5: {  	s0 =	sld [smem:$0x7E0];
	_ =	sdelay $0x1  }
0x3a6: {  	s30 =	simm.s32 $0x0;
	s6 =	sld [smem:$0x7E5]  }
0x3a7: {  	[hbm4b:s0+s30] =	stream.linear.scatter [tilespmem:s21], [sflag:$0x6], $0x4000, $0x38;
	[tilespmem:$0x1C000] =	vst v63  }
0x3a8: {  	_ = 	snop  }
0x3a9: {  	[tilespmem:s16], [sflag:$0x2] =	stream.linear.gather [hbm4b:s6+s30], $0x4000, $0x38;
	[tilespmem:$0x1C000] =	vst v63  }
0x3aa: {  	_ =	swait.ge [sflag:s24], $0x4000  }
0x3ab: {  	[sflag:s24] =	ssyncset.done $0x0  }
0x3ac: {  	[sflag:s24] =	ssyncadd.s32 $0xFFFFC000  }
0x3ad: {  	_ =	swait.ge [sflag:s26], $0x4000  }
0x3ae: {  	s31 =	simm.s32 $0x18040;
	[sflag:s26] =	ssyncset.done $0x0  }
0x3af: {  	s2 =	simm.s32 $0x8040;
	s0 =	simm.s32 $0xC040;
	[sflag:s26] =	ssyncadd.s32 $0xFFFFC000  }
.LBB2_70:
0x3b0: {  	v1 =	vld [tilespmem:s2+$0x30]  }
0x3b1: {  	v2 =	vld [tilespmem:s0+$0x30]  }
0x3b2: {  	v0 =	vld [tilespmem:s0+$0xFFFFFFC0]  }
0x3b3: {  	v3 =	vld [tilespmem:s2+$0xFFFFFFD0]  }
0x3b4: {  	v4 =	vld [tilespmem:s0+$0xFFFFFFD0]  }
0x3b5: {  	v5 =	vld [tilespmem:s2+$0xFFFFFFE0]  }
0x3b6: {  	v6 =	vld [tilespmem:s0+$0xFFFFFFE0]  }
0x3b7: {  	v7 =	vld [tilespmem:s2+$0xFFFFFFF0]  }
0x3b8: {  	v8 =	vld [tilespmem:s0+$0xFFFFFFF0]  }
0x3b9: {  	v9 =	vld [tilespmem:s2+$0x0]  }
0x3ba: {  	v10 =	vld [tilespmem:s0+$0x0];
	v2 =	vadd.f32 v2, v1  }
0x3bb: {  	v4 =	vadd.f32 v4, v3;
	v1 =	vld [tilespmem:s2+$0x10]  }
0x3bc: {  	v5 =	vadd.f32 v6, v5;
	v3 =	vld [tilespmem:s0+$0x10];
	[tilespmem:s31+$0x30] =	vst v2  }
0x3bd: {  	v6 =	vadd.f32 v8, v7;
	[tilespmem:s31+$0xFFFFFFD0] =	vst v4;
	v2 =	vld [tilespmem:s2+$0x20]  }
0x3be: {  	s4 =	simm.s32 $0x0;
	[tilespmem:s31+$0xFFFFFFE0] =	vst v5;
	v5 =	vld [tilespmem:s0+$0x20]  }
0x3bf: {  	s5 =	sadd.s32 $0x400, s2;
	s6 =	smov.u32 s0;
	s3 =	smov.u32 s31;
	v4 =	vld [tilespmem:s2+$0xFFFFFFC0];
	[tilespmem:s31+$0xFFFFFFF0] =	vst v6;
	v6 =	vadd.f32 v10, v9  }
.LBB2_71:
0x3c0: {  	v7 =	vld [tilespmem:s5+$0x30];
	s6 =	sadd.s32 $0x400, s6  }
0x3c1: {  	s4 =	sadd.s32 $0x80, s4;
	v8 =	vld [tilespmem:s6+$0x30];
	[tilespmem:s3+$0x0] =	vst v6;
	v1 =	vadd.f32 v3, v1  }
0x3c2: {  	p0 =	slt.u32 s4, $0x780;
	v3 =	vld [tilespmem:s6+$0xFFFFFFC0]  }
0x3c3: {  	v6 =	vld [tilespmem:s5+$0xFFFFFFD0];
	[tilespmem:s3+$0x10] =	vst v1;
	v1 =	vadd.f32 v5, v2  }
0x3c4: {  	v2 =	vld [tilespmem:s6+$0xFFFFFFD0];
	v9 =	vadd.f32 v0, v4  }
0x3c5: {  	v4 =	vld [tilespmem:s5+$0xFFFFFFE0];
	[tilespmem:s3+$0x20] =	vst v1  }
0x3c6: {  	v1 =	vld [tilespmem:s6+$0xFFFFFFE0];
	v5 =	vadd.f32 v8, v7;
	[tilespmem:s3+$0xFFFFFFC0] =	vst v9  }
0x3c7: {  	s3 =	sadd.s32 $0x400, s3;
	v7 =	vld [tilespmem:s5+$0xFFFFFFF0];
	v0 =	vmov v3  }
0x3c8: {  	v8 =	vld [tilespmem:s6+$0xFFFFFFF0];
	[tilespmem:s3+$0x30] =	vst v5  }
0x3c9: {  	v2 =	vadd.f32 v2, v6;
	v6 =	vld [tilespmem:s5+$0x0]  }
0x3ca: {  	v9 =	vld [tilespmem:s6+$0x0]  }
.Ltmp34:
0x3cb: {  	[tilespmem:s3+$0xFFFFFFD0] =	vst v2;
	v2 =	vadd.f32 v1, v4;
	v1 =	vld [tilespmem:s5+$0x10];
	(pc) =	sbr.rel @p0 .LBB2_71-.Ltmp34, $4  }
0x3cc: {  	v3 =	vld [tilespmem:s6+$0x10]  }
0x3cd: {  	[tilespmem:s3+$0xFFFFFFE0] =	vst v2;
	v7 =	vadd.f32 v8, v7;
	v2 =	vld [tilespmem:s5+$0x20]  }
0x3ce: {  	v5 =	vld [tilespmem:s6+$0x20]  }
0x3cf: {  	v4 =	vld [tilespmem:s5+$0xFFFFFFC0];
	[tilespmem:s3+$0xFFFFFFF0] =	vst v7;
	v6 =	vadd.f32 v9, v6;
	s5 =	sadd.s32 $0x400, s5  }
0x3d0: {  	s30 =	sadd.s32 $0x1, s30  }
0x3d1: {  	p0 =	sne.s32 s30, $0x8  }
.Ltmp35:
0x3d2: {  	v1 =	vadd.f32 v3, v1;
	(pc) =	sbr.rel @p0 .LBB2_70-.Ltmp35, $4  }
0x3d3: {  	[tilespmem:s3+$0x0] =	vst v6;
	v2 =	vadd.f32 v5, v2  }
0x3d4: {  	[tilespmem:s3+$0x10] =	vst v1;
	v0 =	vadd.f32 v0, v4  }
0x3d5: {  	[tilespmem:s3+$0x20] =	vst v2  }
0x3d6: {  	s31 =	sadd.s32 $0x80, s31;
	s0 =	sadd.s32 $0x80, s0;
	s2 =	sadd.s32 $0x80, s2;
	[tilespmem:s3+$0xFFFFFFC0] =	vst v0  }
0x3d7: {  	s0 =	sld [smem:$0x7E2];
	_ =	sdelay $0x1  }
0x3d8: {  	s30 =	simm.s32 $0x0;
	s6 =	sld [smem:$0x7E8]  }
0x3d9: {  	[hbm4b:s0+s30] =	stream.linear.scatter [tilespmem:s23], [sflag:$0x7], $0x4000, $0x38;
	[tilespmem:$0x1C000] =	vst v63  }
0x3da: {  	_ = 	snop  }
0x3db: {  	[tilespmem:s17], [sflag:$0x3] =	stream.linear.gather [hbm4b:s6+s30], $0x4000, $0x38;
	[tilespmem:$0x1C000] =	vst v63  }
0x3dc: {  	_ =	swait.ge [sflag:s20], $0x4000  }
0x3dd: {  	[sflag:s20] =	ssyncset.done $0x0  }
0x3de: {  	[sflag:s20] =	ssyncadd.s32 $0xFFFFC000  }
0x3df: {  	_ =	swait.ge [sflag:s25], $0x4000  }
0x3e0: {  	s31 =	simm.s32 $0x14040;
	[sflag:s25] =	ssyncset.done $0x0  }
0x3e1: {  	s2 =	simm.s32 $0x40;
	s0 =	simm.s32 $0xC040;
	[sflag:s25] =	ssyncadd.s32 $0xFFFFC000  }
.LBB2_74:
0x3e2: {  	v1 =	vld [tilespmem:s2+$0x30]  }
0x3e3: {  	v2 =	vld [tilespmem:s0+$0x30]  }
0x3e4: {  	v0 =	vld [tilespmem:s0+$0xFFFFFFC0]  }
0x3e5: {  	v3 =	vld [tilespmem:s2+$0xFFFFFFD0]  }
0x3e6: {  	v4 =	vld [tilespmem:s0+$0xFFFFFFD0]  }
0x3e7: {  	v5 =	vld [tilespmem:s2+$0xFFFFFFE0]  }
0x3e8: {  	v6 =	vld [tilespmem:s0+$0xFFFFFFE0]  }
0x3e9: {  	v7 =	vld [tilespmem:s2+$0xFFFFFFF0]  }
0x3ea: {  	v8 =	vld [tilespmem:s0+$0xFFFFFFF0]  }
0x3eb: {  	v9 =	vld [tilespmem:s2+$0x0]  }
0x3ec: {  	v10 =	vld [tilespmem:s0+$0x0];
	v2 =	vadd.f32 v2, v1  }
0x3ed: {  	v4 =	vadd.f32 v4, v3;
	v1 =	vld [tilespmem:s2+$0x10]  }
0x3ee: {  	v5 =	vadd.f32 v6, v5;
	v3 =	vld [tilespmem:s0+$0x10];
	[tilespmem:s31+$0x30] =	vst v2  }
0x3ef: {  	v6 =	vadd.f32 v8, v7;
	[tilespmem:s31+$0xFFFFFFD0] =	vst v4;
	v2 =	vld [tilespmem:s2+$0x20]  }
0x3f0: {  	s4 =	simm.s32 $0x0;
	[tilespmem:s31+$0xFFFFFFE0] =	vst v5;
	v5 =	vld [tilespmem:s0+$0x20]  }
0x3f1: {  	s5 =	sadd.s32 $0x400, s2;
	s6 =	smov.u32 s0;
	s3 =	smov.u32 s31;
	v4 =	vld [tilespmem:s2+$0xFFFFFFC0];
	[tilespmem:s31+$0xFFFFFFF0] =	vst v6;
	v6 =	vadd.f32 v10, v9  }
.LBB2_75:
0x3f2: {  	v7 =	vld [tilespmem:s5+$0x30];
	s6 =	sadd.s32 $0x400, s6  }
0x3f3: {  	s4 =	sadd.s32 $0x80, s4;
	v8 =	vld [tilespmem:s6+$0x30];
	[tilespmem:s3+$0x0] =	vst v6;
	v1 =	vadd.f32 v3, v1  }
0x3f4: {  	p0 =	slt.u32 s4, $0x780;
	v3 =	vld [tilespmem:s6+$0xFFFFFFC0]  }
0x3f5: {  	v6 =	vld [tilespmem:s5+$0xFFFFFFD0];
	[tilespmem:s3+$0x10] =	vst v1;
	v1 =	vadd.f32 v5, v2  }
0x3f6: {  	v2 =	vld [tilespmem:s6+$0xFFFFFFD0];
	v9 =	vadd.f32 v0, v4  }
0x3f7: {  	v4 =	vld [tilespmem:s5+$0xFFFFFFE0];
	[tilespmem:s3+$0x20] =	vst v1  }
0x3f8: {  	v1 =	vld [tilespmem:s6+$0xFFFFFFE0];
	v5 =	vadd.f32 v8, v7;
	[tilespmem:s3+$0xFFFFFFC0] =	vst v9  }
0x3f9: {  	s3 =	sadd.s32 $0x400, s3;
	v7 =	vld [tilespmem:s5+$0xFFFFFFF0];
	v0 =	vmov v3  }
0x3fa: {  	v8 =	vld [tilespmem:s6+$0xFFFFFFF0];
	[tilespmem:s3+$0x30] =	vst v5  }
0x3fb: {  	v2 =	vadd.f32 v2, v6;
	v6 =	vld [tilespmem:s5+$0x0]  }
0x3fc: {  	v9 =	vld [tilespmem:s6+$0x0]  }
.Ltmp36:
0x3fd: {  	[tilespmem:s3+$0xFFFFFFD0] =	vst v2;
	v2 =	vadd.f32 v1, v4;
	v1 =	vld [tilespmem:s5+$0x10];
	(pc) =	sbr.rel @p0 .LBB2_75-.Ltmp36, $4  }
0x3fe: {  	v3 =	vld [tilespmem:s6+$0x10]  }
0x3ff: {  	[tilespmem:s3+$0xFFFFFFE0] =	vst v2;
	v7 =	vadd.f32 v8, v7;
	v2 =	vld [tilespmem:s5+$0x20]  }
0x400: {  	v5 =	vld [tilespmem:s6+$0x20]  }
0x401: {  	v4 =	vld [tilespmem:s5+$0xFFFFFFC0];
	[tilespmem:s3+$0xFFFFFFF0] =	vst v7;
	v6 =	vadd.f32 v9, v6;
	s5 =	sadd.s32 $0x400, s5  }
0x402: {  	s30 =	sadd.s32 $0x1, s30  }
0x403: {  	p0 =	sne.s32 s30, $0x8  }
.Ltmp37:
0x404: {  	v1 =	vadd.f32 v3, v1;
	(pc) =	sbr.rel @p0 .LBB2_74-.Ltmp37, $4  }
0x405: {  	[tilespmem:s3+$0x0] =	vst v6;
	v2 =	vadd.f32 v5, v2  }
0x406: {  	[tilespmem:s3+$0x10] =	vst v1;
	v0 =	vadd.f32 v0, v4  }
0x407: {  	[tilespmem:s3+$0x20] =	vst v2  }
0x408: {  	s31 =	sadd.s32 $0x80, s31;
	s0 =	sadd.s32 $0x80, s0;
	s2 =	sadd.s32 $0x80, s2;
	[tilespmem:s3+$0xFFFFFFC0] =	vst v0  }
0x409: {  	s0 =	sld [smem:$0x7E4];
	_ =	sdelay $0x1  }
0x40a: {  	s30 =	simm.s32 $0x0;
	s6 =	sld [smem:$0x7EA]  }
0x40b: {  	[hbm4b:s0+s30] =	stream.linear.scatter [tilespmem:s21], [sflag:$0x6], $0x4000, $0x38;
	[tilespmem:$0x1C000] =	vst v63  }
0x40c: {  	_ = 	snop  }
0x40d: {  	[tilespmem:s30], [sflag:$0x1] =	stream.linear.gather [hbm4b:s6+s30], $0x4000, $0x38;
	[tilespmem:$0x1C000] =	vst v63  }
0x40e: {  	_ =	swait.ge [sflag:s22], $0x4000  }
0x40f: {  	[sflag:s22] =	ssyncset.done $0x0  }
0x410: {  	[sflag:s22] =	ssyncadd.s32 $0xFFFFC000  }
0x411: {  	_ =	swait.ge [sflag:s26], $0x4000  }
0x412: {  	s31 =	simm.s32 $0x18040;
	[sflag:s26] =	ssyncset.done $0x0  }
0x413: {  	s2 =	simm.s32 $0x4040;
	s0 =	simm.s32 $0xC040;
	[sflag:s26] =	ssyncadd.s32 $0xFFFFC000  }
.LBB2_78:
0x414: {  	v1 =	vld [tilespmem:s2+$0x30]  }
0x415: {  	v2 =	vld [tilespmem:s0+$0x30]  }
0x416: {  	v0 =	vld [tilespmem:s0+$0xFFFFFFC0]  }
0x417: {  	v3 =	vld [tilespmem:s2+$0xFFFFFFD0]  }
0x418: {  	v4 =	vld [tilespmem:s0+$0xFFFFFFD0]  }
0x419: {  	v5 =	vld [tilespmem:s2+$0xFFFFFFE0]  }
0x41a: {  	v6 =	vld [tilespmem:s0+$0xFFFFFFE0]  }
0x41b: {  	v7 =	vld [tilespmem:s2+$0xFFFFFFF0]  }
0x41c: {  	v8 =	vld [tilespmem:s0+$0xFFFFFFF0]  }
0x41d: {  	v9 =	vld [tilespmem:s2+$0x0]  }
0x41e: {  	v10 =	vld [tilespmem:s0+$0x0];
	v2 =	vadd.f32 v2, v1  }
0x41f: {  	v4 =	vadd.f32 v4, v3;
	v1 =	vld [tilespmem:s2+$0x10]  }
0x420: {  	v5 =	vadd.f32 v6, v5;
	v3 =	vld [tilespmem:s0+$0x10];
	[tilespmem:s31+$0x30] =	vst v2  }
0x421: {  	v6 =	vadd.f32 v8, v7;
	[tilespmem:s31+$0xFFFFFFD0] =	vst v4;
	v2 =	vld [tilespmem:s2+$0x20]  }
0x422: {  	s4 =	simm.s32 $0x0;
	[tilespmem:s31+$0xFFFFFFE0] =	vst v5;
	v5 =	vld [tilespmem:s0+$0x20]  }
0x423: {  	s5 =	sadd.s32 $0x400, s2;
	s6 =	smov.u32 s0;
	s3 =	smov.u32 s31;
	v4 =	vld [tilespmem:s2+$0xFFFFFFC0];
	[tilespmem:s31+$0xFFFFFFF0] =	vst v6;
	v6 =	vadd.f32 v10, v9  }
.LBB2_79:
0x424: {  	v7 =	vld [tilespmem:s5+$0x30];
	s6 =	sadd.s32 $0x400, s6  }
0x425: {  	s4 =	sadd.s32 $0x80, s4;
	v8 =	vld [tilespmem:s6+$0x30];
	[tilespmem:s3+$0x0] =	vst v6;
	v1 =	vadd.f32 v3, v1  }
0x426: {  	p0 =	slt.u32 s4, $0x780;
	v3 =	vld [tilespmem:s6+$0xFFFFFFC0]  }
0x427: {  	v6 =	vld [tilespmem:s5+$0xFFFFFFD0];
	[tilespmem:s3+$0x10] =	vst v1;
	v1 =	vadd.f32 v5, v2  }
0x428: {  	v2 =	vld [tilespmem:s6+$0xFFFFFFD0];
	v9 =	vadd.f32 v0, v4  }
0x429: {  	v4 =	vld [tilespmem:s5+$0xFFFFFFE0];
	[tilespmem:s3+$0x20] =	vst v1  }
0x42a: {  	v1 =	vld [tilespmem:s6+$0xFFFFFFE0];
	v5 =	vadd.f32 v8, v7;
	[tilespmem:s3+$0xFFFFFFC0] =	vst v9  }
0x42b: {  	s3 =	sadd.s32 $0x400, s3;
	v7 =	vld [tilespmem:s5+$0xFFFFFFF0];
	v0 =	vmov v3  }
0x42c: {  	v8 =	vld [tilespmem:s6+$0xFFFFFFF0];
	[tilespmem:s3+$0x30] =	vst v5  }
0x42d: {  	v2 =	vadd.f32 v2, v6;
	v6 =	vld [tilespmem:s5+$0x0]  }
0x42e: {  	v9 =	vld [tilespmem:s6+$0x0]  }
.Ltmp38:
0x42f: {  	[tilespmem:s3+$0xFFFFFFD0] =	vst v2;
	v2 =	vadd.f32 v1, v4;
	v1 =	vld [tilespmem:s5+$0x10];
	(pc) =	sbr.rel @p0 .LBB2_79-.Ltmp38, $4  }
0x430: {  	v3 =	vld [tilespmem:s6+$0x10]  }
0x431: {  	[tilespmem:s3+$0xFFFFFFE0] =	vst v2;
	v7 =	vadd.f32 v8, v7;
	v2 =	vld [tilespmem:s5+$0x20]  }
0x432: {  	v5 =	vld [tilespmem:s6+$0x20]  }
0x433: {  	v4 =	vld [tilespmem:s5+$0xFFFFFFC0];
	[tilespmem:s3+$0xFFFFFFF0] =	vst v7;
	v6 =	vadd.f32 v9, v6;
	s5 =	sadd.s32 $0x400, s5  }
0x434: {  	s30 =	sadd.s32 $0x1, s30  }
0x435: {  	p0 =	sne.s32 s30, $0x8  }
.Ltmp39:
0x436: {  	v1 =	vadd.f32 v3, v1;
	(pc) =	sbr.rel @p0 .LBB2_78-.Ltmp39, $4  }
0x437: {  	[tilespmem:s3+$0x0] =	vst v6;
	v2 =	vadd.f32 v5, v2  }
0x438: {  	[tilespmem:s3+$0x10] =	vst v1;
	v0 =	vadd.f32 v0, v4  }
0x439: {  	[tilespmem:s3+$0x20] =	vst v2  }
0x43a: {  	s31 =	sadd.s32 $0x80, s31;
	s0 =	sadd.s32 $0x80, s0;
	s2 =	sadd.s32 $0x80, s2;
	[tilespmem:s3+$0xFFFFFFC0] =	vst v0  }
0x43b: {  	s0 =	sld [smem:$0x7E6];
	_ =	sdelay $0x1  }
0x43c: {  	s30 =	simm.s32 $0x0;
	s5 =	sld [smem:$0x7EC]  }
0x43d: {  	[hbm4b:s0+s30] =	stream.linear.scatter [tilespmem:s23], [sflag:$0x7], $0x4000, $0x38;
	[tilespmem:$0x1C000] =	vst v63  }
0x43e: {  	_ = 	snop  }
0x43f: {  	[tilespmem:s16], [sflag:$0x2] =	stream.linear.gather [hbm4b:s5+s30], $0x4000, $0x38;
	[tilespmem:$0x1C000] =	vst v63  }
0x440: {  	_ =	swait.ge [sflag:s28], $0x4000  }
0x441: {  	s6 =	sld [smem:$0x7F1]  }
0x442: {  	[sflag:s28] =	ssyncset.done $0x0  }
0x443: {  	[sflag:s28] =	ssyncadd.s32 $0xFFFFC000  }
0x444: {  	[tilespmem:s15], [sflag:$0x4] =	stream.linear.gather [hbm4b:s6+s30], $0x4000, $0x38;
	[tilespmem:$0x1C000] =	vst v63  }
0x445: {  	_ =	swait.ge [sflag:s24], $0x4000  }
0x446: {  	[sflag:s24] =	ssyncset.done $0x0  }
0x447: {  	[sflag:s24] =	ssyncadd.s32 $0xFFFFC000  }
0x448: {  	_ =	swait.ge [sflag:s25], $0x4000  }
0x449: {  	s31 =	simm.s32 $0x14040;
	[sflag:s25] =	ssyncset.done $0x0  }
0x44a: {  	s2 =	simm.s32 $0x8040;
	s0 =	simm.s32 $0x10040;
	[sflag:s25] =	ssyncadd.s32 $0xFFFFC000  }
.LBB2_82:
0x44b: {  	v1 =	vld [tilespmem:s2+$0x30]  }
0x44c: {  	v2 =	vld [tilespmem:s0+$0x30]  }
0x44d: {  	v0 =	vld [tilespmem:s0+$0xFFFFFFC0]  }
0x44e: {  	v3 =	vld [tilespmem:s2+$0xFFFFFFD0]  }
0x44f: {  	v4 =	vld [tilespmem:s0+$0xFFFFFFD0]  }
0x450: {  	v5 =	vld [tilespmem:s2+$0xFFFFFFE0]  }
0x451: {  	v6 =	vld [tilespmem:s0+$0xFFFFFFE0]  }
0x452: {  	v7 =	vld [tilespmem:s2+$0xFFFFFFF0]  }
0x453: {  	v8 =	vld [tilespmem:s0+$0xFFFFFFF0]  }
0x454: {  	v9 =	vld [tilespmem:s2+$0x0]  }
0x455: {  	v10 =	vld [tilespmem:s0+$0x0];
	v2 =	vadd.f32 v2, v1  }
0x456: {  	v4 =	vadd.f32 v4, v3;
	v1 =	vld [tilespmem:s2+$0x10]  }
0x457: {  	v5 =	vadd.f32 v6, v5;
	v3 =	vld [tilespmem:s0+$0x10];
	[tilespmem:s31+$0x30] =	vst v2  }
0x458: {  	v6 =	vadd.f32 v8, v7;
	[tilespmem:s31+$0xFFFFFFD0] =	vst v4;
	v2 =	vld [tilespmem:s2+$0x20]  }
0x459: {  	s4 =	simm.s32 $0x0;
	[tilespmem:s31+$0xFFFFFFE0] =	vst v5;
	v5 =	vld [tilespmem:s0+$0x20]  }
0x45a: {  	s5 =	sadd.s32 $0x400, s2;
	s6 =	smov.u32 s0;
	s3 =	smov.u32 s31;
	v4 =	vld [tilespmem:s2+$0xFFFFFFC0];
	[tilespmem:s31+$0xFFFFFFF0] =	vst v6;
	v6 =	vadd.f32 v10, v9  }
.LBB2_83:
0x45b: {  	v7 =	vld [tilespmem:s5+$0x30];
	s6 =	sadd.s32 $0x400, s6  }
0x45c: {  	s4 =	sadd.s32 $0x80, s4;
	v8 =	vld [tilespmem:s6+$0x30];
	[tilespmem:s3+$0x0] =	vst v6;
	v1 =	vadd.f32 v3, v1  }
0x45d: {  	p0 =	slt.u32 s4, $0x780;
	v3 =	vld [tilespmem:s6+$0xFFFFFFC0]  }
0x45e: {  	v6 =	vld [tilespmem:s5+$0xFFFFFFD0];
	[tilespmem:s3+$0x10] =	vst v1;
	v1 =	vadd.f32 v5, v2  }
0x45f: {  	v2 =	vld [tilespmem:s6+$0xFFFFFFD0];
	v9 =	vadd.f32 v0, v4  }
0x460: {  	v4 =	vld [tilespmem:s5+$0xFFFFFFE0];
	[tilespmem:s3+$0x20] =	vst v1  }
0x461: {  	v1 =	vld [tilespmem:s6+$0xFFFFFFE0];
	v5 =	vadd.f32 v8, v7;
	[tilespmem:s3+$0xFFFFFFC0] =	vst v9  }
0x462: {  	s3 =	sadd.s32 $0x400, s3;
	v7 =	vld [tilespmem:s5+$0xFFFFFFF0];
	v0 =	vmov v3  }
0x463: {  	v8 =	vld [tilespmem:s6+$0xFFFFFFF0];
	[tilespmem:s3+$0x30] =	vst v5  }
0x464: {  	v2 =	vadd.f32 v2, v6;
	v6 =	vld [tilespmem:s5+$0x0]  }
0x465: {  	v9 =	vld [tilespmem:s6+$0x0]  }
.Ltmp40:
0x466: {  	[tilespmem:s3+$0xFFFFFFD0] =	vst v2;
	v2 =	vadd.f32 v1, v4;
	v1 =	vld [tilespmem:s5+$0x10];
	(pc) =	sbr.rel @p0 .LBB2_83-.Ltmp40, $4  }
0x467: {  	v3 =	vld [tilespmem:s6+$0x10]  }
0x468: {  	[tilespmem:s3+$0xFFFFFFE0] =	vst v2;
	v7 =	vadd.f32 v8, v7;
	v2 =	vld [tilespmem:s5+$0x20]  }
0x469: {  	v5 =	vld [tilespmem:s6+$0x20]  }
0x46a: {  	v4 =	vld [tilespmem:s5+$0xFFFFFFC0];
	[tilespmem:s3+$0xFFFFFFF0] =	vst v7;
	v6 =	vadd.f32 v9, v6;
	s5 =	sadd.s32 $0x400, s5  }
0x46b: {  	s30 =	sadd.s32 $0x1, s30  }
0x46c: {  	p0 =	sne.s32 s30, $0x8  }
.Ltmp41:
0x46d: {  	v1 =	vadd.f32 v3, v1;
	(pc) =	sbr.rel @p0 .LBB2_82-.Ltmp41, $4  }
0x46e: {  	[tilespmem:s3+$0x0] =	vst v6;
	v2 =	vadd.f32 v5, v2  }
0x46f: {  	[tilespmem:s3+$0x10] =	vst v1;
	v0 =	vadd.f32 v0, v4  }
0x470: {  	[tilespmem:s3+$0x20] =	vst v2  }
0x471: {  	s31 =	sadd.s32 $0x80, s31;
	s0 =	sadd.s32 $0x80, s0;
	s2 =	sadd.s32 $0x80, s2;
	[tilespmem:s3+$0xFFFFFFC0] =	vst v0  }
0x472: {  	s0 =	sld [smem:$0x7E9];
	_ =	sdelay $0x1  }
0x473: {  	s30 =	simm.s32 $0x0;
	s6 =	sld [smem:$0x7EE]  }
0x474: {  	[hbm4b:s0+s30] =	stream.linear.scatter [tilespmem:s21], [sflag:$0x6], $0x4000, $0x38;
	[tilespmem:$0x1C000] =	vst v63  }
0x475: {  	_ = 	snop  }
0x476: {  	[tilespmem:s17], [sflag:$0x3] =	stream.linear.gather [hbm4b:s6+s30], $0x4000, $0x38;
	[tilespmem:$0x1C000] =	vst v63  }
0x477: {  	_ =	swait.ge [sflag:s20], $0x4000  }
0x478: {  	[sflag:s20] =	ssyncset.done $0x0  }
0x479: {  	[sflag:s20] =	ssyncadd.s32 $0xFFFFC000  }
0x47a: {  	_ =	swait.ge [sflag:s26], $0x4000  }
0x47b: {  	s31 =	simm.s32 $0x18040;
	[sflag:s26] =	ssyncset.done $0x0  }
0x47c: {  	s2 =	simm.s32 $0x40;
	s0 =	simm.s32 $0x10040;
	[sflag:s26] =	ssyncadd.s32 $0xFFFFC000  }
.LBB2_86:
0x47d: {  	v1 =	vld [tilespmem:s2+$0x30]  }
0x47e: {  	v2 =	vld [tilespmem:s0+$0x30]  }
0x47f: {  	v0 =	vld [tilespmem:s0+$0xFFFFFFC0]  }
0x480: {  	v3 =	vld [tilespmem:s2+$0xFFFFFFD0]  }
0x481: {  	v4 =	vld [tilespmem:s0+$0xFFFFFFD0]  }
0x482: {  	v5 =	vld [tilespmem:s2+$0xFFFFFFE0]  }
0x483: {  	v6 =	vld [tilespmem:s0+$0xFFFFFFE0]  }
0x484: {  	v7 =	vld [tilespmem:s2+$0xFFFFFFF0]  }
0x485: {  	v8 =	vld [tilespmem:s0+$0xFFFFFFF0]  }
0x486: {  	v9 =	vld [tilespmem:s2+$0x0]  }
0x487: {  	v10 =	vld [tilespmem:s0+$0x0];
	v2 =	vadd.f32 v2, v1  }
0x488: {  	v4 =	vadd.f32 v4, v3;
	v1 =	vld [tilespmem:s2+$0x10]  }
0x489: {  	v5 =	vadd.f32 v6, v5;
	v3 =	vld [tilespmem:s0+$0x10];
	[tilespmem:s31+$0x30] =	vst v2  }
0x48a: {  	v6 =	vadd.f32 v8, v7;
	[tilespmem:s31+$0xFFFFFFD0] =	vst v4;
	v2 =	vld [tilespmem:s2+$0x20]  }
0x48b: {  	s4 =	simm.s32 $0x0;
	[tilespmem:s31+$0xFFFFFFE0] =	vst v5;
	v5 =	vld [tilespmem:s0+$0x20]  }
0x48c: {  	s5 =	sadd.s32 $0x400, s2;
	s6 =	smov.u32 s0;
	s3 =	smov.u32 s31;
	v4 =	vld [tilespmem:s2+$0xFFFFFFC0];
	[tilespmem:s31+$0xFFFFFFF0] =	vst v6;
	v6 =	vadd.f32 v10, v9  }
.LBB2_87:
0x48d: {  	v7 =	vld [tilespmem:s5+$0x30];
	s6 =	sadd.s32 $0x400, s6  }
0x48e: {  	s4 =	sadd.s32 $0x80, s4;
	v8 =	vld [tilespmem:s6+$0x30];
	[tilespmem:s3+$0x0] =	vst v6;
	v1 =	vadd.f32 v3, v1  }
0x48f: {  	p0 =	slt.u32 s4, $0x780;
	v3 =	vld [tilespmem:s6+$0xFFFFFFC0]  }
0x490: {  	v6 =	vld [tilespmem:s5+$0xFFFFFFD0];
	[tilespmem:s3+$0x10] =	vst v1;
	v1 =	vadd.f32 v5, v2  }
0x491: {  	v2 =	vld [tilespmem:s6+$0xFFFFFFD0];
	v9 =	vadd.f32 v0, v4  }
0x492: {  	v4 =	vld [tilespmem:s5+$0xFFFFFFE0];
	[tilespmem:s3+$0x20] =	vst v1  }
0x493: {  	v1 =	vld [tilespmem:s6+$0xFFFFFFE0];
	v5 =	vadd.f32 v8, v7;
	[tilespmem:s3+$0xFFFFFFC0] =	vst v9  }
0x494: {  	s3 =	sadd.s32 $0x400, s3;
	v7 =	vld [tilespmem:s5+$0xFFFFFFF0];
	v0 =	vmov v3  }
0x495: {  	v8 =	vld [tilespmem:s6+$0xFFFFFFF0];
	[tilespmem:s3+$0x30] =	vst v5  }
0x496: {  	v2 =	vadd.f32 v2, v6;
	v6 =	vld [tilespmem:s5+$0x0]  }
0x497: {  	v9 =	vld [tilespmem:s6+$0x0]  }
.Ltmp42:
0x498: {  	[tilespmem:s3+$0xFFFFFFD0] =	vst v2;
	v2 =	vadd.f32 v1, v4;
	v1 =	vld [tilespmem:s5+$0x10];
	(pc) =	sbr.rel @p0 .LBB2_87-.Ltmp42, $4  }
0x499: {  	v3 =	vld [tilespmem:s6+$0x10]  }
0x49a: {  	[tilespmem:s3+$0xFFFFFFE0] =	vst v2;
	v7 =	vadd.f32 v8, v7;
	v2 =	vld [tilespmem:s5+$0x20]  }
0x49b: {  	v5 =	vld [tilespmem:s6+$0x20]  }
0x49c: {  	v4 =	vld [tilespmem:s5+$0xFFFFFFC0];
	[tilespmem:s3+$0xFFFFFFF0] =	vst v7;
	v6 =	vadd.f32 v9, v6;
	s5 =	sadd.s32 $0x400, s5  }
0x49d: {  	s30 =	sadd.s32 $0x1, s30  }
0x49e: {  	p0 =	sne.s32 s30, $0x8  }
.Ltmp43:
0x49f: {  	v1 =	vadd.f32 v3, v1;
	(pc) =	sbr.rel @p0 .LBB2_86-.Ltmp43, $4  }
0x4a0: {  	[tilespmem:s3+$0x0] =	vst v6;
	v2 =	vadd.f32 v5, v2  }
0x4a1: {  	[tilespmem:s3+$0x10] =	vst v1;
	v0 =	vadd.f32 v0, v4  }
0x4a2: {  	[tilespmem:s3+$0x20] =	vst v2  }
0x4a3: {  	s31 =	sadd.s32 $0x80, s31;
	s0 =	sadd.s32 $0x80, s0;
	s2 =	sadd.s32 $0x80, s2;
	[tilespmem:s3+$0xFFFFFFC0] =	vst v0  }
0x4a4: {  	s0 =	sld [smem:$0x7EB];
	_ =	sdelay $0x1  }
0x4a5: {  	s30 =	simm.s32 $0x0;
	s6 =	sld [smem:$0x7F3]  }
0x4a6: {  	[hbm4b:s0+s30] =	stream.linear.scatter [tilespmem:s23], [sflag:$0x7], $0x4000, $0x38;
	[tilespmem:$0x1C000] =	vst v63  }
0x4a7: {  	_ = 	snop  }
0x4a8: {  	[tilespmem:s30], [sflag:$0x1] =	stream.linear.gather [hbm4b:s6+s30], $0x4000, $0x38;
	[tilespmem:$0x1C000] =	vst v63  }
0x4a9: {  	_ =	swait.ge [sflag:s22], $0x4000  }
0x4aa: {  	[sflag:s22] =	ssyncset.done $0x0  }
0x4ab: {  	[sflag:s22] =	ssyncadd.s32 $0xFFFFC000  }
0x4ac: {  	_ =	swait.ge [sflag:s25], $0x4000  }
0x4ad: {  	s31 =	simm.s32 $0x14040;
	[sflag:s25] =	ssyncset.done $0x0  }
0x4ae: {  	s2 =	simm.s32 $0x4040;
	s0 =	simm.s32 $0x10040;
	[sflag:s25] =	ssyncadd.s32 $0xFFFFC000  }
.LBB2_90:
0x4af: {  	v1 =	vld [tilespmem:s2+$0x30]  }
0x4b0: {  	v2 =	vld [tilespmem:s0+$0x30]  }
0x4b1: {  	v0 =	vld [tilespmem:s0+$0xFFFFFFC0]  }
0x4b2: {  	v3 =	vld [tilespmem:s2+$0xFFFFFFD0]  }
0x4b3: {  	v4 =	vld [tilespmem:s0+$0xFFFFFFD0]  }
0x4b4: {  	v5 =	vld [tilespmem:s2+$0xFFFFFFE0]  }
0x4b5: {  	v6 =	vld [tilespmem:s0+$0xFFFFFFE0]  }
0x4b6: {  	v7 =	vld [tilespmem:s2+$0xFFFFFFF0]  }
0x4b7: {  	v8 =	vld [tilespmem:s0+$0xFFFFFFF0]  }
0x4b8: {  	v9 =	vld [tilespmem:s2+$0x0]  }
0x4b9: {  	v10 =	vld [tilespmem:s0+$0x0];
	v2 =	vadd.f32 v2, v1  }
0x4ba: {  	v4 =	vadd.f32 v4, v3;
	v1 =	vld [tilespmem:s2+$0x10]  }
0x4bb: {  	v5 =	vadd.f32 v6, v5;
	v3 =	vld [tilespmem:s0+$0x10];
	[tilespmem:s31+$0x30] =	vst v2  }
0x4bc: {  	v6 =	vadd.f32 v8, v7;
	[tilespmem:s31+$0xFFFFFFD0] =	vst v4;
	v2 =	vld [tilespmem:s2+$0x20]  }
0x4bd: {  	s4 =	simm.s32 $0x0;
	[tilespmem:s31+$0xFFFFFFE0] =	vst v5;
	v5 =	vld [tilespmem:s0+$0x20]  }
0x4be: {  	s5 =	sadd.s32 $0x400, s2;
	s6 =	smov.u32 s0;
	s3 =	smov.u32 s31;
	v4 =	vld [tilespmem:s2+$0xFFFFFFC0];
	[tilespmem:s31+$0xFFFFFFF0] =	vst v6;
	v6 =	vadd.f32 v10, v9  }
.LBB2_91:
0x4bf: {  	v7 =	vld [tilespmem:s5+$0x30];
	s6 =	sadd.s32 $0x400, s6  }
0x4c0: {  	s4 =	sadd.s32 $0x80, s4;
	v8 =	vld [tilespmem:s6+$0x30];
	[tilespmem:s3+$0x0] =	vst v6;
	v1 =	vadd.f32 v3, v1  }
0x4c1: {  	p0 =	slt.u32 s4, $0x780;
	v3 =	vld [tilespmem:s6+$0xFFFFFFC0]  }
0x4c2: {  	v6 =	vld [tilespmem:s5+$0xFFFFFFD0];
	[tilespmem:s3+$0x10] =	vst v1;
	v1 =	vadd.f32 v5, v2  }
0x4c3: {  	v2 =	vld [tilespmem:s6+$0xFFFFFFD0];
	v9 =	vadd.f32 v0, v4  }
0x4c4: {  	v4 =	vld [tilespmem:s5+$0xFFFFFFE0];
	[tilespmem:s3+$0x20] =	vst v1  }
0x4c5: {  	v1 =	vld [tilespmem:s6+$0xFFFFFFE0];
	v5 =	vadd.f32 v8, v7;
	[tilespmem:s3+$0xFFFFFFC0] =	vst v9  }
0x4c6: {  	s3 =	sadd.s32 $0x400, s3;
	v7 =	vld [tilespmem:s5+$0xFFFFFFF0];
	v0 =	vmov v3  }
0x4c7: {  	v8 =	vld [tilespmem:s6+$0xFFFFFFF0];
	[tilespmem:s3+$0x30] =	vst v5  }
0x4c8: {  	v2 =	vadd.f32 v2, v6;
	v6 =	vld [tilespmem:s5+$0x0]  }
0x4c9: {  	v9 =	vld [tilespmem:s6+$0x0]  }
.Ltmp44:
0x4ca: {  	[tilespmem:s3+$0xFFFFFFD0] =	vst v2;
	v2 =	vadd.f32 v1, v4;
	v1 =	vld [tilespmem:s5+$0x10];
	(pc) =	sbr.rel @p0 .LBB2_91-.Ltmp44, $4  }
0x4cb: {  	v3 =	vld [tilespmem:s6+$0x10]  }
0x4cc: {  	[tilespmem:s3+$0xFFFFFFE0] =	vst v2;
	v7 =	vadd.f32 v8, v7;
	v2 =	vld [tilespmem:s5+$0x20]  }
0x4cd: {  	v5 =	vld [tilespmem:s6+$0x20]  }
0x4ce: {  	v4 =	vld [tilespmem:s5+$0xFFFFFFC0];
	[tilespmem:s3+$0xFFFFFFF0] =	vst v7;
	v6 =	vadd.f32 v9, v6;
	s5 =	sadd.s32 $0x400, s5  }
0x4cf: {  	s30 =	sadd.s32 $0x1, s30  }
0x4d0: {  	p0 =	sne.s32 s30, $0x8  }
.Ltmp45:
0x4d1: {  	v1 =	vadd.f32 v3, v1;
	(pc) =	sbr.rel @p0 .LBB2_90-.Ltmp45, $4  }
0x4d2: {  	[tilespmem:s3+$0x0] =	vst v6;
	v2 =	vadd.f32 v5, v2  }
0x4d3: {  	[tilespmem:s3+$0x10] =	vst v1;
	v0 =	vadd.f32 v0, v4  }
0x4d4: {  	[tilespmem:s3+$0x20] =	vst v2  }
0x4d5: {  	s31 =	sadd.s32 $0x80, s31;
	s0 =	sadd.s32 $0x80, s0;
	s2 =	sadd.s32 $0x80, s2;
	[tilespmem:s3+$0xFFFFFFC0] =	vst v0  }
0x4d6: {  	s0 =	sld [smem:$0x7ED];
	_ =	sdelay $0x1  }
0x4d7: {  	s30 =	simm.s32 $0x0;
	s6 =	sld [smem:$0x7F5]  }
0x4d8: {  	[hbm4b:s0+s30] =	stream.linear.scatter [tilespmem:s21], [sflag:$0x6], $0x4000, $0x38;
	[tilespmem:$0x1C000] =	vst v63  }
0x4d9: {  	_ = 	snop  }
0x4da: {  	[tilespmem:s16], [sflag:$0x2] =	stream.linear.gather [hbm4b:s6+s30], $0x4000, $0x38;
	[tilespmem:$0x1C000] =	vst v63  }
0x4db: {  	_ =	swait.ge [sflag:s24], $0x4000  }
0x4dc: {  	[sflag:s24] =	ssyncset.done $0x0  }
0x4dd: {  	[sflag:s24] =	ssyncadd.s32 $0xFFFFC000  }
0x4de: {  	_ =	swait.ge [sflag:s26], $0x4000  }
0x4df: {  	s31 =	simm.s32 $0x18040;
	[sflag:s26] =	ssyncset.done $0x0  }
0x4e0: {  	s2 =	simm.s32 $0x8040;
	s0 =	simm.s32 $0x10040;
	[sflag:s26] =	ssyncadd.s32 $0xFFFFC000  }
.LBB2_94:
0x4e1: {  	v1 =	vld [tilespmem:s2+$0x30]  }
0x4e2: {  	v2 =	vld [tilespmem:s0+$0x30]  }
0x4e3: {  	v0 =	vld [tilespmem:s0+$0xFFFFFFC0]  }
0x4e4: {  	v3 =	vld [tilespmem:s2+$0xFFFFFFD0]  }
0x4e5: {  	v4 =	vld [tilespmem:s0+$0xFFFFFFD0]  }
0x4e6: {  	v5 =	vld [tilespmem:s2+$0xFFFFFFE0]  }
0x4e7: {  	v6 =	vld [tilespmem:s0+$0xFFFFFFE0]  }
0x4e8: {  	v7 =	vld [tilespmem:s2+$0xFFFFFFF0]  }
0x4e9: {  	v8 =	vld [tilespmem:s0+$0xFFFFFFF0]  }
0x4ea: {  	v9 =	vld [tilespmem:s2+$0x0]  }
0x4eb: {  	v10 =	vld [tilespmem:s0+$0x0];
	v2 =	vadd.f32 v2, v1  }
0x4ec: {  	v4 =	vadd.f32 v4, v3;
	v1 =	vld [tilespmem:s2+$0x10]  }
0x4ed: {  	v5 =	vadd.f32 v6, v5;
	v3 =	vld [tilespmem:s0+$0x10];
	[tilespmem:s31+$0x30] =	vst v2  }
0x4ee: {  	v6 =	vadd.f32 v8, v7;
	[tilespmem:s31+$0xFFFFFFD0] =	vst v4;
	v2 =	vld [tilespmem:s2+$0x20]  }
0x4ef: {  	s4 =	simm.s32 $0x0;
	[tilespmem:s31+$0xFFFFFFE0] =	vst v5;
	v5 =	vld [tilespmem:s0+$0x20]  }
0x4f0: {  	s5 =	sadd.s32 $0x400, s2;
	s6 =	smov.u32 s0;
	s3 =	smov.u32 s31;
	v4 =	vld [tilespmem:s2+$0xFFFFFFC0];
	[tilespmem:s31+$0xFFFFFFF0] =	vst v6;
	v6 =	vadd.f32 v10, v9  }
.LBB2_95:
0x4f1: {  	v7 =	vld [tilespmem:s5+$0x30];
	s6 =	sadd.s32 $0x400, s6  }
0x4f2: {  	s4 =	sadd.s32 $0x80, s4;
	v8 =	vld [tilespmem:s6+$0x30];
	[tilespmem:s3+$0x0] =	vst v6;
	v1 =	vadd.f32 v3, v1  }
0x4f3: {  	p0 =	slt.u32 s4, $0x780;
	v3 =	vld [tilespmem:s6+$0xFFFFFFC0]  }
0x4f4: {  	v6 =	vld [tilespmem:s5+$0xFFFFFFD0];
	[tilespmem:s3+$0x10] =	vst v1;
	v1 =	vadd.f32 v5, v2  }
0x4f5: {  	v2 =	vld [tilespmem:s6+$0xFFFFFFD0];
	v9 =	vadd.f32 v0, v4  }
0x4f6: {  	v4 =	vld [tilespmem:s5+$0xFFFFFFE0];
	[tilespmem:s3+$0x20] =	vst v1  }
0x4f7: {  	v1 =	vld [tilespmem:s6+$0xFFFFFFE0];
	v5 =	vadd.f32 v8, v7;
	[tilespmem:s3+$0xFFFFFFC0] =	vst v9  }
0x4f8: {  	s3 =	sadd.s32 $0x400, s3;
	v7 =	vld [tilespmem:s5+$0xFFFFFFF0];
	v0 =	vmov v3  }
0x4f9: {  	v8 =	vld [tilespmem:s6+$0xFFFFFFF0];
	[tilespmem:s3+$0x30] =	vst v5  }
0x4fa: {  	v2 =	vadd.f32 v2, v6;
	v6 =	vld [tilespmem:s5+$0x0]  }
0x4fb: {  	v9 =	vld [tilespmem:s6+$0x0]  }
.Ltmp46:
0x4fc: {  	[tilespmem:s3+$0xFFFFFFD0] =	vst v2;
	v2 =	vadd.f32 v1, v4;
	v1 =	vld [tilespmem:s5+$0x10];
	(pc) =	sbr.rel @p0 .LBB2_95-.Ltmp46, $4  }
0x4fd: {  	v3 =	vld [tilespmem:s6+$0x10]  }
0x4fe: {  	[tilespmem:s3+$0xFFFFFFE0] =	vst v2;
	v7 =	vadd.f32 v8, v7;
	v2 =	vld [tilespmem:s5+$0x20]  }
0x4ff: {  	v5 =	vld [tilespmem:s6+$0x20]  }
0x500: {  	v4 =	vld [tilespmem:s5+$0xFFFFFFC0];
	[tilespmem:s3+$0xFFFFFFF0] =	vst v7;
	v6 =	vadd.f32 v9, v6;
	s5 =	sadd.s32 $0x400, s5  }
0x501: {  	s30 =	sadd.s32 $0x1, s30  }
0x502: {  	p0 =	sne.s32 s30, $0x8  }
.Ltmp47:
0x503: {  	v1 =	vadd.f32 v3, v1;
	(pc) =	sbr.rel @p0 .LBB2_94-.Ltmp47, $4  }
0x504: {  	[tilespmem:s3+$0x0] =	vst v6;
	v2 =	vadd.f32 v5, v2  }
0x505: {  	[tilespmem:s3+$0x10] =	vst v1;
	v0 =	vadd.f32 v0, v4  }
0x506: {  	[tilespmem:s3+$0x20] =	vst v2  }
0x507: {  	s31 =	sadd.s32 $0x80, s31;
	s0 =	sadd.s32 $0x80, s0;
	s2 =	sadd.s32 $0x80, s2;
	[tilespmem:s3+$0xFFFFFFC0] =	vst v0  }
0x508: {  	s0 =	sld [smem:$0x7EF];
	_ =	sdelay $0x1  }
0x509: {  	s30 =	simm.s32 $0x0;
	s5 =	sld [smem:$0x7F7]  }
0x50a: {  	[hbm4b:s0+s30] =	stream.linear.scatter [tilespmem:s23], [sflag:$0x7], $0x4000, $0x38;
	[tilespmem:$0x1C000] =	vst v63  }
0x50b: {  	_ = 	snop  }
0x50c: {  	[tilespmem:s17], [sflag:$0x3] =	stream.linear.gather [hbm4b:s5+s30], $0x4000, $0x38;
	[tilespmem:$0x1C000] =	vst v63  }
0x50d: {  	_ =	swait.ge [sflag:s18], $0x4000  }
0x50e: {  	s6 =	sld [smem:$0x7F2]  }
0x50f: {  	[sflag:s18] =	ssyncset.done $0x0  }
0x510: {  	[sflag:s18] =	ssyncadd.s32 $0xFFFFC000  }
0x511: {  	[tilespmem:s19], [sflag:$0x5] =	stream.linear.gather [hbm4b:s6+s30], $0x4000, $0x38;
	[tilespmem:$0x1C000] =	vst v63  }
0x512: {  	_ =	swait.ge [sflag:s20], $0x4000  }
0x513: {  	[sflag:s20] =	ssyncset.done $0x0  }
0x514: {  	[sflag:s20] =	ssyncadd.s32 $0xFFFFC000  }
0x515: {  	_ =	swait.ge [sflag:s25], $0x4000  }
0x516: {  	s31 =	simm.s32 $0x14040;
	[sflag:s25] =	ssyncset.done $0x0  }
0x517: {  	s2 =	simm.s32 $0x40;
	s0 =	simm.s32 $0xC040;
	[sflag:s25] =	ssyncadd.s32 $0xFFFFC000  }
.LBB2_98:
0x518: {  	v1 =	vld [tilespmem:s2+$0x30]  }
0x519: {  	v2 =	vld [tilespmem:s0+$0x30]  }
0x51a: {  	v0 =	vld [tilespmem:s0+$0xFFFFFFC0]  }
0x51b: {  	v3 =	vld [tilespmem:s2+$0xFFFFFFD0]  }
0x51c: {  	v4 =	vld [tilespmem:s0+$0xFFFFFFD0]  }
0x51d: {  	v5 =	vld [tilespmem:s2+$0xFFFFFFE0]  }
0x51e: {  	v6 =	vld [tilespmem:s0+$0xFFFFFFE0]  }
0x51f: {  	v7 =	vld [tilespmem:s2+$0xFFFFFFF0]  }
0x520: {  	v8 =	vld [tilespmem:s0+$0xFFFFFFF0]  }
0x521: {  	v9 =	vld [tilespmem:s2+$0x0]  }
0x522: {  	v10 =	vld [tilespmem:s0+$0x0];
	v2 =	vadd.f32 v2, v1  }
0x523: {  	v4 =	vadd.f32 v4, v3;
	v1 =	vld [tilespmem:s2+$0x10]  }
0x524: {  	v5 =	vadd.f32 v6, v5;
	v3 =	vld [tilespmem:s0+$0x10];
	[tilespmem:s31+$0x30] =	vst v2  }
0x525: {  	v6 =	vadd.f32 v8, v7;
	[tilespmem:s31+$0xFFFFFFD0] =	vst v4;
	v2 =	vld [tilespmem:s2+$0x20]  }
0x526: {  	s4 =	simm.s32 $0x0;
	[tilespmem:s31+$0xFFFFFFE0] =	vst v5;
	v5 =	vld [tilespmem:s0+$0x20]  }
0x527: {  	s5 =	sadd.s32 $0x400, s2;
	s6 =	smov.u32 s0;
	s3 =	smov.u32 s31;
	v4 =	vld [tilespmem:s2+$0xFFFFFFC0];
	[tilespmem:s31+$0xFFFFFFF0] =	vst v6;
	v6 =	vadd.f32 v10, v9  }
.LBB2_99:
0x528: {  	v7 =	vld [tilespmem:s5+$0x30];
	s6 =	sadd.s32 $0x400, s6  }
0x529: {  	s4 =	sadd.s32 $0x80, s4;
	v8 =	vld [tilespmem:s6+$0x30];
	[tilespmem:s3+$0x0] =	vst v6;
	v1 =	vadd.f32 v3, v1  }
0x52a: {  	p0 =	slt.u32 s4, $0x780;
	v3 =	vld [tilespmem:s6+$0xFFFFFFC0]  }
0x52b: {  	v6 =	vld [tilespmem:s5+$0xFFFFFFD0];
	[tilespmem:s3+$0x10] =	vst v1;
	v1 =	vadd.f32 v5, v2  }
0x52c: {  	v2 =	vld [tilespmem:s6+$0xFFFFFFD0];
	v9 =	vadd.f32 v0, v4  }
0x52d: {  	v4 =	vld [tilespmem:s5+$0xFFFFFFE0];
	[tilespmem:s3+$0x20] =	vst v1  }
0x52e: {  	v1 =	vld [tilespmem:s6+$0xFFFFFFE0];
	v5 =	vadd.f32 v8, v7;
	[tilespmem:s3+$0xFFFFFFC0] =	vst v9  }
0x52f: {  	s3 =	sadd.s32 $0x400, s3;
	v7 =	vld [tilespmem:s5+$0xFFFFFFF0];
	v0 =	vmov v3  }
0x530: {  	v8 =	vld [tilespmem:s6+$0xFFFFFFF0];
	[tilespmem:s3+$0x30] =	vst v5  }
0x531: {  	v2 =	vadd.f32 v2, v6;
	v6 =	vld [tilespmem:s5+$0x0]  }
0x532: {  	v9 =	vld [tilespmem:s6+$0x0]  }
.Ltmp48:
0x533: {  	[tilespmem:s3+$0xFFFFFFD0] =	vst v2;
	v2 =	vadd.f32 v1, v4;
	v1 =	vld [tilespmem:s5+$0x10];
	(pc) =	sbr.rel @p0 .LBB2_99-.Ltmp48, $4  }
0x534: {  	v3 =	vld [tilespmem:s6+$0x10]  }
0x535: {  	[tilespmem:s3+$0xFFFFFFE0] =	vst v2;
	v7 =	vadd.f32 v8, v7;
	v2 =	vld [tilespmem:s5+$0x20]  }
0x536: {  	v5 =	vld [tilespmem:s6+$0x20]  }
0x537: {  	v4 =	vld [tilespmem:s5+$0xFFFFFFC0];
	[tilespmem:s3+$0xFFFFFFF0] =	vst v7;
	v6 =	vadd.f32 v9, v6;
	s5 =	sadd.s32 $0x400, s5  }
0x538: {  	s30 =	sadd.s32 $0x1, s30  }
0x539: {  	p0 =	sne.s32 s30, $0x8  }
.Ltmp49:
0x53a: {  	v1 =	vadd.f32 v3, v1;
	(pc) =	sbr.rel @p0 .LBB2_98-.Ltmp49, $4  }
0x53b: {  	[tilespmem:s3+$0x0] =	vst v6;
	v2 =	vadd.f32 v5, v2  }
0x53c: {  	[tilespmem:s3+$0x10] =	vst v1;
	v0 =	vadd.f32 v0, v4  }
0x53d: {  	[tilespmem:s3+$0x20] =	vst v2  }
0x53e: {  	s31 =	sadd.s32 $0x80, s31;
	s0 =	sadd.s32 $0x80, s0;
	s2 =	sadd.s32 $0x80, s2;
	[tilespmem:s3+$0xFFFFFFC0] =	vst v0  }
0x53f: {  	s0 =	sld [smem:$0x7F4];
	_ =	sdelay $0x1  }
0x540: {  	s30 =	simm.s32 $0x0;
	s6 =	sld [smem:$0x7F9]  }
0x541: {  	[hbm4b:s0+s30] =	stream.linear.scatter [tilespmem:s21], [sflag:$0x6], $0x4000, $0x38;
	[tilespmem:$0x1C000] =	vst v63  }
0x542: {  	_ = 	snop  }
0x543: {  	[tilespmem:s30], [sflag:$0x1] =	stream.linear.gather [hbm4b:s6+s30], $0x4000, $0x38;
	[tilespmem:$0x1C000] =	vst v63  }
0x544: {  	_ =	swait.ge [sflag:s22], $0x4000  }
0x545: {  	[sflag:s22] =	ssyncset.done $0x0  }
0x546: {  	[sflag:s22] =	ssyncadd.s32 $0xFFFFC000  }
0x547: {  	_ =	swait.ge [sflag:s26], $0x4000  }
0x548: {  	s31 =	simm.s32 $0x18040;
	[sflag:s26] =	ssyncset.done $0x0  }
0x549: {  	s2 =	simm.s32 $0x4040;
	s0 =	simm.s32 $0xC040;
	[sflag:s26] =	ssyncadd.s32 $0xFFFFC000  }
.LBB2_102:
0x54a: {  	v1 =	vld [tilespmem:s2+$0x30]  }
0x54b: {  	v2 =	vld [tilespmem:s0+$0x30]  }
0x54c: {  	v0 =	vld [tilespmem:s0+$0xFFFFFFC0]  }
0x54d: {  	v3 =	vld [tilespmem:s2+$0xFFFFFFD0]  }
0x54e: {  	v4 =	vld [tilespmem:s0+$0xFFFFFFD0]  }
0x54f: {  	v5 =	vld [tilespmem:s2+$0xFFFFFFE0]  }
0x550: {  	v6 =	vld [tilespmem:s0+$0xFFFFFFE0]  }
0x551: {  	v7 =	vld [tilespmem:s2+$0xFFFFFFF0]  }
0x552: {  	v8 =	vld [tilespmem:s0+$0xFFFFFFF0]  }
0x553: {  	v9 =	vld [tilespmem:s2+$0x0]  }
0x554: {  	v10 =	vld [tilespmem:s0+$0x0];
	v2 =	vadd.f32 v2, v1  }
0x555: {  	v4 =	vadd.f32 v4, v3;
	v1 =	vld [tilespmem:s2+$0x10]  }
0x556: {  	v5 =	vadd.f32 v6, v5;
	v3 =	vld [tilespmem:s0+$0x10];
	[tilespmem:s31+$0x30] =	vst v2  }
0x557: {  	v6 =	vadd.f32 v8, v7;
	[tilespmem:s31+$0xFFFFFFD0] =	vst v4;
	v2 =	vld [tilespmem:s2+$0x20]  }
0x558: {  	s4 =	simm.s32 $0x0;
	[tilespmem:s31+$0xFFFFFFE0] =	vst v5;
	v5 =	vld [tilespmem:s0+$0x20]  }
0x559: {  	s5 =	sadd.s32 $0x400, s2;
	s6 =	smov.u32 s0;
	s3 =	smov.u32 s31;
	v4 =	vld [tilespmem:s2+$0xFFFFFFC0];
	[tilespmem:s31+$0xFFFFFFF0] =	vst v6;
	v6 =	vadd.f32 v10, v9  }
.LBB2_103:
0x55a: {  	v7 =	vld [tilespmem:s5+$0x30];
	s6 =	sadd.s32 $0x400, s6  }
0x55b: {  	s4 =	sadd.s32 $0x80, s4;
	v8 =	vld [tilespmem:s6+$0x30];
	[tilespmem:s3+$0x0] =	vst v6;
	v1 =	vadd.f32 v3, v1  }
0x55c: {  	p0 =	slt.u32 s4, $0x780;
	v3 =	vld [tilespmem:s6+$0xFFFFFFC0]  }
0x55d: {  	v6 =	vld [tilespmem:s5+$0xFFFFFFD0];
	[tilespmem:s3+$0x10] =	vst v1;
	v1 =	vadd.f32 v5, v2  }
0x55e: {  	v2 =	vld [tilespmem:s6+$0xFFFFFFD0];
	v9 =	vadd.f32 v0, v4  }
0x55f: {  	v4 =	vld [tilespmem:s5+$0xFFFFFFE0];
	[tilespmem:s3+$0x20] =	vst v1  }
0x560: {  	v1 =	vld [tilespmem:s6+$0xFFFFFFE0];
	v5 =	vadd.f32 v8, v7;
	[tilespmem:s3+$0xFFFFFFC0] =	vst v9  }
0x561: {  	s3 =	sadd.s32 $0x400, s3;
	v7 =	vld [tilespmem:s5+$0xFFFFFFF0];
	v0 =	vmov v3  }
0x562: {  	v8 =	vld [tilespmem:s6+$0xFFFFFFF0];
	[tilespmem:s3+$0x30] =	vst v5  }
0x563: {  	v2 =	vadd.f32 v2, v6;
	v6 =	vld [tilespmem:s5+$0x0]  }
0x564: {  	v9 =	vld [tilespmem:s6+$0x0]  }
.Ltmp50:
0x565: {  	[tilespmem:s3+$0xFFFFFFD0] =	vst v2;
	v2 =	vadd.f32 v1, v4;
	v1 =	vld [tilespmem:s5+$0x10];
	(pc) =	sbr.rel @p0 .LBB2_103-.Ltmp50, $4  }
0x566: {  	v3 =	vld [tilespmem:s6+$0x10]  }
0x567: {  	[tilespmem:s3+$0xFFFFFFE0] =	vst v2;
	v7 =	vadd.f32 v8, v7;
	v2 =	vld [tilespmem:s5+$0x20]  }
0x568: {  	v5 =	vld [tilespmem:s6+$0x20]  }
0x569: {  	v4 =	vld [tilespmem:s5+$0xFFFFFFC0];
	[tilespmem:s3+$0xFFFFFFF0] =	vst v7;
	v6 =	vadd.f32 v9, v6;
	s5 =	sadd.s32 $0x400, s5  }
0x56a: {  	s30 =	sadd.s32 $0x1, s30  }
0x56b: {  	p0 =	sne.s32 s30, $0x8  }
.Ltmp51:
0x56c: {  	v1 =	vadd.f32 v3, v1;
	(pc) =	sbr.rel @p0 .LBB2_102-.Ltmp51, $4  }
0x56d: {  	[tilespmem:s3+$0x0] =	vst v6;
	v2 =	vadd.f32 v5, v2  }
0x56e: {  	[tilespmem:s3+$0x10] =	vst v1;
	v0 =	vadd.f32 v0, v4  }
0x56f: {  	[tilespmem:s3+$0x20] =	vst v2  }
0x570: {  	s31 =	sadd.s32 $0x80, s31;
	s0 =	sadd.s32 $0x80, s0;
	s2 =	sadd.s32 $0x80, s2;
	[tilespmem:s3+$0xFFFFFFC0] =	vst v0  }
0x571: {  	s0 =	sld [smem:$0x7F6];
	_ =	sdelay $0x1  }
0x572: {  	s30 =	simm.s32 $0x0;
	s6 =	sld [smem:$0x7FB]  }
0x573: {  	[hbm4b:s0+s30] =	stream.linear.scatter [tilespmem:s23], [sflag:$0x7], $0x4000, $0x38;
	[tilespmem:$0x1C000] =	vst v63  }
0x574: {  	_ = 	snop  }
0x575: {  	[tilespmem:s16], [sflag:$0x2] =	stream.linear.gather [hbm4b:s6+s30], $0x4000, $0x38;
	[tilespmem:$0x1C000] =	vst v63  }
0x576: {  	_ =	swait.ge [sflag:s24], $0x4000  }
0x577: {  	[sflag:s24] =	ssyncset.done $0x0  }
0x578: {  	[sflag:s24] =	ssyncadd.s32 $0xFFFFC000  }
0x579: {  	_ =	swait.ge [sflag:s25], $0x4000  }
0x57a: {  	s31 =	simm.s32 $0x14040;
	[sflag:s25] =	ssyncset.done $0x0  }
0x57b: {  	s2 =	simm.s32 $0x8040;
	s0 =	simm.s32 $0xC040;
	[sflag:s25] =	ssyncadd.s32 $0xFFFFC000  }
.LBB2_106:
0x57c: {  	v1 =	vld [tilespmem:s2+$0x30]  }
0x57d: {  	v2 =	vld [tilespmem:s0+$0x30]  }
0x57e: {  	v0 =	vld [tilespmem:s0+$0xFFFFFFC0]  }
0x57f: {  	v3 =	vld [tilespmem:s2+$0xFFFFFFD0]  }
0x580: {  	v4 =	vld [tilespmem:s0+$0xFFFFFFD0]  }
0x581: {  	v5 =	vld [tilespmem:s2+$0xFFFFFFE0]  }
0x582: {  	v6 =	vld [tilespmem:s0+$0xFFFFFFE0]  }
0x583: {  	v7 =	vld [tilespmem:s2+$0xFFFFFFF0]  }
0x584: {  	v8 =	vld [tilespmem:s0+$0xFFFFFFF0]  }
0x585: {  	v9 =	vld [tilespmem:s2+$0x0]  }
0x586: {  	v10 =	vld [tilespmem:s0+$0x0];
	v2 =	vadd.f32 v2, v1  }
0x587: {  	v4 =	vadd.f32 v4, v3;
	v1 =	vld [tilespmem:s2+$0x10]  }
0x588: {  	v5 =	vadd.f32 v6, v5;
	v3 =	vld [tilespmem:s0+$0x10];
	[tilespmem:s31+$0x30] =	vst v2  }
0x589: {  	v6 =	vadd.f32 v8, v7;
	[tilespmem:s31+$0xFFFFFFD0] =	vst v4;
	v2 =	vld [tilespmem:s2+$0x20]  }
0x58a: {  	s4 =	simm.s32 $0x0;
	[tilespmem:s31+$0xFFFFFFE0] =	vst v5;
	v5 =	vld [tilespmem:s0+$0x20]  }
0x58b: {  	s5 =	sadd.s32 $0x400, s2;
	s6 =	smov.u32 s0;
	s3 =	smov.u32 s31;
	v4 =	vld [tilespmem:s2+$0xFFFFFFC0];
	[tilespmem:s31+$0xFFFFFFF0] =	vst v6;
	v6 =	vadd.f32 v10, v9  }
.LBB2_107:
0x58c: {  	v7 =	vld [tilespmem:s5+$0x30];
	s6 =	sadd.s32 $0x400, s6  }
0x58d: {  	s4 =	sadd.s32 $0x80, s4;
	v8 =	vld [tilespmem:s6+$0x30];
	[tilespmem:s3+$0x0] =	vst v6;
	v1 =	vadd.f32 v3, v1  }
0x58e: {  	p0 =	slt.u32 s4, $0x780;
	v3 =	vld [tilespmem:s6+$0xFFFFFFC0]  }
0x58f: {  	v6 =	vld [tilespmem:s5+$0xFFFFFFD0];
	[tilespmem:s3+$0x10] =	vst v1;
	v1 =	vadd.f32 v5, v2  }
0x590: {  	v2 =	vld [tilespmem:s6+$0xFFFFFFD0];
	v9 =	vadd.f32 v0, v4  }
0x591: {  	v4 =	vld [tilespmem:s5+$0xFFFFFFE0];
	[tilespmem:s3+$0x20] =	vst v1  }
0x592: {  	v1 =	vld [tilespmem:s6+$0xFFFFFFE0];
	v5 =	vadd.f32 v8, v7;
	[tilespmem:s3+$0xFFFFFFC0] =	vst v9  }
0x593: {  	s3 =	sadd.s32 $0x400, s3;
	v7 =	vld [tilespmem:s5+$0xFFFFFFF0];
	v0 =	vmov v3  }
0x594: {  	v8 =	vld [tilespmem:s6+$0xFFFFFFF0];
	[tilespmem:s3+$0x30] =	vst v5  }
0x595: {  	v2 =	vadd.f32 v2, v6;
	v6 =	vld [tilespmem:s5+$0x0]  }
0x596: {  	v9 =	vld [tilespmem:s6+$0x0]  }
.Ltmp52:
0x597: {  	[tilespmem:s3+$0xFFFFFFD0] =	vst v2;
	v2 =	vadd.f32 v1, v4;
	v1 =	vld [tilespmem:s5+$0x10];
	(pc) =	sbr.rel @p0 .LBB2_107-.Ltmp52, $4  }
0x598: {  	v3 =	vld [tilespmem:s6+$0x10]  }
0x599: {  	[tilespmem:s3+$0xFFFFFFE0] =	vst v2;
	v7 =	vadd.f32 v8, v7;
	v2 =	vld [tilespmem:s5+$0x20]  }
0x59a: {  	v5 =	vld [tilespmem:s6+$0x20]  }
0x59b: {  	v4 =	vld [tilespmem:s5+$0xFFFFFFC0];
	[tilespmem:s3+$0xFFFFFFF0] =	vst v7;
	v6 =	vadd.f32 v9, v6;
	s5 =	sadd.s32 $0x400, s5  }
0x59c: {  	s30 =	sadd.s32 $0x1, s30  }
0x59d: {  	p0 =	sne.s32 s30, $0x8  }
.Ltmp53:
0x59e: {  	v1 =	vadd.f32 v3, v1;
	(pc) =	sbr.rel @p0 .LBB2_106-.Ltmp53, $4  }
0x59f: {  	[tilespmem:s3+$0x0] =	vst v6;
	v2 =	vadd.f32 v5, v2  }
0x5a0: {  	[tilespmem:s3+$0x10] =	vst v1;
	v0 =	vadd.f32 v0, v4  }
0x5a1: {  	[tilespmem:s3+$0x20] =	vst v2  }
0x5a2: {  	s31 =	sadd.s32 $0x80, s31;
	s0 =	sadd.s32 $0x80, s0;
	s2 =	sadd.s32 $0x80, s2;
	[tilespmem:s3+$0xFFFFFFC0] =	vst v0  }
0x5a3: {  	s0 =	sld [smem:$0x7F8];
	_ =	sdelay $0x1  }
0x5a4: {  	s30 =	simm.s32 $0x0  }
0x5a5: {  	[hbm4b:s0+s30] =	stream.linear.scatter [tilespmem:s21], [sflag:$0x6], $0x4000, $0x38;
	[tilespmem:$0x1C000] =	vst v63  }
0x5a6: {  	_ = 	snop  }
0x5a7: {  	[tilespmem:s17], [sflag:$0x3] =	stream.linear.gather [hbm4b:s8+s30], $0x4000, $0x38;
	[tilespmem:$0x1C000] =	vst v63  }
0x5a8: {  	_ =	swait.ge [sflag:s20], $0x4000  }
0x5a9: {  	[sflag:s20] =	ssyncset.done $0x0  }
0x5aa: {  	[sflag:s20] =	ssyncadd.s32 $0xFFFFC000  }
0x5ab: {  	_ =	swait.ge [sflag:s26], $0x4000  }
0x5ac: {  	s31 =	simm.s32 $0x18040;
	[sflag:s26] =	ssyncset.done $0x0  }
0x5ad: {  	s2 =	simm.s32 $0x40;
	s0 =	simm.s32 $0xC040;
	[sflag:s26] =	ssyncadd.s32 $0xFFFFC000  }
.LBB2_110:
0x5ae: {  	v1 =	vld [tilespmem:s2+$0x30]  }
0x5af: {  	v2 =	vld [tilespmem:s0+$0x30]  }
0x5b0: {  	v0 =	vld [tilespmem:s0+$0xFFFFFFC0]  }
0x5b1: {  	v3 =	vld [tilespmem:s2+$0xFFFFFFD0]  }
0x5b2: {  	v4 =	vld [tilespmem:s0+$0xFFFFFFD0]  }
0x5b3: {  	v5 =	vld [tilespmem:s2+$0xFFFFFFE0]  }
0x5b4: {  	v6 =	vld [tilespmem:s0+$0xFFFFFFE0]  }
0x5b5: {  	v7 =	vld [tilespmem:s2+$0xFFFFFFF0]  }
0x5b6: {  	v8 =	vld [tilespmem:s0+$0xFFFFFFF0]  }
0x5b7: {  	v9 =	vld [tilespmem:s2+$0x0]  }
0x5b8: {  	v10 =	vld [tilespmem:s0+$0x0];
	v2 =	vadd.f32 v2, v1  }
0x5b9: {  	v4 =	vadd.f32 v4, v3;
	v1 =	vld [tilespmem:s2+$0x10]  }
0x5ba: {  	v5 =	vadd.f32 v6, v5;
	v3 =	vld [tilespmem:s0+$0x10];
	[tilespmem:s31+$0x30] =	vst v2  }
0x5bb: {  	v6 =	vadd.f32 v8, v7;
	[tilespmem:s31+$0xFFFFFFD0] =	vst v4;
	v2 =	vld [tilespmem:s2+$0x20]  }
0x5bc: {  	s4 =	simm.s32 $0x0;
	[tilespmem:s31+$0xFFFFFFE0] =	vst v5;
	v5 =	vld [tilespmem:s0+$0x20]  }
0x5bd: {  	s5 =	sadd.s32 $0x400, s2;
	s6 =	smov.u32 s0;
	s3 =	smov.u32 s31;
	v4 =	vld [tilespmem:s2+$0xFFFFFFC0];
	[tilespmem:s31+$0xFFFFFFF0] =	vst v6;
	v6 =	vadd.f32 v10, v9  }
.LBB2_111:
0x5be: {  	v7 =	vld [tilespmem:s5+$0x30];
	s6 =	sadd.s32 $0x400, s6  }
0x5bf: {  	s4 =	sadd.s32 $0x80, s4;
	v8 =	vld [tilespmem:s6+$0x30];
	[tilespmem:s3+$0x0] =	vst v6;
	v1 =	vadd.f32 v3, v1  }
0x5c0: {  	p0 =	slt.u32 s4, $0x780;
	v3 =	vld [tilespmem:s6+$0xFFFFFFC0]  }
0x5c1: {  	v6 =	vld [tilespmem:s5+$0xFFFFFFD0];
	[tilespmem:s3+$0x10] =	vst v1;
	v1 =	vadd.f32 v5, v2  }
0x5c2: {  	v2 =	vld [tilespmem:s6+$0xFFFFFFD0];
	v9 =	vadd.f32 v0, v4  }
0x5c3: {  	v4 =	vld [tilespmem:s5+$0xFFFFFFE0];
	[tilespmem:s3+$0x20] =	vst v1  }
0x5c4: {  	v1 =	vld [tilespmem:s6+$0xFFFFFFE0];
	v5 =	vadd.f32 v8, v7;
	[tilespmem:s3+$0xFFFFFFC0] =	vst v9  }
0x5c5: {  	s3 =	sadd.s32 $0x400, s3;
	v7 =	vld [tilespmem:s5+$0xFFFFFFF0];
	v0 =	vmov v3  }
0x5c6: {  	v8 =	vld [tilespmem:s6+$0xFFFFFFF0];
	[tilespmem:s3+$0x30] =	vst v5  }
0x5c7: {  	v2 =	vadd.f32 v2, v6;
	v6 =	vld [tilespmem:s5+$0x0]  }
0x5c8: {  	v9 =	vld [tilespmem:s6+$0x0]  }
.Ltmp54:
0x5c9: {  	[tilespmem:s3+$0xFFFFFFD0] =	vst v2;
	v2 =	vadd.f32 v1, v4;
	v1 =	vld [tilespmem:s5+$0x10];
	(pc) =	sbr.rel @p0 .LBB2_111-.Ltmp54, $4  }
0x5ca: {  	v3 =	vld [tilespmem:s6+$0x10]  }
0x5cb: {  	[tilespmem:s3+$0xFFFFFFE0] =	vst v2;
	v7 =	vadd.f32 v8, v7;
	v2 =	vld [tilespmem:s5+$0x20]  }
0x5cc: {  	v5 =	vld [tilespmem:s6+$0x20]  }
0x5cd: {  	v4 =	vld [tilespmem:s5+$0xFFFFFFC0];
	[tilespmem:s3+$0xFFFFFFF0] =	vst v7;
	v6 =	vadd.f32 v9, v6;
	s5 =	sadd.s32 $0x400, s5  }
0x5ce: {  	s30 =	sadd.s32 $0x1, s30  }
0x5cf: {  	p0 =	sne.s32 s30, $0x8  }
.Ltmp55:
0x5d0: {  	v1 =	vadd.f32 v3, v1;
	(pc) =	sbr.rel @p0 .LBB2_110-.Ltmp55, $4  }
0x5d1: {  	[tilespmem:s3+$0x0] =	vst v6;
	v2 =	vadd.f32 v5, v2  }
0x5d2: {  	[tilespmem:s3+$0x10] =	vst v1;
	v0 =	vadd.f32 v0, v4  }
0x5d3: {  	[tilespmem:s3+$0x20] =	vst v2  }
0x5d4: {  	s31 =	sadd.s32 $0x80, s31;
	s0 =	sadd.s32 $0x80, s0;
	s2 =	sadd.s32 $0x80, s2;
	[tilespmem:s3+$0xFFFFFFC0] =	vst v0  }
0x5d5: {  	s0 =	sld [smem:$0x7FA];
	_ =	sdelay $0x1  }
0x5d6: {  	s30 =	simm.s32 $0x0  }
0x5d7: {  	[hbm4b:s0+s30] =	stream.linear.scatter [tilespmem:s23], [sflag:$0x7], $0x4000, $0x38;
	[tilespmem:$0x1C000] =	vst v63  }
0x5d8: {  	_ = 	snop  }
0x5d9: {  	[tilespmem:s30], [sflag:$0x1] =	stream.linear.gather [hbm4b:s9+s30], $0x4000, $0x38;
	[tilespmem:$0x1C000] =	vst v63  }
0x5da: {  	_ =	swait.ge [sflag:s28], $0x4000  }
0x5db: {  	[sflag:s28] =	ssyncset.done $0x0  }
0x5dc: {  	[sflag:s28] =	ssyncadd.s32 $0xFFFFC000  }
0x5dd: {  	_ =	swait.ge [sflag:s22], $0x4000  }
0x5de: {  	[sflag:s22] =	ssyncset.done $0x0  }
0x5df: {  	[sflag:s22] =	ssyncadd.s32 $0xFFFFC000  }
0x5e0: {  	_ =	swait.ge [sflag:s25], $0x4000  }
0x5e1: {  	s31 =	simm.s32 $0x14040;
	[sflag:s25] =	ssyncset.done $0x0  }
0x5e2: {  	s2 =	simm.s32 $0x4040;
	s0 =	simm.s32 $0x10040;
	[sflag:s25] =	ssyncadd.s32 $0xFFFFC000  }
.LBB2_114:
0x5e3: {  	v1 =	vld [tilespmem:s2+$0x30]  }
0x5e4: {  	v2 =	vld [tilespmem:s0+$0x30]  }
0x5e5: {  	v0 =	vld [tilespmem:s0+$0xFFFFFFC0]  }
0x5e6: {  	v3 =	vld [tilespmem:s2+$0xFFFFFFD0]  }
0x5e7: {  	v4 =	vld [tilespmem:s0+$0xFFFFFFD0]  }
0x5e8: {  	v5 =	vld [tilespmem:s2+$0xFFFFFFE0]  }
0x5e9: {  	v6 =	vld [tilespmem:s0+$0xFFFFFFE0]  }
0x5ea: {  	v7 =	vld [tilespmem:s2+$0xFFFFFFF0]  }
0x5eb: {  	v8 =	vld [tilespmem:s0+$0xFFFFFFF0]  }
0x5ec: {  	v9 =	vld [tilespmem:s2+$0x0]  }
0x5ed: {  	v10 =	vld [tilespmem:s0+$0x0];
	v2 =	vadd.f32 v2, v1  }
0x5ee: {  	v4 =	vadd.f32 v4, v3;
	v1 =	vld [tilespmem:s2+$0x10]  }
0x5ef: {  	v5 =	vadd.f32 v6, v5;
	v3 =	vld [tilespmem:s0+$0x10];
	[tilespmem:s31+$0x30] =	vst v2  }
0x5f0: {  	v6 =	vadd.f32 v8, v7;
	[tilespmem:s31+$0xFFFFFFD0] =	vst v4;
	v2 =	vld [tilespmem:s2+$0x20]  }
0x5f1: {  	s4 =	simm.s32 $0x0;
	[tilespmem:s31+$0xFFFFFFE0] =	vst v5;
	v5 =	vld [tilespmem:s0+$0x20]  }
0x5f2: {  	s5 =	sadd.s32 $0x400, s2;
	s6 =	smov.u32 s0;
	s3 =	smov.u32 s31;
	v4 =	vld [tilespmem:s2+$0xFFFFFFC0];
	[tilespmem:s31+$0xFFFFFFF0] =	vst v6;
	v6 =	vadd.f32 v10, v9  }
.LBB2_115:
0x5f3: {  	v7 =	vld [tilespmem:s5+$0x30];
	s6 =	sadd.s32 $0x400, s6  }
0x5f4: {  	s4 =	sadd.s32 $0x80, s4;
	v8 =	vld [tilespmem:s6+$0x30];
	[tilespmem:s3+$0x0] =	vst v6;
	v1 =	vadd.f32 v3, v1  }
0x5f5: {  	p0 =	slt.u32 s4, $0x780;
	v3 =	vld [tilespmem:s6+$0xFFFFFFC0]  }
0x5f6: {  	v6 =	vld [tilespmem:s5+$0xFFFFFFD0];
	[tilespmem:s3+$0x10] =	vst v1;
	v1 =	vadd.f32 v5, v2  }
0x5f7: {  	v2 =	vld [tilespmem:s6+$0xFFFFFFD0];
	v9 =	vadd.f32 v0, v4  }
0x5f8: {  	v4 =	vld [tilespmem:s5+$0xFFFFFFE0];
	[tilespmem:s3+$0x20] =	vst v1  }
0x5f9: {  	v1 =	vld [tilespmem:s6+$0xFFFFFFE0];
	v5 =	vadd.f32 v8, v7;
	[tilespmem:s3+$0xFFFFFFC0] =	vst v9  }
0x5fa: {  	s3 =	sadd.s32 $0x400, s3;
	v7 =	vld [tilespmem:s5+$0xFFFFFFF0];
	v0 =	vmov v3  }
0x5fb: {  	v8 =	vld [tilespmem:s6+$0xFFFFFFF0];
	[tilespmem:s3+$0x30] =	vst v5  }
0x5fc: {  	v2 =	vadd.f32 v2, v6;
	v6 =	vld [tilespmem:s5+$0x0]  }
0x5fd: {  	v9 =	vld [tilespmem:s6+$0x0]  }
.Ltmp56:
0x5fe: {  	[tilespmem:s3+$0xFFFFFFD0] =	vst v2;
	v2 =	vadd.f32 v1, v4;
	v1 =	vld [tilespmem:s5+$0x10];
	(pc) =	sbr.rel @p0 .LBB2_115-.Ltmp56, $4  }
0x5ff: {  	v3 =	vld [tilespmem:s6+$0x10]  }
0x600: {  	[tilespmem:s3+$0xFFFFFFE0] =	vst v2;
	v7 =	vadd.f32 v8, v7;
	v2 =	vld [tilespmem:s5+$0x20]  }
0x601: {  	v5 =	vld [tilespmem:s6+$0x20]  }
0x602: {  	v4 =	vld [tilespmem:s5+$0xFFFFFFC0];
	[tilespmem:s3+$0xFFFFFFF0] =	vst v7;
	v6 =	vadd.f32 v9, v6;
	s5 =	sadd.s32 $0x400, s5  }
0x603: {  	s30 =	sadd.s32 $0x1, s30  }
0x604: {  	p0 =	sne.s32 s30, $0x8  }
.Ltmp57:
0x605: {  	v1 =	vadd.f32 v3, v1;
	(pc) =	sbr.rel @p0 .LBB2_114-.Ltmp57, $4  }
0x606: {  	[tilespmem:s3+$0x0] =	vst v6;
	v2 =	vadd.f32 v5, v2  }
0x607: {  	[tilespmem:s3+$0x10] =	vst v1;
	v0 =	vadd.f32 v0, v4  }
0x608: {  	[tilespmem:s3+$0x20] =	vst v2  }
0x609: {  	s31 =	sadd.s32 $0x80, s31;
	s0 =	sadd.s32 $0x80, s0;
	s2 =	sadd.s32 $0x80, s2;
	[tilespmem:s3+$0xFFFFFFC0] =	vst v0  }
0x60a: {  	s0 =	sld [smem:$0x7FC];
	_ =	sdelay $0x1  }
0x60b: {  	s30 =	simm.s32 $0x0  }
0x60c: {  	[hbm4b:s0+s30] =	stream.linear.scatter [tilespmem:s21], [sflag:$0x6], $0x4000, $0x38;
	[tilespmem:$0x1C000] =	vst v63  }
0x60d: {  	_ = 	snop  }
0x60e: {  	[tilespmem:s16], [sflag:$0x2] =	stream.linear.gather [hbm4b:s10+s30], $0x4000, $0x38;
	[tilespmem:$0x1C000] =	vst v63  }
0x60f: {  	_ =	swait.ge [sflag:s24], $0x4000  }
0x610: {  	[sflag:s24] =	ssyncset.done $0x0  }
0x611: {  	[sflag:s24] =	ssyncadd.s32 $0xFFFFC000  }
0x612: {  	_ =	swait.ge [sflag:s26], $0x4000  }
0x613: {  	s31 =	simm.s32 $0x18040;
	[sflag:s26] =	ssyncset.done $0x0  }
0x614: {  	s2 =	simm.s32 $0x8040;
	s0 =	simm.s32 $0x10040;
	[sflag:s26] =	ssyncadd.s32 $0xFFFFC000  }
.LBB2_118:
0x615: {  	v1 =	vld [tilespmem:s2+$0x30]  }
0x616: {  	v2 =	vld [tilespmem:s0+$0x30]  }
0x617: {  	v0 =	vld [tilespmem:s0+$0xFFFFFFC0]  }
0x618: {  	v3 =	vld [tilespmem:s2+$0xFFFFFFD0]  }
0x619: {  	v4 =	vld [tilespmem:s0+$0xFFFFFFD0]  }
0x61a: {  	v5 =	vld [tilespmem:s2+$0xFFFFFFE0]  }
0x61b: {  	v6 =	vld [tilespmem:s0+$0xFFFFFFE0]  }
0x61c: {  	v7 =	vld [tilespmem:s2+$0xFFFFFFF0]  }
0x61d: {  	v8 =	vld [tilespmem:s0+$0xFFFFFFF0]  }
0x61e: {  	v9 =	vld [tilespmem:s2+$0x0]  }
0x61f: {  	v10 =	vld [tilespmem:s0+$0x0];
	v2 =	vadd.f32 v2, v1  }
0x620: {  	v4 =	vadd.f32 v4, v3;
	v1 =	vld [tilespmem:s2+$0x10]  }
0x621: {  	v5 =	vadd.f32 v6, v5;
	v3 =	vld [tilespmem:s0+$0x10];
	[tilespmem:s31+$0x30] =	vst v2  }
0x622: {  	v6 =	vadd.f32 v8, v7;
	[tilespmem:s31+$0xFFFFFFD0] =	vst v4;
	v2 =	vld [tilespmem:s2+$0x20]  }
0x623: {  	s4 =	simm.s32 $0x0;
	[tilespmem:s31+$0xFFFFFFE0] =	vst v5;
	v5 =	vld [tilespmem:s0+$0x20]  }
0x624: {  	s5 =	sadd.s32 $0x400, s2;
	s6 =	smov.u32 s0;
	s3 =	smov.u32 s31;
	v4 =	vld [tilespmem:s2+$0xFFFFFFC0];
	[tilespmem:s31+$0xFFFFFFF0] =	vst v6;
	v6 =	vadd.f32 v10, v9  }
.LBB2_119:
0x625: {  	v7 =	vld [tilespmem:s5+$0x30];
	s6 =	sadd.s32 $0x400, s6  }
0x626: {  	s4 =	sadd.s32 $0x80, s4;
	v8 =	vld [tilespmem:s6+$0x30];
	[tilespmem:s3+$0x0] =	vst v6;
	v1 =	vadd.f32 v3, v1  }
0x627: {  	p0 =	slt.u32 s4, $0x780;
	v3 =	vld [tilespmem:s6+$0xFFFFFFC0]  }
0x628: {  	v6 =	vld [tilespmem:s5+$0xFFFFFFD0];
	[tilespmem:s3+$0x10] =	vst v1;
	v1 =	vadd.f32 v5, v2  }
0x629: {  	v2 =	vld [tilespmem:s6+$0xFFFFFFD0];
	v9 =	vadd.f32 v0, v4  }
0x62a: {  	v4 =	vld [tilespmem:s5+$0xFFFFFFE0];
	[tilespmem:s3+$0x20] =	vst v1  }
0x62b: {  	v1 =	vld [tilespmem:s6+$0xFFFFFFE0];
	v5 =	vadd.f32 v8, v7;
	[tilespmem:s3+$0xFFFFFFC0] =	vst v9  }
0x62c: {  	s3 =	sadd.s32 $0x400, s3;
	v7 =	vld [tilespmem:s5+$0xFFFFFFF0];
	v0 =	vmov v3  }
0x62d: {  	v8 =	vld [tilespmem:s6+$0xFFFFFFF0];
	[tilespmem:s3+$0x30] =	vst v5  }
0x62e: {  	v2 =	vadd.f32 v2, v6;
	v6 =	vld [tilespmem:s5+$0x0]  }
0x62f: {  	v9 =	vld [tilespmem:s6+$0x0]  }
.Ltmp58:
0x630: {  	[tilespmem:s3+$0xFFFFFFD0] =	vst v2;
	v2 =	vadd.f32 v1, v4;
	v1 =	vld [tilespmem:s5+$0x10];
	(pc) =	sbr.rel @p0 .LBB2_119-.Ltmp58, $4  }
0x631: {  	v3 =	vld [tilespmem:s6+$0x10]  }
0x632: {  	[tilespmem:s3+$0xFFFFFFE0] =	vst v2;
	v7 =	vadd.f32 v8, v7;
	v2 =	vld [tilespmem:s5+$0x20]  }
0x633: {  	v5 =	vld [tilespmem:s6+$0x20]  }
0x634: {  	v4 =	vld [tilespmem:s5+$0xFFFFFFC0];
	[tilespmem:s3+$0xFFFFFFF0] =	vst v7;
	v6 =	vadd.f32 v9, v6;
	s5 =	sadd.s32 $0x400, s5  }
0x635: {  	s30 =	sadd.s32 $0x1, s30  }
0x636: {  	p0 =	sne.s32 s30, $0x8  }
.Ltmp59:
0x637: {  	v1 =	vadd.f32 v3, v1;
	(pc) =	sbr.rel @p0 .LBB2_118-.Ltmp59, $4  }
0x638: {  	[tilespmem:s3+$0x0] =	vst v6;
	v2 =	vadd.f32 v5, v2  }
0x639: {  	[tilespmem:s3+$0x10] =	vst v1;
	v0 =	vadd.f32 v0, v4  }
0x63a: {  	[tilespmem:s3+$0x20] =	vst v2  }
0x63b: {  	s31 =	sadd.s32 $0x80, s31;
	s0 =	sadd.s32 $0x80, s0;
	s2 =	sadd.s32 $0x80, s2;
	[tilespmem:s3+$0xFFFFFFC0] =	vst v0  }
0x63c: {  	s30 =	simm.s32 $0x0  }
0x63d: {  	[hbm4b:s11+s30] =	stream.linear.scatter [tilespmem:s23], [sflag:$0x7], $0x4000, $0x38;
	[tilespmem:$0x1C000] =	vst v63  }
0x63e: {  	_ =	swait.ge [sflag:s20], $0x4000  }
0x63f: {  	[sflag:s20] =	ssyncset.done $0x0  }
0x640: {  	[sflag:s20] =	ssyncadd.s32 $0xFFFFC000  }
0x641: {  	_ =	swait.ge [sflag:s25], $0x4000  }
0x642: {  	s31 =	simm.s32 $0x14040;
	[sflag:s25] =	ssyncset.done $0x0  }
0x643: {  	s0 =	simm.s32 $0x10040;
	s2 =	simm.s32 $0x40;
	[sflag:s25] =	ssyncadd.s32 $0xFFFFC000  }
.LBB2_122:
0x644: {  	v1 =	vld [tilespmem:s2+$0x30]  }
0x645: {  	v2 =	vld [tilespmem:s0+$0x30]  }
0x646: {  	v0 =	vld [tilespmem:s0+$0xFFFFFFC0]  }
0x647: {  	v3 =	vld [tilespmem:s2+$0xFFFFFFD0]  }
0x648: {  	v4 =	vld [tilespmem:s0+$0xFFFFFFD0]  }
0x649: {  	v5 =	vld [tilespmem:s2+$0xFFFFFFE0]  }
0x64a: {  	v6 =	vld [tilespmem:s0+$0xFFFFFFE0]  }
0x64b: {  	v7 =	vld [tilespmem:s2+$0xFFFFFFF0]  }
0x64c: {  	v8 =	vld [tilespmem:s0+$0xFFFFFFF0]  }
0x64d: {  	v9 =	vld [tilespmem:s2+$0x0]  }
0x64e: {  	v10 =	vld [tilespmem:s0+$0x0];
	v2 =	vadd.f32 v2, v1  }
0x64f: {  	v4 =	vadd.f32 v4, v3;
	v1 =	vld [tilespmem:s2+$0x10]  }
0x650: {  	v5 =	vadd.f32 v6, v5;
	v3 =	vld [tilespmem:s0+$0x10];
	[tilespmem:s31+$0x30] =	vst v2  }
0x651: {  	v6 =	vadd.f32 v8, v7;
	[tilespmem:s31+$0xFFFFFFD0] =	vst v4;
	v2 =	vld [tilespmem:s2+$0x20]  }
0x652: {  	s4 =	simm.s32 $0x0;
	[tilespmem:s31+$0xFFFFFFE0] =	vst v5;
	v5 =	vld [tilespmem:s0+$0x20]  }
0x653: {  	s5 =	sadd.s32 $0x400, s2;
	s6 =	smov.u32 s0;
	s3 =	smov.u32 s31;
	v4 =	vld [tilespmem:s2+$0xFFFFFFC0];
	[tilespmem:s31+$0xFFFFFFF0] =	vst v6;
	v6 =	vadd.f32 v10, v9  }
.LBB2_123:
0x654: {  	v7 =	vld [tilespmem:s5+$0x30];
	s6 =	sadd.s32 $0x400, s6  }
0x655: {  	s4 =	sadd.s32 $0x80, s4;
	v8 =	vld [tilespmem:s6+$0x30];
	[tilespmem:s3+$0x0] =	vst v6;
	v1 =	vadd.f32 v3, v1  }
0x656: {  	p0 =	slt.u32 s4, $0x780;
	v3 =	vld [tilespmem:s6+$0xFFFFFFC0]  }
0x657: {  	v6 =	vld [tilespmem:s5+$0xFFFFFFD0];
	[tilespmem:s3+$0x10] =	vst v1;
	v1 =	vadd.f32 v5, v2  }
0x658: {  	v2 =	vld [tilespmem:s6+$0xFFFFFFD0];
	v9 =	vadd.f32 v0, v4  }
0x659: {  	v4 =	vld [tilespmem:s5+$0xFFFFFFE0];
	[tilespmem:s3+$0x20] =	vst v1  }
0x65a: {  	v1 =	vld [tilespmem:s6+$0xFFFFFFE0];
	v5 =	vadd.f32 v8, v7;
	[tilespmem:s3+$0xFFFFFFC0] =	vst v9  }
0x65b: {  	s3 =	sadd.s32 $0x400, s3;
	v7 =	vld [tilespmem:s5+$0xFFFFFFF0];
	v0 =	vmov v3  }
0x65c: {  	v8 =	vld [tilespmem:s6+$0xFFFFFFF0];
	[tilespmem:s3+$0x30] =	vst v5  }
0x65d: {  	v2 =	vadd.f32 v2, v6;
	v6 =	vld [tilespmem:s5+$0x0]  }
0x65e: {  	v9 =	vld [tilespmem:s6+$0x0]  }
.Ltmp60:
0x65f: {  	[tilespmem:s3+$0xFFFFFFD0] =	vst v2;
	v2 =	vadd.f32 v1, v4;
	v1 =	vld [tilespmem:s5+$0x10];
	(pc) =	sbr.rel @p0 .LBB2_123-.Ltmp60, $4  }
0x660: {  	v3 =	vld [tilespmem:s6+$0x10]  }
0x661: {  	[tilespmem:s3+$0xFFFFFFE0] =	vst v2;
	v7 =	vadd.f32 v8, v7;
	v2 =	vld [tilespmem:s5+$0x20]  }
0x662: {  	v5 =	vld [tilespmem:s6+$0x20]  }
0x663: {  	v4 =	vld [tilespmem:s5+$0xFFFFFFC0];
	[tilespmem:s3+$0xFFFFFFF0] =	vst v7;
	v6 =	vadd.f32 v9, v6;
	s5 =	sadd.s32 $0x400, s5  }
0x664: {  	s30 =	sadd.s32 $0x1, s30  }
0x665: {  	p0 =	sne.s32 s30, $0x8  }
.Ltmp61:
0x666: {  	v1 =	vadd.f32 v3, v1;
	(pc) =	sbr.rel @p0 .LBB2_122-.Ltmp61, $4  }
0x667: {  	[tilespmem:s3+$0x0] =	vst v6;
	v2 =	vadd.f32 v5, v2  }
0x668: {  	[tilespmem:s3+$0x10] =	vst v1;
	v0 =	vadd.f32 v0, v4  }
0x669: {  	[tilespmem:s3+$0x20] =	vst v2  }
0x66a: {  	s31 =	sadd.s32 $0x80, s31;
	s0 =	sadd.s32 $0x80, s0;
	s2 =	sadd.s32 $0x80, s2;
	[tilespmem:s3+$0xFFFFFFC0] =	vst v0  }
0x66b: {  	s30 =	simm.s32 $0x0  }
0x66c: {  	[hbm4b:s12+s30] =	stream.linear.scatter [tilespmem:s21], [sflag:$0x6], $0x4000, $0x38;
	[tilespmem:$0x1C000] =	vst v63  }
0x66d: {  	_ =	swait.ge [sflag:s22], $0x4000  }
0x66e: {  	[sflag:s22] =	ssyncset.done $0x0  }
0x66f: {  	[sflag:s22] =	ssyncadd.s32 $0xFFFFC000  }
0x670: {  	_ =	swait.ge [sflag:s26], $0x4000  }
0x671: {  	s31 =	simm.s32 $0x18040;
	[sflag:s26] =	ssyncset.done $0x0  }
0x672: {  	s0 =	simm.s32 $0x10040;
	s2 =	simm.s32 $0x4040;
	[sflag:s26] =	ssyncadd.s32 $0xFFFFC000  }
.LBB2_126:
0x673: {  	v1 =	vld [tilespmem:s2+$0x30]  }
0x674: {  	v2 =	vld [tilespmem:s0+$0x30]  }
0x675: {  	v0 =	vld [tilespmem:s0+$0xFFFFFFC0]  }
0x676: {  	v3 =	vld [tilespmem:s2+$0xFFFFFFD0]  }
0x677: {  	v4 =	vld [tilespmem:s0+$0xFFFFFFD0]  }
0x678: {  	v5 =	vld [tilespmem:s2+$0xFFFFFFE0]  }
0x679: {  	v6 =	vld [tilespmem:s0+$0xFFFFFFE0]  }
0x67a: {  	v7 =	vld [tilespmem:s2+$0xFFFFFFF0]  }
0x67b: {  	v8 =	vld [tilespmem:s0+$0xFFFFFFF0]  }
0x67c: {  	v9 =	vld [tilespmem:s2+$0x0]  }
0x67d: {  	v10 =	vld [tilespmem:s0+$0x0];
	v2 =	vadd.f32 v2, v1  }
0x67e: {  	v4 =	vadd.f32 v4, v3;
	v1 =	vld [tilespmem:s2+$0x10]  }
0x67f: {  	v5 =	vadd.f32 v6, v5;
	v3 =	vld [tilespmem:s0+$0x10];
	[tilespmem:s31+$0x30] =	vst v2  }
0x680: {  	v6 =	vadd.f32 v8, v7;
	[tilespmem:s31+$0xFFFFFFD0] =	vst v4;
	v2 =	vld [tilespmem:s2+$0x20]  }
0x681: {  	s4 =	simm.s32 $0x0;
	[tilespmem:s31+$0xFFFFFFE0] =	vst v5;
	v5 =	vld [tilespmem:s0+$0x20]  }
0x682: {  	s5 =	sadd.s32 $0x400, s2;
	s6 =	smov.u32 s0;
	s3 =	smov.u32 s31;
	v4 =	vld [tilespmem:s2+$0xFFFFFFC0];
	[tilespmem:s31+$0xFFFFFFF0] =	vst v6;
	v6 =	vadd.f32 v10, v9  }
.LBB2_127:
0x683: {  	v7 =	vld [tilespmem:s5+$0x30];
	s6 =	sadd.s32 $0x400, s6  }
0x684: {  	s4 =	sadd.s32 $0x80, s4;
	v8 =	vld [tilespmem:s6+$0x30];
	[tilespmem:s3+$0x0] =	vst v6;
	v1 =	vadd.f32 v3, v1  }
0x685: {  	p0 =	slt.u32 s4, $0x780;
	v3 =	vld [tilespmem:s6+$0xFFFFFFC0]  }
0x686: {  	v6 =	vld [tilespmem:s5+$0xFFFFFFD0];
	[tilespmem:s3+$0x10] =	vst v1;
	v1 =	vadd.f32 v5, v2  }
0x687: {  	v2 =	vld [tilespmem:s6+$0xFFFFFFD0];
	v9 =	vadd.f32 v0, v4  }
0x688: {  	v4 =	vld [tilespmem:s5+$0xFFFFFFE0];
	[tilespmem:s3+$0x20] =	vst v1  }
0x689: {  	v1 =	vld [tilespmem:s6+$0xFFFFFFE0];
	v5 =	vadd.f32 v8, v7;
	[tilespmem:s3+$0xFFFFFFC0] =	vst v9  }
0x68a: {  	s3 =	sadd.s32 $0x400, s3;
	v7 =	vld [tilespmem:s5+$0xFFFFFFF0];
	v0 =	vmov v3  }
0x68b: {  	v8 =	vld [tilespmem:s6+$0xFFFFFFF0];
	[tilespmem:s3+$0x30] =	vst v5  }
0x68c: {  	v2 =	vadd.f32 v2, v6;
	v6 =	vld [tilespmem:s5+$0x0]  }
0x68d: {  	v9 =	vld [tilespmem:s6+$0x0]  }
.Ltmp62:
0x68e: {  	[tilespmem:s3+$0xFFFFFFD0] =	vst v2;
	v2 =	vadd.f32 v1, v4;
	v1 =	vld [tilespmem:s5+$0x10];
	(pc) =	sbr.rel @p0 .LBB2_127-.Ltmp62, $4  }
0x68f: {  	v3 =	vld [tilespmem:s6+$0x10]  }
0x690: {  	[tilespmem:s3+$0xFFFFFFE0] =	vst v2;
	v7 =	vadd.f32 v8, v7;
	v2 =	vld [tilespmem:s5+$0x20]  }
0x691: {  	v5 =	vld [tilespmem:s6+$0x20]  }
0x692: {  	v4 =	vld [tilespmem:s5+$0xFFFFFFC0];
	[tilespmem:s3+$0xFFFFFFF0] =	vst v7;
	v6 =	vadd.f32 v9, v6;
	s5 =	sadd.s32 $0x400, s5  }
0x693: {  	s30 =	sadd.s32 $0x1, s30  }
0x694: {  	p0 =	sne.s32 s30, $0x8  }
.Ltmp63:
0x695: {  	v1 =	vadd.f32 v3, v1;
	(pc) =	sbr.rel @p0 .LBB2_126-.Ltmp63, $4  }
0x696: {  	[tilespmem:s3+$0x0] =	vst v6;
	v2 =	vadd.f32 v5, v2  }
0x697: {  	[tilespmem:s3+$0x10] =	vst v1;
	v0 =	vadd.f32 v0, v4  }
0x698: {  	[tilespmem:s3+$0x20] =	vst v2  }
0x699: {  	s31 =	sadd.s32 $0x80, s31;
	s0 =	sadd.s32 $0x80, s0;
	s2 =	sadd.s32 $0x80, s2;
	[tilespmem:s3+$0xFFFFFFC0] =	vst v0  }
0x69a: {  	[hbm4b:s13+s1] =	stream.linear.scatter [tilespmem:s23], [sflag:$0x7], $0x4000, $0x38;
	[tilespmem:$0x1C000] =	vst v63  }
0x69b: {  	s29 =	sadd.s32 $0x1, s29  }
0x69c: {  	_ =	swait.ge [sflag:s25], $0x4000;
	p0 =	sne.s32 s29, s14  }
.Ltmp64:
0x69d: {  	[sflag:s25] =	ssyncset.done $0x0;
	(pc) =	sbr.rel @p0 .LBB2_1-.Ltmp64, $4  }
0x69e: {  	[sflag:s25] =	ssyncadd.s32 $0xFFFFC000  }
0x69f: {  	_ =	swait.ge [sflag:s26], $0x4000  }
0x6a0: {  	[sflag:s26] =	ssyncset.done $0x0  }
0x6a1: {  	[sflag:s26] =	ssyncadd.s32 $0xFFFFC000  }
0x6a2: {  	_ =	sfence.sel $0x180000  }
0x6a3: {  	[bflag:$0x0] =	sbarrier.arrive $0xFFFF  }
0x6a4: {  	_ =	strace $0x90000047  }
0x6a5: {  	s0 =	stileid.u32;
	[bflag:$0x2] =	sbarrier.arrive $0xFFFF  }
0x6a6: {  	p0 =	sne.s32 s0, $0x0;
	s0 =	rddreg [dreg:$0x3]  }
0x6a7: {  	s0 =	sadd.s32 @!p0 $0x100000, s0  }
0x6a8: {  	[sflag:s0] =	ssyncadd.tile.s32 @!p0 $0x1;
	_ =	shalt  }
.Lfunc_end2:
_tile_overlayer_lowered:
.L_overlay_start_2:
0x6a9: {  	(tag) =	ssettag $0x2  }
0x6aa: {  	s0 =	rddreg [dreg:$0x0];
	s2 =	stileid.u32  }
0x6ab: {  	s1 =	rddreg [dreg:$0x1];
	p0 =	sne.s32 s2, $0x0  }
0x6ac: {  	s3 =	rddreg [dreg:$0x2];
	[bflag:$0x3] =	sbarrier.arrive $0xFFFF;
	s2 =	simm.s32 @!p0 $0x1C08  }
0x6ad: {  	[timem:s3], [sflag:s2] =	dma.local @!p0 [hbm:s0], s1  }
0x6ae: {  	s0 =	simm.s32 @!p0 $0x8  }
0x6af: {  	_ =	swait.ge @!p0 [sflag:s0], s1  }
0x6b0: {  	s1 =	ssub.s32 @!p0 $0x0, s1;
	[sflag:s0] =	ssyncset.done @!p0 $0x0  }
0x6b1: {  	[sflag:s0] =	ssyncadd.s32 @!p0 s1  }
0x6b2: {  	[bflag:$0x3] =	sbarrier.arrive $0xFFFF  }
0x6b3: {  	_ =	shalt  }

</sc_bundles>
